<compile_context>
chip_gen: v7x
topology: tpu7x:2x2x1
jax: 0.10.2.dev20260603
libtpu: 0.0.44.dev20260713+nightly
codegen_flags: <defaults>
</compile_context>

<pallas_src>
import functools

import jax
import jax.numpy as jnp
from jax import lax
from jax.experimental import pallas as pl
from jax.experimental.pallas import tpu as pltpu
from jax.experimental.pallas import tpu_sc as plsc

_N = 10000
_E = 5000
_NNZ = 320000
_DIN = 128
_DH = 64
_NT = 10

_NPAD = 10240
_EPAD = 5120
_NTILES = 32
_CHUNK = 128
_CH = 80
_NNZPAD = _NTILES * _CH * _CHUNK
_NB = 5
_BM = 2048



def _sc_segment_pass(table_rows, out_rows, with_deg):
    rps = out_rows // 16
    trs = table_rows // 16
    drs = _NPAD // 16

    def body(table, gidx, sidx, zer2, *rest):
        if with_deg:
            (zer1, ones_h, out, deg_out, gv, sv, bufs, tbl_sh, acc_sh,
             *sems, ones_v, deg_sh) = rest
        else:
            out, gv, sv, bufs, tbl_sh, acc_sh, *sems = rest
        gs, ss, ds = sems[:_NB], sems[_NB:2 * _NB], sems[2 * _NB:]
        c = lax.axis_index("c")
        s = lax.axis_index("s")
        w = c * 16 + s

        pltpu.async_copy(gidx.at[w], gv, gs[0])
        pltpu.async_copy(sidx.at[w], sv, gs[1])
        pltpu.async_copy(table.at[pl.ds(s * trs, trs)],
                         tbl_sh.at[pl.ds(s * trs, trs)], gs[2])
        pltpu.async_copy(zer2.at[pl.ds(0, rps)],
                         acc_sh.at[pl.ds(s * rps, rps)], gs[3])
        if with_deg:
            pltpu.sync_copy(ones_h, ones_v)
            pltpu.sync_copy(zer1, deg_sh.at[pl.ds(s * drs, drs)])
        pltpu.make_async_copy(gidx.at[w], gv, gs[0]).wait()
        pltpu.make_async_copy(sidx.at[w], sv, gs[1]).wait()
        pltpu.make_async_copy(table.at[pl.ds(s * trs, trs)],
                              tbl_sh.at[pl.ds(s * trs, trs)], gs[2]).wait()
        pltpu.make_async_copy(zer2.at[pl.ds(0, rps)],
                              acc_sh.at[pl.ds(s * rps, rps)], gs[3]).wait()
        plsc.subcore_barrier()

        for b in range(_NB):
            pltpu.async_copy(tbl_sh.at[gv.at[b]], bufs.at[b], gs[b])

        def step(k, carry):
            for b in range(_NB):
                j = k * _NB + b
                pltpu.make_async_copy(tbl_sh.at[gv.at[j]], bufs.at[b],
                                      gs[b]).wait()
                pltpu.async_copy(bufs.at[b], acc_sh.at[sv.at[j]], ss[b],
                                 add=True)
                if with_deg:
                    pltpu.async_copy(ones_v, deg_sh.at[gv.at[j]], ds[b],
                                     add=True)
                bp = (b - 2) % _NB
                jp = j - 2
                jn = jp + _NB

                @pl.when(jnp.logical_and(jp >= 0, jn < _CH))
                def _():
                    pltpu.make_async_copy(bufs.at[bp], acc_sh.at[sv.at[jp]],
                                          ss[bp]).wait()
                    if with_deg:
                        pltpu.make_async_copy(ones_v, deg_sh.at[gv.at[jp]],
                                              ds[bp]).wait()
                    pltpu.async_copy(tbl_sh.at[gv.at[jn]], bufs.at[bp],
                                     gs[bp])
            return carry

        lax.fori_loop(0, _CH // _NB, step, 0)
        for b in range(_NB):
            jj = _CH - _NB + b
            pltpu.make_async_copy(bufs.at[b], acc_sh.at[sv.at[jj]],
                                  ss[b]).wait()
            if with_deg:
                pltpu.make_async_copy(ones_v, deg_sh.at[gv.at[jj]],
                                      ds[b]).wait()
        plsc.subcore_barrier()

        pltpu.sync_copy(acc_sh.at[pl.ds(s * rps, rps)],
                        out.at[c, pl.ds(s * rps, rps)])
        if with_deg:
            pltpu.sync_copy(deg_sh.at[pl.ds(s * drs, drs)],
                            deg_out.at[c, pl.ds(s * drs, drs)])

    out_type = [jax.ShapeDtypeStruct((2, out_rows, _DH), jnp.float32)]
    scratch = [
        pltpu.VMEM((_CH, _CHUNK), jnp.int32),
        pltpu.VMEM((_CH, _CHUNK), jnp.int32),
        pltpu.VMEM((_NB, _CHUNK, _DH), jnp.float32),
        pltpu.VMEM_SHARED((table_rows, _DH), jnp.float32),
        pltpu.VMEM_SHARED((out_rows, _DH), jnp.float32),
    ] + [pltpu.SemaphoreType.DMA] * (2 * _NB)
    sc_extra = [pltpu.SemaphoreType.DMA] * _NB
    if with_deg:
        out_type.append(jax.ShapeDtypeStruct((2, _NPAD), jnp.float32))
        scratch += sc_extra + [pltpu.VMEM((_CHUNK,), jnp.float32),
                               pltpu.VMEM_SHARED((_NPAD,), jnp.float32)]
    mesh = plsc.VectorSubcoreMesh(core_axis_name="c", subcore_axis_name="s")
    return pl.kernel(body, out_type=tuple(out_type), mesh=mesh,
                     scratch_types=tuple(scratch),
                     compiler_params=pltpu.CompilerParams(
                         use_tc_tiling_on_sc=False))



def _tc_input(x_pad, w1):
    din = x_pad.shape[1]

    def body(x_ref, w_ref, h_ref, sum_ref):
        i = pl.program_id(0)
        h = jnp.dot(x_ref[...], w_ref[...], preferred_element_type=jnp.float32)
        h_ref[...] = h
        part = jnp.broadcast_to(jnp.sum(h, axis=0, keepdims=True), (8, _DH))

        @pl.when(i == 0)
        def _():
            sum_ref[...] = part

        @pl.when(i != 0)
        def _():
            sum_ref[...] = sum_ref[...] + part

    return pl.pallas_call(
        body,
        grid=(_NPAD // _BM,),
        in_specs=[pl.BlockSpec((_BM, din), lambda i: (i, 0)),
                  pl.BlockSpec((din, _DH), lambda i: (0, 0))],
        out_specs=[pl.BlockSpec((_BM, _DH), lambda i: (i, 0)),
                   pl.BlockSpec((8, _DH), lambda i: (0, 0))],
        out_shape=[jax.ShapeDtypeStruct((_NPAD, _DH), jnp.float32),
                   jax.ShapeDtypeStruct((8, _DH), jnp.float32)],
    )(x_pad, w1)


def _tc_edge(p, orders2d, wh1a, wh1b, bh1, wh2, bh2):

    def body(p_ref, o_ref, w1a_ref, w1b_ref, b1_ref, w2_ref, b2_ref, xe_ref):
        ordf = o_ref[...].astype(jnp.float32)
        i = lax.broadcasted_iota(jnp.int32, (1, _DH // 2), 1).astype(jnp.float32)
        freq = jnp.exp(-jnp.log(10000.0) * (2.0 * i / _DH))
        ang = ordf * freq
        hh = (jnp.dot(jnp.sin(ang), w1a_ref[...],
                      preferred_element_type=jnp.float32)
              + jnp.dot(jnp.cos(ang), w1b_ref[...],
                        preferred_element_type=jnp.float32)
              + b1_ref[...])
        hh = jnp.maximum(hh, 0.0)
        b1 = jnp.dot(hh, w2_ref[...],
                     preferred_element_type=jnp.float32) + b2_ref[...]
        agg = p_ref[0] + p_ref[1]
        inv = 1.0 / jnp.maximum(ordf, 1.0)
        xe_ref[...] = jnp.maximum(agg * inv + b1, 0.0)

    return pl.pallas_call(
        body,
        out_shape=jax.ShapeDtypeStruct((_EPAD, _DH), jnp.float32),
    )(p, orders2d, wh1a, wh1b, bh1, wh2, bh2)


def _tc_node(q, degp, xgsum, w2, b2, w1n):

    def body(q_ref, d_ref, xg_ref, w2_ref, b2_ref, w1n_ref, h2_ref, sum_ref):
        i = pl.program_id(0)
        agg = q_ref[0] + q_ref[1]
        deg = jnp.maximum(d_ref[0] + d_ref[1], 1.0)
        xg = xg_ref[0:1, :] * (1.0 / _N)
        xv = jnp.dot(agg / deg + xg, w2_ref[...],
                     preferred_element_type=jnp.float32) + b2_ref[...]
        xv = jnp.maximum(xv, 0.0)
        rid = i * _BM + lax.broadcasted_iota(jnp.int32, (_BM, 1), 0)
        xv = jnp.where(rid < _N, xv, 0.0)
        h2 = jnp.dot(xv, w1n_ref[...], preferred_element_type=jnp.float32)
        h2_ref[...] = h2
        part = jnp.broadcast_to(jnp.sum(h2, axis=0, keepdims=True), (8, _DH))

        @pl.when(i == 0)
        def _():
            sum_ref[...] = part

        @pl.when(i != 0)
        def _():
            sum_ref[...] = sum_ref[...] + part

    return pl.pallas_call(
        body,
        grid=(_NPAD // _BM,),
        in_specs=[pl.BlockSpec((2, _BM, _DH), lambda i: (0, i, 0)),
                  pl.BlockSpec((2, _BM, 1), lambda i: (0, i, 0)),
                  pl.BlockSpec((8, _DH), lambda i: (0, 0)),
                  pl.BlockSpec((_DH, _DH), lambda i: (0, 0)),
                  pl.BlockSpec((1, _DH), lambda i: (0, 0)),
                  pl.BlockSpec((_DH, _DH), lambda i: (0, 0))],
        out_specs=[pl.BlockSpec((_BM, _DH), lambda i: (i, 0)),
                   pl.BlockSpec((8, _DH), lambda i: (0, 0))],
        out_shape=[jax.ShapeDtypeStruct((_NPAD, _DH), jnp.float32),
                   jax.ShapeDtypeStruct((8, _DH), jnp.float32)],
    )(q, degp, xgsum, w2, b2, w1n)


def _tc_decode(q, degp, xgsum, w2, b2, wd1, bd1, g, bb, wd2p, bd2p):

    def body(q_ref, d_ref, xg_ref, w2_ref, b2_ref, wd1_ref, bd1_ref,
             g_ref, bb_ref, wd2_ref, bd2_ref, out_ref):
        agg = q_ref[0] + q_ref[1]
        deg = jnp.maximum(d_ref[0] + d_ref[1], 1.0)
        xg = xg_ref[0:1, :] * (1.0 / _N)
        xv = jnp.dot(agg / deg + xg, w2_ref[...],
                     preferred_element_type=jnp.float32) + b2_ref[...]
        xv = jnp.maximum(xv, 0.0)
        z = jnp.dot(xv, wd1_ref[...],
                    preferred_element_type=jnp.float32) + bd1_ref[...]
        z = jnp.maximum(z, 0.0)
        mu = jnp.mean(z, axis=1, keepdims=True)
        var = jnp.mean((z - mu) * (z - mu), axis=1, keepdims=True)
        zn = (z - mu) * lax.rsqrt(var + 1e-5) * g_ref[...] + bb_ref[...]
        out_ref[...] = jnp.dot(zn, wd2_ref[...],
                               preferred_element_type=jnp.float32) + bd2_ref[...]

    return pl.pallas_call(
        body,
        grid=(_NPAD // _BM,),
        in_specs=[pl.BlockSpec((2, _BM, _DH), lambda i: (0, i, 0)),
                  pl.BlockSpec((2, _BM, 1), lambda i: (0, i, 0)),
                  pl.BlockSpec((8, _DH), lambda i: (0, 0)),
                  pl.BlockSpec((_DH, _DH), lambda i: (0, 0)),
                  pl.BlockSpec((1, _DH), lambda i: (0, 0)),
                  pl.BlockSpec((_DH, _DH), lambda i: (0, 0)),
                  pl.BlockSpec((1, _DH), lambda i: (0, 0)),
                  pl.BlockSpec((1, _DH), lambda i: (0, 0)),
                  pl.BlockSpec((1, _DH), lambda i: (0, 0)),
                  pl.BlockSpec((_DH, 16), lambda i: (0, 0)),
                  pl.BlockSpec((1, 16), lambda i: (0, 0))],
        out_specs=pl.BlockSpec((_BM, 16), lambda i: (i, 0)),
        out_shape=jax.ShapeDtypeStruct((_NPAD, 16), jnp.float32),
    )(q, degp, xgsum, w2, b2, wd1, bd1, g, bb, wd2p, bd2p)



def kernel(x, incidence_rows, incidence_cols, edge_orders, overlaps, params):
    f32 = jnp.float32
    x_pad = jnp.zeros((_NPAD, _DIN), f32).at[:_N].set(x.astype(f32))
    npad = _NNZPAD - _NNZ
    rows_p = jnp.concatenate(
        [incidence_rows.astype(jnp.int32),
         jnp.full((npad,), _NPAD - 1, jnp.int32)]).reshape(_NTILES, _CH, _CHUNK)
    cols_p = jnp.concatenate(
        [incidence_cols.astype(jnp.int32),
         jnp.full((npad,), _EPAD - 1, jnp.int32)]).reshape(_NTILES, _CH, _CHUNK)
    orders2d = jnp.ones((_EPAD, 1), jnp.int32).at[:_E, 0].set(
        edge_orders.astype(jnp.int32))
    zer2 = jnp.zeros((_NPAD // 16, _DH), f32)
    zer1 = jnp.zeros((_NPAD // 16,), f32)
    ones_h = jnp.ones((_CHUNK,), f32)

    lp0, lp1 = params['layers']
    dec = params['decoder']

    def r2(v):
        return v.reshape(1, -1).astype(f32)

    edge_pass_deg = _sc_segment_pass(_NPAD, _EPAD, True)
    edge_pass = _sc_segment_pass(_NPAD, _EPAD, False)
    node_pass = _sc_segment_pass(_EPAD, _NPAD, False)

    h1, s1 = _tc_input(x_pad, lp0['W1'].astype(f32))
    agge1, degp = edge_pass_deg(h1, rows_p, cols_p, zer2, zer1, ones_h)
    xe1 = _tc_edge(agge1, orders2d,
                   lp0['Wh1'][:32].astype(f32), lp0['Wh1'][32:].astype(f32),
                   r2(lp0['bh1']), lp0['Wh2'].astype(f32), r2(lp0['bh2']))
    (aggv1,) = node_pass(xe1, cols_p, rows_p, zer2)
    degp3 = degp.reshape(2, _NPAD, 1)
    h2, s2 = _tc_node(aggv1, degp3, s1, lp0['W2'].astype(f32), r2(lp0['b2']),
                      lp1['W1'].astype(f32))

    (agge2,) = edge_pass(h2, rows_p, cols_p, zer2)
    xe2 = _tc_edge(agge2, orders2d,
                   lp1['Wh1'][:32].astype(f32), lp1['Wh1'][32:].astype(f32),
                   r2(lp1['bh1']), lp1['Wh2'].astype(f32), r2(lp1['bh2']))
    (aggv2,) = node_pass(xe2, cols_p, rows_p, zer2)

    wd2p = jnp.zeros((_DH, 16), f32).at[:, :_NT].set(dec['Wd2'].astype(f32))
    bd2p = jnp.zeros((1, 16), f32).at[0, :_NT].set(dec['bd2'].astype(f32))
    outp = _tc_decode(aggv2, degp3, s2, lp1['W2'].astype(f32), r2(lp1['b2']),
                      dec['Wd1'].astype(f32), r2(dec['bd1']), r2(dec['g']),
                      r2(dec['b']), wd2p, bd2p)
    return outp[:_N, :_NT], xe2[:_E]

# --- scband reference (transcript-rebuilt; emitter-appended) ---
"""Pipeline reference for scband-ehnn-50233937494098 (READ-ONLY COPY).

The authoritative reference and input builder live on the scoring server;
editing this copy changes nothing except your own understanding.
"""

import jax, jax.numpy as jnp
import numpy as np

N = 10000
E = 5000
NNZ = 320000
D_IN = 128
D_HID = 64
PE_DIM = 64
HYPER_DIM = 64
N_TARGETS = 10


def _pe(orders, dim):
    k = orders.astype(jnp.float32)[:, None]
    i = jnp.arange(dim // 2, dtype=jnp.float32)[None, :]
    freq = jnp.exp(-jnp.log(10000.0) * (2.0 * i / dim))
    ang = k * freq
    return jnp.concatenate([jnp.sin(ang), jnp.cos(ang)], axis=-1)


def setup_inputs(seed: int = 0):
    key = jax.random.key(seed)
    ks = jax.random.split(key, 20)
    x = jax.random.normal(ks[0], (N, D_IN), jnp.float32)
    incidence_rows = jax.random.randint(ks[1], (NNZ,), 0, N)
    incidence_cols = jax.random.randint(ks[2], (NNZ,), 0, E)
    edge_orders = jax.random.randint(ks[3], (E,), 0, 64)
    overlaps = jax.random.randint(ks[4], (E,), 0, 16)

    def lin(k, a, b):
        return jax.random.normal(k, (a, b), jnp.float32) / np.sqrt(a)

    def layer_params(k, din):
        kk = jax.random.split(k, 4)
        return {
            'W1': lin(kk[0], din, D_HID),
            'W2': lin(kk[1], D_HID, D_HID),
            'b2': jnp.zeros((D_HID,), jnp.float32),
            'Wh1': lin(kk[2], PE_DIM, HYPER_DIM),
            'bh1': jnp.zeros((HYPER_DIM,), jnp.float32),
            'Wh2': lin(kk[3], HYPER_DIM, D_HID),
            'bh2': jnp.zeros((D_HID,), jnp.float32),
        }

    params = {
        'layers': [layer_params(ks[5], D_IN), layer_params(ks[6], D_HID)],
        'decoder': {
            'Wd1': lin(ks[7], D_HID, D_HID),
            'bd1': jnp.zeros((D_HID,), jnp.float32),
            'g': jnp.ones((D_HID,), jnp.float32),
            'b': jnp.zeros((D_HID,), jnp.float32),
            'Wd2': lin(ks[8], D_HID, N_TARGETS),
            'bd2': jnp.zeros((N_TARGETS,), jnp.float32),
        },
    }
    return {'x': x, 'incidence_rows': incidence_rows, 'incidence_cols': incidence_cols,
            'edge_orders': edge_orders, 'overlaps': overlaps, 'params': params}


def _layer(x, lp, rows, cols, orders):
    h = x @ lp['W1']
    msg = jnp.take(h, rows, axis=0)
    agg_e = jax.ops.segment_sum(msg, cols, num_segments=E)
    ord_f = jnp.clip(orders, 1, None).astype(jnp.float32)[:, None]
    x_e = agg_e / ord_f
    b1 = jax.nn.relu(_pe(orders, PE_DIM) @ lp['Wh1'] + lp['bh1']) @ lp['Wh2'] + lp['bh2']
    x_e = jax.nn.relu(x_e + b1)
    deg = jax.ops.segment_sum(jnp.ones((rows.shape[0],), jnp.float32), rows, num_segments=N)
    agg_v = jax.ops.segment_sum(jnp.take(x_e, cols, axis=0), rows, num_segments=N)
    agg_v = agg_v / jnp.clip(deg, 1.0)[:, None]
    x_g = jnp.mean(h, axis=0, keepdims=True)
    x_v = jax.nn.relu((agg_v + x_g) @ lp['W2'] + lp['b2'])
    return x_v, x_e


def reference(x, incidence_rows, incidence_cols, edge_orders, overlaps, params):
    h = x
    x_e = None
    for lp in params['layers']:
        h, x_e = _layer(h, lp, incidence_rows, incidence_cols, edge_orders)
    d = params['decoder']
    z = jax.nn.relu(h @ d['Wd1'] + d['bd1'])
    mu = jnp.mean(z, axis=-1, keepdims=True)
    var = jnp.var(z, axis=-1, keepdims=True)
    z = (z - mu) / jnp.sqrt(var + 1e-5) * d['g'] + d['b']
    out = z @ d['Wd2'] + d['bd2']
    return out, x_e

if __name__ == "__main__":
    import jax
    _d = setup_inputs()
    print(jax.jit(kernel)(*tuple(_d.values())))

</pallas_src>

<mosaic_0001>
#map = affine_map<(d0, d1) -> (0, 0)>
#map1 = affine_map<(d0, d1) -> (0, 0, 0)>
module attributes {stable_mosaic.version = 14 : i64} {
  func.func @body(%arg0: i32, %arg1: i32, %arg2: memref<5120x64xf32, #tpu.memory_space<hbm>>, %arg3: memref<32x80x128xi32, #tpu.memory_space<hbm>>, %arg4: memref<32x80x128xi32, #tpu.memory_space<hbm>>, %arg5: memref<640x64xf32, #tpu.memory_space<hbm>>, %arg6: memref<2x10240x64xf32, #tpu.memory_space<hbm>>, %arg7: memref<80x128xi32, #tpu.memory_space<vmem>>, %arg8: memref<80x128xi32, #tpu.memory_space<vmem>>, %arg9: memref<5x128x64xf32, #tpu.memory_space<vmem>>, %arg10: memref<5120x64xf32, #tpu.memory_space<vmem_shared>>, %arg11: memref<10240x64xf32, #tpu.memory_space<vmem_shared>>, %arg12: memref<!tpu.dma_semaphore, #tpu.memory_space<semaphore_mem>>, %arg13: memref<!tpu.dma_semaphore, #tpu.memory_space<semaphore_mem>>, %arg14: memref<!tpu.dma_semaphore, #tpu.memory_space<semaphore_mem>>, %arg15: memref<!tpu.dma_semaphore, #tpu.memory_space<semaphore_mem>>, %arg16: memref<!tpu.dma_semaphore, #tpu.memory_space<semaphore_mem>>, %arg17: memref<!tpu.dma_semaphore, #tpu.memory_space<semaphore_mem>>, %arg18: memref<!tpu.dma_semaphore, #tpu.memory_space<semaphore_mem>>, %arg19: memref<!tpu.dma_semaphore, #tpu.memory_space<semaphore_mem>>, %arg20: memref<!tpu.dma_semaphore, #tpu.memory_space<semaphore_mem>>, %arg21: memref<!tpu.dma_semaphore, #tpu.memory_space<semaphore_mem>>) attributes {dimension_semantics = [#tpu.dimension_semantics<core_parallel>, #tpu.dimension_semantics<subcore_parallel>], iteration_bounds = array<i64: 2, 16>, scalar_prefetch = 0 : i64, scratch_operands = 15 : i64, tpu.core_type = #tpu.core_type<sc_vector_subcore>, window_params = [{transform_indices = #map}, {transform_indices = #map1}, {transform_indices = #map1}, {transform_indices = #map}, {transform_indices = #map1}]} {
    %mul3A = arith.constant 16 : i32
    %mul3A_0 = arith.muli %arg0, %mul3A : i32
    %add3A = arith.addi %mul3A_0, %arg1 : i32
    %dma_start3A = arith.constant 0 : i32
    %dma_start3A_1 = arith.constant 0 : i32
    %dma_start3A_2 = tpu.memref_slice %arg3[%add3A, %dma_start3A, %dma_start3A_1] : memref<32x80x128xi32, #tpu.memory_space<hbm>> -> memref<1x80x128xi32, #tpu.memory_space<hbm>>
    %dma_start3A_3 = tpu.memref_squeeze %dma_start3A_2 : memref<1x80x128xi32, #tpu.memory_space<hbm>> -> memref<80x128xi32, #tpu.memory_space<hbm>>
    %dma_start3A_4 = arith.constant 0 : i32
    %dma_start3A_5 = arith.constant 0 : i32
    %dma_start3A_6 = tpu.memref_slice %arg3[%add3A, %dma_start3A_4, %dma_start3A_5] : memref<32x80x128xi32, #tpu.memory_space<hbm>> -> memref<1x80x128xi32, #tpu.memory_space<hbm>>
    %dma_start3A_7 = tpu.memref_squeeze %dma_start3A_6 : memref<1x80x128xi32, #tpu.memory_space<hbm>> -> memref<80x128xi32, #tpu.memory_space<hbm>>
    tpu.enqueue_dma source(%dma_start3A_7 : memref<80x128xi32, #tpu.memory_space<hbm>>) target(%arg7 : memref<80x128xi32, #tpu.memory_space<vmem>>) target_semaphore(%arg12 : memref<!tpu.dma_semaphore, #tpu.memory_space<semaphore_mem>>)
    %dma_start3A_8 = arith.constant 0 : i32
    %dma_start3A_9 = arith.constant 0 : i32
    %dma_start3A_10 = tpu.memref_slice %arg4[%add3A, %dma_start3A_8, %dma_start3A_9] : memref<32x80x128xi32, #tpu.memory_space<hbm>> -> memref<1x80x128xi32, #tpu.memory_space<hbm>>
    %dma_start3A_11 = tpu.memref_squeeze %dma_start3A_10 : memref<1x80x128xi32, #tpu.memory_space<hbm>> -> memref<80x128xi32, #tpu.memory_space<hbm>>
    %dma_start3A_12 = arith.constant 0 : i32
    %dma_start3A_13 = arith.constant 0 : i32
    %dma_start3A_14 = tpu.memref_slice %arg4[%add3A, %dma_start3A_12, %dma_start3A_13] : memref<32x80x128xi32, #tpu.memory_space<hbm>> -> memref<1x80x128xi32, #tpu.memory_space<hbm>>
    %dma_start3A_15 = tpu.memref_squeeze %dma_start3A_14 : memref<1x80x128xi32, #tpu.memory_space<hbm>> -> memref<80x128xi32, #tpu.memory_space<hbm>>
    tpu.enqueue_dma source(%dma_start3A_15 : memref<80x128xi32, #tpu.memory_space<hbm>>) target(%arg8 : memref<80x128xi32, #tpu.memory_space<vmem>>) target_semaphore(%arg13 : memref<!tpu.dma_semaphore, #tpu.memory_space<semaphore_mem>>)
    %mul3A_16 = arith.constant 320 : i32
    %mul3A_17 = arith.muli %arg1, %mul3A_16 : i32
    %mul3A_18 = arith.constant 320 : i32
    %mul3A_19 = arith.muli %arg1, %mul3A_18 : i32
    %dma_start3A_20 = arith.constant 0 : i32
    %dma_start3A_21 = tpu.memref_slice %arg10[%mul3A_19, %dma_start3A_20] : memref<5120x64xf32, #tpu.memory_space<vmem_shared>> -> memref<320x64xf32, #tpu.memory_space<vmem_shared>>
    %dma_start3A_22 = arith.constant 0 : i32
    %dma_start3A_23 = tpu.memref_slice %arg2[%mul3A_17, %dma_start3A_22] : memref<5120x64xf32, #tpu.memory_space<hbm>> -> memref<320x64xf32, #tpu.memory_space<hbm>>
    tpu.enqueue_dma source(%dma_start3A_23 : memref<320x64xf32, #tpu.memory_space<hbm>>) target(%dma_start3A_21 : memref<320x64xf32, #tpu.memory_space<vmem_shared>>) target_semaphore(%arg14 : memref<!tpu.dma_semaphore, #tpu.memory_space<semaphore_mem>>)
    %mul3A_24 = arith.constant 640 : i32
    %mul3A_25 = arith.muli %arg1, %mul3A_24 : i32
    %dma_start3A_26 = arith.constant 0 : i32
    %dma_start3A_27 = tpu.memref_slice %arg11[%mul3A_25, %dma_start3A_26] : memref<10240x64xf32, #tpu.memory_space<vmem_shared>> -> memref<640x64xf32, #tpu.memory_space<vmem_shared>>
    %dma_start3A_28 = arith.constant 0 : i32
    %dma_start3A_29 = arith.constant 0 : i32
    %dma_start3A_30 = tpu.memref_slice %arg5[%dma_start3A_28, %dma_start3A_29] : memref<640x64xf32, #tpu.memory_space<hbm>> -> memref<640x64xf32, #tpu.memory_space<hbm>>
    tpu.enqueue_dma source(%dma_start3A_30 : memref<640x64xf32, #tpu.memory_space<hbm>>) target(%dma_start3A_27 : memref<640x64xf32, #tpu.memory_space<vmem_shared>>) target_semaphore(%arg15 : memref<!tpu.dma_semaphore, #tpu.memory_space<semaphore_mem>>)
    %dma_wait3A = arith.constant 0 : i32
    %dma_wait3A_31 = arith.constant 0 : i32
    %dma_wait3A_32 = tpu.memref_slice %arg3[%add3A, %dma_wait3A, %dma_wait3A_31] : memref<32x80x128xi32, #tpu.memory_space<hbm>> -> memref<1x80x128xi32, #tpu.memory_space<hbm>>
    %dma_wait3A_33 = tpu.memref_squeeze %dma_wait3A_32 : memref<1x80x128xi32, #tpu.memory_space<hbm>> -> memref<80x128xi32, #tpu.memory_space<hbm>>
    %dma_wait3A_34 = arith.constant 0 : i32
    %dma_wait3A_35 = arith.constant 0 : i32
    %dma_wait3A_36 = tpu.memref_slice %arg3[%add3A, %dma_wait3A_34, %dma_wait3A_35] : memref<32x80x128xi32, #tpu.memory_space<hbm>> -> memref<1x80x128xi32, #tpu.memory_space<hbm>>
    %dma_wait3A_37 = tpu.memref_squeeze %dma_wait3A_36 : memref<1x80x128xi32, #tpu.memory_space<hbm>> -> memref<80x128xi32, #tpu.memory_space<hbm>>
    tpu.wait_dma2 semaphore(%arg12 : memref<!tpu.dma_semaphore, #tpu.memory_space<semaphore_mem>>) src(%dma_wait3A_37 : memref<80x128xi32, #tpu.memory_space<hbm>>) dst(%arg7 : memref<80x128xi32, #tpu.memory_space<vmem>>)
    %dma_wait3A_38 = arith.constant 0 : i32
    %dma_wait3A_39 = arith.constant 0 : i32
    %dma_wait3A_40 = tpu.memref_slice %arg4[%add3A, %dma_wait3A_38, %dma_wait3A_39] : memref<32x80x128xi32, #tpu.memory_space<hbm>> -> memref<1x80x128xi32, #tpu.memory_space<hbm>>
    %dma_wait3A_41 = tpu.memref_squeeze %dma_wait3A_40 : memref<1x80x128xi32, #tpu.memory_space<hbm>> -> memref<80x128xi32, #tpu.memory_space<hbm>>
    %dma_wait3A_42 = arith.constant 0 : i32
    %dma_wait3A_43 = arith.constant 0 : i32
    %dma_wait3A_44 = tpu.memref_slice %arg4[%add3A, %dma_wait3A_42, %dma_wait3A_43] : memref<32x80x128xi32, #tpu.memory_space<hbm>> -> memref<1x80x128xi32, #tpu.memory_space<hbm>>
    %dma_wait3A_45 = tpu.memref_squeeze %dma_wait3A_44 : memref<1x80x128xi32, #tpu.memory_space<hbm>> -> memref<80x128xi32, #tpu.memory_space<hbm>>
    tpu.wait_dma2 semaphore(%arg13 : memref<!tpu.dma_semaphore, #tpu.memory_space<semaphore_mem>>) src(%dma_wait3A_45 : memref<80x128xi32, #tpu.memory_space<hbm>>) dst(%arg8 : memref<80x128xi32, #tpu.memory_space<vmem>>)
    %mul3A_46 = arith.constant 320 : i32
    %mul3A_47 = arith.muli %arg1, %mul3A_46 : i32
    %mul3A_48 = arith.constant 320 : i32
    %mul3A_49 = arith.muli %arg1, %mul3A_48 : i32
    %dma_wait3A_50 = arith.constant 0 : i32
    %dma_wait3A_51 = tpu.memref_slice %arg10[%mul3A_49, %dma_wait3A_50] : memref<5120x64xf32, #tpu.memory_space<vmem_shared>> -> memref<320x64xf32, #tpu.memory_space<vmem_shared>>
    %dma_wait3A_52 = arith.constant 0 : i32
    %dma_wait3A_53 = tpu.memref_slice %arg2[%mul3A_47, %dma_wait3A_52] : memref<5120x64xf32, #tpu.memory_space<hbm>> -> memref<320x64xf32, #tpu.memory_space<hbm>>
    tpu.wait_dma2 semaphore(%arg14 : memref<!tpu.dma_semaphore, #tpu.memory_space<semaphore_mem>>) src(%dma_wait3A_53 : memref<320x64xf32, #tpu.memory_space<hbm>>) dst(%dma_wait3A_51 : memref<320x64xf32, #tpu.memory_space<vmem_shared>>)
    %mul3A_54 = arith.constant 640 : i32
    %mul3A_55 = arith.muli %arg1, %mul3A_54 : i32
    %dma_wait3A_56 = arith.constant 0 : i32
    %dma_wait3A_57 = tpu.memref_slice %arg11[%mul3A_55, %dma_wait3A_56] : memref<10240x64xf32, #tpu.memory_space<vmem_shared>> -> memref<640x64xf32, #tpu.memory_space<vmem_shared>>
    %dma_wait3A_58 = arith.constant 0 : i32
    %dma_wait3A_59 = arith.constant 0 : i32
    %dma_wait3A_60 = tpu.memref_slice %arg5[%dma_wait3A_58, %dma_wait3A_59] : memref<640x64xf32, #tpu.memory_space<hbm>> -> memref<640x64xf32, #tpu.memory_space<hbm>>
    tpu.wait_dma2 semaphore(%arg15 : memref<!tpu.dma_semaphore, #tpu.memory_space<semaphore_mem>>) src(%dma_wait3A_60 : memref<640x64xf32, #tpu.memory_space<hbm>>) dst(%dma_wait3A_57 : memref<640x64xf32, #tpu.memory_space<vmem_shared>>)
    %barrier3A = arith.constant 0 : index
    tpu.barrier barrier_id(%barrier3A)
    %dma_start3A_61 = arith.constant 0 : i32
    %dma_start3A_62 = arith.constant 0 : i32
    %dma_start3A_63 = arith.constant 0 : i32
    %dma_start3A_64 = arith.constant 0 : i32
    %dma_start3A_65 = tpu.memref_slice %arg9[%dma_start3A_62, %dma_start3A_63, %dma_start3A_64] : memref<5x128x64xf32, #tpu.memory_space<vmem>> -> memref<1x128x64xf32, #tpu.memory_space<vmem>>
    %dma_start3A_66 = tpu.memref_squeeze %dma_start3A_65 : memref<1x128x64xf32, #tpu.memory_space<vmem>> -> memref<128x64xf32, #tpu.memory_space<vmem>>
    %dma_start3A_67 = arith.constant 0 : i32
    %dma_start3A_68 = tpu.memref_slice %arg7[%dma_start3A_61, %dma_start3A_67] : memref<80x128xi32, #tpu.memory_space<vmem>> -> memref<1x128xi32, #tpu.memory_space<vmem>>
    %dma_start3A_69 = tpu.memref_squeeze %dma_start3A_68 : memref<1x128xi32, #tpu.memory_space<vmem>> -> memref<128xi32, #tpu.memory_space<vmem>>
    %dma_start3A_70 = arith.constant 0 : i32
    %dma_start3A_71 = arith.constant 0 : i32
    %dma_start3A_72 = tpu.memref_slice %arg10[%dma_start3A_70, %dma_start3A_71] : memref<5120x64xf32, #tpu.memory_space<vmem_shared>> -> memref<5120x64xf32, #tpu.memory_space<vmem_shared>>
    tpu.enqueue_indirect_dma source(%dma_start3A_72 : memref<5120x64xf32, #tpu.memory_space<vmem_shared>>) target(%dma_start3A_66 : memref<128x64xf32, #tpu.memory_space<vmem>>) offsets(%dma_start3A_69 : memref<128xi32, #tpu.memory_space<vmem>>) semaphore(%arg12 : memref<!tpu.dma_semaphore, #tpu.memory_space<semaphore_mem>>)
    %dma_start3A_73 = arith.constant 1 : i32
    %dma_start3A_74 = arith.constant 1 : i32
    %dma_start3A_75 = arith.constant 0 : i32
    %dma_start3A_76 = arith.constant 0 : i32
    %dma_start3A_77 = tpu.memref_slice %arg9[%dma_start3A_74, %dma_start3A_75, %dma_start3A_76] : memref<5x128x64xf32, #tpu.memory_space<vmem>> -> memref<1x128x64xf32, #tpu.memory_space<vmem>>
    %dma_start3A_78 = tpu.memref_squeeze %dma_start3A_77 : memref<1x128x64xf32, #tpu.memory_space<vmem>> -> memref<128x64xf32, #tpu.memory_space<vmem>>
    %dma_start3A_79 = arith.constant 0 : i32
    %dma_start3A_80 = tpu.memref_slice %arg7[%dma_start3A_73, %dma_start3A_79] : memref<80x128xi32, #tpu.memory_space<vmem>> -> memref<1x128xi32, #tpu.memory_space<vmem>>
    %dma_start3A_81 = tpu.memref_squeeze %dma_start3A_80 : memref<1x128xi32, #tpu.memory_space<vmem>> -> memref<128xi32, #tpu.memory_space<vmem>>
    %dma_start3A_82 = arith.constant 0 : i32
    %dma_start3A_83 = arith.constant 0 : i32
    %dma_start3A_84 = tpu.memref_slice %arg10[%dma_start3A_82, %dma_start3A_83] : memref<5120x64xf32, #tpu.memory_space<vmem_shared>> -> memref<5120x64xf32, #tpu.memory_space<vmem_shared>>
    tpu.enqueue_indirect_dma source(%dma_start3A_84 : memref<5120x64xf32, #tpu.memory_space<vmem_shared>>) target(%dma_start3A_78 : memref<128x64xf32, #tpu.memory_space<vmem>>) offsets(%dma_start3A_81 : memref<128xi32, #tpu.memory_space<vmem>>) semaphore(%arg13 : memref<!tpu.dma_semaphore, #tpu.memory_space<semaphore_mem>>)
    %dma_start3A_85 = arith.constant 2 : i32
    %dma_start3A_86 = arith.constant 2 : i32
    %dma_start3A_87 = arith.constant 0 : i32
    %dma_start3A_88 = arith.constant 0 : i32
    %dma_start3A_89 = tpu.memref_slice %arg9[%dma_start3A_86, %dma_start3A_87, %dma_start3A_88] : memref<5x128x64xf32, #tpu.memory_space<vmem>> -> memref<1x128x64xf32, #tpu.memory_space<vmem>>
    %dma_start3A_90 = tpu.memref_squeeze %dma_start3A_89 : memref<1x128x64xf32, #tpu.memory_space<vmem>> -> memref<128x64xf32, #tpu.memory_space<vmem>>
    %dma_start3A_91 = arith.constant 0 : i32
    %dma_start3A_92 = tpu.memref_slice %arg7[%dma_start3A_85, %dma_start3A_91] : memref<80x128xi32, #tpu.memory_space<vmem>> -> memref<1x128xi32, #tpu.memory_space<vmem>>
    %dma_start3A_93 = tpu.memref_squeeze %dma_start3A_92 : memref<1x128xi32, #tpu.memory_space<vmem>> -> memref<128xi32, #tpu.memory_space<vmem>>
    %dma_start3A_94 = arith.constant 0 : i32
    %dma_start3A_95 = arith.constant 0 : i32
    %dma_start3A_96 = tpu.memref_slice %arg10[%dma_start3A_94, %dma_start3A_95] : memref<5120x64xf32, #tpu.memory_space<vmem_shared>> -> memref<5120x64xf32, #tpu.memory_space<vmem_shared>>
    tpu.enqueue_indirect_dma source(%dma_start3A_96 : memref<5120x64xf32, #tpu.memory_space<vmem_shared>>) target(%dma_start3A_90 : memref<128x64xf32, #tpu.memory_space<vmem>>) offsets(%dma_start3A_93 : memref<128xi32, #tpu.memory_space<vmem>>) semaphore(%arg14 : memref<!tpu.dma_semaphore, #tpu.memory_space<semaphore_mem>>)
    %dma_start3A_97 = arith.constant 3 : i32
    %dma_start3A_98 = arith.constant 3 : i32
    %dma_start3A_99 = arith.constant 0 : i32
    %dma_start3A_100 = arith.constant 0 : i32
    %dma_start3A_101 = tpu.memref_slice %arg9[%dma_start3A_98, %dma_start3A_99, %dma_start3A_100] : memref<5x128x64xf32, #tpu.memory_space<vmem>> -> memref<1x128x64xf32, #tpu.memory_space<vmem>>
    %dma_start3A_102 = tpu.memref_squeeze %dma_start3A_101 : memref<1x128x64xf32, #tpu.memory_space<vmem>> -> memref<128x64xf32, #tpu.memory_space<vmem>>
    %dma_start3A_103 = arith.constant 0 : i32
    %dma_start3A_104 = tpu.memref_slice %arg7[%dma_start3A_97, %dma_start3A_103] : memref<80x128xi32, #tpu.memory_space<vmem>> -> memref<1x128xi32, #tpu.memory_space<vmem>>
    %dma_start3A_105 = tpu.memref_squeeze %dma_start3A_104 : memref<1x128xi32, #tpu.memory_space<vmem>> -> memref<128xi32, #tpu.memory_space<vmem>>
    %dma_start3A_106 = arith.constant 0 : i32
    %dma_start3A_107 = arith.constant 0 : i32
    %dma_start3A_108 = tpu.memref_slice %arg10[%dma_start3A_106, %dma_start3A_107] : memref<5120x64xf32, #tpu.memory_space<vmem_shared>> -> memref<5120x64xf32, #tpu.memory_space<vmem_shared>>
    tpu.enqueue_indirect_dma source(%dma_start3A_108 : memref<5120x64xf32, #tpu.memory_space<vmem_shared>>) target(%dma_start3A_102 : memref<128x64xf32, #tpu.memory_space<vmem>>) offsets(%dma_start3A_105 : memref<128xi32, #tpu.memory_space<vmem>>) semaphore(%arg15 : memref<!tpu.dma_semaphore, #tpu.memory_space<semaphore_mem>>)
    %dma_start3A_109 = arith.constant 4 : i32
    %dma_start3A_110 = arith.constant 4 : i32
    %dma_start3A_111 = arith.constant 0 : i32
    %dma_start3A_112 = arith.constant 0 : i32
    %dma_start3A_113 = tpu.memref_slice %arg9[%dma_start3A_110, %dma_start3A_111, %dma_start3A_112] : memref<5x128x64xf32, #tpu.memory_space<vmem>> -> memref<1x128x64xf32, #tpu.memory_space<vmem>>
    %dma_start3A_114 = tpu.memref_squeeze %dma_start3A_113 : memref<1x128x64xf32, #tpu.memory_space<vmem>> -> memref<128x64xf32, #tpu.memory_space<vmem>>
    %dma_start3A_115 = arith.constant 0 : i32
    %dma_start3A_116 = tpu.memref_slice %arg7[%dma_start3A_109, %dma_start3A_115] : memref<80x128xi32, #tpu.memory_space<vmem>> -> memref<1x128xi32, #tpu.memory_space<vmem>>
    %dma_start3A_117 = tpu.memref_squeeze %dma_start3A_116 : memref<1x128xi32, #tpu.memory_space<vmem>> -> memref<128xi32, #tpu.memory_space<vmem>>
    %dma_start3A_118 = arith.constant 0 : i32
    %dma_start3A_119 = arith.constant 0 : i32
    %dma_start3A_120 = tpu.memref_slice %arg10[%dma_start3A_118, %dma_start3A_119] : memref<5120x64xf32, #tpu.memory_space<vmem_shared>> -> memref<5120x64xf32, #tpu.memory_space<vmem_shared>>
    tpu.enqueue_indirect_dma source(%dma_start3A_120 : memref<5120x64xf32, #tpu.memory_space<vmem_shared>>) target(%dma_start3A_114 : memref<128x64xf32, #tpu.memory_space<vmem>>) offsets(%dma_start3A_117 : memref<128xi32, #tpu.memory_space<vmem>>) semaphore(%arg16 : memref<!tpu.dma_semaphore, #tpu.memory_space<semaphore_mem>>)
    %scan3A = arith.constant 0 : i32
    %scan3A_121 = arith.constant 0 : i32
    %scan3A_122 = arith.constant 16 : i32
    %scan3A_123 = arith.addi %scan3A_121, %scan3A_122 : i32
    %scan3A_124 = arith.constant 1 : i32
    scf.for %scan3A_191 = %scan3A_121 to %scan3A_123 step %scan3A_124  : i32 {
      %mul3A_192 = arith.constant 5 : i32
      %mul3A_193 = arith.muli %scan3A_191, %mul3A_192 : i32
      %add3A_194 = arith.constant 0 : i32
      %add3A_195 = arith.addi %mul3A_193, %add3A_194 : i32
      %dma_wait3A_196 = arith.constant 0 : i32
      %dma_wait3A_197 = arith.constant 0 : i32
      %dma_wait3A_198 = arith.constant 0 : i32
      %dma_wait3A_199 = tpu.memref_slice %arg9[%dma_wait3A_196, %dma_wait3A_197, %dma_wait3A_198] : memref<5x128x64xf32, #tpu.memory_space<vmem>> -> memref<1x128x64xf32, #tpu.memory_space<vmem>>
      %dma_wait3A_200 = tpu.memref_squeeze %dma_wait3A_199 : memref<1x128x64xf32, #tpu.memory_space<vmem>> -> memref<128x64xf32, #tpu.memory_space<vmem>>
      %dma_wait3A_201 = arith.constant 0 : i32
      %dma_wait3A_202 = tpu.memref_slice %arg7[%add3A_195, %dma_wait3A_201] : memref<80x128xi32, #tpu.memory_space<vmem>> -> memref<1x128xi32, #tpu.memory_space<vmem>>
      %dma_wait3A_203 = tpu.memref_squeeze %dma_wait3A_202 : memref<1x128xi32, #tpu.memory_space<vmem>> -> memref<128xi32, #tpu.memory_space<vmem>>
      %dma_wait3A_204 = arith.constant 0 : i32
      %dma_wait3A_205 = arith.constant 0 : i32
      %dma_wait3A_206 = tpu.memref_slice %arg10[%dma_wait3A_204, %dma_wait3A_205] : memref<5120x64xf32, #tpu.memory_space<vmem_shared>> -> memref<5120x64xf32, #tpu.memory_space<vmem_shared>>
      tpu.wait_indirect_dma semaphore(%arg12 : memref<!tpu.dma_semaphore, #tpu.memory_space<semaphore_mem>>) src(%dma_wait3A_206 : memref<5120x64xf32, #tpu.memory_space<vmem_shared>>) dst(%dma_wait3A_200 : memref<128x64xf32, #tpu.memory_space<vmem>>)
      %dma_start3A_207 = arith.constant 0 : i32
      %dma_start3A_208 = arith.constant 0 : i32
      %dma_start3A_209 = arith.constant 0 : i32
      %dma_start3A_210 = tpu.memref_slice %arg9[%dma_start3A_207, %dma_start3A_208, %dma_start3A_209] : memref<5x128x64xf32, #tpu.memory_space<vmem>> -> memref<1x128x64xf32, #tpu.memory_space<vmem>>
      %dma_start3A_211 = tpu.memref_squeeze %dma_start3A_210 : memref<1x128x64xf32, #tpu.memory_space<vmem>> -> memref<128x64xf32, #tpu.memory_space<vmem>>
      %dma_start3A_212 = arith.constant 0 : i32
      %dma_start3A_213 = tpu.memref_slice %arg8[%add3A_195, %dma_start3A_212] : memref<80x128xi32, #tpu.memory_space<vmem>> -> memref<1x128xi32, #tpu.memory_space<vmem>>
      %dma_start3A_214 = tpu.memref_squeeze %dma_start3A_213 : memref<1x128xi32, #tpu.memory_space<vmem>> -> memref<128xi32, #tpu.memory_space<vmem>>
      %dma_start3A_215 = arith.constant 0 : i32
      %dma_start3A_216 = arith.constant 0 : i32
      %dma_start3A_217 = tpu.memref_slice %arg11[%dma_start3A_215, %dma_start3A_216] : memref<10240x64xf32, #tpu.memory_space<vmem_shared>> -> memref<10240x64xf32, #tpu.memory_space<vmem_shared>>
      tpu.enqueue_indirect_dma source(%dma_start3A_211 : memref<128x64xf32, #tpu.memory_space<vmem>>) target(%dma_start3A_217 : memref<10240x64xf32, #tpu.memory_space<vmem_shared>>) offsets(%dma_start3A_214 : memref<128xi32, #tpu.memory_space<vmem>>) semaphore(%arg17 : memref<!tpu.dma_semaphore, #tpu.memory_space<semaphore_mem>>) {add = true}
      %sub3A = arith.constant 2 : i32
      %sub3A_218 = arith.subi %add3A_195, %sub3A : i32
      %add3A_219 = arith.constant 5 : i32
      %add3A_220 = arith.addi %sub3A_218, %add3A_219 : i32
      %ge3A = arith.constant 0 : i32
      %ge3A_221 = arith.cmpi sge, %sub3A_218, %ge3A : i32
      %lt3A = arith.constant 80 : i32
      %lt3A_222 = arith.cmpi slt, %add3A_220, %lt3A : i32
      %and3A = arith.andi %ge3A_221, %lt3A_222 : i1
      %convert_element_type3A = arith.extui %and3A : i1 to i32
      %cond3A = arith.constant 0 : i32
      %cond3A_223 = arith.cmpi ne, %convert_element_type3A, %cond3A : i32
      scf.if %cond3A_223 {
        %dma_wait3A_376 = arith.constant 3 : i32
        %dma_wait3A_377 = arith.constant 0 : i32
        %dma_wait3A_378 = arith.constant 0 : i32
        %dma_wait3A_379 = tpu.memref_slice %arg9[%dma_wait3A_376, %dma_wait3A_377, %dma_wait3A_378] : memref<5x128x64xf32, #tpu.memory_space<vmem>> -> memref<1x128x64xf32, #tpu.memory_space<vmem>>
        %dma_wait3A_380 = tpu.memref_squeeze %dma_wait3A_379 : memref<1x128x64xf32, #tpu.memory_space<vmem>> -> memref<128x64xf32, #tpu.memory_space<vmem>>
        %dma_wait3A_381 = arith.constant 0 : i32
        %dma_wait3A_382 = tpu.memref_slice %arg8[%sub3A_218, %dma_wait3A_381] : memref<80x128xi32, #tpu.memory_space<vmem>> -> memref<1x128xi32, #tpu.memory_space<vmem>>
        %dma_wait3A_383 = tpu.memref_squeeze %dma_wait3A_382 : memref<1x128xi32, #tpu.memory_space<vmem>> -> memref<128xi32, #tpu.memory_space<vmem>>
        %dma_wait3A_384 = arith.constant 0 : i32
        %dma_wait3A_385 = arith.constant 0 : i32
        %dma_wait3A_386 = tpu.memref_slice %arg11[%dma_wait3A_384, %dma_wait3A_385] : memref<10240x64xf32, #tpu.memory_space<vmem_shared>> -> memref<10240x64xf32, #tpu.memory_space<vmem_shared>>
        tpu.wait_indirect_dma semaphore(%arg20 : memref<!tpu.dma_semaphore, #tpu.memory_space<semaphore_mem>>) src(%dma_wait3A_380 : memref<128x64xf32, #tpu.memory_space<vmem>>) dst(%dma_wait3A_386 : memref<10240x64xf32, #tpu.memory_space<vmem_shared>>)
        %dma_start3A_387 = arith.constant 3 : i32
        %dma_start3A_388 = arith.constant 0 : i32
        %dma_start3A_389 = arith.constant 0 : i32
        %dma_start3A_390 = tpu.memref_slice %arg9[%dma_start3A_387, %dma_start3A_388, %dma_start3A_389] : memref<5x128x64xf32, #tpu.memory_space<vmem>> -> memref<1x128x64xf32, #tpu.memory_space<vmem>>
        %dma_start3A_391 = tpu.memref_squeeze %dma_start3A_390 : memref<1x128x64xf32, #tpu.memory_space<vmem>> -> memref<128x64xf32, #tpu.memory_space<vmem>>
        %dma_start3A_392 = arith.constant 0 : i32
        %dma_start3A_393 = tpu.memref_slice %arg7[%add3A_220, %dma_start3A_392] : memref<80x128xi32, #tpu.memory_space<vmem>> -> memref<1x128xi32, #tpu.memory_space<vmem>>
        %dma_start3A_394 = tpu.memref_squeeze %dma_start3A_393 : memref<1x128xi32, #tpu.memory_space<vmem>> -> memref<128xi32, #tpu.memory_space<vmem>>
        %dma_start3A_395 = arith.constant 0 : i32
        %dma_start3A_396 = arith.constant 0 : i32
        %dma_start3A_397 = tpu.memref_slice %arg10[%dma_start3A_395, %dma_start3A_396] : memref<5120x64xf32, #tpu.memory_space<vmem_shared>> -> memref<5120x64xf32, #tpu.memory_space<vmem_shared>>
        tpu.enqueue_indirect_dma source(%dma_start3A_397 : memref<5120x64xf32, #tpu.memory_space<vmem_shared>>) target(%dma_start3A_391 : memref<128x64xf32, #tpu.memory_space<vmem>>) offsets(%dma_start3A_394 : memref<128xi32, #tpu.memory_space<vmem>>) semaphore(%arg15 : memref<!tpu.dma_semaphore, #tpu.memory_space<semaphore_mem>>)
      } else {
      }
      %mul3A_224 = arith.constant 5 : i32
      %mul3A_225 = arith.muli %scan3A_191, %mul3A_224 : i32
      %add3A_226 = arith.constant 1 : i32
      %add3A_227 = arith.addi %mul3A_225, %add3A_226 : i32
      %dma_wait3A_228 = arith.constant 1 : i32
      %dma_wait3A_229 = arith.constant 0 : i32
      %dma_wait3A_230 = arith.constant 0 : i32
      %dma_wait3A_231 = tpu.memref_slice %arg9[%dma_wait3A_228, %dma_wait3A_229, %dma_wait3A_230] : memref<5x128x64xf32, #tpu.memory_space<vmem>> -> memref<1x128x64xf32, #tpu.memory_space<vmem>>
      %dma_wait3A_232 = tpu.memref_squeeze %dma_wait3A_231 : memref<1x128x64xf32, #tpu.memory_space<vmem>> -> memref<128x64xf32, #tpu.memory_space<vmem>>
      %dma_wait3A_233 = arith.constant 0 : i32
      %dma_wait3A_234 = tpu.memref_slice %arg7[%add3A_227, %dma_wait3A_233] : memref<80x128xi32, #tpu.memory_space<vmem>> -> memref<1x128xi32, #tpu.memory_space<vmem>>
      %dma_wait3A_235 = tpu.memref_squeeze %dma_wait3A_234 : memref<1x128xi32, #tpu.memory_space<vmem>> -> memref<128xi32, #tpu.memory_space<vmem>>
      %dma_wait3A_236 = arith.constant 0 : i32
      %dma_wait3A_237 = arith.constant 0 : i32
      %dma_wait3A_238 = tpu.memref_slice %arg10[%dma_wait3A_236, %dma_wait3A_237] : memref<5120x64xf32, #tpu.memory_space<vmem_shared>> -> memref<5120x64xf32, #tpu.memory_space<vmem_shared>>
      tpu.wait_indirect_dma semaphore(%arg13 : memref<!tpu.dma_semaphore, #tpu.memory_space<semaphore_mem>>) src(%dma_wait3A_238 : memref<5120x64xf32, #tpu.memory_space<vmem_shared>>) dst(%dma_wait3A_232 : memref<128x64xf32, #tpu.memory_space<vmem>>)
      %dma_start3A_239 = arith.constant 1 : i32
      %dma_start3A_240 = arith.constant 0 : i32
      %dma_start3A_241 = arith.constant 0 : i32
      %dma_start3A_242 = tpu.memref_slice %arg9[%dma_start3A_239, %dma_start3A_240, %dma_start3A_241] : memref<5x128x64xf32, #tpu.memory_space<vmem>> -> memref<1x128x64xf32, #tpu.memory_space<vmem>>
      %dma_start3A_243 = tpu.memref_squeeze %dma_start3A_242 : memref<1x128x64xf32, #tpu.memory_space<vmem>> -> memref<128x64xf32, #tpu.memory_space<vmem>>
      %dma_start3A_244 = arith.constant 0 : i32
      %dma_start3A_245 = tpu.memref_slice %arg8[%add3A_227, %dma_start3A_244] : memref<80x128xi32, #tpu.memory_space<vmem>> -> memref<1x128xi32, #tpu.memory_space<vmem>>
      %dma_start3A_246 = tpu.memref_squeeze %dma_start3A_245 : memref<1x128xi32, #tpu.memory_space<vmem>> -> memref<128xi32, #tpu.memory_space<vmem>>
      %dma_start3A_247 = arith.constant 0 : i32
      %dma_start3A_248 = arith.constant 0 : i32
      %dma_start3A_249 = tpu.memref_slice %arg11[%dma_start3A_247, %dma_start3A_248] : memref<10240x64xf32, #tpu.memory_space<vmem_shared>> -> memref<10240x64xf32, #tpu.memory_space<vmem_shared>>
      tpu.enqueue_indirect_dma source(%dma_start3A_243 : memref<128x64xf32, #tpu.memory_space<vmem>>) target(%dma_start3A_249 : memref<10240x64xf32, #tpu.memory_space<vmem_shared>>) offsets(%dma_start3A_246 : memref<128xi32, #tpu.memory_space<vmem>>) semaphore(%arg18 : memref<!tpu.dma_semaphore, #tpu.memory_space<semaphore_mem>>) {add = true}
      %sub3A_250 = arith.constant 2 : i32
      %sub3A_251 = arith.subi %add3A_227, %sub3A_250 : i32
      %add3A_252 = arith.constant 5 : i32
      %add3A_253 = arith.addi %sub3A_251, %add3A_252 : i32
      %ge3A_254 = arith.constant 0 : i32
      %ge3A_255 = arith.cmpi sge, %sub3A_251, %ge3A_254 : i32
      %lt3A_256 = arith.constant 80 : i32
      %lt3A_257 = arith.cmpi slt, %add3A_253, %lt3A_256 : i32
      %and3A_258 = arith.andi %ge3A_255, %lt3A_257 : i1
      %convert_element_type3A_259 = arith.extui %and3A_258 : i1 to i32
      %cond3A_260 = arith.constant 0 : i32
      %cond3A_261 = arith.cmpi ne, %convert_element_type3A_259, %cond3A_260 : i32
      scf.if %cond3A_261 {
        %dma_wait3A_376 = arith.constant 4 : i32
        %dma_wait3A_377 = arith.constant 0 : i32
        %dma_wait3A_378 = arith.constant 0 : i32
        %dma_wait3A_379 = tpu.memref_slice %arg9[%dma_wait3A_376, %dma_wait3A_377, %dma_wait3A_378] : memref<5x128x64xf32, #tpu.memory_space<vmem>> -> memref<1x128x64xf32, #tpu.memory_space<vmem>>
        %dma_wait3A_380 = tpu.memref_squeeze %dma_wait3A_379 : memref<1x128x64xf32, #tpu.memory_space<vmem>> -> memref<128x64xf32, #tpu.memory_space<vmem>>
        %dma_wait3A_381 = arith.constant 0 : i32
        %dma_wait3A_382 = tpu.memref_slice %arg8[%sub3A_251, %dma_wait3A_381] : memref<80x128xi32, #tpu.memory_space<vmem>> -> memref<1x128xi32, #tpu.memory_space<vmem>>
        %dma_wait3A_383 = tpu.memref_squeeze %dma_wait3A_382 : memref<1x128xi32, #tpu.memory_space<vmem>> -> memref<128xi32, #tpu.memory_space<vmem>>
        %dma_wait3A_384 = arith.constant 0 : i32
        %dma_wait3A_385 = arith.constant 0 : i32
        %dma_wait3A_386 = tpu.memref_slice %arg11[%dma_wait3A_384, %dma_wait3A_385] : memref<10240x64xf32, #tpu.memory_space<vmem_shared>> -> memref<10240x64xf32, #tpu.memory_space<vmem_shared>>
        tpu.wait_indirect_dma semaphore(%arg21 : memref<!tpu.dma_semaphore, #tpu.memory_space<semaphore_mem>>) src(%dma_wait3A_380 : memref<128x64xf32, #tpu.memory_space<vmem>>) dst(%dma_wait3A_386 : memref<10240x64xf32, #tpu.memory_space<vmem_shared>>)
        %dma_start3A_387 = arith.constant 4 : i32
        %dma_start3A_388 = arith.constant 0 : i32
        %dma_start3A_389 = arith.constant 0 : i32
        %dma_start3A_390 = tpu.memref_slice %arg9[%dma_start3A_387, %dma_start3A_388, %dma_start3A_389] : memref<5x128x64xf32, #tpu.memory_space<vmem>> -> memref<1x128x64xf32, #tpu.memory_space<vmem>>
        %dma_start3A_391 = tpu.memref_squeeze %dma_start3A_390 : memref<1x128x64xf32, #tpu.memory_space<vmem>> -> memref<128x64xf32, #tpu.memory_space<vmem>>
        %dma_start3A_392 = arith.constant 0 : i32
        %dma_start3A_393 = tpu.memref_slice %arg7[%add3A_253, %dma_start3A_392] : memref<80x128xi32, #tpu.memory_space<vmem>> -> memref<1x128xi32, #tpu.memory_space<vmem>>
        %dma_start3A_394 = tpu.memref_squeeze %dma_start3A_393 : memref<1x128xi32, #tpu.memory_space<vmem>> -> memref<128xi32, #tpu.memory_space<vmem>>
        %dma_start3A_395 = arith.constant 0 : i32
        %dma_start3A_396 = arith.constant 0 : i32
        %dma_start3A_397 = tpu.memref_slice %arg10[%dma_start3A_395, %dma_start3A_396] : memref<5120x64xf32, #tpu.memory_space<vmem_shared>> -> memref<5120x64xf32, #tpu.memory_space<vmem_shared>>
        tpu.enqueue_indirect_dma source(%dma_start3A_397 : memref<5120x64xf32, #tpu.memory_space<vmem_shared>>) target(%dma_start3A_391 : memref<128x64xf32, #tpu.memory_space<vmem>>) offsets(%dma_start3A_394 : memref<128xi32, #tpu.memory_space<vmem>>) semaphore(%arg16 : memref<!tpu.dma_semaphore, #tpu.memory_space<semaphore_mem>>)
      } else {
      }
      %mul3A_262 = arith.constant 5 : i32
      %mul3A_263 = arith.muli %scan3A_191, %mul3A_262 : i32
      %add3A_264 = arith.constant 2 : i32
      %add3A_265 = arith.addi %mul3A_263, %add3A_264 : i32
      %dma_wait3A_266 = arith.constant 2 : i32
      %dma_wait3A_267 = arith.constant 0 : i32
      %dma_wait3A_268 = arith.constant 0 : i32
      %dma_wait3A_269 = tpu.memref_slice %arg9[%dma_wait3A_266, %dma_wait3A_267, %dma_wait3A_268] : memref<5x128x64xf32, #tpu.memory_space<vmem>> -> memref<1x128x64xf32, #tpu.memory_space<vmem>>
      %dma_wait3A_270 = tpu.memref_squeeze %dma_wait3A_269 : memref<1x128x64xf32, #tpu.memory_space<vmem>> -> memref<128x64xf32, #tpu.memory_space<vmem>>
      %dma_wait3A_271 = arith.constant 0 : i32
      %dma_wait3A_272 = tpu.memref_slice %arg7[%add3A_265, %dma_wait3A_271] : memref<80x128xi32, #tpu.memory_space<vmem>> -> memref<1x128xi32, #tpu.memory_space<vmem>>
      %dma_wait3A_273 = tpu.memref_squeeze %dma_wait3A_272 : memref<1x128xi32, #tpu.memory_space<vmem>> -> memref<128xi32, #tpu.memory_space<vmem>>
      %dma_wait3A_274 = arith.constant 0 : i32
      %dma_wait3A_275 = arith.constant 0 : i32
      %dma_wait3A_276 = tpu.memref_slice %arg10[%dma_wait3A_274, %dma_wait3A_275] : memref<5120x64xf32, #tpu.memory_space<vmem_shared>> -> memref<5120x64xf32, #tpu.memory_space<vmem_shared>>
      tpu.wait_indirect_dma semaphore(%arg14 : memref<!tpu.dma_semaphore, #tpu.memory_space<semaphore_mem>>) src(%dma_wait3A_276 : memref<5120x64xf32, #tpu.memory_space<vmem_shared>>) dst(%dma_wait3A_270 : memref<128x64xf32, #tpu.memory_space<vmem>>)
      %dma_start3A_277 = arith.constant 2 : i32
      %dma_start3A_278 = arith.constant 0 : i32
      %dma_start3A_279 = arith.constant 0 : i32
      %dma_start3A_280 = tpu.memref_slice %arg9[%dma_start3A_277, %dma_start3A_278, %dma_start3A_279] : memref<5x128x64xf32, #tpu.memory_space<vmem>> -> memref<1x128x64xf32, #tpu.memory_space<vmem>>
      %dma_start3A_281 = tpu.memref_squeeze %dma_start3A_280 : memref<1x128x64xf32, #tpu.memory_space<vmem>> -> memref<128x64xf32, #tpu.memory_space<vmem>>
      %dma_start3A_282 = arith.constant 0 : i32
      %dma_start3A_283 = tpu.memref_slice %arg8[%add3A_265, %dma_start3A_282] : memref<80x128xi32, #tpu.memory_space<vmem>> -> memref<1x128xi32, #tpu.memory_space<vmem>>
      %dma_start3A_284 = tpu.memref_squeeze %dma_start3A_283 : memref<1x128xi32, #tpu.memory_space<vmem>> -> memref<128xi32, #tpu.memory_space<vmem>>
      %dma_start3A_285 = arith.constant 0 : i32
      %dma_start3A_286 = arith.constant 0 : i32
      %dma_start3A_287 = tpu.memref_slice %arg11[%dma_start3A_285, %dma_start3A_286] : memref<10240x64xf32, #tpu.memory_space<vmem_shared>> -> memref<10240x64xf32, #tpu.memory_space<vmem_shared>>
      tpu.enqueue_indirect_dma source(%dma_start3A_281 : memref<128x64xf32, #tpu.memory_space<vmem>>) target(%dma_start3A_287 : memref<10240x64xf32, #tpu.memory_space<vmem_shared>>) offsets(%dma_start3A_284 : memref<128xi32, #tpu.memory_space<vmem>>) semaphore(%arg19 : memref<!tpu.dma_semaphore, #tpu.memory_space<semaphore_mem>>) {add = true}
      %sub3A_288 = arith.constant 2 : i32
      %sub3A_289 = arith.subi %add3A_265, %sub3A_288 : i32
      %add3A_290 = arith.constant 5 : i32
      %add3A_291 = arith.addi %sub3A_289, %add3A_290 : i32
      %ge3A_292 = arith.constant 0 : i32
      %ge3A_293 = arith.cmpi sge, %sub3A_289, %ge3A_292 : i32
      %lt3A_294 = arith.constant 80 : i32
      %lt3A_295 = arith.cmpi slt, %add3A_291, %lt3A_294 : i32
      %and3A_296 = arith.andi %ge3A_293, %lt3A_295 : i1
      %convert_element_type3A_297 = arith.extui %and3A_296 : i1 to i32
      %cond3A_298 = arith.constant 0 : i32
      %cond3A_299 = arith.cmpi ne, %convert_element_type3A_297, %cond3A_298 : i32
      scf.if %cond3A_299 {
        %dma_wait3A_376 = arith.constant 0 : i32
        %dma_wait3A_377 = arith.constant 0 : i32
        %dma_wait3A_378 = arith.constant 0 : i32
        %dma_wait3A_379 = tpu.memref_slice %arg9[%dma_wait3A_376, %dma_wait3A_377, %dma_wait3A_378] : memref<5x128x64xf32, #tpu.memory_space<vmem>> -> memref<1x128x64xf32, #tpu.memory_space<vmem>>
        %dma_wait3A_380 = tpu.memref_squeeze %dma_wait3A_379 : memref<1x128x64xf32, #tpu.memory_space<vmem>> -> memref<128x64xf32, #tpu.memory_space<vmem>>
        %dma_wait3A_381 = arith.constant 0 : i32
        %dma_wait3A_382 = tpu.memref_slice %arg8[%sub3A_289, %dma_wait3A_381] : memref<80x128xi32, #tpu.memory_space<vmem>> -> memref<1x128xi32, #tpu.memory_space<vmem>>
        %dma_wait3A_383 = tpu.memref_squeeze %dma_wait3A_382 : memref<1x128xi32, #tpu.memory_space<vmem>> -> memref<128xi32, #tpu.memory_space<vmem>>
        %dma_wait3A_384 = arith.constant 0 : i32
        %dma_wait3A_385 = arith.constant 0 : i32
        %dma_wait3A_386 = tpu.memref_slice %arg11[%dma_wait3A_384, %dma_wait3A_385] : memref<10240x64xf32, #tpu.memory_space<vmem_shared>> -> memref<10240x64xf32, #tpu.memory_space<vmem_shared>>
        tpu.wait_indirect_dma semaphore(%arg17 : memref<!tpu.dma_semaphore, #tpu.memory_space<semaphore_mem>>) src(%dma_wait3A_380 : memref<128x64xf32, #tpu.memory_space<vmem>>) dst(%dma_wait3A_386 : memref<10240x64xf32, #tpu.memory_space<vmem_shared>>)
        %dma_start3A_387 = arith.constant 0 : i32
        %dma_start3A_388 = arith.constant 0 : i32
        %dma_start3A_389 = arith.constant 0 : i32
        %dma_start3A_390 = tpu.memref_slice %arg9[%dma_start3A_387, %dma_start3A_388, %dma_start3A_389] : memref<5x128x64xf32, #tpu.memory_space<vmem>> -> memref<1x128x64xf32, #tpu.memory_space<vmem>>
        %dma_start3A_391 = tpu.memref_squeeze %dma_start3A_390 : memref<1x128x64xf32, #tpu.memory_space<vmem>> -> memref<128x64xf32, #tpu.memory_space<vmem>>
        %dma_start3A_392 = arith.constant 0 : i32
        %dma_start3A_393 = tpu.memref_slice %arg7[%add3A_291, %dma_start3A_392] : memref<80x128xi32, #tpu.memory_space<vmem>> -> memref<1x128xi32, #tpu.memory_space<vmem>>
        %dma_start3A_394 = tpu.memref_squeeze %dma_start3A_393 : memref<1x128xi32, #tpu.memory_space<vmem>> -> memref<128xi32, #tpu.memory_space<vmem>>
        %dma_start3A_395 = arith.constant 0 : i32
        %dma_start3A_396 = arith.constant 0 : i32
        %dma_start3A_397 = tpu.memref_slice %arg10[%dma_start3A_395, %dma_start3A_396] : memref<5120x64xf32, #tpu.memory_space<vmem_shared>> -> memref<5120x64xf32, #tpu.memory_space<vmem_shared>>
        tpu.enqueue_indirect_dma source(%dma_start3A_397 : memref<5120x64xf32, #tpu.memory_space<vmem_shared>>) target(%dma_start3A_391 : memref<128x64xf32, #tpu.memory_space<vmem>>) offsets(%dma_start3A_394 : memref<128xi32, #tpu.memory_space<vmem>>) semaphore(%arg12 : memref<!tpu.dma_semaphore, #tpu.memory_space<semaphore_mem>>)
      } else {
      }
      %mul3A_300 = arith.constant 5 : i32
      %mul3A_301 = arith.muli %scan3A_191, %mul3A_300 : i32
      %add3A_302 = arith.constant 3 : i32
      %add3A_303 = arith.addi %mul3A_301, %add3A_302 : i32
      %dma_wait3A_304 = arith.constant 3 : i32
      %dma_wait3A_305 = arith.constant 0 : i32
      %dma_wait3A_306 = arith.constant 0 : i32
      %dma_wait3A_307 = tpu.memref_slice %arg9[%dma_wait3A_304, %dma_wait3A_305, %dma_wait3A_306] : memref<5x128x64xf32, #tpu.memory_space<vmem>> -> memref<1x128x64xf32, #tpu.memory_space<vmem>>
      %dma_wait3A_308 = tpu.memref_squeeze %dma_wait3A_307 : memref<1x128x64xf32, #tpu.memory_space<vmem>> -> memref<128x64xf32, #tpu.memory_space<vmem>>
      %dma_wait3A_309 = arith.constant 0 : i32
      %dma_wait3A_310 = tpu.memref_slice %arg7[%add3A_303, %dma_wait3A_309] : memref<80x128xi32, #tpu.memory_space<vmem>> -> memref<1x128xi32, #tpu.memory_space<vmem>>
      %dma_wait3A_311 = tpu.memref_squeeze %dma_wait3A_310 : memref<1x128xi32, #tpu.memory_space<vmem>> -> memref<128xi32, #tpu.memory_space<vmem>>
      %dma_wait3A_312 = arith.constant 0 : i32
      %dma_wait3A_313 = arith.constant 0 : i32
      %dma_wait3A_314 = tpu.memref_slice %arg10[%dma_wait3A_312, %dma_wait3A_313] : memref<5120x64xf32, #tpu.memory_space<vmem_shared>> -> memref<5120x64xf32, #tpu.memory_space<vmem_shared>>
      tpu.wait_indirect_dma semaphore(%arg15 : memref<!tpu.dma_semaphore, #tpu.memory_space<semaphore_mem>>) src(%dma_wait3A_314 : memref<5120x64xf32, #tpu.memory_space<vmem_shared>>) dst(%dma_wait3A_308 : memref<128x64xf32, #tpu.memory_space<vmem>>)
      %dma_start3A_315 = arith.constant 3 : i32
      %dma_start3A_316 = arith.constant 0 : i32
      %dma_start3A_317 = arith.constant 0 : i32
      %dma_start3A_318 = tpu.memref_slice %arg9[%dma_start3A_315, %dma_start3A_316, %dma_start3A_317] : memref<5x128x64xf32, #tpu.memory_space<vmem>> -> memref<1x128x64xf32, #tpu.memory_space<vmem>>
      %dma_start3A_319 = tpu.memref_squeeze %dma_start3A_318 : memref<1x128x64xf32, #tpu.memory_space<vmem>> -> memref<128x64xf32, #tpu.memory_space<vmem>>
      %dma_start3A_320 = arith.constant 0 : i32
      %dma_start3A_321 = tpu.memref_slice %arg8[%add3A_303, %dma_start3A_320] : memref<80x128xi32, #tpu.memory_space<vmem>> -> memref<1x128xi32, #tpu.memory_space<vmem>>
      %dma_start3A_322 = tpu.memref_squeeze %dma_start3A_321 : memref<1x128xi32, #tpu.memory_space<vmem>> -> memref<128xi32, #tpu.memory_space<vmem>>
      %dma_start3A_323 = arith.constant 0 : i32
      %dma_start3A_324 = arith.constant 0 : i32
      %dma_start3A_325 = tpu.memref_slice %arg11[%dma_start3A_323, %dma_start3A_324] : memref<10240x64xf32, #tpu.memory_space<vmem_shared>> -> memref<10240x64xf32, #tpu.memory_space<vmem_shared>>
      tpu.enqueue_indirect_dma source(%dma_start3A_319 : memref<128x64xf32, #tpu.memory_space<vmem>>) target(%dma_start3A_325 : memref<10240x64xf32, #tpu.memory_space<vmem_shared>>) offsets(%dma_start3A_322 : memref<128xi32, #tpu.memory_space<vmem>>) semaphore(%arg20 : memref<!tpu.dma_semaphore, #tpu.memory_space<semaphore_mem>>) {add = true}
      %sub3A_326 = arith.constant 2 : i32
      %sub3A_327 = arith.subi %add3A_303, %sub3A_326 : i32
      %add3A_328 = arith.constant 5 : i32
      %add3A_329 = arith.addi %sub3A_327, %add3A_328 : i32
      %ge3A_330 = arith.constant 0 : i32
      %ge3A_331 = arith.cmpi sge, %sub3A_327, %ge3A_330 : i32
      %lt3A_332 = arith.constant 80 : i32
      %lt3A_333 = arith.cmpi slt, %add3A_329, %lt3A_332 : i32
      %and3A_334 = arith.andi %ge3A_331, %lt3A_333 : i1
      %convert_element_type3A_335 = arith.extui %and3A_334 : i1 to i32
      %cond3A_336 = arith.constant 0 : i32
      %cond3A_337 = arith.cmpi ne, %convert_element_type3A_335, %cond3A_336 : i32
      scf.if %cond3A_337 {
        %dma_wait3A_376 = arith.constant 1 : i32
        %dma_wait3A_377 = arith.constant 0 : i32
        %dma_wait3A_378 = arith.constant 0 : i32
        %dma_wait3A_379 = tpu.memref_slice %arg9[%dma_wait3A_376, %dma_wait3A_377, %dma_wait3A_378] : memref<5x128x64xf32, #tpu.memory_space<vmem>> -> memref<1x128x64xf32, #tpu.memory_space<vmem>>
        %dma_wait3A_380 = tpu.memref_squeeze %dma_wait3A_379 : memref<1x128x64xf32, #tpu.memory_space<vmem>> -> memref<128x64xf32, #tpu.memory_space<vmem>>
        %dma_wait3A_381 = arith.constant 0 : i32
        %dma_wait3A_382 = tpu.memref_slice %arg8[%sub3A_327, %dma_wait3A_381] : memref<80x128xi32, #tpu.memory_space<vmem>> -> memref<1x128xi32, #tpu.memory_space<vmem>>
        %dma_wait3A_383 = tpu.memref_squeeze %dma_wait3A_382 : memref<1x128xi32, #tpu.memory_space<vmem>> -> memref<128xi32, #tpu.memory_space<vmem>>
        %dma_wait3A_384 = arith.constant 0 : i32
        %dma_wait3A_385 = arith.constant 0 : i32
        %dma_wait3A_386 = tpu.memref_slice %arg11[%dma_wait3A_384, %dma_wait3A_385] : memref<10240x64xf32, #tpu.memory_space<vmem_shared>> -> memref<10240x64xf32, #tpu.memory_space<vmem_shared>>
        tpu.wait_indirect_dma semaphore(%arg18 : memref<!tpu.dma_semaphore, #tpu.memory_space<semaphore_mem>>) src(%dma_wait3A_380 : memref<128x64xf32, #tpu.memory_space<vmem>>) dst(%dma_wait3A_386 : memref<10240x64xf32, #tpu.memory_space<vmem_shared>>)
        %dma_start3A_387 = arith.constant 1 : i32
        %dma_start3A_388 = arith.constant 0 : i32
        %dma_start3A_389 = arith.constant 0 : i32
        %dma_start3A_390 = tpu.memref_slice %arg9[%dma_start3A_387, %dma_start3A_388, %dma_start3A_389] : memref<5x128x64xf32, #tpu.memory_space<vmem>> -> memref<1x128x64xf32, #tpu.memory_space<vmem>>
        %dma_start3A_391 = tpu.memref_squeeze %dma_start3A_390 : memref<1x128x64xf32, #tpu.memory_space<vmem>> -> memref<128x64xf32, #tpu.memory_space<vmem>>
        %dma_start3A_392 = arith.constant 0 : i32
        %dma_start3A_393 = tpu.memref_slice %arg7[%add3A_329, %dma_start3A_392] : memref<80x128xi32, #tpu.memory_space<vmem>> -> memref<1x128xi32, #tpu.memory_space<vmem>>
        %dma_start3A_394 = tpu.memref_squeeze %dma_start3A_393 : memref<1x128xi32, #tpu.memory_space<vmem>> -> memref<128xi32, #tpu.memory_space<vmem>>
        %dma_start3A_395 = arith.constant 0 : i32
        %dma_start3A_396 = arith.constant 0 : i32
        %dma_start3A_397 = tpu.memref_slice %arg10[%dma_start3A_395, %dma_start3A_396] : memref<5120x64xf32, #tpu.memory_space<vmem_shared>> -> memref<5120x64xf32, #tpu.memory_space<vmem_shared>>
        tpu.enqueue_indirect_dma source(%dma_start3A_397 : memref<5120x64xf32, #tpu.memory_space<vmem_shared>>) target(%dma_start3A_391 : memref<128x64xf32, #tpu.memory_space<vmem>>) offsets(%dma_start3A_394 : memref<128xi32, #tpu.memory_space<vmem>>) semaphore(%arg13 : memref<!tpu.dma_semaphore, #tpu.memory_space<semaphore_mem>>)
      } else {
      }
      %mul3A_338 = arith.constant 5 : i32
      %mul3A_339 = arith.muli %scan3A_191, %mul3A_338 : i32
      %add3A_340 = arith.constant 4 : i32
      %add3A_341 = arith.addi %mul3A_339, %add3A_340 : i32
      %dma_wait3A_342 = arith.constant 4 : i32
      %dma_wait3A_343 = arith.constant 0 : i32
      %dma_wait3A_344 = arith.constant 0 : i32
      %dma_wait3A_345 = tpu.memref_slice %arg9[%dma_wait3A_342, %dma_wait3A_343, %dma_wait3A_344] : memref<5x128x64xf32, #tpu.memory_space<vmem>> -> memref<1x128x64xf32, #tpu.memory_space<vmem>>
      %dma_wait3A_346 = tpu.memref_squeeze %dma_wait3A_345 : memref<1x128x64xf32, #tpu.memory_space<vmem>> -> memref<128x64xf32, #tpu.memory_space<vmem>>
      %dma_wait3A_347 = arith.constant 0 : i32
      %dma_wait3A_348 = tpu.memref_slice %arg7[%add3A_341, %dma_wait3A_347] : memref<80x128xi32, #tpu.memory_space<vmem>> -> memref<1x128xi32, #tpu.memory_space<vmem>>
      %dma_wait3A_349 = tpu.memref_squeeze %dma_wait3A_348 : memref<1x128xi32, #tpu.memory_space<vmem>> -> memref<128xi32, #tpu.memory_space<vmem>>
      %dma_wait3A_350 = arith.constant 0 : i32
      %dma_wait3A_351 = arith.constant 0 : i32
      %dma_wait3A_352 = tpu.memref_slice %arg10[%dma_wait3A_350, %dma_wait3A_351] : memref<5120x64xf32, #tpu.memory_space<vmem_shared>> -> memref<5120x64xf32, #tpu.memory_space<vmem_shared>>
      tpu.wait_indirect_dma semaphore(%arg16 : memref<!tpu.dma_semaphore, #tpu.memory_space<semaphore_mem>>) src(%dma_wait3A_352 : memref<5120x64xf32, #tpu.memory_space<vmem_shared>>) dst(%dma_wait3A_346 : memref<128x64xf32, #tpu.memory_space<vmem>>)
      %dma_start3A_353 = arith.constant 4 : i32
      %dma_start3A_354 = arith.constant 0 : i32
      %dma_start3A_355 = arith.constant 0 : i32
      %dma_start3A_356 = tpu.memref_slice %arg9[%dma_start3A_353, %dma_start3A_354, %dma_start3A_355] : memref<5x128x64xf32, #tpu.memory_space<vmem>> -> memref<1x128x64xf32, #tpu.memory_space<vmem>>
      %dma_start3A_357 = tpu.memref_squeeze %dma_start3A_356 : memref<1x128x64xf32, #tpu.memory_space<vmem>> -> memref<128x64xf32, #tpu.memory_space<vmem>>
      %dma_start3A_358 = arith.constant 0 : i32
      %dma_start3A_359 = tpu.memref_slice %arg8[%add3A_341, %dma_start3A_358] : memref<80x128xi32, #tpu.memory_space<vmem>> -> memref<1x128xi32, #tpu.memory_space<vmem>>
      %dma_start3A_360 = tpu.memref_squeeze %dma_start3A_359 : memref<1x128xi32, #tpu.memory_space<vmem>> -> memref<128xi32, #tpu.memory_space<vmem>>
      %dma_start3A_361 = arith.constant 0 : i32
      %dma_start3A_362 = arith.constant 0 : i32
      %dma_start3A_363 = tpu.memref_slice %arg11[%dma_start3A_361, %dma_start3A_362] : memref<10240x64xf32, #tpu.memory_space<vmem_shared>> -> memref<10240x64xf32, #tpu.memory_space<vmem_shared>>
      tpu.enqueue_indirect_dma source(%dma_start3A_357 : memref<128x64xf32, #tpu.memory_space<vmem>>) target(%dma_start3A_363 : memref<10240x64xf32, #tpu.memory_space<vmem_shared>>) offsets(%dma_start3A_360 : memref<128xi32, #tpu.memory_space<vmem>>) semaphore(%arg21 : memref<!tpu.dma_semaphore, #tpu.memory_space<semaphore_mem>>) {add = true}
      %sub3A_364 = arith.constant 2 : i32
      %sub3A_365 = arith.subi %add3A_341, %sub3A_364 : i32
      %add3A_366 = arith.constant 5 : i32
      %add3A_367 = arith.addi %sub3A_365, %add3A_366 : i32
      %ge3A_368 = arith.constant 0 : i32
      %ge3A_369 = arith.cmpi sge, %sub3A_365, %ge3A_368 : i32
      %lt3A_370 = arith.constant 80 : i32
      %lt3A_371 = arith.cmpi slt, %add3A_367, %lt3A_370 : i32
      %and3A_372 = arith.andi %ge3A_369, %lt3A_371 : i1
      %convert_element_type3A_373 = arith.extui %and3A_372 : i1 to i32
      %cond3A_374 = arith.constant 0 : i32
      %cond3A_375 = arith.cmpi ne, %convert_element_type3A_373, %cond3A_374 : i32
      scf.if %cond3A_375 {
        %dma_wait3A_376 = arith.constant 2 : i32
        %dma_wait3A_377 = arith.constant 0 : i32
        %dma_wait3A_378 = arith.constant 0 : i32
        %dma_wait3A_379 = tpu.memref_slice %arg9[%dma_wait3A_376, %dma_wait3A_377, %dma_wait3A_378] : memref<5x128x64xf32, #tpu.memory_space<vmem>> -> memref<1x128x64xf32, #tpu.memory_space<vmem>>
        %dma_wait3A_380 = tpu.memref_squeeze %dma_wait3A_379 : memref<1x128x64xf32, #tpu.memory_space<vmem>> -> memref<128x64xf32, #tpu.memory_space<vmem>>
        %dma_wait3A_381 = arith.constant 0 : i32
        %dma_wait3A_382 = tpu.memref_slice %arg8[%sub3A_365, %dma_wait3A_381] : memref<80x128xi32, #tpu.memory_space<vmem>> -> memref<1x128xi32, #tpu.memory_space<vmem>>
        %dma_wait3A_383 = tpu.memref_squeeze %dma_wait3A_382 : memref<1x128xi32, #tpu.memory_space<vmem>> -> memref<128xi32, #tpu.memory_space<vmem>>
        %dma_wait3A_384 = arith.constant 0 : i32
        %dma_wait3A_385 = arith.constant 0 : i32
        %dma_wait3A_386 = tpu.memref_slice %arg11[%dma_wait3A_384, %dma_wait3A_385] : memref<10240x64xf32, #tpu.memory_space<vmem_shared>> -> memref<10240x64xf32, #tpu.memory_space<vmem_shared>>
        tpu.wait_indirect_dma semaphore(%arg19 : memref<!tpu.dma_semaphore, #tpu.memory_space<semaphore_mem>>) src(%dma_wait3A_380 : memref<128x64xf32, #tpu.memory_space<vmem>>) dst(%dma_wait3A_386 : memref<10240x64xf32, #tpu.memory_space<vmem_shared>>)
        %dma_start3A_387 = arith.constant 2 : i32
        %dma_start3A_388 = arith.constant 0 : i32
        %dma_start3A_389 = arith.constant 0 : i32
        %dma_start3A_390 = tpu.memref_slice %arg9[%dma_start3A_387, %dma_start3A_388, %dma_start3A_389] : memref<5x128x64xf32, #tpu.memory_space<vmem>> -> memref<1x128x64xf32, #tpu.memory_space<vmem>>
        %dma_start3A_391 = tpu.memref_squeeze %dma_start3A_390 : memref<1x128x64xf32, #tpu.memory_space<vmem>> -> memref<128x64xf32, #tpu.memory_space<vmem>>
        %dma_start3A_392 = arith.constant 0 : i32
        %dma_start3A_393 = tpu.memref_slice %arg7[%add3A_367, %dma_start3A_392] : memref<80x128xi32, #tpu.memory_space<vmem>> -> memref<1x128xi32, #tpu.memory_space<vmem>>
        %dma_start3A_394 = tpu.memref_squeeze %dma_start3A_393 : memref<1x128xi32, #tpu.memory_space<vmem>> -> memref<128xi32, #tpu.memory_space<vmem>>
        %dma_start3A_395 = arith.constant 0 : i32
        %dma_start3A_396 = arith.constant 0 : i32
        %dma_start3A_397 = tpu.memref_slice %arg10[%dma_start3A_395, %dma_start3A_396] : memref<5120x64xf32, #tpu.memory_space<vmem_shared>> -> memref<5120x64xf32, #tpu.memory_space<vmem_shared>>
        tpu.enqueue_indirect_dma source(%dma_start3A_397 : memref<5120x64xf32, #tpu.memory_space<vmem_shared>>) target(%dma_start3A_391 : memref<128x64xf32, #tpu.memory_space<vmem>>) offsets(%dma_start3A_394 : memref<128xi32, #tpu.memory_space<vmem>>) semaphore(%arg14 : memref<!tpu.dma_semaphore, #tpu.memory_space<semaphore_mem>>)
      } else {
      }
    }
    %scan3A_125 = arith.constant 16 : i32
    %dma_wait3A_126 = arith.constant 0 : i32
    %dma_wait3A_127 = arith.constant 75 : i32
    %dma_wait3A_128 = arith.constant 0 : i32
    %dma_wait3A_129 = arith.constant 0 : i32
    %dma_wait3A_130 = tpu.memref_slice %arg9[%dma_wait3A_126, %dma_wait3A_128, %dma_wait3A_129] : memref<5x128x64xf32, #tpu.memory_space<vmem>> -> memref<1x128x64xf32, #tpu.memory_space<vmem>>
    %dma_wait3A_131 = tpu.memref_squeeze %dma_wait3A_130 : memref<1x128x64xf32, #tpu.memory_space<vmem>> -> memref<128x64xf32, #tpu.memory_space<vmem>>
    %dma_wait3A_132 = arith.constant 0 : i32
    %dma_wait3A_133 = tpu.memref_slice %arg8[%dma_wait3A_127, %dma_wait3A_132] : memref<80x128xi32, #tpu.memory_space<vmem>> -> memref<1x128xi32, #tpu.memory_space<vmem>>
    %dma_wait3A_134 = tpu.memref_squeeze %dma_wait3A_133 : memref<1x128xi32, #tpu.memory_space<vmem>> -> memref<128xi32, #tpu.memory_space<vmem>>
    %dma_wait3A_135 = arith.constant 0 : i32
    %dma_wait3A_136 = arith.constant 0 : i32
    %dma_wait3A_137 = tpu.memref_slice %arg11[%dma_wait3A_135, %dma_wait3A_136] : memref<10240x64xf32, #tpu.memory_space<vmem_shared>> -> memref<10240x64xf32, #tpu.memory_space<vmem_shared>>
    tpu.wait_indirect_dma semaphore(%arg17 : memref<!tpu.dma_semaphore, #tpu.memory_space<semaphore_mem>>) src(%dma_wait3A_131 : memref<128x64xf32, #tpu.memory_space<vmem>>) dst(%dma_wait3A_137 : memref<10240x64xf32, #tpu.memory_space<vmem_shared>>)
    %dma_wait3A_138 = arith.constant 1 : i32
    %dma_wait3A_139 = arith.constant 76 : i32
    %dma_wait3A_140 = arith.constant 0 : i32
    %dma_wait3A_141 = arith.constant 0 : i32
    %dma_wait3A_142 = tpu.memref_slice %arg9[%dma_wait3A_138, %dma_wait3A_140, %dma_wait3A_141] : memref<5x128x64xf32, #tpu.memory_space<vmem>> -> memref<1x128x64xf32, #tpu.memory_space<vmem>>
    %dma_wait3A_143 = tpu.memref_squeeze %dma_wait3A_142 : memref<1x128x64xf32, #tpu.memory_space<vmem>> -> memref<128x64xf32, #tpu.memory_space<vmem>>
    %dma_wait3A_144 = arith.constant 0 : i32
    %dma_wait3A_145 = tpu.memref_slice %arg8[%dma_wait3A_139, %dma_wait3A_144] : memref<80x128xi32, #tpu.memory_space<vmem>> -> memref<1x128xi32, #tpu.memory_space<vmem>>
    %dma_wait3A_146 = tpu.memref_squeeze %dma_wait3A_145 : memref<1x128xi32, #tpu.memory_space<vmem>> -> memref<128xi32, #tpu.memory_space<vmem>>
    %dma_wait3A_147 = arith.constant 0 : i32
    %dma_wait3A_148 = arith.constant 0 : i32
    %dma_wait3A_149 = tpu.memref_slice %arg11[%dma_wait3A_147, %dma_wait3A_148] : memref<10240x64xf32, #tpu.memory_space<vmem_shared>> -> memref<10240x64xf32, #tpu.memory_space<vmem_shared>>
    tpu.wait_indirect_dma semaphore(%arg18 : memref<!tpu.dma_semaphore, #tpu.memory_space<semaphore_mem>>) src(%dma_wait3A_143 : memref<128x64xf32, #tpu.memory_space<vmem>>) dst(%dma_wait3A_149 : memref<10240x64xf32, #tpu.memory_space<vmem_shared>>)
    %dma_wait3A_150 = arith.constant 2 : i32
    %dma_wait3A_151 = arith.constant 77 : i32
    %dma_wait3A_152 = arith.constant 0 : i32
    %dma_wait3A_153 = arith.constant 0 : i32
    %dma_wait3A_154 = tpu.memref_slice %arg9[%dma_wait3A_150, %dma_wait3A_152, %dma_wait3A_153] : memref<5x128x64xf32, #tpu.memory_space<vmem>> -> memref<1x128x64xf32, #tpu.memory_space<vmem>>
    %dma_wait3A_155 = tpu.memref_squeeze %dma_wait3A_154 : memref<1x128x64xf32, #tpu.memory_space<vmem>> -> memref<128x64xf32, #tpu.memory_space<vmem>>
    %dma_wait3A_156 = arith.constant 0 : i32
    %dma_wait3A_157 = tpu.memref_slice %arg8[%dma_wait3A_151, %dma_wait3A_156] : memref<80x128xi32, #tpu.memory_space<vmem>> -> memref<1x128xi32, #tpu.memory_space<vmem>>
    %dma_wait3A_158 = tpu.memref_squeeze %dma_wait3A_157 : memref<1x128xi32, #tpu.memory_space<vmem>> -> memref<128xi32, #tpu.memory_space<vmem>>
    %dma_wait3A_159 = arith.constant 0 : i32
    %dma_wait3A_160 = arith.constant 0 : i32
    %dma_wait3A_161 = tpu.memref_slice %arg11[%dma_wait3A_159, %dma_wait3A_160] : memref<10240x64xf32, #tpu.memory_space<vmem_shared>> -> memref<10240x64xf32, #tpu.memory_space<vmem_shared>>
    tpu.wait_indirect_dma semaphore(%arg19 : memref<!tpu.dma_semaphore, #tpu.memory_space<semaphore_mem>>) src(%dma_wait3A_155 : memref<128x64xf32, #tpu.memory_space<vmem>>) dst(%dma_wait3A_161 : memref<10240x64xf32, #tpu.memory_space<vmem_shared>>)
    %dma_wait3A_162 = arith.constant 3 : i32
    %dma_wait3A_163 = arith.constant 78 : i32
    %dma_wait3A_164 = arith.constant 0 : i32
    %dma_wait3A_165 = arith.constant 0 : i32
    %dma_wait3A_166 = tpu.memref_slice %arg9[%dma_wait3A_162, %dma_wait3A_164, %dma_wait3A_165] : memref<5x128x64xf32, #tpu.memory_space<vmem>> -> memref<1x128x64xf32, #tpu.memory_space<vmem>>
    %dma_wait3A_167 = tpu.memref_squeeze %dma_wait3A_166 : memref<1x128x64xf32, #tpu.memory_space<vmem>> -> memref<128x64xf32, #tpu.memory_space<vmem>>
    %dma_wait3A_168 = arith.constant 0 : i32
    %dma_wait3A_169 = tpu.memref_slice %arg8[%dma_wait3A_163, %dma_wait3A_168] : memref<80x128xi32, #tpu.memory_space<vmem>> -> memref<1x128xi32, #tpu.memory_space<vmem>>
    %dma_wait3A_170 = tpu.memref_squeeze %dma_wait3A_169 : memref<1x128xi32, #tpu.memory_space<vmem>> -> memref<128xi32, #tpu.memory_space<vmem>>
    %dma_wait3A_171 = arith.constant 0 : i32
    %dma_wait3A_172 = arith.constant 0 : i32
    %dma_wait3A_173 = tpu.memref_slice %arg11[%dma_wait3A_171, %dma_wait3A_172] : memref<10240x64xf32, #tpu.memory_space<vmem_shared>> -> memref<10240x64xf32, #tpu.memory_space<vmem_shared>>
    tpu.wait_indirect_dma semaphore(%arg20 : memref<!tpu.dma_semaphore, #tpu.memory_space<semaphore_mem>>) src(%dma_wait3A_167 : memref<128x64xf32, #tpu.memory_space<vmem>>) dst(%dma_wait3A_173 : memref<10240x64xf32, #tpu.memory_space<vmem_shared>>)
    %dma_wait3A_174 = arith.constant 4 : i32
    %dma_wait3A_175 = arith.constant 79 : i32
    %dma_wait3A_176 = arith.constant 0 : i32
    %dma_wait3A_177 = arith.constant 0 : i32
    %dma_wait3A_178 = tpu.memref_slice %arg9[%dma_wait3A_174, %dma_wait3A_176, %dma_wait3A_177] : memref<5x128x64xf32, #tpu.memory_space<vmem>> -> memref<1x128x64xf32, #tpu.memory_space<vmem>>
    %dma_wait3A_179 = tpu.memref_squeeze %dma_wait3A_178 : memref<1x128x64xf32, #tpu.memory_space<vmem>> -> memref<128x64xf32, #tpu.memory_space<vmem>>
    %dma_wait3A_180 = arith.constant 0 : i32
    %dma_wait3A_181 = tpu.memref_slice %arg8[%dma_wait3A_175, %dma_wait3A_180] : memref<80x128xi32, #tpu.memory_space<vmem>> -> memref<1x128xi32, #tpu.memory_space<vmem>>
    %dma_wait3A_182 = tpu.memref_squeeze %dma_wait3A_181 : memref<1x128xi32, #tpu.memory_space<vmem>> -> memref<128xi32, #tpu.memory_space<vmem>>
    %dma_wait3A_183 = arith.constant 0 : i32
    %dma_wait3A_184 = arith.constant 0 : i32
    %dma_wait3A_185 = tpu.memref_slice %arg11[%dma_wait3A_183, %dma_wait3A_184] : memref<10240x64xf32, #tpu.memory_space<vmem_shared>> -> memref<10240x64xf32, #tpu.memory_space<vmem_shared>>
    tpu.wait_indirect_dma semaphore(%arg21 : memref<!tpu.dma_semaphore, #tpu.memory_space<semaphore_mem>>) src(%dma_wait3A_179 : memref<128x64xf32, #tpu.memory_space<vmem>>) dst(%dma_wait3A_185 : memref<10240x64xf32, #tpu.memory_space<vmem_shared>>)
    %barrier3A_186 = arith.constant 0 : index
    tpu.barrier barrier_id(%barrier3A_186)
    %mul3A_187 = arith.constant 640 : i32
    %mul3A_188 = arith.muli %arg1, %mul3A_187 : i32
    %mul3A_189 = arith.constant 640 : i32
    %mul3A_190 = arith.muli %arg1, %mul3A_189 : i32
    "tpu.region"() ({
      %run_scoped3A = tpu.sem_alloc : memref<!tpu.dma_semaphore, #tpu.memory_space<semaphore_mem>>
      %dma_start3A_191 = arith.constant 0 : i32
      %dma_start3A_192 = tpu.memref_slice %arg6[%arg0, %mul3A_190, %dma_start3A_191] : memref<2x10240x64xf32, #tpu.memory_space<hbm>> -> memref<1x640x64xf32, #tpu.memory_space<hbm>>
      %dma_start3A_193 = tpu.memref_squeeze %dma_start3A_192 : memref<1x640x64xf32, #tpu.memory_space<hbm>> -> memref<640x64xf32, #tpu.memory_space<hbm>>
      %dma_start3A_194 = arith.constant 0 : i32
      %dma_start3A_195 = tpu.memref_slice %arg11[%mul3A_188, %dma_start3A_194] : memref<10240x64xf32, #tpu.memory_space<vmem_shared>> -> memref<640x64xf32, #tpu.memory_space<vmem_shared>>
      tpu.enqueue_dma source(%dma_start3A_195 : memref<640x64xf32, #tpu.memory_space<vmem_shared>>) target(%dma_start3A_193 : memref<640x64xf32, #tpu.memory_space<hbm>>) target_semaphore(%run_scoped3A : memref<!tpu.dma_semaphore, #tpu.memory_space<semaphore_mem>>)
      %dma_wait3A_196 = arith.constant 0 : i32
      %dma_wait3A_197 = tpu.memref_slice %arg6[%arg0, %mul3A_190, %dma_wait3A_196] : memref<2x10240x64xf32, #tpu.memory_space<hbm>> -> memref<1x640x64xf32, #tpu.memory_space<hbm>>
      %dma_wait3A_198 = tpu.memref_squeeze %dma_wait3A_197 : memref<1x640x64xf32, #tpu.memory_space<hbm>> -> memref<640x64xf32, #tpu.memory_space<hbm>>
      %dma_wait3A_199 = arith.constant 0 : i32
      %dma_wait3A_200 = tpu.memref_slice %arg11[%mul3A_188, %dma_wait3A_199] : memref<10240x64xf32, #tpu.memory_space<vmem_shared>> -> memref<640x64xf32, #tpu.memory_space<vmem_shared>>
      tpu.wait_dma2 semaphore(%run_scoped3A : memref<!tpu.dma_semaphore, #tpu.memory_space<semaphore_mem>>) src(%dma_wait3A_200 : memref<640x64xf32, #tpu.memory_space<vmem_shared>>) dst(%dma_wait3A_198 : memref<640x64xf32, #tpu.memory_space<hbm>>)
      tpu.yield
    }) : () -> ()
    return
  }
}

#map = affine_map<(d0, d1) -> (0, 0)>
#map1 = affine_map<(d0, d1) -> (0, 0, 0)>
module attributes {stable_mosaic.version = 14 : i64} {
  func.func @body(%arg0: i32, %arg1: i32, %arg2: memref<5120x64xf32, #tpu.memory_space<hbm>>, %arg3: memref<32x80x128xi32, #tpu.memory_space<hbm>>, %arg4: memref<32x80x128xi32, #tpu.memory_space<hbm>>, %arg5: memref<640x64xf32, #tpu.memory_space<hbm>>, %arg6: memref<2x10240x64xf32, #tpu.memory_space<hbm>>, %arg7: memref<80x128xi32, #tpu.memory_space<vmem>>, %arg8: memref<80x128xi32, #tpu.memory_space<vmem>>, %arg9: memref<5x128x64xf32, #tpu.memory_space<vmem>>, %arg10: memref<5120x64xf32, #tpu.memory_space<vmem_shared>>, %arg11: memref<10240x64xf32, #tpu.memory_space<vmem_shared>>, %arg12: memref<!tpu.dma_semaphore, #tpu.memory_space<semaphore_mem>>, %arg13: memref<!tpu.dma_semaphore, #tpu.memory_space<semaphore_mem>>, %arg14: memref<!tpu.dma_semaphore, #tpu.memory_space<semaphore_mem>>, %arg15: memref<!tpu.dma_semaphore, #tpu.memory_space<semaphore_mem>>, %arg16: memref<!tpu.dma_semaphore, #tpu.memory_space<semaphore_mem>>, %arg17: memref<!tpu.dma_semaphore, #tpu.memory_space<semaphore_mem>>, %arg18: memref<!tpu.dma_semaphore, #tpu.memory_space<semaphore_mem>>, %arg19: memref<!tpu.dma_semaphore, #tpu.memory_space<semaphore_mem>>, %arg20: memref<!tpu.dma_semaphore, #tpu.memory_space<semaphore_mem>>, %arg21: memref<!tpu.dma_semaphore, #tpu.memory_space<semaphore_mem>>) attributes {dimension_semantics = [#tpu.dimension_semantics<core_parallel>, #tpu.dimension_semantics<subcore_parallel>], iteration_bounds = array<i64: 2, 16>, scalar_prefetch = 0 : i64, scratch_operands = 15 : i64, tpu.core_type = #tpu.core_type<sc_vector_subcore>, window_params = [{transform_indices = #map}, {transform_indices = #map1}, {transform_indices = #map1}, {transform_indices = #map}, {transform_indices = #map1}]} {
    %mul3A = arith.constant 16 : i32
    %mul3A_0 = arith.muli %arg0, %mul3A : i32
    %add3A = arith.addi %mul3A_0, %arg1 : i32
    %dma_start3A = arith.constant 0 : i32
    %dma_start3A_1 = arith.constant 0 : i32
    %dma_start3A_2 = tpu.memref_slice %arg3[%add3A, %dma_start3A, %dma_start3A_1] : memref<32x80x128xi32, #tpu.memory_space<hbm>> -> memref<1x80x128xi32, #tpu.memory_space<hbm>>
    %dma_start3A_3 = tpu.memref_squeeze %dma_start3A_2 : memref<1x80x128xi32, #tpu.memory_space<hbm>> -> memref<80x128xi32, #tpu.memory_space<hbm>>
    %dma_start3A_4 = arith.constant 0 : i32
    %dma_start3A_5 = arith.constant 0 : i32
    %dma_start3A_6 = tpu.memref_slice %arg3[%add3A, %dma_start3A_4, %dma_start3A_5] : memref<32x80x128xi32, #tpu.memory_space<hbm>> -> memref<1x80x128xi32, #tpu.memory_space<hbm>>
    %dma_start3A_7 = tpu.memref_squeeze %dma_start3A_6 : memref<1x80x128xi32, #tpu.memory_space<hbm>> -> memref<80x128xi32, #tpu.memory_space<hbm>>
    tpu.enqueue_dma source(%dma_start3A_7 : memref<80x128xi32, #tpu.memory_space<hbm>>) target(%arg7 : memref<80x128xi32, #tpu.memory_space<vmem>>) target_semaphore(%arg12 : memref<!tpu.dma_semaphore, #tpu.memory_space<semaphore_mem>>)
    %dma_start3A_8 = arith.constant 0 : i32
    %dma_start3A_9 = arith.constant 0 : i32
    %dma_start3A_10 = tpu.memref_slice %arg4[%add3A, %dma_start3A_8, %dma_start3A_9] : memref<32x80x128xi32, #tpu.memory_space<hbm>> -> memref<1x80x128xi32, #tpu.memory_space<hbm>>
    %dma_start3A_11 = tpu.memref_squeeze %dma_start3A_10 : memref<1x80x128xi32, #tpu.memory_space<hbm>> -> memref<80x128xi32, #tpu.memory_space<hbm>>
    %dma_start3A_12 = arith.constant 0 : i32
    %dma_start3A_13 = arith.constant 0 : i32
    %dma_start3A_14 = tpu.memref_slice %arg4[%add3A, %dma_start3A_12, %dma_start3A_13] : memref<32x80x128xi32, #tpu.memory_space<hbm>> -> memref<1x80x128xi32, #tpu.memory_space<hbm>>
    %dma_start3A_15 = tpu.memref_squeeze %dma_start3A_14 : memref<1x80x128xi32, #tpu.memory_space<hbm>> -> memref<80x128xi32, #tpu.memory_space<hbm>>
    tpu.enqueue_dma source(%dma_start3A_15 : memref<80x128xi32, #tpu.memory_space<hbm>>) target(%arg8 : memref<80x128xi32, #tpu.memory_space<vmem>>) target_semaphore(%arg13 : memref<!tpu.dma_semaphore, #tpu.memory_space<semaphore_mem>>)
    %mul3A_16 = arith.constant 320 : i32
    %mul3A_17 = arith.muli %arg1, %mul3A_16 : i32
    %mul3A_18 = arith.constant 320 : i32
    %mul3A_19 = arith.muli %arg1, %mul3A_18 : i32
    %dma_start3A_20 = arith.constant 0 : i32
    %dma_start3A_21 = tpu.memref_slice %arg10[%mul3A_19, %dma_start3A_20] : memref<5120x64xf32, #tpu.memory_space<vmem_shared>> -> memref<320x64xf32, #tpu.memory_space<vmem_shared>>
    %dma_start3A_22 = arith.constant 0 : i32
    %dma_start3A_23 = tpu.memref_slice %arg2[%mul3A_17, %dma_start3A_22] : memref<5120x64xf32, #tpu.memory_space<hbm>> -> memref<320x64xf32, #tpu.memory_space<hbm>>
    tpu.enqueue_dma source(%dma_start3A_23 : memref<320x64xf32, #tpu.memory_space<hbm>>) target(%dma_start3A_21 : memref<320x64xf32, #tpu.memory_space<vmem_shared>>) target_semaphore(%arg14 : memref<!tpu.dma_semaphore, #tpu.memory_space<semaphore_mem>>)
    %mul3A_24 = arith.constant 640 : i32
    %mul3A_25 = arith.muli %arg1, %mul3A_24 : i32
    %dma_start3A_26 = arith.constant 0 : i32
    %dma_start3A_27 = tpu.memref_slice %arg11[%mul3A_25, %dma_start3A_26] : memref<10240x64xf32, #tpu.memory_space<vmem_shared>> -> memref<640x64xf32, #tpu.memory_space<vmem_shared>>
    %dma_start3A_28 = arith.constant 0 : i32
    %dma_start3A_29 = arith.constant 0 : i32
    %dma_start3A_30 = tpu.memref_slice %arg5[%dma_start3A_28, %dma_start3A_29] : memref<640x64xf32, #tpu.memory_space<hbm>> -> memref<640x64xf32, #tpu.memory_space<hbm>>
    tpu.enqueue_dma source(%dma_start3A_30 : memref<640x64xf32, #tpu.memory_space<hbm>>) target(%dma_start3A_27 : memref<640x64xf32, #tpu.memory_space<vmem_shared>>) target_semaphore(%arg15 : memref<!tpu.dma_semaphore, #tpu.memory_space<semaphore_mem>>)
    %dma_wait3A = arith.constant 0 : i32
    %dma_wait3A_31 = arith.constant 0 : i32
    %dma_wait3A_32 = tpu.memref_slice %arg3[%add3A, %dma_wait3A, %dma_wait3A_31] : memref<32x80x128xi32, #tpu.memory_space<hbm>> -> memref<1x80x128xi32, #tpu.memory_space<hbm>>
    %dma_wait3A_33 = tpu.memref_squeeze %dma_wait3A_32 : memref<1x80x128xi32, #tpu.memory_space<hbm>> -> memref<80x128xi32, #tpu.memory_space<hbm>>
    %dma_wait3A_34 = arith.constant 0 : i32
    %dma_wait3A_35 = arith.constant 0 : i32
    %dma_wait3A_36 = tpu.memref_slice %arg3[%add3A, %dma_wait3A_34, %dma_wait3A_35] : memref<32x80x128xi32, #tpu.memory_space<hbm>> -> memref<1x80x128xi32, #tpu.memory_space<hbm>>
    %dma_wait3A_37 = tpu.memref_squeeze %dma_wait3A_36 : memref<1x80x128xi32, #tpu.memory_space<hbm>> -> memref<80x128xi32, #tpu.memory_space<hbm>>
    tpu.wait_dma2 semaphore(%arg12 : memref<!tpu.dma_semaphore, #tpu.memory_space<semaphore_mem>>) src(%dma_wait3A_37 : memref<80x128xi32, #tpu.memory_space<hbm>>) dst(%arg7 : memref<80x128xi32, #tpu.memory_space<vmem>>)
    %dma_wait3A_38 = arith.constant 0 : i32
    %dma_wait3A_39 = arith.constant 0 : i32
    %dma_wait3A_40 = tpu.memref_slice %arg4[%add3A, %dma_wait3A_38, %dma_wait3A_39] : memref<32x80x128xi32, #tpu.memory_space<hbm>> -> memref<1x80x128xi32, #tpu.memory_space<hbm>>
    %dma_wait3A_41 = tpu.memref_squeeze %dma_wait3A_40 : memref<1x80x128xi32, #tpu.memory_space<hbm>> -> memref<80x128xi32, #tpu.memory_space<hbm>>
    %dma_wait3A_42 = arith.constant 0 : i32
    %dma_wait3A_43 = arith.constant 0 : i32
    %dma_wait3A_44 = tpu.memref_slice %arg4[%add3A, %dma_wait3A_42, %dma_wait3A_43] : memref<32x80x128xi32, #tpu.memory_space<hbm>> -> memref<1x80x128xi32, #tpu.memory_space<hbm>>
    %dma_wait3A_45 = tpu.memref_squeeze %dma_wait3A_44 : memref<1x80x128xi32, #tpu.memory_space<hbm>> -> memref<80x128xi32, #tpu.memory_space<hbm>>
    tpu.wait_dma2 semaphore(%arg13 : memref<!tpu.dma_semaphore, #tpu.memory_space<semaphore_mem>>) src(%dma_wait3A_45 : memref<80x128xi32, #tpu.memory_space<hbm>>) dst(%arg8 : memref<80x128xi32, #tpu.memory_space<vmem>>)
    %mul3A_46 = arith.constant 320 : i32
    %mul3A_47 = arith.muli %arg1, %mul3A_46 : i32
    %mul3A_48 = arith.constant 320 : i32
    %mul3A_49 = arith.muli %arg1, %mul3A_48 : i32
    %dma_wait3A_50 = arith.constant 0 : i32
    %dma_wait3A_51 = tpu.memref_slice %arg10[%mul3A_49, %dma_wait3A_50] : memref<5120x64xf32, #tpu.memory_space<vmem_shared>> -> memref<320x64xf32, #tpu.memory_space<vmem_shared>>
    %dma_wait3A_52 = arith.constant 0 : i32
    %dma_wait3A_53 = tpu.memref_slice %arg2[%mul3A_47, %dma_wait3A_52] : memref<5120x64xf32, #tpu.memory_space<hbm>> -> memref<320x64xf32, #tpu.memory_space<hbm>>
    tpu.wait_dma2 semaphore(%arg14 : memref<!tpu.dma_semaphore, #tpu.memory_space<semaphore_mem>>) src(%dma_wait3A_53 : memref<320x64xf32, #tpu.memory_space<hbm>>) dst(%dma_wait3A_51 : memref<320x64xf32, #tpu.memory_space<vmem_shared>>)
    %mul3A_54 = arith.constant 640 : i32
    %mul3A_55 = arith.muli %arg1, %mul3A_54 : i32
    %dma_wait3A_56 = arith.constant 0 : i32
    %dma_wait3A_57 = tpu.memref_slice %arg11[%mul3A_55, %dma_wait3A_56] : memref<10240x64xf32, #tpu.memory_space<vmem_shared>> -> memref<640x64xf32, #tpu.memory_space<vmem_shared>>
    %dma_wait3A_58 = arith.constant 0 : i32
    %dma_wait3A_59 = arith.constant 0 : i32
    %dma_wait3A_60 = tpu.memref_slice %arg5[%dma_wait3A_58, %dma_wait3A_59] : memref<640x64xf32, #tpu.memory_space<hbm>> -> memref<640x64xf32, #tpu.memory_space<hbm>>
    tpu.wait_dma2 semaphore(%arg15 : memref<!tpu.dma_semaphore, #tpu.memory_space<semaphore_mem>>) src(%dma_wait3A_60 : memref<640x64xf32, #tpu.memory_space<hbm>>) dst(%dma_wait3A_57 : memref<640x64xf32, #tpu.memory_space<vmem_shared>>)
    %barrier3A = arith.constant 0 : index
    tpu.barrier barrier_id(%barrier3A)
    %dma_start3A_61 = arith.constant 0 : i32
    %dma_start3A_62 = arith.constant 0 : i32
    %dma_start3A_63 = arith.constant 0 : i32
    %dma_start3A_64 = arith.constant 0 : i32
    %dma_start3A_65 = tpu.memref_slice %arg9[%dma_start3A_62, %dma_start3A_63, %dma_start3A_64] : memref<5x128x64xf32, #tpu.memory_space<vmem>> -> memref<1x128x64xf32, #tpu.memory_space<vmem>>
    %dma_start3A_66 = tpu.memref_squeeze %dma_start3A_65 : memref<1x128x64xf32, #tpu.memory_space<vmem>> -> memref<128x64xf32, #tpu.memory_space<vmem>>
    %dma_start3A_67 = arith.constant 0 : i32
    %dma_start3A_68 = tpu.memref_slice %arg7[%dma_start3A_61, %dma_start3A_67] : memref<80x128xi32, #tpu.memory_space<vmem>> -> memref<1x128xi32, #tpu.memory_space<vmem>>
    %dma_start3A_69 = tpu.memref_squeeze %dma_start3A_68 : memref<1x128xi32, #tpu.memory_space<vmem>> -> memref<128xi32, #tpu.memory_space<vmem>>
    %dma_start3A_70 = arith.constant 0 : i32
    %dma_start3A_71 = arith.constant 0 : i32
    %dma_start3A_72 = tpu.memref_slice %arg10[%dma_start3A_70, %dma_start3A_71] : memref<5120x64xf32, #tpu.memory_space<vmem_shared>> -> memref<5120x64xf32, #tpu.memory_space<vmem_shared>>
    tpu.enqueue_indirect_dma source(%dma_start3A_72 : memref<5120x64xf32, #tpu.memory_space<vmem_shared>>) target(%dma_start3A_66 : memref<128x64xf32, #tpu.memory_space<vmem>>) offsets(%dma_start3A_69 : memref<128xi32, #tpu.memory_space<vmem>>) semaphore(%arg12 : memref<!tpu.dma_semaphore, #tpu.memory_space<semaphore_mem>>)
    %dma_start3A_73 = arith.constant 1 : i32
    %dma_start3A_74 = arith.constant 1 : i32
    %dma_start3A_75 = arith.constant 0 : i32
    %dma_start3A_76 = arith.constant 0 : i32
    %dma_start3A_77 = tpu.memref_slice %arg9[%dma_start3A_74, %dma_start3A_75, %dma_start3A_76] : memref<5x128x64xf32, #tpu.memory_space<vmem>> -> memref<1x128x64xf32, #tpu.memory_space<vmem>>
    %dma_start3A_78 = tpu.memref_squeeze %dma_start3A_77 : memref<1x128x64xf32, #tpu.memory_space<vmem>> -> memref<128x64xf32, #tpu.memory_space<vmem>>
    %dma_start3A_79 = arith.constant 0 : i32
    %dma_start3A_80 = tpu.memref_slice %arg7[%dma_start3A_73, %dma_start3A_79] : memref<80x128xi32, #tpu.memory_space<vmem>> -> memref<1x128xi32, #tpu.memory_space<vmem>>
    %dma_start3A_81 = tpu.memref_squeeze %dma_start3A_80 : memref<1x128xi32, #tpu.memory_space<vmem>> -> memref<128xi32, #tpu.memory_space<vmem>>
    %dma_start3A_82 = arith.constant 0 : i32
    %dma_start3A_83 = arith.constant 0 : i32
    %dma_start3A_84 = tpu.memref_slice %arg10[%dma_start3A_82, %dma_start3A_83] : memref<5120x64xf32, #tpu.memory_space<vmem_shared>> -> memref<5120x64xf32, #tpu.memory_space<vmem_shared>>
    tpu.enqueue_indirect_dma source(%dma_start3A_84 : memref<5120x64xf32, #tpu.memory_space<vmem_shared>>) target(%dma_start3A_78 : memref<128x64xf32, #tpu.memory_space<vmem>>) offsets(%dma_start3A_81 : memref<128xi32, #tpu.memory_space<vmem>>) semaphore(%arg13 : memref<!tpu.dma_semaphore, #tpu.memory_space<semaphore_mem>>)
    %dma_start3A_85 = arith.constant 2 : i32
    %dma_start3A_86 = arith.constant 2 : i32
    %dma_start3A_87 = arith.constant 0 : i32
    %dma_start3A_88 = arith.constant 0 : i32
    %dma_start3A_89 = tpu.memref_slice %arg9[%dma_start3A_86, %dma_start3A_87, %dma_start3A_88] : memref<5x128x64xf32, #tpu.memory_space<vmem>> -> memref<1x128x64xf32, #tpu.memory_space<vmem>>
    %dma_start3A_90 = tpu.memref_squeeze %dma_start3A_89 : memref<1x128x64xf32, #tpu.memory_space<vmem>> -> memref<128x64xf32, #tpu.memory_space<vmem>>
    %dma_start3A_91 = arith.constant 0 : i32
    %dma_start3A_92 = tpu.memref_slice %arg7[%dma_start3A_85, %dma_start3A_91] : memref<80x128xi32, #tpu.memory_space<vmem>> -> memref<1x128xi32, #tpu.memory_space<vmem>>
    %dma_start3A_93 = tpu.memref_squeeze %dma_start3A_92 : memref<1x128xi32, #tpu.memory_space<vmem>> -> memref<128xi32, #tpu.memory_space<vmem>>
    %dma_start3A_94 = arith.constant 0 : i32
    %dma_start3A_95 = arith.constant 0 : i32
    %dma_start3A_96 = tpu.memref_slice %arg10[%dma_start3A_94, %dma_start3A_95] : memref<5120x64xf32, #tpu.memory_space<vmem_shared>> -> memref<5120x64xf32, #tpu.memory_space<vmem_shared>>
    tpu.enqueue_indirect_dma source(%dma_start3A_96 : memref<5120x64xf32, #tpu.memory_space<vmem_shared>>) target(%dma_start3A_90 : memref<128x64xf32, #tpu.memory_space<vmem>>) offsets(%dma_start3A_93 : memref<128xi32, #tpu.memory_space<vmem>>) semaphore(%arg14 : memref<!tpu.dma_semaphore, #tpu.memory_space<semaphore_mem>>)
    %dma_start3A_97 = arith.constant 3 : i32
    %dma_start3A_98 = arith.constant 3 : i32
    %dma_start3A_99 = arith.constant 0 : i32
    %dma_start3A_100 = arith.constant 0 : i32
    %dma_start3A_101 = tpu.memref_slice %arg9[%dma_start3A_98, %dma_start3A_99, %dma_start3A_100] : memref<5x128x64xf32, #tpu.memory_space<vmem>> -> memref<1x128x64xf32, #tpu.memory_space<vmem>>
    %dma_start3A_102 = tpu.memref_squeeze %dma_start3A_101 : memref<1x128x64xf32, #tpu.memory_space<vmem>> -> memref<128x64xf32, #tpu.memory_space<vmem>>
    %dma_start3A_103 = arith.constant 0 : i32
    %dma_start3A_104 = tpu.memref_slice %arg7[%dma_start3A_97, %dma_start3A_103] : memref<80x128xi32, #tpu.memory_space<vmem>> -> memref<1x128xi32, #tpu.memory_space<vmem>>
    %dma_start3A_105 = tpu.memref_squeeze %dma_start3A_104 : memref<1x128xi32, #tpu.memory_space<vmem>> -> memref<128xi32, #tpu.memory_space<vmem>>
    %dma_start3A_106 = arith.constant 0 : i32
    %dma_start3A_107 = arith.constant 0 : i32
    %dma_start3A_108 = tpu.memref_slice %arg10[%dma_start3A_106, %dma_start3A_107] : memref<5120x64xf32, #tpu.memory_space<vmem_shared>> -> memref<5120x64xf32, #tpu.memory_space<vmem_shared>>
    tpu.enqueue_indirect_dma source(%dma_start3A_108 : memref<5120x64xf32, #tpu.memory_space<vmem_shared>>) target(%dma_start3A_102 : memref<128x64xf32, #tpu.memory_space<vmem>>) offsets(%dma_start3A_105 : memref<128xi32, #tpu.memory_space<vmem>>) semaphore(%arg15 : memref<!tpu.dma_semaphore, #tpu.memory_space<semaphore_mem>>)
    %dma_start3A_109 = arith.constant 4 : i32
    %dma_start3A_110 = arith.constant 4 : i32
    %dma_start3A_111 = arith.constant 0 : i32
    %dma_start3A_112 = arith.constant 0 : i32
    %dma_start3A_113 = tpu.memref_slice %arg9[%dma_start3A_110, %dma_start3A_111, %dma_start3A_112] : memref<5x128x64xf32, #tpu.memory_space<vmem>> -> memref<1x128x64xf32, #tpu.memory_space<vmem>>
    %dma_start3A_114 = tpu.memref_squeeze %dma_start3A_113 : memref<1x128x64xf32, #tpu.memory_space<vmem>> -> memref<128x64xf32, #tpu.memory_space<vmem>>
    %dma_start3A_115 = arith.constant 0 : i32
    %dma_start3A_116 = tpu.memref_slice %arg7[%dma_start3A_109, %dma_start3A_115] : memref<80x128xi32, #tpu.memory_space<vmem>> -> memref<1x128xi32, #tpu.memory_space<vmem>>
    %dma_start3A_117 = tpu.memref_squeeze %dma_start3A_116 : memref<1x128xi32, #tpu.memory_space<vmem>> -> memref<128xi32, #tpu.memory_space<vmem>>
    %dma_start3A_118 = arith.constant 0 : i32
    %dma_start3A_119 = arith.constant 0 : i32
    %dma_start3A_120 = tpu.memref_slice %arg10[%dma_start3A_118, %dma_start3A_119] : memref<5120x64xf32, #tpu.memory_space<vmem_shared>> -> memref<5120x64xf32, #tpu.memory_space<vmem_shared>>
    tpu.enqueue_indirect_dma source(%dma_start3A_120 : memref<5120x64xf32, #tpu.memory_space<vmem_shared>>) target(%dma_start3A_114 : memref<128x64xf32, #tpu.memory_space<vmem>>) offsets(%dma_start3A_117 : memref<128xi32, #tpu.memory_space<vmem>>) semaphore(%arg16 : memref<!tpu.dma_semaphore, #tpu.memory_space<semaphore_mem>>)
    %scan3A = arith.constant 0 : i32
    %scan3A_121 = arith.constant 0 : i32
    %scan3A_122 = arith.constant 16 : i32
    %scan3A_123 = arith.addi %scan3A_121, %scan3A_122 : i32
    %scan3A_124 = arith.constant 1 : i32
    scf.for %scan3A_191 = %scan3A_121 to %scan3A_123 step %scan3A_124  : i32 {
      %mul3A_192 = arith.constant 5 : i32
      %mul3A_193 = arith.muli %scan3A_191, %mul3A_192 : i32
      %add3A_194 = arith.constant 0 : i32
      %add3A_195 = arith.addi %mul3A_193, %add3A_194 : i32
      %dma_wait3A_196 = arith.constant 0 : i32
      %dma_wait3A_197 = arith.constant 0 : i32
      %dma_wait3A_198 = arith.constant 0 : i32
      %dma_wait3A_199 = tpu.memref_slice %arg9[%dma_wait3A_196, %dma_wait3A_197, %dma_wait3A_198] : memref<5x128x64xf32, #tpu.memory_space<vmem>> -> memref<1x128x64xf32, #tpu.memory_space<vmem>>
      %dma_wait3A_200 = tpu.memref_squeeze %dma_wait3A_199 : memref<1x128x64xf32, #tpu.memory_space<vmem>> -> memref<128x64xf32, #tpu.memory_space<vmem>>
      %dma_wait3A_201 = arith.constant 0 : i32
      %dma_wait3A_202 = tpu.memref_slice %arg7[%add3A_195, %dma_wait3A_201] : memref<80x128xi32, #tpu.memory_space<vmem>> -> memref<1x128xi32, #tpu.memory_space<vmem>>
      %dma_wait3A_203 = tpu.memref_squeeze %dma_wait3A_202 : memref<1x128xi32, #tpu.memory_space<vmem>> -> memref<128xi32, #tpu.memory_space<vmem>>
      %dma_wait3A_204 = arith.constant 0 : i32
      %dma_wait3A_205 = arith.constant 0 : i32
      %dma_wait3A_206 = tpu.memref_slice %arg10[%dma_wait3A_204, %dma_wait3A_205] : memref<5120x64xf32, #tpu.memory_space<vmem_shared>> -> memref<5120x64xf32, #tpu.memory_space<vmem_shared>>
      tpu.wait_indirect_dma semaphore(%arg12 : memref<!tpu.dma_semaphore, #tpu.memory_space<semaphore_mem>>) src(%dma_wait3A_206 : memref<5120x64xf32, #tpu.memory_space<vmem_shared>>) dst(%dma_wait3A_200 : memref<128x64xf32, #tpu.memory_space<vmem>>)
      %dma_start3A_207 = arith.constant 0 : i32
      %dma_start3A_208 = arith.constant 0 : i32
      %dma_start3A_209 = arith.constant 0 : i32
      %dma_start3A_210 = tpu.memref_slice %arg9[%dma_start3A_207, %dma_start3A_208, %dma_start3A_209] : memref<5x128x64xf32, #tpu.memory_space<vmem>> -> memref<1x128x64xf32, #tpu.memory_space<vmem>>
      %dma_start3A_211 = tpu.memref_squeeze %dma_start3A_210 : memref<1x128x64xf32, #tpu.memory_space<vmem>> -> memref<128x64xf32, #tpu.memory_space<vmem>>
      %dma_start3A_212 = arith.constant 0 : i32
      %dma_start3A_213 = tpu.memref_slice %arg8[%add3A_195, %dma_start3A_212] : memref<80x128xi32, #tpu.memory_space<vmem>> -> memref<1x128xi32, #tpu.memory_space<vmem>>
      %dma_start3A_214 = tpu.memref_squeeze %dma_start3A_213 : memref<1x128xi32, #tpu.memory_space<vmem>> -> memref<128xi32, #tpu.memory_space<vmem>>
      %dma_start3A_215 = arith.constant 0 : i32
      %dma_start3A_216 = arith.constant 0 : i32
      %dma_start3A_217 = tpu.memref_slice %arg11[%dma_start3A_215, %dma_start3A_216] : memref<10240x64xf32, #tpu.memory_space<vmem_shared>> -> memref<10240x64xf32, #tpu.memory_space<vmem_shared>>
      tpu.enqueue_indirect_dma source(%dma_start3A_211 : memref<128x64xf32, #tpu.memory_space<vmem>>) target(%dma_start3A_217 : memref<10240x64xf32, #tpu.memory_space<vmem_shared>>) offsets(%dma_start3A_214 : memref<128xi32, #tpu.memory_space<vmem>>) semaphore(%arg17 : memref<!tpu.dma_semaphore, #tpu.memory_space<semaphore_mem>>) {add = true}
      %sub3A = arith.constant 2 : i32
      %sub3A_218 = arith.subi %add3A_195, %sub3A : i32
      %add3A_219 = arith.constant 5 : i32
      %add3A_220 = arith.addi %sub3A_218, %add3A_219 : i32
      %ge3A = arith.constant 0 : i32
      %ge3A_221 = arith.cmpi sge, %sub3A_218, %ge3A : i32
      %lt3A = arith.constant 80 : i32
      %lt3A_222 = arith.cmpi slt, %add3A_220, %lt3A : i32
      %and3A = arith.andi %ge3A_221, %lt3A_222 : i1
      %convert_element_type3A = arith.extui %and3A : i1 to i32
      %cond3A = arith.constant 0 : i32
      %cond3A_223 = arith.cmpi ne, %convert_element_type3A, %cond3A : i32
      scf.if %cond3A_223 {
        %dma_wait3A_376 = arith.constant 3 : i32
        %dma_wait3A_377 = arith.constant 0 : i32
        %dma_wait3A_378 = arith.constant 0 : i32
        %dma_wait3A_379 = tpu.memref_slice %arg9[%dma_wait3A_376, %dma_wait3A_377, %dma_wait3A_378] : memref<5x128x64xf32, #tpu.memory_space<vmem>> -> memref<1x128x64xf32, #tpu.memory_space<vmem>>
        %dma_wait3A_380 = tpu.memref_squeeze %dma_wait3A_379 : memref<1x128x64xf32, #tpu.memory_space<vmem>> -> memref<128x64xf32, #tpu.memory_space<vmem>>
        %dma_wait3A_381 = arith.constant 0 : i32
        %dma_wait3A_382 = tpu.memref_slice %arg8[%sub3A_218, %dma_wait3A_381] : memref<80x128xi32, #tpu.memory_space<vmem>> -> memref<1x128xi32, #tpu.memory_space<vmem>>
        %dma_wait3A_383 = tpu.memref_squeeze %dma_wait3A_382 : memref<1x128xi32, #tpu.memory_space<vmem>> -> memref<128xi32, #tpu.memory_space<vmem>>
        %dma_wait3A_384 = arith.constant 0 : i32
        %dma_wait3A_385 = arith.constant 0 : i32
        %dma_wait3A_386 = tpu.memref_slice %arg11[%dma_wait3A_384, %dma_wait3A_385] : memref<10240x64xf32, #tpu.memory_space<vmem_shared>> -> memref<10240x64xf32, #tpu.memory_space<vmem_shared>>
        tpu.wait_indirect_dma semaphore(%arg20 : memref<!tpu.dma_semaphore, #tpu.memory_space<semaphore_mem>>) src(%dma_wait3A_380 : memref<128x64xf32, #tpu.memory_space<vmem>>) dst(%dma_wait3A_386 : memref<10240x64xf32, #tpu.memory_space<vmem_shared>>)
        %dma_start3A_387 = arith.constant 3 : i32
        %dma_start3A_388 = arith.constant 0 : i32
        %dma_start3A_389 = arith.constant 0 : i32
        %dma_start3A_390 = tpu.memref_slice %arg9[%dma_start3A_387, %dma_start3A_388, %dma_start3A_389] : memref<5x128x64xf32, #tpu.memory_space<vmem>> -> memref<1x128x64xf32, #tpu.memory_space<vmem>>
        %dma_start3A_391 = tpu.memref_squeeze %dma_start3A_390 : memref<1x128x64xf32, #tpu.memory_space<vmem>> -> memref<128x64xf32, #tpu.memory_space<vmem>>
        %dma_start3A_392 = arith.constant 0 : i32
        %dma_start3A_393 = tpu.memref_slice %arg7[%add3A_220, %dma_start3A_392] : memref<80x128xi32, #tpu.memory_space<vmem>> -> memref<1x128xi32, #tpu.memory_space<vmem>>
        %dma_start3A_394 = tpu.memref_squeeze %dma_start3A_393 : memref<1x128xi32, #tpu.memory_space<vmem>> -> memref<128xi32, #tpu.memory_space<vmem>>
        %dma_start3A_395 = arith.constant 0 : i32
        %dma_start3A_396 = arith.constant 0 : i32
        %dma_start3A_397 = tpu.memref_slice %arg10[%dma_start3A_395, %dma_start3A_396] : memref<5120x64xf32, #tpu.memory_space<vmem_shared>> -> memref<5120x64xf32, #tpu.memory_space<vmem_shared>>
        tpu.enqueue_indirect_dma source(%dma_start3A_397 : memref<5120x64xf32, #tpu.memory_space<vmem_shared>>) target(%dma_start3A_391 : memref<128x64xf32, #tpu.memory_space<vmem>>) offsets(%dma_start3A_394 : memref<128xi32, #tpu.memory_space<vmem>>) semaphore(%arg15 : memref<!tpu.dma_semaphore, #tpu.memory_space<semaphore_mem>>)
      } else {
      }
      %mul3A_224 = arith.constant 5 : i32
      %mul3A_225 = arith.muli %scan3A_191, %mul3A_224 : i32
      %add3A_226 = arith.constant 1 : i32
      %add3A_227 = arith.addi %mul3A_225, %add3A_226 : i32
      %dma_wait3A_228 = arith.constant 1 : i32
      %dma_wait3A_229 = arith.constant 0 : i32
      %dma_wait3A_230 = arith.constant 0 : i32
      %dma_wait3A_231 = tpu.memref_slice %arg9[%dma_wait3A_228, %dma_wait3A_229, %dma_wait3A_230] : memref<5x128x64xf32, #tpu.memory_space<vmem>> -> memref<1x128x64xf32, #tpu.memory_space<vmem>>
      %dma_wait3A_232 = tpu.memref_squeeze %dma_wait3A_231 : memref<1x128x64xf32, #tpu.memory_space<vmem>> -> memref<128x64xf32, #tpu.memory_space<vmem>>
      %dma_wait3A_233 = arith.constant 0 : i32
      %dma_wait3A_234 = tpu.memref_slice %arg7[%add3A_227, %dma_wait3A_233] : memref<80x128xi32, #tpu.memory_space<vmem>> -> memref<1x128xi32, #tpu.memory_space<vmem>>
      %dma_wait3A_235 = tpu.memref_squeeze %dma_wait3A_234 : memref<1x128xi32, #tpu.memory_space<vmem>> -> memref<128xi32, #tpu.memory_space<vmem>>
      %dma_wait3A_236 = arith.constant 0 : i32
      %dma_wait3A_237 = arith.constant 0 : i32
      %dma_wait3A_238 = tpu.memref_slice %arg10[%dma_wait3A_236, %dma_wait3A_237] : memref<5120x64xf32, #tpu.memory_space<vmem_shared>> -> memref<5120x64xf32, #tpu.memory_space<vmem_shared>>
      tpu.wait_indirect_dma semaphore(%arg13 : memref<!tpu.dma_semaphore, #tpu.memory_space<semaphore_mem>>) src(%dma_wait3A_238 : memref<5120x64xf32, #tpu.memory_space<vmem_shared>>) dst(%dma_wait3A_232 : memref<128x64xf32, #tpu.memory_space<vmem>>)
      %dma_start3A_239 = arith.constant 1 : i32
      %dma_start3A_240 = arith.constant 0 : i32
      %dma_start3A_241 = arith.constant 0 : i32
      %dma_start3A_242 = tpu.memref_slice %arg9[%dma_start3A_239, %dma_start3A_240, %dma_start3A_241] : memref<5x128x64xf32, #tpu.memory_space<vmem>> -> memref<1x128x64xf32, #tpu.memory_space<vmem>>
      %dma_start3A_243 = tpu.memref_squeeze %dma_start3A_242 : memref<1x128x64xf32, #tpu.memory_space<vmem>> -> memref<128x64xf32, #tpu.memory_space<vmem>>
      %dma_start3A_244 = arith.constant 0 : i32
      %dma_start3A_245 = tpu.memref_slice %arg8[%add3A_227, %dma_start3A_244] : memref<80x128xi32, #tpu.memory_space<vmem>> -> memref<1x128xi32, #tpu.memory_space<vmem>>
      %dma_start3A_246 = tpu.memref_squeeze %dma_start3A_245 : memref<1x128xi32, #tpu.memory_space<vmem>> -> memref<128xi32, #tpu.memory_space<vmem>>
      %dma_start3A_247 = arith.constant 0 : i32
      %dma_start3A_248 = arith.constant 0 : i32
      %dma_start3A_249 = tpu.memref_slice %arg11[%dma_start3A_247, %dma_start3A_248] : memref<10240x64xf32, #tpu.memory_space<vmem_shared>> -> memref<10240x64xf32, #tpu.memory_space<vmem_shared>>
      tpu.enqueue_indirect_dma source(%dma_start3A_243 : memref<128x64xf32, #tpu.memory_space<vmem>>) target(%dma_start3A_249 : memref<10240x64xf32, #tpu.memory_space<vmem_shared>>) offsets(%dma_start3A_246 : memref<128xi32, #tpu.memory_space<vmem>>) semaphore(%arg18 : memref<!tpu.dma_semaphore, #tpu.memory_space<semaphore_mem>>) {add = true}
      %sub3A_250 = arith.constant 2 : i32
      %sub3A_251 = arith.subi %add3A_227, %sub3A_250 : i32
      %add3A_252 = arith.constant 5 : i32
      %add3A_253 = arith.addi %sub3A_251, %add3A_252 : i32
      %ge3A_254 = arith.constant 0 : i32
      %ge3A_255 = arith.cmpi sge, %sub3A_251, %ge3A_254 : i32
      %lt3A_256 = arith.constant 80 : i32
      %lt3A_257 = arith.cmpi slt, %add3A_253, %lt3A_256 : i32
      %and3A_258 = arith.andi %ge3A_255, %lt3A_257 : i1
      %convert_element_type3A_259 = arith.extui %and3A_258 : i1 to i32
      %cond3A_260 = arith.constant 0 : i32
      %cond3A_261 = arith.cmpi ne, %convert_element_type3A_259, %cond3A_260 : i32
      scf.if %cond3A_261 {
        %dma_wait3A_376 = arith.constant 4 : i32
        %dma_wait3A_377 = arith.constant 0 : i32
        %dma_wait3A_378 = arith.constant 0 : i32
        %dma_wait3A_379 = tpu.memref_slice %arg9[%dma_wait3A_376, %dma_wait3A_377, %dma_wait3A_378] : memref<5x128x64xf32, #tpu.memory_space<vmem>> -> memref<1x128x64xf32, #tpu.memory_space<vmem>>
        %dma_wait3A_380 = tpu.memref_squeeze %dma_wait3A_379 : memref<1x128x64xf32, #tpu.memory_space<vmem>> -> memref<128x64xf32, #tpu.memory_space<vmem>>
        %dma_wait3A_381 = arith.constant 0 : i32
        %dma_wait3A_382 = tpu.memref_slice %arg8[%sub3A_251, %dma_wait3A_381] : memref<80x128xi32, #tpu.memory_space<vmem>> -> memref<1x128xi32, #tpu.memory_space<vmem>>
        %dma_wait3A_383 = tpu.memref_squeeze %dma_wait3A_382 : memref<1x128xi32, #tpu.memory_space<vmem>> -> memref<128xi32, #tpu.memory_space<vmem>>
        %dma_wait3A_384 = arith.constant 0 : i32
        %dma_wait3A_385 = arith.constant 0 : i32
        %dma_wait3A_386 = tpu.memref_slice %arg11[%dma_wait3A_384, %dma_wait3A_385] : memref<10240x64xf32, #tpu.memory_space<vmem_shared>> -> memref<10240x64xf32, #tpu.memory_space<vmem_shared>>
        tpu.wait_indirect_dma semaphore(%arg21 : memref<!tpu.dma_semaphore, #tpu.memory_space<semaphore_mem>>) src(%dma_wait3A_380 : memref<128x64xf32, #tpu.memory_space<vmem>>) dst(%dma_wait3A_386 : memref<10240x64xf32, #tpu.memory_space<vmem_shared>>)
        %dma_start3A_387 = arith.constant 4 : i32
        %dma_start3A_388 = arith.constant 0 : i32
        %dma_start3A_389 = arith.constant 0 : i32
        %dma_start3A_390 = tpu.memref_slice %arg9[%dma_start3A_387, %dma_start3A_388, %dma_start3A_389] : memref<5x128x64xf32, #tpu.memory_space<vmem>> -> memref<1x128x64xf32, #tpu.memory_space<vmem>>
        %dma_start3A_391 = tpu.memref_squeeze %dma_start3A_390 : memref<1x128x64xf32, #tpu.memory_space<vmem>> -> memref<128x64xf32, #tpu.memory_space<vmem>>
        %dma_start3A_392 = arith.constant 0 : i32
        %dma_start3A_393 = tpu.memref_slice %arg7[%add3A_253, %dma_start3A_392] : memref<80x128xi32, #tpu.memory_space<vmem>> -> memref<1x128xi32, #tpu.memory_space<vmem>>
        %dma_start3A_394 = tpu.memref_squeeze %dma_start3A_393 : memref<1x128xi32, #tpu.memory_space<vmem>> -> memref<128xi32, #tpu.memory_space<vmem>>
        %dma_start3A_395 = arith.constant 0 : i32
        %dma_start3A_396 = arith.constant 0 : i32
        %dma_start3A_397 = tpu.memref_slice %arg10[%dma_start3A_395, %dma_start3A_396] : memref<5120x64xf32, #tpu.memory_space<vmem_shared>> -> memref<5120x64xf32, #tpu.memory_space<vmem_shared>>
        tpu.enqueue_indirect_dma source(%dma_start3A_397 : memref<5120x64xf32, #tpu.memory_space<vmem_shared>>) target(%dma_start3A_391 : memref<128x64xf32, #tpu.memory_space<vmem>>) offsets(%dma_start3A_394 : memref<128xi32, #tpu.memory_space<vmem>>) semaphore(%arg16 : memref<!tpu.dma_semaphore, #tpu.memory_space<semaphore_mem>>)
      } else {
      }
      %mul3A_262 = arith.constant 5 : i32
      %mul3A_263 = arith.muli %scan3A_191, %mul3A_262 : i32
      %add3A_264 = arith.constant 2 : i32
      %add3A_265 = arith.addi %mul3A_263, %add3A_264 : i32
      %dma_wait3A_266 = arith.constant 2 : i32
      %dma_wait3A_267 = arith.constant 0 : i32
      %dma_wait3A_268 = arith.constant 0 : i32
      %dma_wait3A_269 = tpu.memref_slice %arg9[%dma_wait3A_266, %dma_wait3A_267, %dma_wait3A_268] : memref<5x128x64xf32, #tpu.memory_space<vmem>> -> memref<1x128x64xf32, #tpu.memory_space<vmem>>
      %dma_wait3A_270 = tpu.memref_squeeze %dma_wait3A_269 : memref<1x128x64xf32, #tpu.memory_space<vmem>> -> memref<128x64xf32, #tpu.memory_space<vmem>>
      %dma_wait3A_271 = arith.constant 0 : i32
      %dma_wait3A_272 = tpu.memref_slice %arg7[%add3A_265, %dma_wait3A_271] : memref<80x128xi32, #tpu.memory_space<vmem>> -> memref<1x128xi32, #tpu.memory_space<vmem>>
      %dma_wait3A_273 = tpu.memref_squeeze %dma_wait3A_272 : memref<1x128xi32, #tpu.memory_space<vmem>> -> memref<128xi32, #tpu.memory_space<vmem>>
      %dma_wait3A_274 = arith.constant 0 : i32
      %dma_wait3A_275 = arith.constant 0 : i32
      %dma_wait3A_276 = tpu.memref_slice %arg10[%dma_wait3A_274, %dma_wait3A_275] : memref<5120x64xf32, #tpu.memory_space<vmem_shared>> -> memref<5120x64xf32, #tpu.memory_space<vmem_shared>>
      tpu.wait_indirect_dma semaphore(%arg14 : memref<!tpu.dma_semaphore, #tpu.memory_space<semaphore_mem>>) src(%dma_wait3A_276 : memref<5120x64xf32, #tpu.memory_space<vmem_shared>>) dst(%dma_wait3A_270 : memref<128x64xf32, #tpu.memory_space<vmem>>)
      %dma_start3A_277 = arith.constant 2 : i32
      %dma_start3A_278 = arith.constant 0 : i32
      %dma_start3A_279 = arith.constant 0 : i32
      %dma_start3A_280 = tpu.memref_slice %arg9[%dma_start3A_277, %dma_start3A_278, %dma_start3A_279] : memref<5x128x64xf32, #tpu.memory_space<vmem>> -> memref<1x128x64xf32, #tpu.memory_space<vmem>>
      %dma_start3A_281 = tpu.memref_squeeze %dma_start3A_280 : memref<1x128x64xf32, #tpu.memory_space<vmem>> -> memref<128x64xf32, #tpu.memory_space<vmem>>
      %dma_start3A_282 = arith.constant 0 : i32
      %dma_start3A_283 = tpu.memref_slice %arg8[%add3A_265, %dma_start3A_282] : memref<80x128xi32, #tpu.memory_space<vmem>> -> memref<1x128xi32, #tpu.memory_space<vmem>>
      %dma_start3A_284 = tpu.memref_squeeze %dma_start3A_283 : memref<1x128xi32, #tpu.memory_space<vmem>> -> memref<128xi32, #tpu.memory_space<vmem>>
      %dma_start3A_285 = arith.constant 0 : i32
      %dma_start3A_286 = arith.constant 0 : i32
      %dma_start3A_287 = tpu.memref_slice %arg11[%dma_start3A_285, %dma_start3A_286] : memref<10240x64xf32, #tpu.memory_space<vmem_shared>> -> memref<10240x64xf32, #tpu.memory_space<vmem_shared>>
      tpu.enqueue_indirect_dma source(%dma_start3A_281 : memref<128x64xf32, #tpu.memory_space<vmem>>) target(%dma_start3A_287 : memref<10240x64xf32, #tpu.memory_space<vmem_shared>>) offsets(%dma_start3A_284 : memref<128xi32, #tpu.memory_space<vmem>>) semaphore(%arg19 : memref<!tpu.dma_semaphore, #tpu.memory_space<semaphore_mem>>) {add = true}
      %sub3A_288 = arith.constant 2 : i32
      %sub3A_289 = arith.subi %add3A_265, %sub3A_288 : i32
      %add3A_290 = arith.constant 5 : i32
      %add3A_291 = arith.addi %sub3A_289, %add3A_290 : i32
      %ge3A_292 = arith.constant 0 : i32
      %ge3A_293 = arith.cmpi sge, %sub3A_289, %ge3A_292 : i32
      %lt3A_294 = arith.constant 80 : i32
      %lt3A_295 = arith.cmpi slt, %add3A_291, %lt3A_294 : i32
      %and3A_296 = arith.andi %ge3A_293, %lt3A_295 : i1
      %convert_element_type3A_297 = arith.extui %and3A_296 : i1 to i32
      %cond3A_298 = arith.constant 0 : i32
      %cond3A_299 = arith.cmpi ne, %convert_element_type3A_297, %cond3A_298 : i32
      scf.if %cond3A_299 {
        %dma_wait3A_376 = arith.constant 0 : i32
        %dma_wait3A_377 = arith.constant 0 : i32
        %dma_wait3A_378 = arith.constant 0 : i32
        %dma_wait3A_379 = tpu.memref_slice %arg9[%dma_wait3A_376, %dma_wait3A_377, %dma_wait3A_378] : memref<5x128x64xf32, #tpu.memory_space<vmem>> -> memref<1x128x64xf32, #tpu.memory_space<vmem>>
        %dma_wait3A_380 = tpu.memref_squeeze %dma_wait3A_379 : memref<1x128x64xf32, #tpu.memory_space<vmem>> -> memref<128x64xf32, #tpu.memory_space<vmem>>
        %dma_wait3A_381 = arith.constant 0 : i32
        %dma_wait3A_382 = tpu.memref_slice %arg8[%sub3A_289, %dma_wait3A_381] : memref<80x128xi32, #tpu.memory_space<vmem>> -> memref<1x128xi32, #tpu.memory_space<vmem>>
        %dma_wait3A_383 = tpu.memref_squeeze %dma_wait3A_382 : memref<1x128xi32, #tpu.memory_space<vmem>> -> memref<128xi32, #tpu.memory_space<vmem>>
        %dma_wait3A_384 = arith.constant 0 : i32
        %dma_wait3A_385 = arith.constant 0 : i32
        %dma_wait3A_386 = tpu.memref_slice %arg11[%dma_wait3A_384, %dma_wait3A_385] : memref<10240x64xf32, #tpu.memory_space<vmem_shared>> -> memref<10240x64xf32, #tpu.memory_space<vmem_shared>>
        tpu.wait_indirect_dma semaphore(%arg17 : memref<!tpu.dma_semaphore, #tpu.memory_space<semaphore_mem>>) src(%dma_wait3A_380 : memref<128x64xf32, #tpu.memory_space<vmem>>) dst(%dma_wait3A_386 : memref<10240x64xf32, #tpu.memory_space<vmem_shared>>)
        %dma_start3A_387 = arith.constant 0 : i32
        %dma_start3A_388 = arith.constant 0 : i32
        %dma_start3A_389 = arith.constant 0 : i32
        %dma_start3A_390 = tpu.memref_slice %arg9[%dma_start3A_387, %dma_start3A_388, %dma_start3A_389] : memref<5x128x64xf32, #tpu.memory_space<vmem>> -> memref<1x128x64xf32, #tpu.memory_space<vmem>>
        %dma_start3A_391 = tpu.memref_squeeze %dma_start3A_390 : memref<1x128x64xf32, #tpu.memory_space<vmem>> -> memref<128x64xf32, #tpu.memory_space<vmem>>
        %dma_start3A_392 = arith.constant 0 : i32
        %dma_start3A_393 = tpu.memref_slice %arg7[%add3A_291, %dma_start3A_392] : memref<80x128xi32, #tpu.memory_space<vmem>> -> memref<1x128xi32, #tpu.memory_space<vmem>>
        %dma_start3A_394 = tpu.memref_squeeze %dma_start3A_393 : memref<1x128xi32, #tpu.memory_space<vmem>> -> memref<128xi32, #tpu.memory_space<vmem>>
        %dma_start3A_395 = arith.constant 0 : i32
        %dma_start3A_396 = arith.constant 0 : i32
        %dma_start3A_397 = tpu.memref_slice %arg10[%dma_start3A_395, %dma_start3A_396] : memref<5120x64xf32, #tpu.memory_space<vmem_shared>> -> memref<5120x64xf32, #tpu.memory_space<vmem_shared>>
        tpu.enqueue_indirect_dma source(%dma_start3A_397 : memref<5120x64xf32, #tpu.memory_space<vmem_shared>>) target(%dma_start3A_391 : memref<128x64xf32, #tpu.memory_space<vmem>>) offsets(%dma_start3A_394 : memref<128xi32, #tpu.memory_space<vmem>>) semaphore(%arg12 : memref<!tpu.dma_semaphore, #tpu.memory_space<semaphore_mem>>)
      } else {
      }
      %mul3A_300 = arith.constant 5 : i32
      %mul3A_301 = arith.muli %scan3A_191, %mul3A_300 : i32
      %add3A_302 = arith.constant 3 : i32
      %add3A_303 = arith.addi %mul3A_301, %add3A_302 : i32
      %dma_wait3A_304 = arith.constant 3 : i32
      %dma_wait3A_305 = arith.constant 0 : i32
      %dma_wait3A_306 = arith.constant 0 : i32
      %dma_wait3A_307 = tpu.memref_slice %arg9[%dma_wait3A_304, %dma_wait3A_305, %dma_wait3A_306] : memref<5x128x64xf32, #tpu.memory_space<vmem>> -> memref<1x128x64xf32, #tpu.memory_space<vmem>>
      %dma_wait3A_308 = tpu.memref_squeeze %dma_wait3A_307 : memref<1x128x64xf32, #tpu.memory_space<vmem>> -> memref<128x64xf32, #tpu.memory_space<vmem>>
      %dma_wait3A_309 = arith.constant 0 : i32
      %dma_wait3A_310 = tpu.memref_slice %arg7[%add3A_303, %dma_wait3A_309] : memref<80x128xi32, #tpu.memory_space<vmem>> -> memref<1x128xi32, #tpu.memory_space<vmem>>
      %dma_wait3A_311 = tpu.memref_squeeze %dma_wait3A_310 : memref<1x128xi32, #tpu.memory_space<vmem>> -> memref<128xi32, #tpu.memory_space<vmem>>
      %dma_wait3A_312 = arith.constant 0 : i32
      %dma_wait3A_313 = arith.constant 0 : i32
      %dma_wait3A_314 = tpu.memref_slice %arg10[%dma_wait3A_312, %dma_wait3A_313] : memref<5120x64xf32, #tpu.memory_space<vmem_shared>> -> memref<5120x64xf32, #tpu.memory_space<vmem_shared>>
      tpu.wait_indirect_dma semaphore(%arg15 : memref<!tpu.dma_semaphore, #tpu.memory_space<semaphore_mem>>) src(%dma_wait3A_314 : memref<5120x64xf32, #tpu.memory_space<vmem_shared>>) dst(%dma_wait3A_308 : memref<128x64xf32, #tpu.memory_space<vmem>>)
      %dma_start3A_315 = arith.constant 3 : i32
      %dma_start3A_316 = arith.constant 0 : i32
      %dma_start3A_317 = arith.constant 0 : i32
      %dma_start3A_318 = tpu.memref_slice %arg9[%dma_start3A_315, %dma_start3A_316, %dma_start3A_317] : memref<5x128x64xf32, #tpu.memory_space<vmem>> -> memref<1x128x64xf32, #tpu.memory_space<vmem>>
      %dma_start3A_319 = tpu.memref_squeeze %dma_start3A_318 : memref<1x128x64xf32, #tpu.memory_space<vmem>> -> memref<128x64xf32, #tpu.memory_space<vmem>>
      %dma_start3A_320 = arith.constant 0 : i32
      %dma_start3A_321 = tpu.memref_slice %arg8[%add3A_303, %dma_start3A_320] : memref<80x128xi32, #tpu.memory_space<vmem>> -> memref<1x128xi32, #tpu.memory_space<vmem>>
      %dma_start3A_322 = tpu.memref_squeeze %dma_start3A_321 : memref<1x128xi32, #tpu.memory_space<vmem>> -> memref<128xi32, #tpu.memory_space<vmem>>
      %dma_start3A_323 = arith.constant 0 : i32
      %dma_start3A_324 = arith.constant 0 : i32
      %dma_start3A_325 = tpu.memref_slice %arg11[%dma_start3A_323, %dma_start3A_324] : memref<10240x64xf32, #tpu.memory_space<vmem_shared>> -> memref<10240x64xf32, #tpu.memory_space<vmem_shared>>
      tpu.enqueue_indirect_dma source(%dma_start3A_319 : memref<128x64xf32, #tpu.memory_space<vmem>>) target(%dma_start3A_325 : memref<10240x64xf32, #tpu.memory_space<vmem_shared>>) offsets(%dma_start3A_322 : memref<128xi32, #tpu.memory_space<vmem>>) semaphore(%arg20 : memref<!tpu.dma_semaphore, #tpu.memory_space<semaphore_mem>>) {add = true}
      %sub3A_326 = arith.constant 2 : i32
      %sub3A_327 = arith.subi %add3A_303, %sub3A_326 : i32
      %add3A_328 = arith.constant 5 : i32
      %add3A_329 = arith.addi %sub3A_327, %add3A_328 : i32
      %ge3A_330 = arith.constant 0 : i32
      %ge3A_331 = arith.cmpi sge, %sub3A_327, %ge3A_330 : i32
      %lt3A_332 = arith.constant 80 : i32
      %lt3A_333 = arith.cmpi slt, %add3A_329, %lt3A_332 : i32
      %and3A_334 = arith.andi %ge3A_331, %lt3A_333 : i1
      %convert_element_type3A_335 = arith.extui %and3A_334 : i1 to i32
      %cond3A_336 = arith.constant 0 : i32
      %cond3A_337 = arith.cmpi ne, %convert_element_type3A_335, %cond3A_336 : i32
      scf.if %cond3A_337 {
        %dma_wait3A_376 = arith.constant 1 : i32
        %dma_wait3A_377 = arith.constant 0 : i32
        %dma_wait3A_378 = arith.constant 0 : i32
        %dma_wait3A_379 = tpu.memref_slice %arg9[%dma_wait3A_376, %dma_wait3A_377, %dma_wait3A_378] : memref<5x128x64xf32, #tpu.memory_space<vmem>> -> memref<1x128x64xf32, #tpu.memory_space<vmem>>
        %dma_wait3A_380 = tpu.memref_squeeze %dma_wait3A_379 : memref<1x128x64xf32, #tpu.memory_space<vmem>> -> memref<128x64xf32, #tpu.memory_space<vmem>>
        %dma_wait3A_381 = arith.constant 0 : i32
        %dma_wait3A_382 = tpu.memref_slice %arg8[%sub3A_327, %dma_wait3A_381] : memref<80x128xi32, #tpu.memory_space<vmem>> -> memref<1x128xi32, #tpu.memory_space<vmem>>
        %dma_wait3A_383 = tpu.memref_squeeze %dma_wait3A_382 : memref<1x128xi32, #tpu.memory_space<vmem>> -> memref<128xi32, #tpu.memory_space<vmem>>
        %dma_wait3A_384 = arith.constant 0 : i32
        %dma_wait3A_385 = arith.constant 0 : i32
        %dma_wait3A_386 = tpu.memref_slice %arg11[%dma_wait3A_384, %dma_wait3A_385] : memref<10240x64xf32, #tpu.memory_space<vmem_shared>> -> memref<10240x64xf32, #tpu.memory_space<vmem_shared>>
        tpu.wait_indirect_dma semaphore(%arg18 : memref<!tpu.dma_semaphore, #tpu.memory_space<semaphore_mem>>) src(%dma_wait3A_380 : memref<128x64xf32, #tpu.memory_space<vmem>>) dst(%dma_wait3A_386 : memref<10240x64xf32, #tpu.memory_space<vmem_shared>>)
        %dma_start3A_387 = arith.constant 1 : i32
        %dma_start3A_388 = arith.constant 0 : i32
        %dma_start3A_389 = arith.constant 0 : i32
        %dma_start3A_390 = tpu.memref_slice %arg9[%dma_start3A_387, %dma_start3A_388, %dma_start3A_389] : memref<5x128x64xf32, #tpu.memory_space<vmem>> -> memref<1x128x64xf32, #tpu.memory_space<vmem>>
        %dma_start3A_391 = tpu.memref_squeeze %dma_start3A_390 : memref<1x128x64xf32, #tpu.memory_space<vmem>> -> memref<128x64xf32, #tpu.memory_space<vmem>>
        %dma_start3A_392 = arith.constant 0 : i32
        %dma_start3A_393 = tpu.memref_slice %arg7[%add3A_329, %dma_start3A_392] : memref<80x128xi32, #tpu.memory_space<vmem>> -> memref<1x128xi32, #tpu.memory_space<vmem>>
        %dma_start3A_394 = tpu.memref_squeeze %dma_start3A_393 : memref<1x128xi32, #tpu.memory_space<vmem>> -> memref<128xi32, #tpu.memory_space<vmem>>
        %dma_start3A_395 = arith.constant 0 : i32
        %dma_start3A_396 = arith.constant 0 : i32
        %dma_start3A_397 = tpu.memref_slice %arg10[%dma_start3A_395, %dma_start3A_396] : memref<5120x64xf32, #tpu.memory_space<vmem_shared>> -> memref<5120x64xf32, #tpu.memory_space<vmem_shared>>
        tpu.enqueue_indirect_dma source(%dma_start3A_397 : memref<5120x64xf32, #tpu.memory_space<vmem_shared>>) target(%dma_start3A_391 : memref<128x64xf32, #tpu.memory_space<vmem>>) offsets(%dma_start3A_394 : memref<128xi32, #tpu.memory_space<vmem>>) semaphore(%arg13 : memref<!tpu.dma_semaphore, #tpu.memory_space<semaphore_mem>>)
      } else {
      }
      %mul3A_338 = arith.constant 5 : i32
      %mul3A_339 = arith.muli %scan3A_191, %mul3A_338 : i32
      %add3A_340 = arith.constant 4 : i32
      %add3A_341 = arith.addi %mul3A_339, %add3A_340 : i32
      %dma_wait3A_342 = arith.constant 4 : i32
      %dma_wait3A_343 = arith.constant 0 : i32
      %dma_wait3A_344 = arith.constant 0 : i32
      %dma_wait3A_345 = tpu.memref_slice %arg9[%dma_wait3A_342, %dma_wait3A_343, %dma_wait3A_344] : memref<5x128x64xf32, #tpu.memory_space<vmem>> -> memref<1x128x64xf32, #tpu.memory_space<vmem>>
      %dma_wait3A_346 = tpu.memref_squeeze %dma_wait3A_345 : memref<1x128x64xf32, #tpu.memory_space<vmem>> -> memref<128x64xf32, #tpu.memory_space<vmem>>
      %dma_wait3A_347 = arith.constant 0 : i32
      %dma_wait3A_348 = tpu.memref_slice %arg7[%add3A_341, %dma_wait3A_347] : memref<80x128xi32, #tpu.memory_space<vmem>> -> memref<1x128xi32, #tpu.memory_space<vmem>>
      %dma_wait3A_349 = tpu.memref_squeeze %dma_wait3A_348 : memref<1x128xi32, #tpu.memory_space<vmem>> -> memref<128xi32, #tpu.memory_space<vmem>>
      %dma_wait3A_350 = arith.constant 0 : i32
      %dma_wait3A_351 = arith.constant 0 : i32
      %dma_wait3A_352 = tpu.memref_slice %arg10[%dma_wait3A_350, %dma_wait3A_351] : memref<5120x64xf32, #tpu.memory_space<vmem_shared>> -> memref<5120x64xf32, #tpu.memory_space<vmem_shared>>
      tpu.wait_indirect_dma semaphore(%arg16 : memref<!tpu.dma_semaphore, #tpu.memory_space<semaphore_mem>>) src(%dma_wait3A_352 : memref<5120x64xf32, #tpu.memory_space<vmem_shared>>) dst(%dma_wait3A_346 : memref<128x64xf32, #tpu.memory_space<vmem>>)
      %dma_start3A_353 = arith.constant 4 : i32
      %dma_start3A_354 = arith.constant 0 : i32
      %dma_start3A_355 = arith.constant 0 : i32
      %dma_start3A_356 = tpu.memref_slice %arg9[%dma_start3A_353, %dma_start3A_354, %dma_start3A_355] : memref<5x128x64xf32, #tpu.memory_space<vmem>> -> memref<1x128x64xf32, #tpu.memory_space<vmem>>
      %dma_start3A_357 = tpu.memref_squeeze %dma_start3A_356 : memref<1x128x64xf32, #tpu.memory_space<vmem>> -> memref<128x64xf32, #tpu.memory_space<vmem>>
      %dma_start3A_358 = arith.constant 0 : i32
      %dma_start3A_359 = tpu.memref_slice %arg8[%add3A_341, %dma_start3A_358] : memref<80x128xi32, #tpu.memory_space<vmem>> -> memref<1x128xi32, #tpu.memory_space<vmem>>
      %dma_start3A_360 = tpu.memref_squeeze %dma_start3A_359 : memref<1x128xi32, #tpu.memory_space<vmem>> -> memref<128xi32, #tpu.memory_space<vmem>>
      %dma_start3A_361 = arith.constant 0 : i32
      %dma_start3A_362 = arith.constant 0 : i32
      %dma_start3A_363 = tpu.memref_slice %arg11[%dma_start3A_361, %dma_start3A_362] : memref<10240x64xf32, #tpu.memory_space<vmem_shared>> -> memref<10240x64xf32, #tpu.memory_space<vmem_shared>>
      tpu.enqueue_indirect_dma source(%dma_start3A_357 : memref<128x64xf32, #tpu.memory_space<vmem>>) target(%dma_start3A_363 : memref<10240x64xf32, #tpu.memory_space<vmem_shared>>) offsets(%dma_start3A_360 : memref<128xi32, #tpu.memory_space<vmem>>) semaphore(%arg21 : memref<!tpu.dma_semaphore, #tpu.memory_space<semaphore_mem>>) {add = true}
      %sub3A_364 = arith.constant 2 : i32
      %sub3A_365 = arith.subi %add3A_341, %sub3A_364 : i32
      %add3A_366 = arith.constant 5 : i32
      %add3A_367 = arith.addi %sub3A_365, %add3A_366 : i32
      %ge3A_368 = arith.constant 0 : i32
      %ge3A_369 = arith.cmpi sge, %sub3A_365, %ge3A_368 : i32
      %lt3A_370 = arith.constant 80 : i32
      %lt3A_371 = arith.cmpi slt, %add3A_367, %lt3A_370 : i32
      %and3A_372 = arith.andi %ge3A_369, %lt3A_371 : i1
      %convert_element_type3A_373 = arith.extui %and3A_372 : i1 to i32
      %cond3A_374 = arith.constant 0 : i32
      %cond3A_375 = arith.cmpi ne, %convert_element_type3A_373, %cond3A_374 : i32
      scf.if %cond3A_375 {
        %dma_wait3A_376 = arith.constant 2 : i32
        %dma_wait3A_377 = arith.constant 0 : i32
        %dma_wait3A_378 = arith.constant 0 : i32
        %dma_wait3A_379 = tpu.memref_slice %arg9[%dma_wait3A_376, %dma_wait3A_377, %dma_wait3A_378] : memref<5x128x64xf32, #tpu.memory_space<vmem>> -> memref<1x128x64xf32, #tpu.memory_space<vmem>>
        %dma_wait3A_380 = tpu.memref_squeeze %dma_wait3A_379 : memref<1x128x64xf32, #tpu.memory_space<vmem>> -> memref<128x64xf32, #tpu.memory_space<vmem>>
        %dma_wait3A_381 = arith.constant 0 : i32
        %dma_wait3A_382 = tpu.memref_slice %arg8[%sub3A_365, %dma_wait3A_381] : memref<80x128xi32, #tpu.memory_space<vmem>> -> memref<1x128xi32, #tpu.memory_space<vmem>>
        %dma_wait3A_383 = tpu.memref_squeeze %dma_wait3A_382 : memref<1x128xi32, #tpu.memory_space<vmem>> -> memref<128xi32, #tpu.memory_space<vmem>>
        %dma_wait3A_384 = arith.constant 0 : i32
        %dma_wait3A_385 = arith.constant 0 : i32
        %dma_wait3A_386 = tpu.memref_slice %arg11[%dma_wait3A_384, %dma_wait3A_385] : memref<10240x64xf32, #tpu.memory_space<vmem_shared>> -> memref<10240x64xf32, #tpu.memory_space<vmem_shared>>
        tpu.wait_indirect_dma semaphore(%arg19 : memref<!tpu.dma_semaphore, #tpu.memory_space<semaphore_mem>>) src(%dma_wait3A_380 : memref<128x64xf32, #tpu.memory_space<vmem>>) dst(%dma_wait3A_386 : memref<10240x64xf32, #tpu.memory_space<vmem_shared>>)
        %dma_start3A_387 = arith.constant 2 : i32
        %dma_start3A_388 = arith.constant 0 : i32
        %dma_start3A_389 = arith.constant 0 : i32
        %dma_start3A_390 = tpu.memref_slice %arg9[%dma_start3A_387, %dma_start3A_388, %dma_start3A_389] : memref<5x128x64xf32, #tpu.memory_space<vmem>> -> memref<1x128x64xf32, #tpu.memory_space<vmem>>
        %dma_start3A_391 = tpu.memref_squeeze %dma_start3A_390 : memref<1x128x64xf32, #tpu.memory_space<vmem>> -> memref<128x64xf32, #tpu.memory_space<vmem>>
        %dma_start3A_392 = arith.constant 0 : i32
        %dma_start3A_393 = tpu.memref_slice %arg7[%add3A_367, %dma_start3A_392] : memref<80x128xi32, #tpu.memory_space<vmem>> -> memref<1x128xi32, #tpu.memory_space<vmem>>
        %dma_start3A_394 = tpu.memref_squeeze %dma_start3A_393 : memref<1x128xi32, #tpu.memory_space<vmem>> -> memref<128xi32, #tpu.memory_space<vmem>>
        %dma_start3A_395 = arith.constant 0 : i32
        %dma_start3A_396 = arith.constant 0 : i32
        %dma_start3A_397 = tpu.memref_slice %arg10[%dma_start3A_395, %dma_start3A_396] : memref<5120x64xf32, #tpu.memory_space<vmem_shared>> -> memref<5120x64xf32, #tpu.memory_space<vmem_shared>>
        tpu.enqueue_indirect_dma source(%dma_start3A_397 : memref<5120x64xf32, #tpu.memory_space<vmem_shared>>) target(%dma_start3A_391 : memref<128x64xf32, #tpu.memory_space<vmem>>) offsets(%dma_start3A_394 : memref<128xi32, #tpu.memory_space<vmem>>) semaphore(%arg14 : memref<!tpu.dma_semaphore, #tpu.memory_space<semaphore_mem>>)
      } else {
      }
    }
    %scan3A_125 = arith.constant 16 : i32
    %dma_wait3A_126 = arith.constant 0 : i32
    %dma_wait3A_127 = arith.constant 75 : i32
    %dma_wait3A_128 = arith.constant 0 : i32
    %dma_wait3A_129 = arith.constant 0 : i32
    %dma_wait3A_130 = tpu.memref_slice %arg9[%dma_wait3A_126, %dma_wait3A_128, %dma_wait3A_129] : memref<5x128x64xf32, #tpu.memory_space<vmem>> -> memref<1x128x64xf32, #tpu.memory_space<vmem>>
    %dma_wait3A_131 = tpu.memref_squeeze %dma_wait3A_130 : memref<1x128x64xf32, #tpu.memory_space<vmem>> -> memref<128x64xf32, #tpu.memory_space<vmem>>
    %dma_wait3A_132 = arith.constant 0 : i32
    %dma_wait3A_133 = tpu.memref_slice %arg8[%dma_wait3A_127, %dma_wait3A_132] : memref<80x128xi32, #tpu.memory_space<vmem>> -> memref<1x128xi32, #tpu.memory_space<vmem>>
    %dma_wait3A_134 = tpu.memref_squeeze %dma_wait3A_133 : memref<1x128xi32, #tpu.memory_space<vmem>> -> memref<128xi32, #tpu.memory_space<vmem>>
    %dma_wait3A_135 = arith.constant 0 : i32
    %dma_wait3A_136 = arith.constant 0 : i32
    %dma_wait3A_137 = tpu.memref_slice %arg11[%dma_wait3A_135, %dma_wait3A_136] : memref<10240x64xf32, #tpu.memory_space<vmem_shared>> -> memref<10240x64xf32, #tpu.memory_space<vmem_shared>>
    tpu.wait_indirect_dma semaphore(%arg17 : memref<!tpu.dma_semaphore, #tpu.memory_space<semaphore_mem>>) src(%dma_wait3A_131 : memref<128x64xf32, #tpu.memory_space<vmem>>) dst(%dma_wait3A_137 : memref<10240x64xf32, #tpu.memory_space<vmem_shared>>)
    %dma_wait3A_138 = arith.constant 1 : i32
    %dma_wait3A_139 = arith.constant 76 : i32
    %dma_wait3A_140 = arith.constant 0 : i32
    %dma_wait3A_141 = arith.constant 0 : i32
    %dma_wait3A_142 = tpu.memref_slice %arg9[%dma_wait3A_138, %dma_wait3A_140, %dma_wait3A_141] : memref<5x128x64xf32, #tpu.memory_space<vmem>> -> memref<1x128x64xf32, #tpu.memory_space<vmem>>
    %dma_wait3A_143 = tpu.memref_squeeze %dma_wait3A_142 : memref<1x128x64xf32, #tpu.memory_space<vmem>> -> memref<128x64xf32, #tpu.memory_space<vmem>>
    %dma_wait3A_144 = arith.constant 0 : i32
    %dma_wait3A_145 = tpu.memref_slice %arg8[%dma_wait3A_139, %dma_wait3A_144] : memref<80x128xi32, #tpu.memory_space<vmem>> -> memref<1x128xi32, #tpu.memory_space<vmem>>
    %dma_wait3A_146 = tpu.memref_squeeze %dma_wait3A_145 : memref<1x128xi32, #tpu.memory_space<vmem>> -> memref<128xi32, #tpu.memory_space<vmem>>
    %dma_wait3A_147 = arith.constant 0 : i32
    %dma_wait3A_148 = arith.constant 0 : i32
    %dma_wait3A_149 = tpu.memref_slice %arg11[%dma_wait3A_147, %dma_wait3A_148] : memref<10240x64xf32, #tpu.memory_space<vmem_shared>> -> memref<10240x64xf32, #tpu.memory_space<vmem_shared>>
    tpu.wait_indirect_dma semaphore(%arg18 : memref<!tpu.dma_semaphore, #tpu.memory_space<semaphore_mem>>) src(%dma_wait3A_143 : memref<128x64xf32, #tpu.memory_space<vmem>>) dst(%dma_wait3A_149 : memref<10240x64xf32, #tpu.memory_space<vmem_shared>>)
    %dma_wait3A_150 = arith.constant 2 : i32
    %dma_wait3A_151 = arith.constant 77 : i32
    %dma_wait3A_152 = arith.constant 0 : i32
    %dma_wait3A_153 = arith.constant 0 : i32
    %dma_wait3A_154 = tpu.memref_slice %arg9[%dma_wait3A_150, %dma_wait3A_152, %dma_wait3A_153] : memref<5x128x64xf32, #tpu.memory_space<vmem>> -> memref<1x128x64xf32, #tpu.memory_space<vmem>>
    %dma_wait3A_155 = tpu.memref_squeeze %dma_wait3A_154 : memref<1x128x64xf32, #tpu.memory_space<vmem>> -> memref<128x64xf32, #tpu.memory_space<vmem>>
    %dma_wait3A_156 = arith.constant 0 : i32
    %dma_wait3A_157 = tpu.memref_slice %arg8[%dma_wait3A_151, %dma_wait3A_156] : memref<80x128xi32, #tpu.memory_space<vmem>> -> memref<1x128xi32, #tpu.memory_space<vmem>>
    %dma_wait3A_158 = tpu.memref_squeeze %dma_wait3A_157 : memref<1x128xi32, #tpu.memory_space<vmem>> -> memref<128xi32, #tpu.memory_space<vmem>>
    %dma_wait3A_159 = arith.constant 0 : i32
    %dma_wait3A_160 = arith.constant 0 : i32
    %dma_wait3A_161 = tpu.memref_slice %arg11[%dma_wait3A_159, %dma_wait3A_160] : memref<10240x64xf32, #tpu.memory_space<vmem_shared>> -> memref<10240x64xf32, #tpu.memory_space<vmem_shared>>
    tpu.wait_indirect_dma semaphore(%arg19 : memref<!tpu.dma_semaphore, #tpu.memory_space<semaphore_mem>>) src(%dma_wait3A_155 : memref<128x64xf32, #tpu.memory_space<vmem>>) dst(%dma_wait3A_161 : memref<10240x64xf32, #tpu.memory_space<vmem_shared>>)
    %dma_wait3A_162 = arith.constant 3 : i32
    %dma_wait3A_163 = arith.constant 78 : i32
    %dma_wait3A_164 = arith.constant 0 : i32
    %dma_wait3A_165 = arith.constant 0 : i32
    %dma_wait3A_166 = tpu.memref_slice %arg9[%dma_wait3A_162, %dma_wait3A_164, %dma_wait3A_165] : memref<5x128x64xf32, #tpu.memory_space<vmem>> -> memref<1x128x64xf32, #tpu.memory_space<vmem>>
    %dma_wait3A_167 = tpu.memref_squeeze %dma_wait3A_166 : memref<1x128x64xf32, #tpu.memory_space<vmem>> -> memref<128x64xf32, #tpu.memory_space<vmem>>
    %dma_wait3A_168 = arith.constant 0 : i32
    %dma_wait3A_169 = tpu.memref_slice %arg8[%dma_wait3A_163, %dma_wait3A_168] : memref<80x128xi32, #tpu.memory_space<vmem>> -> memref<1x128xi32, #tpu.memory_space<vmem>>
    %dma_wait3A_170 = tpu.memref_squeeze %dma_wait3A_169 : memref<1x128xi32, #tpu.memory_space<vmem>> -> memref<128xi32, #tpu.memory_space<vmem>>
    %dma_wait3A_171 = arith.constant 0 : i32
    %dma_wait3A_172 = arith.constant 0 : i32
    %dma_wait3A_173 = tpu.memref_slice %arg11[%dma_wait3A_171, %dma_wait3A_172] : memref<10240x64xf32, #tpu.memory_space<vmem_shared>> -> memref<10240x64xf32, #tpu.memory_space<vmem_shared>>
    tpu.wait_indirect_dma semaphore(%arg20 : memref<!tpu.dma_semaphore, #tpu.memory_space<semaphore_mem>>) src(%dma_wait3A_167 : memref<128x64xf32, #tpu.memory_space<vmem>>) dst(%dma_wait3A_173 : memref<10240x64xf32, #tpu.memory_space<vmem_shared>>)
    %dma_wait3A_174 = arith.constant 4 : i32
    %dma_wait3A_175 = arith.constant 79 : i32
    %dma_wait3A_176 = arith.constant 0 : i32
    %dma_wait3A_177 = arith.constant 0 : i32
    %dma_wait3A_178 = tpu.memref_slice %arg9[%dma_wait3A_174, %dma_wait3A_176, %dma_wait3A_177] : memref<5x128x64xf32, #tpu.memory_space<vmem>> -> memref<1x128x64xf32, #tpu.memory_space<vmem>>
    %dma_wait3A_179 = tpu.memref_squeeze %dma_wait3A_178 : memref<1x128x64xf32, #tpu.memory_space<vmem>> -> memref<128x64xf32, #tpu.memory_space<vmem>>
    %dma_wait3A_180 = arith.constant 0 : i32
    %dma_wait3A_181 = tpu.memref_slice %arg8[%dma_wait3A_175, %dma_wait3A_180] : memref<80x128xi32, #tpu.memory_space<vmem>> -> memref<1x128xi32, #tpu.memory_space<vmem>>
    %dma_wait3A_182 = tpu.memref_squeeze %dma_wait3A_181 : memref<1x128xi32, #tpu.memory_space<vmem>> -> memref<128xi32, #tpu.memory_space<vmem>>
    %dma_wait3A_183 = arith.constant 0 : i32
    %dma_wait3A_184 = arith.constant 0 : i32
    %dma_wait3A_185 = tpu.memref_slice %arg11[%dma_wait3A_183, %dma_wait3A_184] : memref<10240x64xf32, #tpu.memory_space<vmem_shared>> -> memref<10240x64xf32, #tpu.memory_space<vmem_shared>>
    tpu.wait_indirect_dma semaphore(%arg21 : memref<!tpu.dma_semaphore, #tpu.memory_space<semaphore_mem>>) src(%dma_wait3A_179 : memref<128x64xf32, #tpu.memory_space<vmem>>) dst(%dma_wait3A_185 : memref<10240x64xf32, #tpu.memory_space<vmem_shared>>)
    %barrier3A_186 = arith.constant 0 : index
    tpu.barrier barrier_id(%barrier3A_186)
    %mul3A_187 = arith.constant 640 : i32
    %mul3A_188 = arith.muli %arg1, %mul3A_187 : i32
    %mul3A_189 = arith.constant 640 : i32
    %mul3A_190 = arith.muli %arg1, %mul3A_189 : i32
    "tpu.region"() ({
      %run_scoped3A = tpu.sem_alloc : memref<!tpu.dma_semaphore, #tpu.memory_space<semaphore_mem>>
      %dma_start3A_191 = arith.constant 0 : i32
      %dma_start3A_192 = tpu.memref_slice %arg6[%arg0, %mul3A_190, %dma_start3A_191] : memref<2x10240x64xf32, #tpu.memory_space<hbm>> -> memref<1x640x64xf32, #tpu.memory_space<hbm>>
      %dma_start3A_193 = tpu.memref_squeeze %dma_start3A_192 : memref<1x640x64xf32, #tpu.memory_space<hbm>> -> memref<640x64xf32, #tpu.memory_space<hbm>>
      %dma_start3A_194 = arith.constant 0 : i32
      %dma_start3A_195 = tpu.memref_slice %arg11[%mul3A_188, %dma_start3A_194] : memref<10240x64xf32, #tpu.memory_space<vmem_shared>> -> memref<640x64xf32, #tpu.memory_space<vmem_shared>>
      tpu.enqueue_dma source(%dma_start3A_195 : memref<640x64xf32, #tpu.memory_space<vmem_shared>>) target(%dma_start3A_193 : memref<640x64xf32, #tpu.memory_space<hbm>>) target_semaphore(%run_scoped3A : memref<!tpu.dma_semaphore, #tpu.memory_space<semaphore_mem>>)
      %dma_wait3A_196 = arith.constant 0 : i32
      %dma_wait3A_197 = tpu.memref_slice %arg6[%arg0, %mul3A_190, %dma_wait3A_196] : memref<2x10240x64xf32, #tpu.memory_space<hbm>> -> memref<1x640x64xf32, #tpu.memory_space<hbm>>
      %dma_wait3A_198 = tpu.memref_squeeze %dma_wait3A_197 : memref<1x640x64xf32, #tpu.memory_space<hbm>> -> memref<640x64xf32, #tpu.memory_space<hbm>>
      %dma_wait3A_199 = arith.constant 0 : i32
      %dma_wait3A_200 = tpu.memref_slice %arg11[%mul3A_188, %dma_wait3A_199] : memref<10240x64xf32, #tpu.memory_space<vmem_shared>> -> memref<640x64xf32, #tpu.memory_space<vmem_shared>>
      tpu.wait_dma2 semaphore(%run_scoped3A : memref<!tpu.dma_semaphore, #tpu.memory_space<semaphore_mem>>) src(%dma_wait3A_200 : memref<640x64xf32, #tpu.memory_space<vmem_shared>>) dst(%dma_wait3A_198 : memref<640x64xf32, #tpu.memory_space<hbm>>)
      tpu.yield
    }) : () -> ()
    return
  }
}

#map = affine_map<(d0, d1) -> (0, 0)>
#map1 = affine_map<(d0, d1) -> (0, 0, 0)>
#map2 = affine_map<(d0, d1) -> (0)>
module attributes {stable_mosaic.version = 14 : i64} {
  func.func @body(%arg0: i32, %arg1: i32, %arg2: memref<10240x64xf32, #tpu.memory_space<hbm>>, %arg3: memref<32x80x128xi32, #tpu.memory_space<hbm>>, %arg4: memref<32x80x128xi32, #tpu.memory_space<hbm>>, %arg5: memref<640x64xf32, #tpu.memory_space<hbm>>, %arg6: memref<640xf32, #tpu.memory_space<hbm>>, %arg7: memref<128xf32, #tpu.memory_space<hbm>>, %arg8: memref<2x5120x64xf32, #tpu.memory_space<hbm>>, %arg9: memref<2x10240xf32, #tpu.memory_space<hbm>>, %arg10: memref<80x128xi32, #tpu.memory_space<vmem>>, %arg11: memref<80x128xi32, #tpu.memory_space<vmem>>, %arg12: memref<5x128x64xf32, #tpu.memory_space<vmem>>, %arg13: memref<10240x64xf32, #tpu.memory_space<vmem_shared>>, %arg14: memref<5120x64xf32, #tpu.memory_space<vmem_shared>>, %arg15: memref<!tpu.dma_semaphore, #tpu.memory_space<semaphore_mem>>, %arg16: memref<!tpu.dma_semaphore, #tpu.memory_space<semaphore_mem>>, %arg17: memref<!tpu.dma_semaphore, #tpu.memory_space<semaphore_mem>>, %arg18: memref<!tpu.dma_semaphore, #tpu.memory_space<semaphore_mem>>, %arg19: memref<!tpu.dma_semaphore, #tpu.memory_space<semaphore_mem>>, %arg20: memref<!tpu.dma_semaphore, #tpu.memory_space<semaphore_mem>>, %arg21: memref<!tpu.dma_semaphore, #tpu.memory_space<semaphore_mem>>, %arg22: memref<!tpu.dma_semaphore, #tpu.memory_space<semaphore_mem>>, %arg23: memref<!tpu.dma_semaphore, #tpu.memory_space<semaphore_mem>>, %arg24: memref<!tpu.dma_semaphore, #tpu.memory_space<semaphore_mem>>, %arg25: memref<!tpu.dma_semaphore, #tpu.memory_space<semaphore_mem>>, %arg26: memref<!tpu.dma_semaphore, #tpu.memory_space<semaphore_mem>>, %arg27: memref<!tpu.dma_semaphore, #tpu.memory_space<semaphore_mem>>, %arg28: memref<!tpu.dma_semaphore, #tpu.memory_space<semaphore_mem>>, %arg29: memref<!tpu.dma_semaphore, #tpu.memory_space<semaphore_mem>>, %arg30: memref<128xf32, #tpu.memory_space<vmem>>, %arg31: memref<10240xf32, #tpu.memory_space<vmem_shared>>) attributes {dimension_semantics = [#tpu.dimension_semantics<core_parallel>, #tpu.dimension_semantics<subcore_parallel>], iteration_bounds = array<i64: 2, 16>, scalar_prefetch = 0 : i64, scratch_operands = 22 : i64, tpu.core_type = #tpu.core_type<sc_vector_subcore>, window_params = [{transform_indices = #map}, {transform_indices = #map1}, {transform_indices = #map1}, {transform_indices = #map}, {transform_indices = #map2}, {transform_indices = #map2}, {transform_indices = #map1}, {transform_indices = #map}]} {
    %mul3A = arith.constant 16 : i32
    %mul3A_0 = arith.muli %arg0, %mul3A : i32
    %add3A = arith.addi %mul3A_0, %arg1 : i32
    %dma_start3A = arith.constant 0 : i32
    %dma_start3A_1 = arith.constant 0 : i32
    %dma_start3A_2 = tpu.memref_slice %arg3[%add3A, %dma_start3A, %dma_start3A_1] : memref<32x80x128xi32, #tpu.memory_space<hbm>> -> memref<1x80x128xi32, #tpu.memory_space<hbm>>
    %dma_start3A_3 = tpu.memref_squeeze %dma_start3A_2 : memref<1x80x128xi32, #tpu.memory_space<hbm>> -> memref<80x128xi32, #tpu.memory_space<hbm>>
    %dma_start3A_4 = arith.constant 0 : i32
    %dma_start3A_5 = arith.constant 0 : i32
    %dma_start3A_6 = tpu.memref_slice %arg3[%add3A, %dma_start3A_4, %dma_start3A_5] : memref<32x80x128xi32, #tpu.memory_space<hbm>> -> memref<1x80x128xi32, #tpu.memory_space<hbm>>
    %dma_start3A_7 = tpu.memref_squeeze %dma_start3A_6 : memref<1x80x128xi32, #tpu.memory_space<hbm>> -> memref<80x128xi32, #tpu.memory_space<hbm>>
    tpu.enqueue_dma source(%dma_start3A_7 : memref<80x128xi32, #tpu.memory_space<hbm>>) target(%arg10 : memref<80x128xi32, #tpu.memory_space<vmem>>) target_semaphore(%arg15 : memref<!tpu.dma_semaphore, #tpu.memory_space<semaphore_mem>>)
    %dma_start3A_8 = arith.constant 0 : i32
    %dma_start3A_9 = arith.constant 0 : i32
    %dma_start3A_10 = tpu.memref_slice %arg4[%add3A, %dma_start3A_8, %dma_start3A_9] : memref<32x80x128xi32, #tpu.memory_space<hbm>> -> memref<1x80x128xi32, #tpu.memory_space<hbm>>
    %dma_start3A_11 = tpu.memref_squeeze %dma_start3A_10 : memref<1x80x128xi32, #tpu.memory_space<hbm>> -> memref<80x128xi32, #tpu.memory_space<hbm>>
    %dma_start3A_12 = arith.constant 0 : i32
    %dma_start3A_13 = arith.constant 0 : i32
    %dma_start3A_14 = tpu.memref_slice %arg4[%add3A, %dma_start3A_12, %dma_start3A_13] : memref<32x80x128xi32, #tpu.memory_space<hbm>> -> memref<1x80x128xi32, #tpu.memory_space<hbm>>
    %dma_start3A_15 = tpu.memref_squeeze %dma_start3A_14 : memref<1x80x128xi32, #tpu.memory_space<hbm>> -> memref<80x128xi32, #tpu.memory_space<hbm>>
    tpu.enqueue_dma source(%dma_start3A_15 : memref<80x128xi32, #tpu.memory_space<hbm>>) target(%arg11 : memref<80x128xi32, #tpu.memory_space<vmem>>) target_semaphore(%arg16 : memref<!tpu.dma_semaphore, #tpu.memory_space<semaphore_mem>>)
    %mul3A_16 = arith.constant 640 : i32
    %mul3A_17 = arith.muli %arg1, %mul3A_16 : i32
    %mul3A_18 = arith.constant 640 : i32
    %mul3A_19 = arith.muli %arg1, %mul3A_18 : i32
    %dma_start3A_20 = arith.constant 0 : i32
    %dma_start3A_21 = tpu.memref_slice %arg13[%mul3A_19, %dma_start3A_20] : memref<10240x64xf32, #tpu.memory_space<vmem_shared>> -> memref<640x64xf32, #tpu.memory_space<vmem_shared>>
    %dma_start3A_22 = arith.constant 0 : i32
    %dma_start3A_23 = tpu.memref_slice %arg2[%mul3A_17, %dma_start3A_22] : memref<10240x64xf32, #tpu.memory_space<hbm>> -> memref<640x64xf32, #tpu.memory_space<hbm>>
    tpu.enqueue_dma source(%dma_start3A_23 : memref<640x64xf32, #tpu.memory_space<hbm>>) target(%dma_start3A_21 : memref<640x64xf32, #tpu.memory_space<vmem_shared>>) target_semaphore(%arg17 : memref<!tpu.dma_semaphore, #tpu.memory_space<semaphore_mem>>)
    %mul3A_24 = arith.constant 320 : i32
    %mul3A_25 = arith.muli %arg1, %mul3A_24 : i32
    %dma_start3A_26 = arith.constant 0 : i32
    %dma_start3A_27 = tpu.memref_slice %arg14[%mul3A_25, %dma_start3A_26] : memref<5120x64xf32, #tpu.memory_space<vmem_shared>> -> memref<320x64xf32, #tpu.memory_space<vmem_shared>>
    %dma_start3A_28 = arith.constant 0 : i32
    %dma_start3A_29 = arith.constant 0 : i32
    %dma_start3A_30 = tpu.memref_slice %arg5[%dma_start3A_28, %dma_start3A_29] : memref<640x64xf32, #tpu.memory_space<hbm>> -> memref<320x64xf32, #tpu.memory_space<hbm>>
    tpu.enqueue_dma source(%dma_start3A_30 : memref<320x64xf32, #tpu.memory_space<hbm>>) target(%dma_start3A_27 : memref<320x64xf32, #tpu.memory_space<vmem_shared>>) target_semaphore(%arg18 : memref<!tpu.dma_semaphore, #tpu.memory_space<semaphore_mem>>)
    "tpu.region"() ({
      %run_scoped3A = tpu.sem_alloc : memref<!tpu.dma_semaphore, #tpu.memory_space<semaphore_mem>>
      tpu.enqueue_dma source(%arg7 : memref<128xf32, #tpu.memory_space<hbm>>) target(%arg30 : memref<128xf32, #tpu.memory_space<vmem>>) target_semaphore(%run_scoped3A : memref<!tpu.dma_semaphore, #tpu.memory_space<semaphore_mem>>)
      tpu.wait_dma2 semaphore(%run_scoped3A : memref<!tpu.dma_semaphore, #tpu.memory_space<semaphore_mem>>) src(%arg7 : memref<128xf32, #tpu.memory_space<hbm>>) dst(%arg30 : memref<128xf32, #tpu.memory_space<vmem>>)
      tpu.yield
    }) : () -> ()
    %mul3A_31 = arith.constant 640 : i32
    %mul3A_32 = arith.muli %arg1, %mul3A_31 : i32
    "tpu.region"() ({
      %run_scoped3A = tpu.sem_alloc : memref<!tpu.dma_semaphore, #tpu.memory_space<semaphore_mem>>
      %dma_start3A_227 = tpu.memref_slice %arg31[%mul3A_32] : memref<10240xf32, #tpu.memory_space<vmem_shared>> -> memref<640xf32, #tpu.memory_space<vmem_shared>>
      tpu.enqueue_dma source(%arg6 : memref<640xf32, #tpu.memory_space<hbm>>) target(%dma_start3A_227 : memref<640xf32, #tpu.memory_space<vmem_shared>>) target_semaphore(%run_scoped3A : memref<!tpu.dma_semaphore, #tpu.memory_space<semaphore_mem>>)
      %dma_wait3A_228 = tpu.memref_slice %arg31[%mul3A_32] : memref<10240xf32, #tpu.memory_space<vmem_shared>> -> memref<640xf32, #tpu.memory_space<vmem_shared>>
      tpu.wait_dma2 semaphore(%run_scoped3A : memref<!tpu.dma_semaphore, #tpu.memory_space<semaphore_mem>>) src(%arg6 : memref<640xf32, #tpu.memory_space<hbm>>) dst(%dma_wait3A_228 : memref<640xf32, #tpu.memory_space<vmem_shared>>)
      tpu.yield
    }) : () -> ()
    %dma_wait3A = arith.constant 0 : i32
    %dma_wait3A_33 = arith.constant 0 : i32
    %dma_wait3A_34 = tpu.memref_slice %arg3[%add3A, %dma_wait3A, %dma_wait3A_33] : memref<32x80x128xi32, #tpu.memory_space<hbm>> -> memref<1x80x128xi32, #tpu.memory_space<hbm>>
    %dma_wait3A_35 = tpu.memref_squeeze %dma_wait3A_34 : memref<1x80x128xi32, #tpu.memory_space<hbm>> -> memref<80x128xi32, #tpu.memory_space<hbm>>
    %dma_wait3A_36 = arith.constant 0 : i32
    %dma_wait3A_37 = arith.constant 0 : i32
    %dma_wait3A_38 = tpu.memref_slice %arg3[%add3A, %dma_wait3A_36, %dma_wait3A_37] : memref<32x80x128xi32, #tpu.memory_space<hbm>> -> memref<1x80x128xi32, #tpu.memory_space<hbm>>
    %dma_wait3A_39 = tpu.memref_squeeze %dma_wait3A_38 : memref<1x80x128xi32, #tpu.memory_space<hbm>> -> memref<80x128xi32, #tpu.memory_space<hbm>>
    tpu.wait_dma2 semaphore(%arg15 : memref<!tpu.dma_semaphore, #tpu.memory_space<semaphore_mem>>) src(%dma_wait3A_39 : memref<80x128xi32, #tpu.memory_space<hbm>>) dst(%arg10 : memref<80x128xi32, #tpu.memory_space<vmem>>)
    %dma_wait3A_40 = arith.constant 0 : i32
    %dma_wait3A_41 = arith.constant 0 : i32
    %dma_wait3A_42 = tpu.memref_slice %arg4[%add3A, %dma_wait3A_40, %dma_wait3A_41] : memref<32x80x128xi32, #tpu.memory_space<hbm>> -> memref<1x80x128xi32, #tpu.memory_space<hbm>>
    %dma_wait3A_43 = tpu.memref_squeeze %dma_wait3A_42 : memref<1x80x128xi32, #tpu.memory_space<hbm>> -> memref<80x128xi32, #tpu.memory_space<hbm>>
    %dma_wait3A_44 = arith.constant 0 : i32
    %dma_wait3A_45 = arith.constant 0 : i32
    %dma_wait3A_46 = tpu.memref_slice %arg4[%add3A, %dma_wait3A_44, %dma_wait3A_45] : memref<32x80x128xi32, #tpu.memory_space<hbm>> -> memref<1x80x128xi32, #tpu.memory_space<hbm>>
    %dma_wait3A_47 = tpu.memref_squeeze %dma_wait3A_46 : memref<1x80x128xi32, #tpu.memory_space<hbm>> -> memref<80x128xi32, #tpu.memory_space<hbm>>
    tpu.wait_dma2 semaphore(%arg16 : memref<!tpu.dma_semaphore, #tpu.memory_space<semaphore_mem>>) src(%dma_wait3A_47 : memref<80x128xi32, #tpu.memory_space<hbm>>) dst(%arg11 : memref<80x128xi32, #tpu.memory_space<vmem>>)
    %mul3A_48 = arith.constant 640 : i32
    %mul3A_49 = arith.muli %arg1, %mul3A_48 : i32
    %mul3A_50 = arith.constant 640 : i32
    %mul3A_51 = arith.muli %arg1, %mul3A_50 : i32
    %dma_wait3A_52 = arith.constant 0 : i32
    %dma_wait3A_53 = tpu.memref_slice %arg13[%mul3A_51, %dma_wait3A_52] : memref<10240x64xf32, #tpu.memory_space<vmem_shared>> -> memref<640x64xf32, #tpu.memory_space<vmem_shared>>
    %dma_wait3A_54 = arith.constant 0 : i32
    %dma_wait3A_55 = tpu.memref_slice %arg2[%mul3A_49, %dma_wait3A_54] : memref<10240x64xf32, #tpu.memory_space<hbm>> -> memref<640x64xf32, #tpu.memory_space<hbm>>
    tpu.wait_dma2 semaphore(%arg17 : memref<!tpu.dma_semaphore, #tpu.memory_space<semaphore_mem>>) src(%dma_wait3A_55 : memref<640x64xf32, #tpu.memory_space<hbm>>) dst(%dma_wait3A_53 : memref<640x64xf32, #tpu.memory_space<vmem_shared>>)
    %mul3A_56 = arith.constant 320 : i32
    %mul3A_57 = arith.muli %arg1, %mul3A_56 : i32
    %dma_wait3A_58 = arith.constant 0 : i32
    %dma_wait3A_59 = tpu.memref_slice %arg14[%mul3A_57, %dma_wait3A_58] : memref<5120x64xf32, #tpu.memory_space<vmem_shared>> -> memref<320x64xf32, #tpu.memory_space<vmem_shared>>
    %dma_wait3A_60 = arith.constant 0 : i32
    %dma_wait3A_61 = arith.constant 0 : i32
    %dma_wait3A_62 = tpu.memref_slice %arg5[%dma_wait3A_60, %dma_wait3A_61] : memref<640x64xf32, #tpu.memory_space<hbm>> -> memref<320x64xf32, #tpu.memory_space<hbm>>
    tpu.wait_dma2 semaphore(%arg18 : memref<!tpu.dma_semaphore, #tpu.memory_space<semaphore_mem>>) src(%dma_wait3A_62 : memref<320x64xf32, #tpu.memory_space<hbm>>) dst(%dma_wait3A_59 : memref<320x64xf32, #tpu.memory_space<vmem_shared>>)
    %barrier3A = arith.constant 0 : index
    tpu.barrier barrier_id(%barrier3A)
    %dma_start3A_63 = arith.constant 0 : i32
    %dma_start3A_64 = arith.constant 0 : i32
    %dma_start3A_65 = arith.constant 0 : i32
    %dma_start3A_66 = arith.constant 0 : i32
    %dma_start3A_67 = tpu.memref_slice %arg12[%dma_start3A_64, %dma_start3A_65, %dma_start3A_66] : memref<5x128x64xf32, #tpu.memory_space<vmem>> -> memref<1x128x64xf32, #tpu.memory_space<vmem>>
    %dma_start3A_68 = tpu.memref_squeeze %dma_start3A_67 : memref<1x128x64xf32, #tpu.memory_space<vmem>> -> memref<128x64xf32, #tpu.memory_space<vmem>>
    %dma_start3A_69 = arith.constant 0 : i32
    %dma_start3A_70 = tpu.memref_slice %arg10[%dma_start3A_63, %dma_start3A_69] : memref<80x128xi32, #tpu.memory_space<vmem>> -> memref<1x128xi32, #tpu.memory_space<vmem>>
    %dma_start3A_71 = tpu.memref_squeeze %dma_start3A_70 : memref<1x128xi32, #tpu.memory_space<vmem>> -> memref<128xi32, #tpu.memory_space<vmem>>
    %dma_start3A_72 = arith.constant 0 : i32
    %dma_start3A_73 = arith.constant 0 : i32
    %dma_start3A_74 = tpu.memref_slice %arg13[%dma_start3A_72, %dma_start3A_73] : memref<10240x64xf32, #tpu.memory_space<vmem_shared>> -> memref<10240x64xf32, #tpu.memory_space<vmem_shared>>
    tpu.enqueue_indirect_dma source(%dma_start3A_74 : memref<10240x64xf32, #tpu.memory_space<vmem_shared>>) target(%dma_start3A_68 : memref<128x64xf32, #tpu.memory_space<vmem>>) offsets(%dma_start3A_71 : memref<128xi32, #tpu.memory_space<vmem>>) semaphore(%arg15 : memref<!tpu.dma_semaphore, #tpu.memory_space<semaphore_mem>>)
    %dma_start3A_75 = arith.constant 1 : i32
    %dma_start3A_76 = arith.constant 1 : i32
    %dma_start3A_77 = arith.constant 0 : i32
    %dma_start3A_78 = arith.constant 0 : i32
    %dma_start3A_79 = tpu.memref_slice %arg12[%dma_start3A_76, %dma_start3A_77, %dma_start3A_78] : memref<5x128x64xf32, #tpu.memory_space<vmem>> -> memref<1x128x64xf32, #tpu.memory_space<vmem>>
    %dma_start3A_80 = tpu.memref_squeeze %dma_start3A_79 : memref<1x128x64xf32, #tpu.memory_space<vmem>> -> memref<128x64xf32, #tpu.memory_space<vmem>>
    %dma_start3A_81 = arith.constant 0 : i32
    %dma_start3A_82 = tpu.memref_slice %arg10[%dma_start3A_75, %dma_start3A_81] : memref<80x128xi32, #tpu.memory_space<vmem>> -> memref<1x128xi32, #tpu.memory_space<vmem>>
    %dma_start3A_83 = tpu.memref_squeeze %dma_start3A_82 : memref<1x128xi32, #tpu.memory_space<vmem>> -> memref<128xi32, #tpu.memory_space<vmem>>
    %dma_start3A_84 = arith.constant 0 : i32
    %dma_start3A_85 = arith.constant 0 : i32
    %dma_start3A_86 = tpu.memref_slice %arg13[%dma_start3A_84, %dma_start3A_85] : memref<10240x64xf32, #tpu.memory_space<vmem_shared>> -> memref<10240x64xf32, #tpu.memory_space<vmem_shared>>
    tpu.enqueue_indirect_dma source(%dma_start3A_86 : memref<10240x64xf32, #tpu.memory_space<vmem_shared>>) target(%dma_start3A_80 : memref<128x64xf32, #tpu.memory_space<vmem>>) offsets(%dma_start3A_83 : memref<128xi32, #tpu.memory_space<vmem>>) semaphore(%arg16 : memref<!tpu.dma_semaphore, #tpu.memory_space<semaphore_mem>>)
    %dma_start3A_87 = arith.constant 2 : i32
    %dma_start3A_88 = arith.constant 2 : i32
    %dma_start3A_89 = arith.constant 0 : i32
    %dma_start3A_90 = arith.constant 0 : i32
    %dma_start3A_91 = tpu.memref_slice %arg12[%dma_start3A_88, %dma_start3A_89, %dma_start3A_90] : memref<5x128x64xf32, #tpu.memory_space<vmem>> -> memref<1x128x64xf32, #tpu.memory_space<vmem>>
    %dma_start3A_92 = tpu.memref_squeeze %dma_start3A_91 : memref<1x128x64xf32, #tpu.memory_space<vmem>> -> memref<128x64xf32, #tpu.memory_space<vmem>>
    %dma_start3A_93 = arith.constant 0 : i32
    %dma_start3A_94 = tpu.memref_slice %arg10[%dma_start3A_87, %dma_start3A_93] : memref<80x128xi32, #tpu.memory_space<vmem>> -> memref<1x128xi32, #tpu.memory_space<vmem>>
    %dma_start3A_95 = tpu.memref_squeeze %dma_start3A_94 : memref<1x128xi32, #tpu.memory_space<vmem>> -> memref<128xi32, #tpu.memory_space<vmem>>
    %dma_start3A_96 = arith.constant 0 : i32
    %dma_start3A_97 = arith.constant 0 : i32
    %dma_start3A_98 = tpu.memref_slice %arg13[%dma_start3A_96, %dma_start3A_97] : memref<10240x64xf32, #tpu.memory_space<vmem_shared>> -> memref<10240x64xf32, #tpu.memory_space<vmem_shared>>
    tpu.enqueue_indirect_dma source(%dma_start3A_98 : memref<10240x64xf32, #tpu.memory_space<vmem_shared>>) target(%dma_start3A_92 : memref<128x64xf32, #tpu.memory_space<vmem>>) offsets(%dma_start3A_95 : memref<128xi32, #tpu.memory_space<vmem>>) semaphore(%arg17 : memref<!tpu.dma_semaphore, #tpu.memory_space<semaphore_mem>>)
    %dma_start3A_99 = arith.constant 3 : i32
    %dma_start3A_100 = arith.constant 3 : i32
    %dma_start3A_101 = arith.constant 0 : i32
    %dma_start3A_102 = arith.constant 0 : i32
    %dma_start3A_103 = tpu.memref_slice %arg12[%dma_start3A_100, %dma_start3A_101, %dma_start3A_102] : memref<5x128x64xf32, #tpu.memory_space<vmem>> -> memref<1x128x64xf32, #tpu.memory_space<vmem>>
    %dma_start3A_104 = tpu.memref_squeeze %dma_start3A_103 : memref<1x128x64xf32, #tpu.memory_space<vmem>> -> memref<128x64xf32, #tpu.memory_space<vmem>>
    %dma_start3A_105 = arith.constant 0 : i32
    %dma_start3A_106 = tpu.memref_slice %arg10[%dma_start3A_99, %dma_start3A_105] : memref<80x128xi32, #tpu.memory_space<vmem>> -> memref<1x128xi32, #tpu.memory_space<vmem>>
    %dma_start3A_107 = tpu.memref_squeeze %dma_start3A_106 : memref<1x128xi32, #tpu.memory_space<vmem>> -> memref<128xi32, #tpu.memory_space<vmem>>
    %dma_start3A_108 = arith.constant 0 : i32
    %dma_start3A_109 = arith.constant 0 : i32
    %dma_start3A_110 = tpu.memref_slice %arg13[%dma_start3A_108, %dma_start3A_109] : memref<10240x64xf32, #tpu.memory_space<vmem_shared>> -> memref<10240x64xf32, #tpu.memory_space<vmem_shared>>
    tpu.enqueue_indirect_dma source(%dma_start3A_110 : memref<10240x64xf32, #tpu.memory_space<vmem_shared>>) target(%dma_start3A_104 : memref<128x64xf32, #tpu.memory_space<vmem>>) offsets(%dma_start3A_107 : memref<128xi32, #tpu.memory_space<vmem>>) semaphore(%arg18 : memref<!tpu.dma_semaphore, #tpu.memory_space<semaphore_mem>>)
    %dma_start3A_111 = arith.constant 4 : i32
    %dma_start3A_112 = arith.constant 4 : i32
    %dma_start3A_113 = arith.constant 0 : i32
    %dma_start3A_114 = arith.constant 0 : i32
    %dma_start3A_115 = tpu.memref_slice %arg12[%dma_start3A_112, %dma_start3A_113, %dma_start3A_114] : memref<5x128x64xf32, #tpu.memory_space<vmem>> -> memref<1x128x64xf32, #tpu.memory_space<vmem>>
    %dma_start3A_116 = tpu.memref_squeeze %dma_start3A_115 : memref<1x128x64xf32, #tpu.memory_space<vmem>> -> memref<128x64xf32, #tpu.memory_space<vmem>>
    %dma_start3A_117 = arith.constant 0 : i32
    %dma_start3A_118 = tpu.memref_slice %arg10[%dma_start3A_111, %dma_start3A_117] : memref<80x128xi32, #tpu.memory_space<vmem>> -> memref<1x128xi32, #tpu.memory_space<vmem>>
    %dma_start3A_119 = tpu.memref_squeeze %dma_start3A_118 : memref<1x128xi32, #tpu.memory_space<vmem>> -> memref<128xi32, #tpu.memory_space<vmem>>
    %dma_start3A_120 = arith.constant 0 : i32
    %dma_start3A_121 = arith.constant 0 : i32
    %dma_start3A_122 = tpu.memref_slice %arg13[%dma_start3A_120, %dma_start3A_121] : memref<10240x64xf32, #tpu.memory_space<vmem_shared>> -> memref<10240x64xf32, #tpu.memory_space<vmem_shared>>
    tpu.enqueue_indirect_dma source(%dma_start3A_122 : memref<10240x64xf32, #tpu.memory_space<vmem_shared>>) target(%dma_start3A_116 : memref<128x64xf32, #tpu.memory_space<vmem>>) offsets(%dma_start3A_119 : memref<128xi32, #tpu.memory_space<vmem>>) semaphore(%arg19 : memref<!tpu.dma_semaphore, #tpu.memory_space<semaphore_mem>>)
    %scan3A = arith.constant 0 : i32
    %scan3A_123 = arith.constant 0 : i32
    %scan3A_124 = arith.constant 16 : i32
    %scan3A_125 = arith.addi %scan3A_123, %scan3A_124 : i32
    %scan3A_126 = arith.constant 1 : i32
    scf.for %scan3A_227 = %scan3A_123 to %scan3A_125 step %scan3A_126  : i32 {
      %mul3A_228 = arith.constant 5 : i32
      %mul3A_229 = arith.muli %scan3A_227, %mul3A_228 : i32
      %add3A_230 = arith.constant 0 : i32
      %add3A_231 = arith.addi %mul3A_229, %add3A_230 : i32
      %dma_wait3A_232 = arith.constant 0 : i32
      %dma_wait3A_233 = arith.constant 0 : i32
      %dma_wait3A_234 = arith.constant 0 : i32
      %dma_wait3A_235 = tpu.memref_slice %arg12[%dma_wait3A_232, %dma_wait3A_233, %dma_wait3A_234] : memref<5x128x64xf32, #tpu.memory_space<vmem>> -> memref<1x128x64xf32, #tpu.memory_space<vmem>>
      %dma_wait3A_236 = tpu.memref_squeeze %dma_wait3A_235 : memref<1x128x64xf32, #tpu.memory_space<vmem>> -> memref<128x64xf32, #tpu.memory_space<vmem>>
      %dma_wait3A_237 = arith.constant 0 : i32
      %dma_wait3A_238 = tpu.memref_slice %arg10[%add3A_231, %dma_wait3A_237] : memref<80x128xi32, #tpu.memory_space<vmem>> -> memref<1x128xi32, #tpu.memory_space<vmem>>
      %dma_wait3A_239 = tpu.memref_squeeze %dma_wait3A_238 : memref<1x128xi32, #tpu.memory_space<vmem>> -> memref<128xi32, #tpu.memory_space<vmem>>
      %dma_wait3A_240 = arith.constant 0 : i32
      %dma_wait3A_241 = arith.constant 0 : i32
      %dma_wait3A_242 = tpu.memref_slice %arg13[%dma_wait3A_240, %dma_wait3A_241] : memref<10240x64xf32, #tpu.memory_space<vmem_shared>> -> memref<10240x64xf32, #tpu.memory_space<vmem_shared>>
      tpu.wait_indirect_dma semaphore(%arg15 : memref<!tpu.dma_semaphore, #tpu.memory_space<semaphore_mem>>) src(%dma_wait3A_242 : memref<10240x64xf32, #tpu.memory_space<vmem_shared>>) dst(%dma_wait3A_236 : memref<128x64xf32, #tpu.memory_space<vmem>>)
      %dma_start3A_243 = arith.constant 0 : i32
      %dma_start3A_244 = arith.constant 0 : i32
      %dma_start3A_245 = arith.constant 0 : i32
      %dma_start3A_246 = tpu.memref_slice %arg12[%dma_start3A_243, %dma_start3A_244, %dma_start3A_245] : memref<5x128x64xf32, #tpu.memory_space<vmem>> -> memref<1x128x64xf32, #tpu.memory_space<vmem>>
      %dma_start3A_247 = tpu.memref_squeeze %dma_start3A_246 : memref<1x128x64xf32, #tpu.memory_space<vmem>> -> memref<128x64xf32, #tpu.memory_space<vmem>>
      %dma_start3A_248 = arith.constant 0 : i32
      %dma_start3A_249 = tpu.memref_slice %arg11[%add3A_231, %dma_start3A_248] : memref<80x128xi32, #tpu.memory_space<vmem>> -> memref<1x128xi32, #tpu.memory_space<vmem>>
      %dma_start3A_250 = tpu.memref_squeeze %dma_start3A_249 : memref<1x128xi32, #tpu.memory_space<vmem>> -> memref<128xi32, #tpu.memory_space<vmem>>
      %dma_start3A_251 = arith.constant 0 : i32
      %dma_start3A_252 = arith.constant 0 : i32
      %dma_start3A_253 = tpu.memref_slice %arg14[%dma_start3A_251, %dma_start3A_252] : memref<5120x64xf32, #tpu.memory_space<vmem_shared>> -> memref<5120x64xf32, #tpu.memory_space<vmem_shared>>
      tpu.enqueue_indirect_dma source(%dma_start3A_247 : memref<128x64xf32, #tpu.memory_space<vmem>>) target(%dma_start3A_253 : memref<5120x64xf32, #tpu.memory_space<vmem_shared>>) offsets(%dma_start3A_250 : memref<128xi32, #tpu.memory_space<vmem>>) semaphore(%arg20 : memref<!tpu.dma_semaphore, #tpu.memory_space<semaphore_mem>>) {add = true}
      %dma_start3A_254 = arith.constant 0 : i32
      %dma_start3A_255 = tpu.memref_slice %arg10[%add3A_231, %dma_start3A_254] : memref<80x128xi32, #tpu.memory_space<vmem>> -> memref<1x128xi32, #tpu.memory_space<vmem>>
      %dma_start3A_256 = tpu.memref_squeeze %dma_start3A_255 : memref<1x128xi32, #tpu.memory_space<vmem>> -> memref<128xi32, #tpu.memory_space<vmem>>
      %dma_start3A_257 = arith.constant 0 : i32
      %dma_start3A_258 = tpu.memref_slice %arg31[%dma_start3A_257] : memref<10240xf32, #tpu.memory_space<vmem_shared>> -> memref<10240xf32, #tpu.memory_space<vmem_shared>>
      tpu.enqueue_indirect_dma source(%arg30 : memref<128xf32, #tpu.memory_space<vmem>>) target(%dma_start3A_258 : memref<10240xf32, #tpu.memory_space<vmem_shared>>) offsets(%dma_start3A_256 : memref<128xi32, #tpu.memory_space<vmem>>) semaphore(%arg25 : memref<!tpu.dma_semaphore, #tpu.memory_space<semaphore_mem>>) {add = true}
      %sub3A = arith.constant 2 : i32
      %sub3A_259 = arith.subi %add3A_231, %sub3A : i32
      %add3A_260 = arith.constant 5 : i32
      %add3A_261 = arith.addi %sub3A_259, %add3A_260 : i32
      %ge3A = arith.constant 0 : i32
      %ge3A_262 = arith.cmpi sge, %sub3A_259, %ge3A : i32
      %lt3A = arith.constant 80 : i32
      %lt3A_263 = arith.cmpi slt, %add3A_261, %lt3A : i32
      %and3A = arith.andi %ge3A_262, %lt3A_263 : i1
      %convert_element_type3A = arith.extui %and3A : i1 to i32
      %cond3A = arith.constant 0 : i32
      %cond3A_264 = arith.cmpi ne, %convert_element_type3A, %cond3A : i32
      scf.if %cond3A_264 {
        %dma_wait3A_437 = arith.constant 3 : i32
        %dma_wait3A_438 = arith.constant 0 : i32
        %dma_wait3A_439 = arith.constant 0 : i32
        %dma_wait3A_440 = tpu.memref_slice %arg12[%dma_wait3A_437, %dma_wait3A_438, %dma_wait3A_439] : memref<5x128x64xf32, #tpu.memory_space<vmem>> -> memref<1x128x64xf32, #tpu.memory_space<vmem>>
        %dma_wait3A_441 = tpu.memref_squeeze %dma_wait3A_440 : memref<1x128x64xf32, #tpu.memory_space<vmem>> -> memref<128x64xf32, #tpu.memory_space<vmem>>
        %dma_wait3A_442 = arith.constant 0 : i32
        %dma_wait3A_443 = tpu.memref_slice %arg11[%sub3A_259, %dma_wait3A_442] : memref<80x128xi32, #tpu.memory_space<vmem>> -> memref<1x128xi32, #tpu.memory_space<vmem>>
        %dma_wait3A_444 = tpu.memref_squeeze %dma_wait3A_443 : memref<1x128xi32, #tpu.memory_space<vmem>> -> memref<128xi32, #tpu.memory_space<vmem>>
        %dma_wait3A_445 = arith.constant 0 : i32
        %dma_wait3A_446 = arith.constant 0 : i32
        %dma_wait3A_447 = tpu.memref_slice %arg14[%dma_wait3A_445, %dma_wait3A_446] : memref<5120x64xf32, #tpu.memory_space<vmem_shared>> -> memref<5120x64xf32, #tpu.memory_space<vmem_shared>>
        tpu.wait_indirect_dma semaphore(%arg23 : memref<!tpu.dma_semaphore, #tpu.memory_space<semaphore_mem>>) src(%dma_wait3A_441 : memref<128x64xf32, #tpu.memory_space<vmem>>) dst(%dma_wait3A_447 : memref<5120x64xf32, #tpu.memory_space<vmem_shared>>)
        %dma_wait3A_448 = arith.constant 0 : i32
        %dma_wait3A_449 = tpu.memref_slice %arg10[%sub3A_259, %dma_wait3A_448] : memref<80x128xi32, #tpu.memory_space<vmem>> -> memref<1x128xi32, #tpu.memory_space<vmem>>
        %dma_wait3A_450 = tpu.memref_squeeze %dma_wait3A_449 : memref<1x128xi32, #tpu.memory_space<vmem>> -> memref<128xi32, #tpu.memory_space<vmem>>
        %dma_wait3A_451 = arith.constant 0 : i32
        %dma_wait3A_452 = tpu.memref_slice %arg31[%dma_wait3A_451] : memref<10240xf32, #tpu.memory_space<vmem_shared>> -> memref<10240xf32, #tpu.memory_space<vmem_shared>>
        tpu.wait_indirect_dma semaphore(%arg28 : memref<!tpu.dma_semaphore, #tpu.memory_space<semaphore_mem>>) src(%arg30 : memref<128xf32, #tpu.memory_space<vmem>>) dst(%dma_wait3A_452 : memref<10240xf32, #tpu.memory_space<vmem_shared>>)
        %dma_start3A_453 = arith.constant 3 : i32
        %dma_start3A_454 = arith.constant 0 : i32
        %dma_start3A_455 = arith.constant 0 : i32
        %dma_start3A_456 = tpu.memref_slice %arg12[%dma_start3A_453, %dma_start3A_454, %dma_start3A_455] : memref<5x128x64xf32, #tpu.memory_space<vmem>> -> memref<1x128x64xf32, #tpu.memory_space<vmem>>
        %dma_start3A_457 = tpu.memref_squeeze %dma_start3A_456 : memref<1x128x64xf32, #tpu.memory_space<vmem>> -> memref<128x64xf32, #tpu.memory_space<vmem>>
        %dma_start3A_458 = arith.constant 0 : i32
        %dma_start3A_459 = tpu.memref_slice %arg10[%add3A_261, %dma_start3A_458] : memref<80x128xi32, #tpu.memory_space<vmem>> -> memref<1x128xi32, #tpu.memory_space<vmem>>
        %dma_start3A_460 = tpu.memref_squeeze %dma_start3A_459 : memref<1x128xi32, #tpu.memory_space<vmem>> -> memref<128xi32, #tpu.memory_space<vmem>>
        %dma_start3A_461 = arith.constant 0 : i32
        %dma_start3A_462 = arith.constant 0 : i32
        %dma_start3A_463 = tpu.memref_slice %arg13[%dma_start3A_461, %dma_start3A_462] : memref<10240x64xf32, #tpu.memory_space<vmem_shared>> -> memref<10240x64xf32, #tpu.memory_space<vmem_shared>>
        tpu.enqueue_indirect_dma source(%dma_start3A_463 : memref<10240x64xf32, #tpu.memory_space<vmem_shared>>) target(%dma_start3A_457 : memref<128x64xf32, #tpu.memory_space<vmem>>) offsets(%dma_start3A_460 : memref<128xi32, #tpu.memory_space<vmem>>) semaphore(%arg18 : memref<!tpu.dma_semaphore, #tpu.memory_space<semaphore_mem>>)
      } else {
      }
      %mul3A_265 = arith.constant 5 : i32
      %mul3A_266 = arith.muli %scan3A_227, %mul3A_265 : i32
      %add3A_267 = arith.constant 1 : i32
      %add3A_268 = arith.addi %mul3A_266, %add3A_267 : i32
      %dma_wait3A_269 = arith.constant 1 : i32
      %dma_wait3A_270 = arith.constant 0 : i32
      %dma_wait3A_271 = arith.constant 0 : i32
      %dma_wait3A_272 = tpu.memref_slice %arg12[%dma_wait3A_269, %dma_wait3A_270, %dma_wait3A_271] : memref<5x128x64xf32, #tpu.memory_space<vmem>> -> memref<1x128x64xf32, #tpu.memory_space<vmem>>
      %dma_wait3A_273 = tpu.memref_squeeze %dma_wait3A_272 : memref<1x128x64xf32, #tpu.memory_space<vmem>> -> memref<128x64xf32, #tpu.memory_space<vmem>>
      %dma_wait3A_274 = arith.constant 0 : i32
      %dma_wait3A_275 = tpu.memref_slice %arg10[%add3A_268, %dma_wait3A_274] : memref<80x128xi32, #tpu.memory_space<vmem>> -> memref<1x128xi32, #tpu.memory_space<vmem>>
      %dma_wait3A_276 = tpu.memref_squeeze %dma_wait3A_275 : memref<1x128xi32, #tpu.memory_space<vmem>> -> memref<128xi32, #tpu.memory_space<vmem>>
      %dma_wait3A_277 = arith.constant 0 : i32
      %dma_wait3A_278 = arith.constant 0 : i32
      %dma_wait3A_279 = tpu.memref_slice %arg13[%dma_wait3A_277, %dma_wait3A_278] : memref<10240x64xf32, #tpu.memory_space<vmem_shared>> -> memref<10240x64xf32, #tpu.memory_space<vmem_shared>>
      tpu.wait_indirect_dma semaphore(%arg16 : memref<!tpu.dma_semaphore, #tpu.memory_space<semaphore_mem>>) src(%dma_wait3A_279 : memref<10240x64xf32, #tpu.memory_space<vmem_shared>>) dst(%dma_wait3A_273 : memref<128x64xf32, #tpu.memory_space<vmem>>)
      %dma_start3A_280 = arith.constant 1 : i32
      %dma_start3A_281 = arith.constant 0 : i32
      %dma_start3A_282 = arith.constant 0 : i32
      %dma_start3A_283 = tpu.memref_slice %arg12[%dma_start3A_280, %dma_start3A_281, %dma_start3A_282] : memref<5x128x64xf32, #tpu.memory_space<vmem>> -> memref<1x128x64xf32, #tpu.memory_space<vmem>>
      %dma_start3A_284 = tpu.memref_squeeze %dma_start3A_283 : memref<1x128x64xf32, #tpu.memory_space<vmem>> -> memref<128x64xf32, #tpu.memory_space<vmem>>
      %dma_start3A_285 = arith.constant 0 : i32
      %dma_start3A_286 = tpu.memref_slice %arg11[%add3A_268, %dma_start3A_285] : memref<80x128xi32, #tpu.memory_space<vmem>> -> memref<1x128xi32, #tpu.memory_space<vmem>>
      %dma_start3A_287 = tpu.memref_squeeze %dma_start3A_286 : memref<1x128xi32, #tpu.memory_space<vmem>> -> memref<128xi32, #tpu.memory_space<vmem>>
      %dma_start3A_288 = arith.constant 0 : i32
      %dma_start3A_289 = arith.constant 0 : i32
      %dma_start3A_290 = tpu.memref_slice %arg14[%dma_start3A_288, %dma_start3A_289] : memref<5120x64xf32, #tpu.memory_space<vmem_shared>> -> memref<5120x64xf32, #tpu.memory_space<vmem_shared>>
      tpu.enqueue_indirect_dma source(%dma_start3A_284 : memref<128x64xf32, #tpu.memory_space<vmem>>) target(%dma_start3A_290 : memref<5120x64xf32, #tpu.memory_space<vmem_shared>>) offsets(%dma_start3A_287 : memref<128xi32, #tpu.memory_space<vmem>>) semaphore(%arg21 : memref<!tpu.dma_semaphore, #tpu.memory_space<semaphore_mem>>) {add = true}
      %dma_start3A_291 = arith.constant 0 : i32
      %dma_start3A_292 = tpu.memref_slice %arg10[%add3A_268, %dma_start3A_291] : memref<80x128xi32, #tpu.memory_space<vmem>> -> memref<1x128xi32, #tpu.memory_space<vmem>>
      %dma_start3A_293 = tpu.memref_squeeze %dma_start3A_292 : memref<1x128xi32, #tpu.memory_space<vmem>> -> memref<128xi32, #tpu.memory_space<vmem>>
      %dma_start3A_294 = arith.constant 0 : i32
      %dma_start3A_295 = tpu.memref_slice %arg31[%dma_start3A_294] : memref<10240xf32, #tpu.memory_space<vmem_shared>> -> memref<10240xf32, #tpu.memory_space<vmem_shared>>
      tpu.enqueue_indirect_dma source(%arg30 : memref<128xf32, #tpu.memory_space<vmem>>) target(%dma_start3A_295 : memref<10240xf32, #tpu.memory_space<vmem_shared>>) offsets(%dma_start3A_293 : memref<128xi32, #tpu.memory_space<vmem>>) semaphore(%arg26 : memref<!tpu.dma_semaphore, #tpu.memory_space<semaphore_mem>>) {add = true}
      %sub3A_296 = arith.constant 2 : i32
      %sub3A_297 = arith.subi %add3A_268, %sub3A_296 : i32
      %add3A_298 = arith.constant 5 : i32
      %add3A_299 = arith.addi %sub3A_297, %add3A_298 : i32
      %ge3A_300 = arith.constant 0 : i32
      %ge3A_301 = arith.cmpi sge, %sub3A_297, %ge3A_300 : i32
      %lt3A_302 = arith.constant 80 : i32
      %lt3A_303 = arith.cmpi slt, %add3A_299, %lt3A_302 : i32
      %and3A_304 = arith.andi %ge3A_301, %lt3A_303 : i1
      %convert_element_type3A_305 = arith.extui %and3A_304 : i1 to i32
      %cond3A_306 = arith.constant 0 : i32
      %cond3A_307 = arith.cmpi ne, %convert_element_type3A_305, %cond3A_306 : i32
      scf.if %cond3A_307 {
        %dma_wait3A_437 = arith.constant 4 : i32
        %dma_wait3A_438 = arith.constant 0 : i32
        %dma_wait3A_439 = arith.constant 0 : i32
        %dma_wait3A_440 = tpu.memref_slice %arg12[%dma_wait3A_437, %dma_wait3A_438, %dma_wait3A_439] : memref<5x128x64xf32, #tpu.memory_space<vmem>> -> memref<1x128x64xf32, #tpu.memory_space<vmem>>
        %dma_wait3A_441 = tpu.memref_squeeze %dma_wait3A_440 : memref<1x128x64xf32, #tpu.memory_space<vmem>> -> memref<128x64xf32, #tpu.memory_space<vmem>>
        %dma_wait3A_442 = arith.constant 0 : i32
        %dma_wait3A_443 = tpu.memref_slice %arg11[%sub3A_297, %dma_wait3A_442] : memref<80x128xi32, #tpu.memory_space<vmem>> -> memref<1x128xi32, #tpu.memory_space<vmem>>
        %dma_wait3A_444 = tpu.memref_squeeze %dma_wait3A_443 : memref<1x128xi32, #tpu.memory_space<vmem>> -> memref<128xi32, #tpu.memory_space<vmem>>
        %dma_wait3A_445 = arith.constant 0 : i32
        %dma_wait3A_446 = arith.constant 0 : i32
        %dma_wait3A_447 = tpu.memref_slice %arg14[%dma_wait3A_445, %dma_wait3A_446] : memref<5120x64xf32, #tpu.memory_space<vmem_shared>> -> memref<5120x64xf32, #tpu.memory_space<vmem_shared>>
        tpu.wait_indirect_dma semaphore(%arg24 : memref<!tpu.dma_semaphore, #tpu.memory_space<semaphore_mem>>) src(%dma_wait3A_441 : memref<128x64xf32, #tpu.memory_space<vmem>>) dst(%dma_wait3A_447 : memref<5120x64xf32, #tpu.memory_space<vmem_shared>>)
        %dma_wait3A_448 = arith.constant 0 : i32
        %dma_wait3A_449 = tpu.memref_slice %arg10[%sub3A_297, %dma_wait3A_448] : memref<80x128xi32, #tpu.memory_space<vmem>> -> memref<1x128xi32, #tpu.memory_space<vmem>>
        %dma_wait3A_450 = tpu.memref_squeeze %dma_wait3A_449 : memref<1x128xi32, #tpu.memory_space<vmem>> -> memref<128xi32, #tpu.memory_space<vmem>>
        %dma_wait3A_451 = arith.constant 0 : i32
        %dma_wait3A_452 = tpu.memref_slice %arg31[%dma_wait3A_451] : memref<10240xf32, #tpu.memory_space<vmem_shared>> -> memref<10240xf32, #tpu.memory_space<vmem_shared>>
        tpu.wait_indirect_dma semaphore(%arg29 : memref<!tpu.dma_semaphore, #tpu.memory_space<semaphore_mem>>) src(%arg30 : memref<128xf32, #tpu.memory_space<vmem>>) dst(%dma_wait3A_452 : memref<10240xf32, #tpu.memory_space<vmem_shared>>)
        %dma_start3A_453 = arith.constant 4 : i32
        %dma_start3A_454 = arith.constant 0 : i32
        %dma_start3A_455 = arith.constant 0 : i32
        %dma_start3A_456 = tpu.memref_slice %arg12[%dma_start3A_453, %dma_start3A_454, %dma_start3A_455] : memref<5x128x64xf32, #tpu.memory_space<vmem>> -> memref<1x128x64xf32, #tpu.memory_space<vmem>>
        %dma_start3A_457 = tpu.memref_squeeze %dma_start3A_456 : memref<1x128x64xf32, #tpu.memory_space<vmem>> -> memref<128x64xf32, #tpu.memory_space<vmem>>
        %dma_start3A_458 = arith.constant 0 : i32
        %dma_start3A_459 = tpu.memref_slice %arg10[%add3A_299, %dma_start3A_458] : memref<80x128xi32, #tpu.memory_space<vmem>> -> memref<1x128xi32, #tpu.memory_space<vmem>>
        %dma_start3A_460 = tpu.memref_squeeze %dma_start3A_459 : memref<1x128xi32, #tpu.memory_space<vmem>> -> memref<128xi32, #tpu.memory_space<vmem>>
        %dma_start3A_461 = arith.constant 0 : i32
        %dma_start3A_462 = arith.constant 0 : i32
        %dma_start3A_463 = tpu.memref_slice %arg13[%dma_start3A_461, %dma_start3A_462] : memref<10240x64xf32, #tpu.memory_space<vmem_shared>> -> memref<10240x64xf32, #tpu.memory_space<vmem_shared>>
        tpu.enqueue_indirect_dma source(%dma_start3A_463 : memref<10240x64xf32, #tpu.memory_space<vmem_shared>>) target(%dma_start3A_457 : memref<128x64xf32, #tpu.memory_space<vmem>>) offsets(%dma_start3A_460 : memref<128xi32, #tpu.memory_space<vmem>>) semaphore(%arg19 : memref<!tpu.dma_semaphore, #tpu.memory_space<semaphore_mem>>)
      } else {
      }
      %mul3A_308 = arith.constant 5 : i32
      %mul3A_309 = arith.muli %scan3A_227, %mul3A_308 : i32
      %add3A_310 = arith.constant 2 : i32
      %add3A_311 = arith.addi %mul3A_309, %add3A_310 : i32
      %dma_wait3A_312 = arith.constant 2 : i32
      %dma_wait3A_313 = arith.constant 0 : i32
      %dma_wait3A_314 = arith.constant 0 : i32
      %dma_wait3A_315 = tpu.memref_slice %arg12[%dma_wait3A_312, %dma_wait3A_313, %dma_wait3A_314] : memref<5x128x64xf32, #tpu.memory_space<vmem>> -> memref<1x128x64xf32, #tpu.memory_space<vmem>>
      %dma_wait3A_316 = tpu.memref_squeeze %dma_wait3A_315 : memref<1x128x64xf32, #tpu.memory_space<vmem>> -> memref<128x64xf32, #tpu.memory_space<vmem>>
      %dma_wait3A_317 = arith.constant 0 : i32
      %dma_wait3A_318 = tpu.memref_slice %arg10[%add3A_311, %dma_wait3A_317] : memref<80x128xi32, #tpu.memory_space<vmem>> -> memref<1x128xi32, #tpu.memory_space<vmem>>
      %dma_wait3A_319 = tpu.memref_squeeze %dma_wait3A_318 : memref<1x128xi32, #tpu.memory_space<vmem>> -> memref<128xi32, #tpu.memory_space<vmem>>
      %dma_wait3A_320 = arith.constant 0 : i32
      %dma_wait3A_321 = arith.constant 0 : i32
      %dma_wait3A_322 = tpu.memref_slice %arg13[%dma_wait3A_320, %dma_wait3A_321] : memref<10240x64xf32, #tpu.memory_space<vmem_shared>> -> memref<10240x64xf32, #tpu.memory_space<vmem_shared>>
      tpu.wait_indirect_dma semaphore(%arg17 : memref<!tpu.dma_semaphore, #tpu.memory_space<semaphore_mem>>) src(%dma_wait3A_322 : memref<10240x64xf32, #tpu.memory_space<vmem_shared>>) dst(%dma_wait3A_316 : memref<128x64xf32, #tpu.memory_space<vmem>>)
      %dma_start3A_323 = arith.constant 2 : i32
      %dma_start3A_324 = arith.constant 0 : i32
      %dma_start3A_325 = arith.constant 0 : i32
      %dma_start3A_326 = tpu.memref_slice %arg12[%dma_start3A_323, %dma_start3A_324, %dma_start3A_325] : memref<5x128x64xf32, #tpu.memory_space<vmem>> -> memref<1x128x64xf32, #tpu.memory_space<vmem>>
      %dma_start3A_327 = tpu.memref_squeeze %dma_start3A_326 : memref<1x128x64xf32, #tpu.memory_space<vmem>> -> memref<128x64xf32, #tpu.memory_space<vmem>>
      %dma_start3A_328 = arith.constant 0 : i32
      %dma_start3A_329 = tpu.memref_slice %arg11[%add3A_311, %dma_start3A_328] : memref<80x128xi32, #tpu.memory_space<vmem>> -> memref<1x128xi32, #tpu.memory_space<vmem>>
      %dma_start3A_330 = tpu.memref_squeeze %dma_start3A_329 : memref<1x128xi32, #tpu.memory_space<vmem>> -> memref<128xi32, #tpu.memory_space<vmem>>
      %dma_start3A_331 = arith.constant 0 : i32
      %dma_start3A_332 = arith.constant 0 : i32
      %dma_start3A_333 = tpu.memref_slice %arg14[%dma_start3A_331, %dma_start3A_332] : memref<5120x64xf32, #tpu.memory_space<vmem_shared>> -> memref<5120x64xf32, #tpu.memory_space<vmem_shared>>
      tpu.enqueue_indirect_dma source(%dma_start3A_327 : memref<128x64xf32, #tpu.memory_space<vmem>>) target(%dma_start3A_333 : memref<5120x64xf32, #tpu.memory_space<vmem_shared>>) offsets(%dma_start3A_330 : memref<128xi32, #tpu.memory_space<vmem>>) semaphore(%arg22 : memref<!tpu.dma_semaphore, #tpu.memory_space<semaphore_mem>>) {add = true}
      %dma_start3A_334 = arith.constant 0 : i32
      %dma_start3A_335 = tpu.memref_slice %arg10[%add3A_311, %dma_start3A_334] : memref<80x128xi32, #tpu.memory_space<vmem>> -> memref<1x128xi32, #tpu.memory_space<vmem>>
      %dma_start3A_336 = tpu.memref_squeeze %dma_start3A_335 : memref<1x128xi32, #tpu.memory_space<vmem>> -> memref<128xi32, #tpu.memory_space<vmem>>
      %dma_start3A_337 = arith.constant 0 : i32
      %dma_start3A_338 = tpu.memref_slice %arg31[%dma_start3A_337] : memref<10240xf32, #tpu.memory_space<vmem_shared>> -> memref<10240xf32, #tpu.memory_space<vmem_shared>>
      tpu.enqueue_indirect_dma source(%arg30 : memref<128xf32, #tpu.memory_space<vmem>>) target(%dma_start3A_338 : memref<10240xf32, #tpu.memory_space<vmem_shared>>) offsets(%dma_start3A_336 : memref<128xi32, #tpu.memory_space<vmem>>) semaphore(%arg27 : memref<!tpu.dma_semaphore, #tpu.memory_space<semaphore_mem>>) {add = true}
      %sub3A_339 = arith.constant 2 : i32
      %sub3A_340 = arith.subi %add3A_311, %sub3A_339 : i32
      %add3A_341 = arith.constant 5 : i32
      %add3A_342 = arith.addi %sub3A_340, %add3A_341 : i32
      %ge3A_343 = arith.constant 0 : i32
      %ge3A_344 = arith.cmpi sge, %sub3A_340, %ge3A_343 : i32
      %lt3A_345 = arith.constant 80 : i32
      %lt3A_346 = arith.cmpi slt, %add3A_342, %lt3A_345 : i32
      %and3A_347 = arith.andi %ge3A_344, %lt3A_346 : i1
      %convert_element_type3A_348 = arith.extui %and3A_347 : i1 to i32
      %cond3A_349 = arith.constant 0 : i32
      %cond3A_350 = arith.cmpi ne, %convert_element_type3A_348, %cond3A_349 : i32
      scf.if %cond3A_350 {
        %dma_wait3A_437 = arith.constant 0 : i32
        %dma_wait3A_438 = arith.constant 0 : i32
        %dma_wait3A_439 = arith.constant 0 : i32
        %dma_wait3A_440 = tpu.memref_slice %arg12[%dma_wait3A_437, %dma_wait3A_438, %dma_wait3A_439] : memref<5x128x64xf32, #tpu.memory_space<vmem>> -> memref<1x128x64xf32, #tpu.memory_space<vmem>>
        %dma_wait3A_441 = tpu.memref_squeeze %dma_wait3A_440 : memref<1x128x64xf32, #tpu.memory_space<vmem>> -> memref<128x64xf32, #tpu.memory_space<vmem>>
        %dma_wait3A_442 = arith.constant 0 : i32
        %dma_wait3A_443 = tpu.memref_slice %arg11[%sub3A_340, %dma_wait3A_442] : memref<80x128xi32, #tpu.memory_space<vmem>> -> memref<1x128xi32, #tpu.memory_space<vmem>>
        %dma_wait3A_444 = tpu.memref_squeeze %dma_wait3A_443 : memref<1x128xi32, #tpu.memory_space<vmem>> -> memref<128xi32, #tpu.memory_space<vmem>>
        %dma_wait3A_445 = arith.constant 0 : i32
        %dma_wait3A_446 = arith.constant 0 : i32
        %dma_wait3A_447 = tpu.memref_slice %arg14[%dma_wait3A_445, %dma_wait3A_446] : memref<5120x64xf32, #tpu.memory_space<vmem_shared>> -> memref<5120x64xf32, #tpu.memory_space<vmem_shared>>
        tpu.wait_indirect_dma semaphore(%arg20 : memref<!tpu.dma_semaphore, #tpu.memory_space<semaphore_mem>>) src(%dma_wait3A_441 : memref<128x64xf32, #tpu.memory_space<vmem>>) dst(%dma_wait3A_447 : memref<5120x64xf32, #tpu.memory_space<vmem_shared>>)
        %dma_wait3A_448 = arith.constant 0 : i32
        %dma_wait3A_449 = tpu.memref_slice %arg10[%sub3A_340, %dma_wait3A_448] : memref<80x128xi32, #tpu.memory_space<vmem>> -> memref<1x128xi32, #tpu.memory_space<vmem>>
        %dma_wait3A_450 = tpu.memref_squeeze %dma_wait3A_449 : memref<1x128xi32, #tpu.memory_space<vmem>> -> memref<128xi32, #tpu.memory_space<vmem>>
        %dma_wait3A_451 = arith.constant 0 : i32
        %dma_wait3A_452 = tpu.memref_slice %arg31[%dma_wait3A_451] : memref<10240xf32, #tpu.memory_space<vmem_shared>> -> memref<10240xf32, #tpu.memory_space<vmem_shared>>
        tpu.wait_indirect_dma semaphore(%arg25 : memref<!tpu.dma_semaphore, #tpu.memory_space<semaphore_mem>>) src(%arg30 : memref<128xf32, #tpu.memory_space<vmem>>) dst(%dma_wait3A_452 : memref<10240xf32, #tpu.memory_space<vmem_shared>>)
        %dma_start3A_453 = arith.constant 0 : i32
        %dma_start3A_454 = arith.constant 0 : i32
        %dma_start3A_455 = arith.constant 0 : i32
        %dma_start3A_456 = tpu.memref_slice %arg12[%dma_start3A_453, %dma_start3A_454, %dma_start3A_455] : memref<5x128x64xf32, #tpu.memory_space<vmem>> -> memref<1x128x64xf32, #tpu.memory_space<vmem>>
        %dma_start3A_457 = tpu.memref_squeeze %dma_start3A_456 : memref<1x128x64xf32, #tpu.memory_space<vmem>> -> memref<128x64xf32, #tpu.memory_space<vmem>>
        %dma_start3A_458 = arith.constant 0 : i32
        %dma_start3A_459 = tpu.memref_slice %arg10[%add3A_342, %dma_start3A_458] : memref<80x128xi32, #tpu.memory_space<vmem>> -> memref<1x128xi32, #tpu.memory_space<vmem>>
        %dma_start3A_460 = tpu.memref_squeeze %dma_start3A_459 : memref<1x128xi32, #tpu.memory_space<vmem>> -> memref<128xi32, #tpu.memory_space<vmem>>
        %dma_start3A_461 = arith.constant 0 : i32
        %dma_start3A_462 = arith.constant 0 : i32
        %dma_start3A_463 = tpu.memref_slice %arg13[%dma_start3A_461, %dma_start3A_462] : memref<10240x64xf32, #tpu.memory_space<vmem_shared>> -> memref<10240x64xf32, #tpu.memory_space<vmem_shared>>
        tpu.enqueue_indirect_dma source(%dma_start3A_463 : memref<10240x64xf32, #tpu.memory_space<vmem_shared>>) target(%dma_start3A_457 : memref<128x64xf32, #tpu.memory_space<vmem>>) offsets(%dma_start3A_460 : memref<128xi32, #tpu.memory_space<vmem>>) semaphore(%arg15 : memref<!tpu.dma_semaphore, #tpu.memory_space<semaphore_mem>>)
      } else {
      }
      %mul3A_351 = arith.constant 5 : i32
      %mul3A_352 = arith.muli %scan3A_227, %mul3A_351 : i32
      %add3A_353 = arith.constant 3 : i32
      %add3A_354 = arith.addi %mul3A_352, %add3A_353 : i32
      %dma_wait3A_355 = arith.constant 3 : i32
      %dma_wait3A_356 = arith.constant 0 : i32
      %dma_wait3A_357 = arith.constant 0 : i32
      %dma_wait3A_358 = tpu.memref_slice %arg12[%dma_wait3A_355, %dma_wait3A_356, %dma_wait3A_357] : memref<5x128x64xf32, #tpu.memory_space<vmem>> -> memref<1x128x64xf32, #tpu.memory_space<vmem>>
      %dma_wait3A_359 = tpu.memref_squeeze %dma_wait3A_358 : memref<1x128x64xf32, #tpu.memory_space<vmem>> -> memref<128x64xf32, #tpu.memory_space<vmem>>
      %dma_wait3A_360 = arith.constant 0 : i32
      %dma_wait3A_361 = tpu.memref_slice %arg10[%add3A_354, %dma_wait3A_360] : memref<80x128xi32, #tpu.memory_space<vmem>> -> memref<1x128xi32, #tpu.memory_space<vmem>>
      %dma_wait3A_362 = tpu.memref_squeeze %dma_wait3A_361 : memref<1x128xi32, #tpu.memory_space<vmem>> -> memref<128xi32, #tpu.memory_space<vmem>>
      %dma_wait3A_363 = arith.constant 0 : i32
      %dma_wait3A_364 = arith.constant 0 : i32
      %dma_wait3A_365 = tpu.memref_slice %arg13[%dma_wait3A_363, %dma_wait3A_364] : memref<10240x64xf32, #tpu.memory_space<vmem_shared>> -> memref<10240x64xf32, #tpu.memory_space<vmem_shared>>
      tpu.wait_indirect_dma semaphore(%arg18 : memref<!tpu.dma_semaphore, #tpu.memory_space<semaphore_mem>>) src(%dma_wait3A_365 : memref<10240x64xf32, #tpu.memory_space<vmem_shared>>) dst(%dma_wait3A_359 : memref<128x64xf32, #tpu.memory_space<vmem>>)
      %dma_start3A_366 = arith.constant 3 : i32
      %dma_start3A_367 = arith.constant 0 : i32
      %dma_start3A_368 = arith.constant 0 : i32
      %dma_start3A_369 = tpu.memref_slice %arg12[%dma_start3A_366, %dma_start3A_367, %dma_start3A_368] : memref<5x128x64xf32, #tpu.memory_space<vmem>> -> memref<1x128x64xf32, #tpu.memory_space<vmem>>
      %dma_start3A_370 = tpu.memref_squeeze %dma_start3A_369 : memref<1x128x64xf32, #tpu.memory_space<vmem>> -> memref<128x64xf32, #tpu.memory_space<vmem>>
      %dma_start3A_371 = arith.constant 0 : i32
      %dma_start3A_372 = tpu.memref_slice %arg11[%add3A_354, %dma_start3A_371] : memref<80x128xi32, #tpu.memory_space<vmem>> -> memref<1x128xi32, #tpu.memory_space<vmem>>
      %dma_start3A_373 = tpu.memref_squeeze %dma_start3A_372 : memref<1x128xi32, #tpu.memory_space<vmem>> -> memref<128xi32, #tpu.memory_space<vmem>>
      %dma_start3A_374 = arith.constant 0 : i32
      %dma_start3A_375 = arith.constant 0 : i32
      %dma_start3A_376 = tpu.memref_slice %arg14[%dma_start3A_374, %dma_start3A_375] : memref<5120x64xf32, #tpu.memory_space<vmem_shared>> -> memref<5120x64xf32, #tpu.memory_space<vmem_shared>>
      tpu.enqueue_indirect_dma source(%dma_start3A_370 : memref<128x64xf32, #tpu.memory_space<vmem>>) target(%dma_start3A_376 : memref<5120x64xf32, #tpu.memory_space<vmem_shared>>) offsets(%dma_start3A_373 : memref<128xi32, #tpu.memory_space<vmem>>) semaphore(%arg23 : memref<!tpu.dma_semaphore, #tpu.memory_space<semaphore_mem>>) {add = true}
      %dma_start3A_377 = arith.constant 0 : i32
      %dma_start3A_378 = tpu.memref_slice %arg10[%add3A_354, %dma_start3A_377] : memref<80x128xi32, #tpu.memory_space<vmem>> -> memref<1x128xi32, #tpu.memory_space<vmem>>
      %dma_start3A_379 = tpu.memref_squeeze %dma_start3A_378 : memref<1x128xi32, #tpu.memory_space<vmem>> -> memref<128xi32, #tpu.memory_space<vmem>>
      %dma_start3A_380 = arith.constant 0 : i32
      %dma_start3A_381 = tpu.memref_slice %arg31[%dma_start3A_380] : memref<10240xf32, #tpu.memory_space<vmem_shared>> -> memref<10240xf32, #tpu.memory_space<vmem_shared>>
      tpu.enqueue_indirect_dma source(%arg30 : memref<128xf32, #tpu.memory_space<vmem>>) target(%dma_start3A_381 : memref<10240xf32, #tpu.memory_space<vmem_shared>>) offsets(%dma_start3A_379 : memref<128xi32, #tpu.memory_space<vmem>>) semaphore(%arg28 : memref<!tpu.dma_semaphore, #tpu.memory_space<semaphore_mem>>) {add = true}
      %sub3A_382 = arith.constant 2 : i32
      %sub3A_383 = arith.subi %add3A_354, %sub3A_382 : i32
      %add3A_384 = arith.constant 5 : i32
      %add3A_385 = arith.addi %sub3A_383, %add3A_384 : i32
      %ge3A_386 = arith.constant 0 : i32
      %ge3A_387 = arith.cmpi sge, %sub3A_383, %ge3A_386 : i32
      %lt3A_388 = arith.constant 80 : i32
      %lt3A_389 = arith.cmpi slt, %add3A_385, %lt3A_388 : i32
      %and3A_390 = arith.andi %ge3A_387, %lt3A_389 : i1
      %convert_element_type3A_391 = arith.extui %and3A_390 : i1 to i32
      %cond3A_392 = arith.constant 0 : i32
      %cond3A_393 = arith.cmpi ne, %convert_element_type3A_391, %cond3A_392 : i32
      scf.if %cond3A_393 {
        %dma_wait3A_437 = arith.constant 1 : i32
        %dma_wait3A_438 = arith.constant 0 : i32
        %dma_wait3A_439 = arith.constant 0 : i32
        %dma_wait3A_440 = tpu.memref_slice %arg12[%dma_wait3A_437, %dma_wait3A_438, %dma_wait3A_439] : memref<5x128x64xf32, #tpu.memory_space<vmem>> -> memref<1x128x64xf32, #tpu.memory_space<vmem>>
        %dma_wait3A_441 = tpu.memref_squeeze %dma_wait3A_440 : memref<1x128x64xf32, #tpu.memory_space<vmem>> -> memref<128x64xf32, #tpu.memory_space<vmem>>
        %dma_wait3A_442 = arith.constant 0 : i32
        %dma_wait3A_443 = tpu.memref_slice %arg11[%sub3A_383, %dma_wait3A_442] : memref<80x128xi32, #tpu.memory_space<vmem>> -> memref<1x128xi32, #tpu.memory_space<vmem>>
        %dma_wait3A_444 = tpu.memref_squeeze %dma_wait3A_443 : memref<1x128xi32, #tpu.memory_space<vmem>> -> memref<128xi32, #tpu.memory_space<vmem>>
        %dma_wait3A_445 = arith.constant 0 : i32
        %dma_wait3A_446 = arith.constant 0 : i32
        %dma_wait3A_447 = tpu.memref_slice %arg14[%dma_wait3A_445, %dma_wait3A_446] : memref<5120x64xf32, #tpu.memory_space<vmem_shared>> -> memref<5120x64xf32, #tpu.memory_space<vmem_shared>>
        tpu.wait_indirect_dma semaphore(%arg21 : memref<!tpu.dma_semaphore, #tpu.memory_space<semaphore_mem>>) src(%dma_wait3A_441 : memref<128x64xf32, #tpu.memory_space<vmem>>) dst(%dma_wait3A_447 : memref<5120x64xf32, #tpu.memory_space<vmem_shared>>)
        %dma_wait3A_448 = arith.constant 0 : i32
        %dma_wait3A_449 = tpu.memref_slice %arg10[%sub3A_383, %dma_wait3A_448] : memref<80x128xi32, #tpu.memory_space<vmem>> -> memref<1x128xi32, #tpu.memory_space<vmem>>
        %dma_wait3A_450 = tpu.memref_squeeze %dma_wait3A_449 : memref<1x128xi32, #tpu.memory_space<vmem>> -> memref<128xi32, #tpu.memory_space<vmem>>
        %dma_wait3A_451 = arith.constant 0 : i32
        %dma_wait3A_452 = tpu.memref_slice %arg31[%dma_wait3A_451] : memref<10240xf32, #tpu.memory_space<vmem_shared>> -> memref<10240xf32, #tpu.memory_space<vmem_shared>>
        tpu.wait_indirect_dma semaphore(%arg26 : memref<!tpu.dma_semaphore, #tpu.memory_space<semaphore_mem>>) src(%arg30 : memref<128xf32, #tpu.memory_space<vmem>>) dst(%dma_wait3A_452 : memref<10240xf32, #tpu.memory_space<vmem_shared>>)
        %dma_start3A_453 = arith.constant 1 : i32
        %dma_start3A_454 = arith.constant 0 : i32
        %dma_start3A_455 = arith.constant 0 : i32
        %dma_start3A_456 = tpu.memref_slice %arg12[%dma_start3A_453, %dma_start3A_454, %dma_start3A_455] : memref<5x128x64xf32, #tpu.memory_space<vmem>> -> memref<1x128x64xf32, #tpu.memory_space<vmem>>
        %dma_start3A_457 = tpu.memref_squeeze %dma_start3A_456 : memref<1x128x64xf32, #tpu.memory_space<vmem>> -> memref<128x64xf32, #tpu.memory_space<vmem>>
        %dma_start3A_458 = arith.constant 0 : i32
        %dma_start3A_459 = tpu.memref_slice %arg10[%add3A_385, %dma_start3A_458] : memref<80x128xi32, #tpu.memory_space<vmem>> -> memref<1x128xi32, #tpu.memory_space<vmem>>
        %dma_start3A_460 = tpu.memref_squeeze %dma_start3A_459 : memref<1x128xi32, #tpu.memory_space<vmem>> -> memref<128xi32, #tpu.memory_space<vmem>>
        %dma_start3A_461 = arith.constant 0 : i32
        %dma_start3A_462 = arith.constant 0 : i32
        %dma_start3A_463 = tpu.memref_slice %arg13[%dma_start3A_461, %dma_start3A_462] : memref<10240x64xf32, #tpu.memory_space<vmem_shared>> -> memref<10240x64xf32, #tpu.memory_space<vmem_shared>>
        tpu.enqueue_indirect_dma source(%dma_start3A_463 : memref<10240x64xf32, #tpu.memory_space<vmem_shared>>) target(%dma_start3A_457 : memref<128x64xf32, #tpu.memory_space<vmem>>) offsets(%dma_start3A_460 : memref<128xi32, #tpu.memory_space<vmem>>) semaphore(%arg16 : memref<!tpu.dma_semaphore, #tpu.memory_space<semaphore_mem>>)
      } else {
      }
      %mul3A_394 = arith.constant 5 : i32
      %mul3A_395 = arith.muli %scan3A_227, %mul3A_394 : i32
      %add3A_396 = arith.constant 4 : i32
      %add3A_397 = arith.addi %mul3A_395, %add3A_396 : i32
      %dma_wait3A_398 = arith.constant 4 : i32
      %dma_wait3A_399 = arith.constant 0 : i32
      %dma_wait3A_400 = arith.constant 0 : i32
      %dma_wait3A_401 = tpu.memref_slice %arg12[%dma_wait3A_398, %dma_wait3A_399, %dma_wait3A_400] : memref<5x128x64xf32, #tpu.memory_space<vmem>> -> memref<1x128x64xf32, #tpu.memory_space<vmem>>
      %dma_wait3A_402 = tpu.memref_squeeze %dma_wait3A_401 : memref<1x128x64xf32, #tpu.memory_space<vmem>> -> memref<128x64xf32, #tpu.memory_space<vmem>>
      %dma_wait3A_403 = arith.constant 0 : i32
      %dma_wait3A_404 = tpu.memref_slice %arg10[%add3A_397, %dma_wait3A_403] : memref<80x128xi32, #tpu.memory_space<vmem>> -> memref<1x128xi32, #tpu.memory_space<vmem>>
      %dma_wait3A_405 = tpu.memref_squeeze %dma_wait3A_404 : memref<1x128xi32, #tpu.memory_space<vmem>> -> memref<128xi32, #tpu.memory_space<vmem>>
      %dma_wait3A_406 = arith.constant 0 : i32
      %dma_wait3A_407 = arith.constant 0 : i32
      %dma_wait3A_408 = tpu.memref_slice %arg13[%dma_wait3A_406, %dma_wait3A_407] : memref<10240x64xf32, #tpu.memory_space<vmem_shared>> -> memref<10240x64xf32, #tpu.memory_space<vmem_shared>>
      tpu.wait_indirect_dma semaphore(%arg19 : memref<!tpu.dma_semaphore, #tpu.memory_space<semaphore_mem>>) src(%dma_wait3A_408 : memref<10240x64xf32, #tpu.memory_space<vmem_shared>>) dst(%dma_wait3A_402 : memref<128x64xf32, #tpu.memory_space<vmem>>)
      %dma_start3A_409 = arith.constant 4 : i32
      %dma_start3A_410 = arith.constant 0 : i32
      %dma_start3A_411 = arith.constant 0 : i32
      %dma_start3A_412 = tpu.memref_slice %arg12[%dma_start3A_409, %dma_start3A_410, %dma_start3A_411] : memref<5x128x64xf32, #tpu.memory_space<vmem>> -> memref<1x128x64xf32, #tpu.memory_space<vmem>>
      %dma_start3A_413 = tpu.memref_squeeze %dma_start3A_412 : memref<1x128x64xf32, #tpu.memory_space<vmem>> -> memref<128x64xf32, #tpu.memory_space<vmem>>
      %dma_start3A_414 = arith.constant 0 : i32
      %dma_start3A_415 = tpu.memref_slice %arg11[%add3A_397, %dma_start3A_414] : memref<80x128xi32, #tpu.memory_space<vmem>> -> memref<1x128xi32, #tpu.memory_space<vmem>>
      %dma_start3A_416 = tpu.memref_squeeze %dma_start3A_415 : memref<1x128xi32, #tpu.memory_space<vmem>> -> memref<128xi32, #tpu.memory_space<vmem>>
      %dma_start3A_417 = arith.constant 0 : i32
      %dma_start3A_418 = arith.constant 0 : i32
      %dma_start3A_419 = tpu.memref_slice %arg14[%dma_start3A_417, %dma_start3A_418] : memref<5120x64xf32, #tpu.memory_space<vmem_shared>> -> memref<5120x64xf32, #tpu.memory_space<vmem_shared>>
      tpu.enqueue_indirect_dma source(%dma_start3A_413 : memref<128x64xf32, #tpu.memory_space<vmem>>) target(%dma_start3A_419 : memref<5120x64xf32, #tpu.memory_space<vmem_shared>>) offsets(%dma_start3A_416 : memref<128xi32, #tpu.memory_space<vmem>>) semaphore(%arg24 : memref<!tpu.dma_semaphore, #tpu.memory_space<semaphore_mem>>) {add = true}
      %dma_start3A_420 = arith.constant 0 : i32
      %dma_start3A_421 = tpu.memref_slice %arg10[%add3A_397, %dma_start3A_420] : memref<80x128xi32, #tpu.memory_space<vmem>> -> memref<1x128xi32, #tpu.memory_space<vmem>>
      %dma_start3A_422 = tpu.memref_squeeze %dma_start3A_421 : memref<1x128xi32, #tpu.memory_space<vmem>> -> memref<128xi32, #tpu.memory_space<vmem>>
      %dma_start3A_423 = arith.constant 0 : i32
      %dma_start3A_424 = tpu.memref_slice %arg31[%dma_start3A_423] : memref<10240xf32, #tpu.memory_space<vmem_shared>> -> memref<10240xf32, #tpu.memory_space<vmem_shared>>
      tpu.enqueue_indirect_dma source(%arg30 : memref<128xf32, #tpu.memory_space<vmem>>) target(%dma_start3A_424 : memref<10240xf32, #tpu.memory_space<vmem_shared>>) offsets(%dma_start3A_422 : memref<128xi32, #tpu.memory_space<vmem>>) semaphore(%arg29 : memref<!tpu.dma_semaphore, #tpu.memory_space<semaphore_mem>>) {add = true}
      %sub3A_425 = arith.constant 2 : i32
      %sub3A_426 = arith.subi %add3A_397, %sub3A_425 : i32
      %add3A_427 = arith.constant 5 : i32
      %add3A_428 = arith.addi %sub3A_426, %add3A_427 : i32
      %ge3A_429 = arith.constant 0 : i32
      %ge3A_430 = arith.cmpi sge, %sub3A_426, %ge3A_429 : i32
      %lt3A_431 = arith.constant 80 : i32
      %lt3A_432 = arith.cmpi slt, %add3A_428, %lt3A_431 : i32
      %and3A_433 = arith.andi %ge3A_430, %lt3A_432 : i1
      %convert_element_type3A_434 = arith.extui %and3A_433 : i1 to i32
      %cond3A_435 = arith.constant 0 : i32
      %cond3A_436 = arith.cmpi ne, %convert_element_type3A_434, %cond3A_435 : i32
      scf.if %cond3A_436 {
        %dma_wait3A_437 = arith.constant 2 : i32
        %dma_wait3A_438 = arith.constant 0 : i32
        %dma_wait3A_439 = arith.constant 0 : i32
        %dma_wait3A_440 = tpu.memref_slice %arg12[%dma_wait3A_437, %dma_wait3A_438, %dma_wait3A_439] : memref<5x128x64xf32, #tpu.memory_space<vmem>> -> memref<1x128x64xf32, #tpu.memory_space<vmem>>
        %dma_wait3A_441 = tpu.memref_squeeze %dma_wait3A_440 : memref<1x128x64xf32, #tpu.memory_space<vmem>> -> memref<128x64xf32, #tpu.memory_space<vmem>>
        %dma_wait3A_442 = arith.constant 0 : i32
        %dma_wait3A_443 = tpu.memref_slice %arg11[%sub3A_426, %dma_wait3A_442] : memref<80x128xi32, #tpu.memory_space<vmem>> -> memref<1x128xi32, #tpu.memory_space<vmem>>
        %dma_wait3A_444 = tpu.memref_squeeze %dma_wait3A_443 : memref<1x128xi32, #tpu.memory_space<vmem>> -> memref<128xi32, #tpu.memory_space<vmem>>
        %dma_wait3A_445 = arith.constant 0 : i32
        %dma_wait3A_446 = arith.constant 0 : i32
        %dma_wait3A_447 = tpu.memref_slice %arg14[%dma_wait3A_445, %dma_wait3A_446] : memref<5120x64xf32, #tpu.memory_space<vmem_shared>> -> memref<5120x64xf32, #tpu.memory_space<vmem_shared>>
        tpu.wait_indirect_dma semaphore(%arg22 : memref<!tpu.dma_semaphore, #tpu.memory_space<semaphore_mem>>) src(%dma_wait3A_441 : memref<128x64xf32, #tpu.memory_space<vmem>>) dst(%dma_wait3A_447 : memref<5120x64xf32, #tpu.memory_space<vmem_shared>>)
        %dma_wait3A_448 = arith.constant 0 : i32
        %dma_wait3A_449 = tpu.memref_slice %arg10[%sub3A_426, %dma_wait3A_448] : memref<80x128xi32, #tpu.memory_space<vmem>> -> memref<1x128xi32, #tpu.memory_space<vmem>>
        %dma_wait3A_450 = tpu.memref_squeeze %dma_wait3A_449 : memref<1x128xi32, #tpu.memory_space<vmem>> -> memref<128xi32, #tpu.memory_space<vmem>>
        %dma_wait3A_451 = arith.constant 0 : i32
        %dma_wait3A_452 = tpu.memref_slice %arg31[%dma_wait3A_451] : memref<10240xf32, #tpu.memory_space<vmem_shared>> -> memref<10240xf32, #tpu.memory_space<vmem_shared>>
        tpu.wait_indirect_dma semaphore(%arg27 : memref<!tpu.dma_semaphore, #tpu.memory_space<semaphore_mem>>) src(%arg30 : memref<128xf32, #tpu.memory_space<vmem>>) dst(%dma_wait3A_452 : memref<10240xf32, #tpu.memory_space<vmem_shared>>)
        %dma_start3A_453 = arith.constant 2 : i32
        %dma_start3A_454 = arith.constant 0 : i32
        %dma_start3A_455 = arith.constant 0 : i32
        %dma_start3A_456 = tpu.memref_slice %arg12[%dma_start3A_453, %dma_start3A_454, %dma_start3A_455] : memref<5x128x64xf32, #tpu.memory_space<vmem>> -> memref<1x128x64xf32, #tpu.memory_space<vmem>>
        %dma_start3A_457 = tpu.memref_squeeze %dma_start3A_456 : memref<1x128x64xf32, #tpu.memory_space<vmem>> -> memref<128x64xf32, #tpu.memory_space<vmem>>
        %dma_start3A_458 = arith.constant 0 : i32
        %dma_start3A_459 = tpu.memref_slice %arg10[%add3A_428, %dma_start3A_458] : memref<80x128xi32, #tpu.memory_space<vmem>> -> memref<1x128xi32, #tpu.memory_space<vmem>>
        %dma_start3A_460 = tpu.memref_squeeze %dma_start3A_459 : memref<1x128xi32, #tpu.memory_space<vmem>> -> memref<128xi32, #tpu.memory_space<vmem>>
        %dma_start3A_461 = arith.constant 0 : i32
        %dma_start3A_462 = arith.constant 0 : i32
        %dma_start3A_463 = tpu.memref_slice %arg13[%dma_start3A_461, %dma_start3A_462] : memref<10240x64xf32, #tpu.memory_space<vmem_shared>> -> memref<10240x64xf32, #tpu.memory_space<vmem_shared>>
        tpu.enqueue_indirect_dma source(%dma_start3A_463 : memref<10240x64xf32, #tpu.memory_space<vmem_shared>>) target(%dma_start3A_457 : memref<128x64xf32, #tpu.memory_space<vmem>>) offsets(%dma_start3A_460 : memref<128xi32, #tpu.memory_space<vmem>>) semaphore(%arg17 : memref<!tpu.dma_semaphore, #tpu.memory_space<semaphore_mem>>)
      } else {
      }
    }
    %scan3A_127 = arith.constant 16 : i32
    %dma_wait3A_128 = arith.constant 0 : i32
    %dma_wait3A_129 = arith.constant 75 : i32
    %dma_wait3A_130 = arith.constant 0 : i32
    %dma_wait3A_131 = arith.constant 0 : i32
    %dma_wait3A_132 = tpu.memref_slice %arg12[%dma_wait3A_128, %dma_wait3A_130, %dma_wait3A_131] : memref<5x128x64xf32, #tpu.memory_space<vmem>> -> memref<1x128x64xf32, #tpu.memory_space<vmem>>
    %dma_wait3A_133 = tpu.memref_squeeze %dma_wait3A_132 : memref<1x128x64xf32, #tpu.memory_space<vmem>> -> memref<128x64xf32, #tpu.memory_space<vmem>>
    %dma_wait3A_134 = arith.constant 0 : i32
    %dma_wait3A_135 = tpu.memref_slice %arg11[%dma_wait3A_129, %dma_wait3A_134] : memref<80x128xi32, #tpu.memory_space<vmem>> -> memref<1x128xi32, #tpu.memory_space<vmem>>
    %dma_wait3A_136 = tpu.memref_squeeze %dma_wait3A_135 : memref<1x128xi32, #tpu.memory_space<vmem>> -> memref<128xi32, #tpu.memory_space<vmem>>
    %dma_wait3A_137 = arith.constant 0 : i32
    %dma_wait3A_138 = arith.constant 0 : i32
    %dma_wait3A_139 = tpu.memref_slice %arg14[%dma_wait3A_137, %dma_wait3A_138] : memref<5120x64xf32, #tpu.memory_space<vmem_shared>> -> memref<5120x64xf32, #tpu.memory_space<vmem_shared>>
    tpu.wait_indirect_dma semaphore(%arg20 : memref<!tpu.dma_semaphore, #tpu.memory_space<semaphore_mem>>) src(%dma_wait3A_133 : memref<128x64xf32, #tpu.memory_space<vmem>>) dst(%dma_wait3A_139 : memref<5120x64xf32, #tpu.memory_space<vmem_shared>>)
    %dma_wait3A_140 = arith.constant 75 : i32
    %dma_wait3A_141 = arith.constant 0 : i32
    %dma_wait3A_142 = tpu.memref_slice %arg10[%dma_wait3A_140, %dma_wait3A_141] : memref<80x128xi32, #tpu.memory_space<vmem>> -> memref<1x128xi32, #tpu.memory_space<vmem>>
    %dma_wait3A_143 = tpu.memref_squeeze %dma_wait3A_142 : memref<1x128xi32, #tpu.memory_space<vmem>> -> memref<128xi32, #tpu.memory_space<vmem>>
    %dma_wait3A_144 = arith.constant 0 : i32
    %dma_wait3A_145 = tpu.memref_slice %arg31[%dma_wait3A_144] : memref<10240xf32, #tpu.memory_space<vmem_shared>> -> memref<10240xf32, #tpu.memory_space<vmem_shared>>
    tpu.wait_indirect_dma semaphore(%arg25 : memref<!tpu.dma_semaphore, #tpu.memory_space<semaphore_mem>>) src(%arg30 : memref<128xf32, #tpu.memory_space<vmem>>) dst(%dma_wait3A_145 : memref<10240xf32, #tpu.memory_space<vmem_shared>>)
    %dma_wait3A_146 = arith.constant 1 : i32
    %dma_wait3A_147 = arith.constant 76 : i32
    %dma_wait3A_148 = arith.constant 0 : i32
    %dma_wait3A_149 = arith.constant 0 : i32
    %dma_wait3A_150 = tpu.memref_slice %arg12[%dma_wait3A_146, %dma_wait3A_148, %dma_wait3A_149] : memref<5x128x64xf32, #tpu.memory_space<vmem>> -> memref<1x128x64xf32, #tpu.memory_space<vmem>>
    %dma_wait3A_151 = tpu.memref_squeeze %dma_wait3A_150 : memref<1x128x64xf32, #tpu.memory_space<vmem>> -> memref<128x64xf32, #tpu.memory_space<vmem>>
    %dma_wait3A_152 = arith.constant 0 : i32
    %dma_wait3A_153 = tpu.memref_slice %arg11[%dma_wait3A_147, %dma_wait3A_152] : memref<80x128xi32, #tpu.memory_space<vmem>> -> memref<1x128xi32, #tpu.memory_space<vmem>>
    %dma_wait3A_154 = tpu.memref_squeeze %dma_wait3A_153 : memref<1x128xi32, #tpu.memory_space<vmem>> -> memref<128xi32, #tpu.memory_space<vmem>>
    %dma_wait3A_155 = arith.constant 0 : i32
    %dma_wait3A_156 = arith.constant 0 : i32
    %dma_wait3A_157 = tpu.memref_slice %arg14[%dma_wait3A_155, %dma_wait3A_156] : memref<5120x64xf32, #tpu.memory_space<vmem_shared>> -> memref<5120x64xf32, #tpu.memory_space<vmem_shared>>
    tpu.wait_indirect_dma semaphore(%arg21 : memref<!tpu.dma_semaphore, #tpu.memory_space<semaphore_mem>>) src(%dma_wait3A_151 : memref<128x64xf32, #tpu.memory_space<vmem>>) dst(%dma_wait3A_157 : memref<5120x64xf32, #tpu.memory_space<vmem_shared>>)
    %dma_wait3A_158 = arith.constant 76 : i32
    %dma_wait3A_159 = arith.constant 0 : i32
    %dma_wait3A_160 = tpu.memref_slice %arg10[%dma_wait3A_158, %dma_wait3A_159] : memref<80x128xi32, #tpu.memory_space<vmem>> -> memref<1x128xi32, #tpu.memory_space<vmem>>
    %dma_wait3A_161 = tpu.memref_squeeze %dma_wait3A_160 : memref<1x128xi32, #tpu.memory_space<vmem>> -> memref<128xi32, #tpu.memory_space<vmem>>
    %dma_wait3A_162 = arith.constant 0 : i32
    %dma_wait3A_163 = tpu.memref_slice %arg31[%dma_wait3A_162] : memref<10240xf32, #tpu.memory_space<vmem_shared>> -> memref<10240xf32, #tpu.memory_space<vmem_shared>>
    tpu.wait_indirect_dma semaphore(%arg26 : memref<!tpu.dma_semaphore, #tpu.memory_space<semaphore_mem>>) src(%arg30 : memref<128xf32, #tpu.memory_space<vmem>>) dst(%dma_wait3A_163 : memref<10240xf32, #tpu.memory_space<vmem_shared>>)
    %dma_wait3A_164 = arith.constant 2 : i32
    %dma_wait3A_165 = arith.constant 77 : i32
    %dma_wait3A_166 = arith.constant 0 : i32
    %dma_wait3A_167 = arith.constant 0 : i32
    %dma_wait3A_168 = tpu.memref_slice %arg12[%dma_wait3A_164, %dma_wait3A_166, %dma_wait3A_167] : memref<5x128x64xf32, #tpu.memory_space<vmem>> -> memref<1x128x64xf32, #tpu.memory_space<vmem>>
    %dma_wait3A_169 = tpu.memref_squeeze %dma_wait3A_168 : memref<1x128x64xf32, #tpu.memory_space<vmem>> -> memref<128x64xf32, #tpu.memory_space<vmem>>
    %dma_wait3A_170 = arith.constant 0 : i32
    %dma_wait3A_171 = tpu.memref_slice %arg11[%dma_wait3A_165, %dma_wait3A_170] : memref<80x128xi32, #tpu.memory_space<vmem>> -> memref<1x128xi32, #tpu.memory_space<vmem>>
    %dma_wait3A_172 = tpu.memref_squeeze %dma_wait3A_171 : memref<1x128xi32, #tpu.memory_space<vmem>> -> memref<128xi32, #tpu.memory_space<vmem>>
    %dma_wait3A_173 = arith.constant 0 : i32
    %dma_wait3A_174 = arith.constant 0 : i32
    %dma_wait3A_175 = tpu.memref_slice %arg14[%dma_wait3A_173, %dma_wait3A_174] : memref<5120x64xf32, #tpu.memory_space<vmem_shared>> -> memref<5120x64xf32, #tpu.memory_space<vmem_shared>>
    tpu.wait_indirect_dma semaphore(%arg22 : memref<!tpu.dma_semaphore, #tpu.memory_space<semaphore_mem>>) src(%dma_wait3A_169 : memref<128x64xf32, #tpu.memory_space<vmem>>) dst(%dma_wait3A_175 : memref<5120x64xf32, #tpu.memory_space<vmem_shared>>)
    %dma_wait3A_176 = arith.constant 77 : i32
    %dma_wait3A_177 = arith.constant 0 : i32
    %dma_wait3A_178 = tpu.memref_slice %arg10[%dma_wait3A_176, %dma_wait3A_177] : memref<80x128xi32, #tpu.memory_space<vmem>> -> memref<1x128xi32, #tpu.memory_space<vmem>>
    %dma_wait3A_179 = tpu.memref_squeeze %dma_wait3A_178 : memref<1x128xi32, #tpu.memory_space<vmem>> -> memref<128xi32, #tpu.memory_space<vmem>>
    %dma_wait3A_180 = arith.constant 0 : i32
    %dma_wait3A_181 = tpu.memref_slice %arg31[%dma_wait3A_180] : memref<10240xf32, #tpu.memory_space<vmem_shared>> -> memref<10240xf32, #tpu.memory_space<vmem_shared>>
    tpu.wait_indirect_dma semaphore(%arg27 : memref<!tpu.dma_semaphore, #tpu.memory_space<semaphore_mem>>) src(%arg30 : memref<128xf32, #tpu.memory_space<vmem>>) dst(%dma_wait3A_181 : memref<10240xf32, #tpu.memory_space<vmem_shared>>)
    %dma_wait3A_182 = arith.constant 3 : i32
    %dma_wait3A_183 = arith.constant 78 : i32
    %dma_wait3A_184 = arith.constant 0 : i32
    %dma_wait3A_185 = arith.constant 0 : i32
    %dma_wait3A_186 = tpu.memref_slice %arg12[%dma_wait3A_182, %dma_wait3A_184, %dma_wait3A_185] : memref<5x128x64xf32, #tpu.memory_space<vmem>> -> memref<1x128x64xf32, #tpu.memory_space<vmem>>
    %dma_wait3A_187 = tpu.memref_squeeze %dma_wait3A_186 : memref<1x128x64xf32, #tpu.memory_space<vmem>> -> memref<128x64xf32, #tpu.memory_space<vmem>>
    %dma_wait3A_188 = arith.constant 0 : i32
    %dma_wait3A_189 = tpu.memref_slice %arg11[%dma_wait3A_183, %dma_wait3A_188] : memref<80x128xi32, #tpu.memory_space<vmem>> -> memref<1x128xi32, #tpu.memory_space<vmem>>
    %dma_wait3A_190 = tpu.memref_squeeze %dma_wait3A_189 : memref<1x128xi32, #tpu.memory_space<vmem>> -> memref<128xi32, #tpu.memory_space<vmem>>
    %dma_wait3A_191 = arith.constant 0 : i32
    %dma_wait3A_192 = arith.constant 0 : i32
    %dma_wait3A_193 = tpu.memref_slice %arg14[%dma_wait3A_191, %dma_wait3A_192] : memref<5120x64xf32, #tpu.memory_space<vmem_shared>> -> memref<5120x64xf32, #tpu.memory_space<vmem_shared>>
    tpu.wait_indirect_dma semaphore(%arg23 : memref<!tpu.dma_semaphore, #tpu.memory_space<semaphore_mem>>) src(%dma_wait3A_187 : memref<128x64xf32, #tpu.memory_space<vmem>>) dst(%dma_wait3A_193 : memref<5120x64xf32, #tpu.memory_space<vmem_shared>>)
    %dma_wait3A_194 = arith.constant 78 : i32
    %dma_wait3A_195 = arith.constant 0 : i32
    %dma_wait3A_196 = tpu.memref_slice %arg10[%dma_wait3A_194, %dma_wait3A_195] : memref<80x128xi32, #tpu.memory_space<vmem>> -> memref<1x128xi32, #tpu.memory_space<vmem>>
    %dma_wait3A_197 = tpu.memref_squeeze %dma_wait3A_196 : memref<1x128xi32, #tpu.memory_space<vmem>> -> memref<128xi32, #tpu.memory_space<vmem>>
    %dma_wait3A_198 = arith.constant 0 : i32
    %dma_wait3A_199 = tpu.memref_slice %arg31[%dma_wait3A_198] : memref<10240xf32, #tpu.memory_space<vmem_shared>> -> memref<10240xf32, #tpu.memory_space<vmem_shared>>
    tpu.wait_indirect_dma semaphore(%arg28 : memref<!tpu.dma_semaphore, #tpu.memory_space<semaphore_mem>>) src(%arg30 : memref<128xf32, #tpu.memory_space<vmem>>) dst(%dma_wait3A_199 : memref<10240xf32, #tpu.memory_space<vmem_shared>>)
    %dma_wait3A_200 = arith.constant 4 : i32
    %dma_wait3A_201 = arith.constant 79 : i32
    %dma_wait3A_202 = arith.constant 0 : i32
    %dma_wait3A_203 = arith.constant 0 : i32
    %dma_wait3A_204 = tpu.memref_slice %arg12[%dma_wait3A_200, %dma_wait3A_202, %dma_wait3A_203] : memref<5x128x64xf32, #tpu.memory_space<vmem>> -> memref<1x128x64xf32, #tpu.memory_space<vmem>>
    %dma_wait3A_205 = tpu.memref_squeeze %dma_wait3A_204 : memref<1x128x64xf32, #tpu.memory_space<vmem>> -> memref<128x64xf32, #tpu.memory_space<vmem>>
    %dma_wait3A_206 = arith.constant 0 : i32
    %dma_wait3A_207 = tpu.memref_slice %arg11[%dma_wait3A_201, %dma_wait3A_206] : memref<80x128xi32, #tpu.memory_space<vmem>> -> memref<1x128xi32, #tpu.memory_space<vmem>>
    %dma_wait3A_208 = tpu.memref_squeeze %dma_wait3A_207 : memref<1x128xi32, #tpu.memory_space<vmem>> -> memref<128xi32, #tpu.memory_space<vmem>>
    %dma_wait3A_209 = arith.constant 0 : i32
    %dma_wait3A_210 = arith.constant 0 : i32
    %dma_wait3A_211 = tpu.memref_slice %arg14[%dma_wait3A_209, %dma_wait3A_210] : memref<5120x64xf32, #tpu.memory_space<vmem_shared>> -> memref<5120x64xf32, #tpu.memory_space<vmem_shared>>
    tpu.wait_indirect_dma semaphore(%arg24 : memref<!tpu.dma_semaphore, #tpu.memory_space<semaphore_mem>>) src(%dma_wait3A_205 : memref<128x64xf32, #tpu.memory_space<vmem>>) dst(%dma_wait3A_211 : memref<5120x64xf32, #tpu.memory_space<vmem_shared>>)
    %dma_wait3A_212 = arith.constant 79 : i32
    %dma_wait3A_213 = arith.constant 0 : i32
    %dma_wait3A_214 = tpu.memref_slice %arg10[%dma_wait3A_212, %dma_wait3A_213] : memref<80x128xi32, #tpu.memory_space<vmem>> -> memref<1x128xi32, #tpu.memory_space<vmem>>
    %dma_wait3A_215 = tpu.memref_squeeze %dma_wait3A_214 : memref<1x128xi32, #tpu.memory_space<vmem>> -> memref<128xi32, #tpu.memory_space<vmem>>
    %dma_wait3A_216 = arith.constant 0 : i32
    %dma_wait3A_217 = tpu.memref_slice %arg31[%dma_wait3A_216] : memref<10240xf32, #tpu.memory_space<vmem_shared>> -> memref<10240xf32, #tpu.memory_space<vmem_shared>>
    tpu.wait_indirect_dma semaphore(%arg29 : memref<!tpu.dma_semaphore, #tpu.memory_space<semaphore_mem>>) src(%arg30 : memref<128xf32, #tpu.memory_space<vmem>>) dst(%dma_wait3A_217 : memref<10240xf32, #tpu.memory_space<vmem_shared>>)
    %barrier3A_218 = arith.constant 0 : index
    tpu.barrier barrier_id(%barrier3A_218)
    %mul3A_219 = arith.constant 320 : i32
    %mul3A_220 = arith.muli %arg1, %mul3A_219 : i32
    %mul3A_221 = arith.constant 320 : i32
    %mul3A_222 = arith.muli %arg1, %mul3A_221 : i32
    "tpu.region"() ({
      %run_scoped3A = tpu.sem_alloc : memref<!tpu.dma_semaphore, #tpu.memory_space<semaphore_mem>>
      %dma_start3A_227 = arith.constant 0 : i32
      %dma_start3A_228 = tpu.memref_slice %arg8[%arg0, %mul3A_222, %dma_start3A_227] : memref<2x5120x64xf32, #tpu.memory_space<hbm>> -> memref<1x320x64xf32, #tpu.memory_space<hbm>>
      %dma_start3A_229 = tpu.memref_squeeze %dma_start3A_228 : memref<1x320x64xf32, #tpu.memory_space<hbm>> -> memref<320x64xf32, #tpu.memory_space<hbm>>
      %dma_start3A_230 = arith.constant 0 : i32
      %dma_start3A_231 = tpu.memref_slice %arg14[%mul3A_220, %dma_start3A_230] : memref<5120x64xf32, #tpu.memory_space<vmem_shared>> -> memref<320x64xf32, #tpu.memory_space<vmem_shared>>
      tpu.enqueue_dma source(%dma_start3A_231 : memref<320x64xf32, #tpu.memory_space<vmem_shared>>) target(%dma_start3A_229 : memref<320x64xf32, #tpu.memory_space<hbm>>) target_semaphore(%run_scoped3A : memref<!tpu.dma_semaphore, #tpu.memory_space<semaphore_mem>>)
      %dma_wait3A_232 = arith.constant 0 : i32
      %dma_wait3A_233 = tpu.memref_slice %arg8[%arg0, %mul3A_222, %dma_wait3A_232] : memref<2x5120x64xf32, #tpu.memory_space<hbm>> -> memref<1x320x64xf32, #tpu.memory_space<hbm>>
      %dma_wait3A_234 = tpu.memref_squeeze %dma_wait3A_233 : memref<1x320x64xf32, #tpu.memory_space<hbm>> -> memref<320x64xf32, #tpu.memory_space<hbm>>
      %dma_wait3A_235 = arith.constant 0 : i32
      %dma_wait3A_236 = tpu.memref_slice %arg14[%mul3A_220, %dma_wait3A_235] : memref<5120x64xf32, #tpu.memory_space<vmem_shared>> -> memref<320x64xf32, #tpu.memory_space<vmem_shared>>
      tpu.wait_dma2 semaphore(%run_scoped3A : memref<!tpu.dma_semaphore, #tpu.memory_space<semaphore_mem>>) src(%dma_wait3A_236 : memref<320x64xf32, #tpu.memory_space<vmem_shared>>) dst(%dma_wait3A_234 : memref<320x64xf32, #tpu.memory_space<hbm>>)
      tpu.yield
    }) : () -> ()
    %mul3A_223 = arith.constant 640 : i32
    %mul3A_224 = arith.muli %arg1, %mul3A_223 : i32
    %mul3A_225 = arith.constant 640 : i32
    %mul3A_226 = arith.muli %arg1, %mul3A_225 : i32
    "tpu.region"() ({
      %run_scoped3A = tpu.sem_alloc : memref<!tpu.dma_semaphore, #tpu.memory_space<semaphore_mem>>
      %dma_start3A_227 = tpu.memref_slice %arg9[%arg0, %mul3A_226] : memref<2x10240xf32, #tpu.memory_space<hbm>> -> memref<1x640xf32, #tpu.memory_space<hbm>>
      %dma_start3A_228 = tpu.memref_squeeze %dma_start3A_227 : memref<1x640xf32, #tpu.memory_space<hbm>> -> memref<640xf32, #tpu.memory_space<hbm>>
      %dma_start3A_229 = tpu.memref_slice %arg31[%mul3A_224] : memref<10240xf32, #tpu.memory_space<vmem_shared>> -> memref<640xf32, #tpu.memory_space<vmem_shared>>
      tpu.enqueue_dma source(%dma_start3A_229 : memref<640xf32, #tpu.memory_space<vmem_shared>>) target(%dma_start3A_228 : memref<640xf32, #tpu.memory_space<hbm>>) target_semaphore(%run_scoped3A : memref<!tpu.dma_semaphore, #tpu.memory_space<semaphore_mem>>)
      %dma_wait3A_230 = tpu.memref_slice %arg9[%arg0, %mul3A_226] : memref<2x10240xf32, #tpu.memory_space<hbm>> -> memref<1x640xf32, #tpu.memory_space<hbm>>
      %dma_wait3A_231 = tpu.memref_squeeze %dma_wait3A_230 : memref<1x640xf32, #tpu.memory_space<hbm>> -> memref<640xf32, #tpu.memory_space<hbm>>
      %dma_wait3A_232 = tpu.memref_slice %arg31[%mul3A_224] : memref<10240xf32, #tpu.memory_space<vmem_shared>> -> memref<640xf32, #tpu.memory_space<vmem_shared>>
      tpu.wait_dma2 semaphore(%run_scoped3A : memref<!tpu.dma_semaphore, #tpu.memory_space<semaphore_mem>>) src(%dma_wait3A_232 : memref<640xf32, #tpu.memory_space<vmem_shared>>) dst(%dma_wait3A_231 : memref<640xf32, #tpu.memory_space<hbm>>)
      tpu.yield
    }) : () -> ()
    return
  }
}

#map = affine_map<(d0, d1) -> (0, 0)>
#map1 = affine_map<(d0, d1) -> (0, 0, 0)>
module attributes {stable_mosaic.version = 14 : i64} {
  func.func @body(%arg0: i32, %arg1: i32, %arg2: memref<10240x64xf32, #tpu.memory_space<hbm>>, %arg3: memref<32x80x128xi32, #tpu.memory_space<hbm>>, %arg4: memref<32x80x128xi32, #tpu.memory_space<hbm>>, %arg5: memref<640x64xf32, #tpu.memory_space<hbm>>, %arg6: memref<2x5120x64xf32, #tpu.memory_space<hbm>>, %arg7: memref<80x128xi32, #tpu.memory_space<vmem>>, %arg8: memref<80x128xi32, #tpu.memory_space<vmem>>, %arg9: memref<5x128x64xf32, #tpu.memory_space<vmem>>, %arg10: memref<10240x64xf32, #tpu.memory_space<vmem_shared>>, %arg11: memref<5120x64xf32, #tpu.memory_space<vmem_shared>>, %arg12: memref<!tpu.dma_semaphore, #tpu.memory_space<semaphore_mem>>, %arg13: memref<!tpu.dma_semaphore, #tpu.memory_space<semaphore_mem>>, %arg14: memref<!tpu.dma_semaphore, #tpu.memory_space<semaphore_mem>>, %arg15: memref<!tpu.dma_semaphore, #tpu.memory_space<semaphore_mem>>, %arg16: memref<!tpu.dma_semaphore, #tpu.memory_space<semaphore_mem>>, %arg17: memref<!tpu.dma_semaphore, #tpu.memory_space<semaphore_mem>>, %arg18: memref<!tpu.dma_semaphore, #tpu.memory_space<semaphore_mem>>, %arg19: memref<!tpu.dma_semaphore, #tpu.memory_space<semaphore_mem>>, %arg20: memref<!tpu.dma_semaphore, #tpu.memory_space<semaphore_mem>>, %arg21: memref<!tpu.dma_semaphore, #tpu.memory_space<semaphore_mem>>) attributes {dimension_semantics = [#tpu.dimension_semantics<core_parallel>, #tpu.dimension_semantics<subcore_parallel>], iteration_bounds = array<i64: 2, 16>, scalar_prefetch = 0 : i64, scratch_operands = 15 : i64, tpu.core_type = #tpu.core_type<sc_vector_subcore>, window_params = [{transform_indices = #map}, {transform_indices = #map1}, {transform_indices = #map1}, {transform_indices = #map}, {transform_indices = #map1}]} {
    %mul3A = arith.constant 16 : i32
    %mul3A_0 = arith.muli %arg0, %mul3A : i32
    %add3A = arith.addi %mul3A_0, %arg1 : i32
    %dma_start3A = arith.constant 0 : i32
    %dma_start3A_1 = arith.constant 0 : i32
    %dma_start3A_2 = tpu.memref_slice %arg3[%add3A, %dma_start3A, %dma_start3A_1] : memref<32x80x128xi32, #tpu.memory_space<hbm>> -> memref<1x80x128xi32, #tpu.memory_space<hbm>>
    %dma_start3A_3 = tpu.memref_squeeze %dma_start3A_2 : memref<1x80x128xi32, #tpu.memory_space<hbm>> -> memref<80x128xi32, #tpu.memory_space<hbm>>
    %dma_start3A_4 = arith.constant 0 : i32
    %dma_start3A_5 = arith.constant 0 : i32
    %dma_start3A_6 = tpu.memref_slice %arg3[%add3A, %dma_start3A_4, %dma_start3A_5] : memref<32x80x128xi32, #tpu.memory_space<hbm>> -> memref<1x80x128xi32, #tpu.memory_space<hbm>>
    %dma_start3A_7 = tpu.memref_squeeze %dma_start3A_6 : memref<1x80x128xi32, #tpu.memory_space<hbm>> -> memref<80x128xi32, #tpu.memory_space<hbm>>
    tpu.enqueue_dma source(%dma_start3A_7 : memref<80x128xi32, #tpu.memory_space<hbm>>) target(%arg7 : memref<80x128xi32, #tpu.memory_space<vmem>>) target_semaphore(%arg12 : memref<!tpu.dma_semaphore, #tpu.memory_space<semaphore_mem>>)
    %dma_start3A_8 = arith.constant 0 : i32
    %dma_start3A_9 = arith.constant 0 : i32
    %dma_start3A_10 = tpu.memref_slice %arg4[%add3A, %dma_start3A_8, %dma_start3A_9] : memref<32x80x128xi32, #tpu.memory_space<hbm>> -> memref<1x80x128xi32, #tpu.memory_space<hbm>>
    %dma_start3A_11 = tpu.memref_squeeze %dma_start3A_10 : memref<1x80x128xi32, #tpu.memory_space<hbm>> -> memref<80x128xi32, #tpu.memory_space<hbm>>
    %dma_start3A_12 = arith.constant 0 : i32
    %dma_start3A_13 = arith.constant 0 : i32
    %dma_start3A_14 = tpu.memref_slice %arg4[%add3A, %dma_start3A_12, %dma_start3A_13] : memref<32x80x128xi32, #tpu.memory_space<hbm>> -> memref<1x80x128xi32, #tpu.memory_space<hbm>>
    %dma_start3A_15 = tpu.memref_squeeze %dma_start3A_14 : memref<1x80x128xi32, #tpu.memory_space<hbm>> -> memref<80x128xi32, #tpu.memory_space<hbm>>
    tpu.enqueue_dma source(%dma_start3A_15 : memref<80x128xi32, #tpu.memory_space<hbm>>) target(%arg8 : memref<80x128xi32, #tpu.memory_space<vmem>>) target_semaphore(%arg13 : memref<!tpu.dma_semaphore, #tpu.memory_space<semaphore_mem>>)
    %mul3A_16 = arith.constant 640 : i32
    %mul3A_17 = arith.muli %arg1, %mul3A_16 : i32
    %mul3A_18 = arith.constant 640 : i32
    %mul3A_19 = arith.muli %arg1, %mul3A_18 : i32
    %dma_start3A_20 = arith.constant 0 : i32
    %dma_start3A_21 = tpu.memref_slice %arg10[%mul3A_19, %dma_start3A_20] : memref<10240x64xf32, #tpu.memory_space<vmem_shared>> -> memref<640x64xf32, #tpu.memory_space<vmem_shared>>
    %dma_start3A_22 = arith.constant 0 : i32
    %dma_start3A_23 = tpu.memref_slice %arg2[%mul3A_17, %dma_start3A_22] : memref<10240x64xf32, #tpu.memory_space<hbm>> -> memref<640x64xf32, #tpu.memory_space<hbm>>
    tpu.enqueue_dma source(%dma_start3A_23 : memref<640x64xf32, #tpu.memory_space<hbm>>) target(%dma_start3A_21 : memref<640x64xf32, #tpu.memory_space<vmem_shared>>) target_semaphore(%arg14 : memref<!tpu.dma_semaphore, #tpu.memory_space<semaphore_mem>>)
    %mul3A_24 = arith.constant 320 : i32
    %mul3A_25 = arith.muli %arg1, %mul3A_24 : i32
    %dma_start3A_26 = arith.constant 0 : i32
    %dma_start3A_27 = tpu.memref_slice %arg11[%mul3A_25, %dma_start3A_26] : memref<5120x64xf32, #tpu.memory_space<vmem_shared>> -> memref<320x64xf32, #tpu.memory_space<vmem_shared>>
    %dma_start3A_28 = arith.constant 0 : i32
    %dma_start3A_29 = arith.constant 0 : i32
    %dma_start3A_30 = tpu.memref_slice %arg5[%dma_start3A_28, %dma_start3A_29] : memref<640x64xf32, #tpu.memory_space<hbm>> -> memref<320x64xf32, #tpu.memory_space<hbm>>
    tpu.enqueue_dma source(%dma_start3A_30 : memref<320x64xf32, #tpu.memory_space<hbm>>) target(%dma_start3A_27 : memref<320x64xf32, #tpu.memory_space<vmem_shared>>) target_semaphore(%arg15 : memref<!tpu.dma_semaphore, #tpu.memory_space<semaphore_mem>>)
    %dma_wait3A = arith.constant 0 : i32
    %dma_wait3A_31 = arith.constant 0 : i32
    %dma_wait3A_32 = tpu.memref_slice %arg3[%add3A, %dma_wait3A, %dma_wait3A_31] : memref<32x80x128xi32, #tpu.memory_space<hbm>> -> memref<1x80x128xi32, #tpu.memory_space<hbm>>
    %dma_wait3A_33 = tpu.memref_squeeze %dma_wait3A_32 : memref<1x80x128xi32, #tpu.memory_space<hbm>> -> memref<80x128xi32, #tpu.memory_space<hbm>>
    %dma_wait3A_34 = arith.constant 0 : i32
    %dma_wait3A_35 = arith.constant 0 : i32
    %dma_wait3A_36 = tpu.memref_slice %arg3[%add3A, %dma_wait3A_34, %dma_wait3A_35] : memref<32x80x128xi32, #tpu.memory_space<hbm>> -> memref<1x80x128xi32, #tpu.memory_space<hbm>>
    %dma_wait3A_37 = tpu.memref_squeeze %dma_wait3A_36 : memref<1x80x128xi32, #tpu.memory_space<hbm>> -> memref<80x128xi32, #tpu.memory_space<hbm>>
    tpu.wait_dma2 semaphore(%arg12 : memref<!tpu.dma_semaphore, #tpu.memory_space<semaphore_mem>>) src(%dma_wait3A_37 : memref<80x128xi32, #tpu.memory_space<hbm>>) dst(%arg7 : memref<80x128xi32, #tpu.memory_space<vmem>>)
    %dma_wait3A_38 = arith.constant 0 : i32
    %dma_wait3A_39 = arith.constant 0 : i32
    %dma_wait3A_40 = tpu.memref_slice %arg4[%add3A, %dma_wait3A_38, %dma_wait3A_39] : memref<32x80x128xi32, #tpu.memory_space<hbm>> -> memref<1x80x128xi32, #tpu.memory_space<hbm>>
    %dma_wait3A_41 = tpu.memref_squeeze %dma_wait3A_40 : memref<1x80x128xi32, #tpu.memory_space<hbm>> -> memref<80x128xi32, #tpu.memory_space<hbm>>
    %dma_wait3A_42 = arith.constant 0 : i32
    %dma_wait3A_43 = arith.constant 0 : i32
    %dma_wait3A_44 = tpu.memref_slice %arg4[%add3A, %dma_wait3A_42, %dma_wait3A_43] : memref<32x80x128xi32, #tpu.memory_space<hbm>> -> memref<1x80x128xi32, #tpu.memory_space<hbm>>
    %dma_wait3A_45 = tpu.memref_squeeze %dma_wait3A_44 : memref<1x80x128xi32, #tpu.memory_space<hbm>> -> memref<80x128xi32, #tpu.memory_space<hbm>>
    tpu.wait_dma2 semaphore(%arg13 : memref<!tpu.dma_semaphore, #tpu.memory_space<semaphore_mem>>) src(%dma_wait3A_45 : memref<80x128xi32, #tpu.memory_space<hbm>>) dst(%arg8 : memref<80x128xi32, #tpu.memory_space<vmem>>)
    %mul3A_46 = arith.constant 640 : i32
    %mul3A_47 = arith.muli %arg1, %mul3A_46 : i32
    %mul3A_48 = arith.constant 640 : i32
    %mul3A_49 = arith.muli %arg1, %mul3A_48 : i32
    %dma_wait3A_50 = arith.constant 0 : i32
    %dma_wait3A_51 = tpu.memref_slice %arg10[%mul3A_49, %dma_wait3A_50] : memref<10240x64xf32, #tpu.memory_space<vmem_shared>> -> memref<640x64xf32, #tpu.memory_space<vmem_shared>>
    %dma_wait3A_52 = arith.constant 0 : i32
    %dma_wait3A_53 = tpu.memref_slice %arg2[%mul3A_47, %dma_wait3A_52] : memref<10240x64xf32, #tpu.memory_space<hbm>> -> memref<640x64xf32, #tpu.memory_space<hbm>>
    tpu.wait_dma2 semaphore(%arg14 : memref<!tpu.dma_semaphore, #tpu.memory_space<semaphore_mem>>) src(%dma_wait3A_53 : memref<640x64xf32, #tpu.memory_space<hbm>>) dst(%dma_wait3A_51 : memref<640x64xf32, #tpu.memory_space<vmem_shared>>)
    %mul3A_54 = arith.constant 320 : i32
    %mul3A_55 = arith.muli %arg1, %mul3A_54 : i32
    %dma_wait3A_56 = arith.constant 0 : i32
    %dma_wait3A_57 = tpu.memref_slice %arg11[%mul3A_55, %dma_wait3A_56] : memref<5120x64xf32, #tpu.memory_space<vmem_shared>> -> memref<320x64xf32, #tpu.memory_space<vmem_shared>>
    %dma_wait3A_58 = arith.constant 0 : i32
    %dma_wait3A_59 = arith.constant 0 : i32
    %dma_wait3A_60 = tpu.memref_slice %arg5[%dma_wait3A_58, %dma_wait3A_59] : memref<640x64xf32, #tpu.memory_space<hbm>> -> memref<320x64xf32, #tpu.memory_space<hbm>>
    tpu.wait_dma2 semaphore(%arg15 : memref<!tpu.dma_semaphore, #tpu.memory_space<semaphore_mem>>) src(%dma_wait3A_60 : memref<320x64xf32, #tpu.memory_space<hbm>>) dst(%dma_wait3A_57 : memref<320x64xf32, #tpu.memory_space<vmem_shared>>)
    %barrier3A = arith.constant 0 : index
    tpu.barrier barrier_id(%barrier3A)
    %dma_start3A_61 = arith.constant 0 : i32
    %dma_start3A_62 = arith.constant 0 : i32
    %dma_start3A_63 = arith.constant 0 : i32
    %dma_start3A_64 = arith.constant 0 : i32
    %dma_start3A_65 = tpu.memref_slice %arg9[%dma_start3A_62, %dma_start3A_63, %dma_start3A_64] : memref<5x128x64xf32, #tpu.memory_space<vmem>> -> memref<1x128x64xf32, #tpu.memory_space<vmem>>
    %dma_start3A_66 = tpu.memref_squeeze %dma_start3A_65 : memref<1x128x64xf32, #tpu.memory_space<vmem>> -> memref<128x64xf32, #tpu.memory_space<vmem>>
    %dma_start3A_67 = arith.constant 0 : i32
    %dma_start3A_68 = tpu.memref_slice %arg7[%dma_start3A_61, %dma_start3A_67] : memref<80x128xi32, #tpu.memory_space<vmem>> -> memref<1x128xi32, #tpu.memory_space<vmem>>
    %dma_start3A_69 = tpu.memref_squeeze %dma_start3A_68 : memref<1x128xi32, #tpu.memory_space<vmem>> -> memref<128xi32, #tpu.memory_space<vmem>>
    %dma_start3A_70 = arith.constant 0 : i32
    %dma_start3A_71 = arith.constant 0 : i32
    %dma_start3A_72 = tpu.memref_slice %arg10[%dma_start3A_70, %dma_start3A_71] : memref<10240x64xf32, #tpu.memory_space<vmem_shared>> -> memref<10240x64xf32, #tpu.memory_space<vmem_shared>>
    tpu.enqueue_indirect_dma source(%dma_start3A_72 : memref<10240x64xf32, #tpu.memory_space<vmem_shared>>) target(%dma_start3A_66 : memref<128x64xf32, #tpu.memory_space<vmem>>) offsets(%dma_start3A_69 : memref<128xi32, #tpu.memory_space<vmem>>) semaphore(%arg12 : memref<!tpu.dma_semaphore, #tpu.memory_space<semaphore_mem>>)
    %dma_start3A_73 = arith.constant 1 : i32
    %dma_start3A_74 = arith.constant 1 : i32
    %dma_start3A_75 = arith.constant 0 : i32
    %dma_start3A_76 = arith.constant 0 : i32
    %dma_start3A_77 = tpu.memref_slice %arg9[%dma_start3A_74, %dma_start3A_75, %dma_start3A_76] : memref<5x128x64xf32, #tpu.memory_space<vmem>> -> memref<1x128x64xf32, #tpu.memory_space<vmem>>
    %dma_start3A_78 = tpu.memref_squeeze %dma_start3A_77 : memref<1x128x64xf32, #tpu.memory_space<vmem>> -> memref<128x64xf32, #tpu.memory_space<vmem>>
    %dma_start3A_79 = arith.constant 0 : i32
    %dma_start3A_80 = tpu.memref_slice %arg7[%dma_start3A_73, %dma_start3A_79] : memref<80x128xi32, #tpu.memory_space<vmem>> -> memref<1x128xi32, #tpu.memory_space<vmem>>
    %dma_start3A_81 = tpu.memref_squeeze %dma_start3A_80 : memref<1x128xi32, #tpu.memory_space<vmem>> -> memref<128xi32, #tpu.memory_space<vmem>>
    %dma_start3A_82 = arith.constant 0 : i32
    %dma_start3A_83 = arith.constant 0 : i32
    %dma_start3A_84 = tpu.memref_slice %arg10[%dma_start3A_82, %dma_start3A_83] : memref<10240x64xf32, #tpu.memory_space<vmem_shared>> -> memref<10240x64xf32, #tpu.memory_space<vmem_shared>>
    tpu.enqueue_indirect_dma source(%dma_start3A_84 : memref<10240x64xf32, #tpu.memory_space<vmem_shared>>) target(%dma_start3A_78 : memref<128x64xf32, #tpu.memory_space<vmem>>) offsets(%dma_start3A_81 : memref<128xi32, #tpu.memory_space<vmem>>) semaphore(%arg13 : memref<!tpu.dma_semaphore, #tpu.memory_space<semaphore_mem>>)
    %dma_start3A_85 = arith.constant 2 : i32
    %dma_start3A_86 = arith.constant 2 : i32
    %dma_start3A_87 = arith.constant 0 : i32
    %dma_start3A_88 = arith.constant 0 : i32
    %dma_start3A_89 = tpu.memref_slice %arg9[%dma_start3A_86, %dma_start3A_87, %dma_start3A_88] : memref<5x128x64xf32, #tpu.memory_space<vmem>> -> memref<1x128x64xf32, #tpu.memory_space<vmem>>
    %dma_start3A_90 = tpu.memref_squeeze %dma_start3A_89 : memref<1x128x64xf32, #tpu.memory_space<vmem>> -> memref<128x64xf32, #tpu.memory_space<vmem>>
    %dma_start3A_91 = arith.constant 0 : i32
    %dma_start3A_92 = tpu.memref_slice %arg7[%dma_start3A_85, %dma_start3A_91] : memref<80x128xi32, #tpu.memory_space<vmem>> -> memref<1x128xi32, #tpu.memory_space<vmem>>
    %dma_start3A_93 = tpu.memref_squeeze %dma_start3A_92 : memref<1x128xi32, #tpu.memory_space<vmem>> -> memref<128xi32, #tpu.memory_space<vmem>>
    %dma_start3A_94 = arith.constant 0 : i32
    %dma_start3A_95 = arith.constant 0 : i32
    %dma_start3A_96 = tpu.memref_slice %arg10[%dma_start3A_94, %dma_start3A_95] : memref<10240x64xf32, #tpu.memory_space<vmem_shared>> -> memref<10240x64xf32, #tpu.memory_space<vmem_shared>>
    tpu.enqueue_indirect_dma source(%dma_start3A_96 : memref<10240x64xf32, #tpu.memory_space<vmem_shared>>) target(%dma_start3A_90 : memref<128x64xf32, #tpu.memory_space<vmem>>) offsets(%dma_start3A_93 : memref<128xi32, #tpu.memory_space<vmem>>) semaphore(%arg14 : memref<!tpu.dma_semaphore, #tpu.memory_space<semaphore_mem>>)
    %dma_start3A_97 = arith.constant 3 : i32
    %dma_start3A_98 = arith.constant 3 : i32
    %dma_start3A_99 = arith.constant 0 : i32
    %dma_start3A_100 = arith.constant 0 : i32
    %dma_start3A_101 = tpu.memref_slice %arg9[%dma_start3A_98, %dma_start3A_99, %dma_start3A_100] : memref<5x128x64xf32, #tpu.memory_space<vmem>> -> memref<1x128x64xf32, #tpu.memory_space<vmem>>
    %dma_start3A_102 = tpu.memref_squeeze %dma_start3A_101 : memref<1x128x64xf32, #tpu.memory_space<vmem>> -> memref<128x64xf32, #tpu.memory_space<vmem>>
    %dma_start3A_103 = arith.constant 0 : i32
    %dma_start3A_104 = tpu.memref_slice %arg7[%dma_start3A_97, %dma_start3A_103] : memref<80x128xi32, #tpu.memory_space<vmem>> -> memref<1x128xi32, #tpu.memory_space<vmem>>
    %dma_start3A_105 = tpu.memref_squeeze %dma_start3A_104 : memref<1x128xi32, #tpu.memory_space<vmem>> -> memref<128xi32, #tpu.memory_space<vmem>>
    %dma_start3A_106 = arith.constant 0 : i32
    %dma_start3A_107 = arith.constant 0 : i32
    %dma_start3A_108 = tpu.memref_slice %arg10[%dma_start3A_106, %dma_start3A_107] : memref<10240x64xf32, #tpu.memory_space<vmem_shared>> -> memref<10240x64xf32, #tpu.memory_space<vmem_shared>>
    tpu.enqueue_indirect_dma source(%dma_start3A_108 : memref<10240x64xf32, #tpu.memory_space<vmem_shared>>) target(%dma_start3A_102 : memref<128x64xf32, #tpu.memory_space<vmem>>) offsets(%dma_start3A_105 : memref<128xi32, #tpu.memory_space<vmem>>) semaphore(%arg15 : memref<!tpu.dma_semaphore, #tpu.memory_space<semaphore_mem>>)
    %dma_start3A_109 = arith.constant 4 : i32
    %dma_start3A_110 = arith.constant 4 : i32
    %dma_start3A_111 = arith.constant 0 : i32
    %dma_start3A_112 = arith.constant 0 : i32
    %dma_start3A_113 = tpu.memref_slice %arg9[%dma_start3A_110, %dma_start3A_111, %dma_start3A_112] : memref<5x128x64xf32, #tpu.memory_space<vmem>> -> memref<1x128x64xf32, #tpu.memory_space<vmem>>
    %dma_start3A_114 = tpu.memref_squeeze %dma_start3A_113 : memref<1x128x64xf32, #tpu.memory_space<vmem>> -> memref<128x64xf32, #tpu.memory_space<vmem>>
    %dma_start3A_115 = arith.constant 0 : i32
    %dma_start3A_116 = tpu.memref_slice %arg7[%dma_start3A_109, %dma_start3A_115] : memref<80x128xi32, #tpu.memory_space<vmem>> -> memref<1x128xi32, #tpu.memory_space<vmem>>
    %dma_start3A_117 = tpu.memref_squeeze %dma_start3A_116 : memref<1x128xi32, #tpu.memory_space<vmem>> -> memref<128xi32, #tpu.memory_space<vmem>>
    %dma_start3A_118 = arith.constant 0 : i32
    %dma_start3A_119 = arith.constant 0 : i32
    %dma_start3A_120 = tpu.memref_slice %arg10[%dma_start3A_118, %dma_start3A_119] : memref<10240x64xf32, #tpu.memory_space<vmem_shared>> -> memref<10240x64xf32, #tpu.memory_space<vmem_shared>>
    tpu.enqueue_indirect_dma source(%dma_start3A_120 : memref<10240x64xf32, #tpu.memory_space<vmem_shared>>) target(%dma_start3A_114 : memref<128x64xf32, #tpu.memory_space<vmem>>) offsets(%dma_start3A_117 : memref<128xi32, #tpu.memory_space<vmem>>) semaphore(%arg16 : memref<!tpu.dma_semaphore, #tpu.memory_space<semaphore_mem>>)
    %scan3A = arith.constant 0 : i32
    %scan3A_121 = arith.constant 0 : i32
    %scan3A_122 = arith.constant 16 : i32
    %scan3A_123 = arith.addi %scan3A_121, %scan3A_122 : i32
    %scan3A_124 = arith.constant 1 : i32
    scf.for %scan3A_191 = %scan3A_121 to %scan3A_123 step %scan3A_124  : i32 {
      %mul3A_192 = arith.constant 5 : i32
      %mul3A_193 = arith.muli %scan3A_191, %mul3A_192 : i32
      %add3A_194 = arith.constant 0 : i32
      %add3A_195 = arith.addi %mul3A_193, %add3A_194 : i32
      %dma_wait3A_196 = arith.constant 0 : i32
      %dma_wait3A_197 = arith.constant 0 : i32
      %dma_wait3A_198 = arith.constant 0 : i32
      %dma_wait3A_199 = tpu.memref_slice %arg9[%dma_wait3A_196, %dma_wait3A_197, %dma_wait3A_198] : memref<5x128x64xf32, #tpu.memory_space<vmem>> -> memref<1x128x64xf32, #tpu.memory_space<vmem>>
      %dma_wait3A_200 = tpu.memref_squeeze %dma_wait3A_199 : memref<1x128x64xf32, #tpu.memory_space<vmem>> -> memref<128x64xf32, #tpu.memory_space<vmem>>
      %dma_wait3A_201 = arith.constant 0 : i32
      %dma_wait3A_202 = tpu.memref_slice %arg7[%add3A_195, %dma_wait3A_201] : memref<80x128xi32, #tpu.memory_space<vmem>> -> memref<1x128xi32, #tpu.memory_space<vmem>>
      %dma_wait3A_203 = tpu.memref_squeeze %dma_wait3A_202 : memref<1x128xi32, #tpu.memory_space<vmem>> -> memref<128xi32, #tpu.memory_space<vmem>>
      %dma_wait3A_204 = arith.constant 0 : i32
      %dma_wait3A_205 = arith.constant 0 : i32
      %dma_wait3A_206 = tpu.memref_slice %arg10[%dma_wait3A_204, %dma_wait3A_205] : memref<10240x64xf32, #tpu.memory_space<vmem_shared>> -> memref<10240x64xf32, #tpu.memory_space<vmem_shared>>
      tpu.wait_indirect_dma semaphore(%arg12 : memref<!tpu.dma_semaphore, #tpu.memory_space<semaphore_mem>>) src(%dma_wait3A_206 : memref<10240x64xf32, #tpu.memory_space<vmem_shared>>) dst(%dma_wait3A_200 : memref<128x64xf32, #tpu.memory_space<vmem>>)
      %dma_start3A_207 = arith.constant 0 : i32
      %dma_start3A_208 = arith.constant 0 : i32
      %dma_start3A_209 = arith.constant 0 : i32
      %dma_start3A_210 = tpu.memref_slice %arg9[%dma_start3A_207, %dma_start3A_208, %dma_start3A_209] : memref<5x128x64xf32, #tpu.memory_space<vmem>> -> memref<1x128x64xf32, #tpu.memory_space<vmem>>
      %dma_start3A_211 = tpu.memref_squeeze %dma_start3A_210 : memref<1x128x64xf32, #tpu.memory_space<vmem>> -> memref<128x64xf32, #tpu.memory_space<vmem>>
      %dma_start3A_212 = arith.constant 0 : i32
      %dma_start3A_213 = tpu.memref_slice %arg8[%add3A_195, %dma_start3A_212] : memref<80x128xi32, #tpu.memory_space<vmem>> -> memref<1x128xi32, #tpu.memory_space<vmem>>
      %dma_start3A_214 = tpu.memref_squeeze %dma_start3A_213 : memref<1x128xi32, #tpu.memory_space<vmem>> -> memref<128xi32, #tpu.memory_space<vmem>>
      %dma_start3A_215 = arith.constant 0 : i32
      %dma_start3A_216 = arith.constant 0 : i32
      %dma_start3A_217 = tpu.memref_slice %arg11[%dma_start3A_215, %dma_start3A_216] : memref<5120x64xf32, #tpu.memory_space<vmem_shared>> -> memref<5120x64xf32, #tpu.memory_space<vmem_shared>>
      tpu.enqueue_indirect_dma source(%dma_start3A_211 : memref<128x64xf32, #tpu.memory_space<vmem>>) target(%dma_start3A_217 : memref<5120x64xf32, #tpu.memory_space<vmem_shared>>) offsets(%dma_start3A_214 : memref<128xi32, #tpu.memory_space<vmem>>) semaphore(%arg17 : memref<!tpu.dma_semaphore, #tpu.memory_space<semaphore_mem>>) {add = true}
      %sub3A = arith.constant 2 : i32
      %sub3A_218 = arith.subi %add3A_195, %sub3A : i32
      %add3A_219 = arith.constant 5 : i32
      %add3A_220 = arith.addi %sub3A_218, %add3A_219 : i32
      %ge3A = arith.constant 0 : i32
      %ge3A_221 = arith.cmpi sge, %sub3A_218, %ge3A : i32
      %lt3A = arith.constant 80 : i32
      %lt3A_222 = arith.cmpi slt, %add3A_220, %lt3A : i32
      %and3A = arith.andi %ge3A_221, %lt3A_222 : i1
      %convert_element_type3A = arith.extui %and3A : i1 to i32
      %cond3A = arith.constant 0 : i32
      %cond3A_223 = arith.cmpi ne, %convert_element_type3A, %cond3A : i32
      scf.if %cond3A_223 {
        %dma_wait3A_376 = arith.constant 3 : i32
        %dma_wait3A_377 = arith.constant 0 : i32
        %dma_wait3A_378 = arith.constant 0 : i32
        %dma_wait3A_379 = tpu.memref_slice %arg9[%dma_wait3A_376, %dma_wait3A_377, %dma_wait3A_378] : memref<5x128x64xf32, #tpu.memory_space<vmem>> -> memref<1x128x64xf32, #tpu.memory_space<vmem>>
        %dma_wait3A_380 = tpu.memref_squeeze %dma_wait3A_379 : memref<1x128x64xf32, #tpu.memory_space<vmem>> -> memref<128x64xf32, #tpu.memory_space<vmem>>
        %dma_wait3A_381 = arith.constant 0 : i32
        %dma_wait3A_382 = tpu.memref_slice %arg8[%sub3A_218, %dma_wait3A_381] : memref<80x128xi32, #tpu.memory_space<vmem>> -> memref<1x128xi32, #tpu.memory_space<vmem>>
        %dma_wait3A_383 = tpu.memref_squeeze %dma_wait3A_382 : memref<1x128xi32, #tpu.memory_space<vmem>> -> memref<128xi32, #tpu.memory_space<vmem>>
        %dma_wait3A_384 = arith.constant 0 : i32
        %dma_wait3A_385 = arith.constant 0 : i32
        %dma_wait3A_386 = tpu.memref_slice %arg11[%dma_wait3A_384, %dma_wait3A_385] : memref<5120x64xf32, #tpu.memory_space<vmem_shared>> -> memref<5120x64xf32, #tpu.memory_space<vmem_shared>>
        tpu.wait_indirect_dma semaphore(%arg20 : memref<!tpu.dma_semaphore, #tpu.memory_space<semaphore_mem>>) src(%dma_wait3A_380 : memref<128x64xf32, #tpu.memory_space<vmem>>) dst(%dma_wait3A_386 : memref<5120x64xf32, #tpu.memory_space<vmem_shared>>)
        %dma_start3A_387 = arith.constant 3 : i32
        %dma_start3A_388 = arith.constant 0 : i32
        %dma_start3A_389 = arith.constant 0 : i32
        %dma_start3A_390 = tpu.memref_slice %arg9[%dma_start3A_387, %dma_start3A_388, %dma_start3A_389] : memref<5x128x64xf32, #tpu.memory_space<vmem>> -> memref<1x128x64xf32, #tpu.memory_space<vmem>>
        %dma_start3A_391 = tpu.memref_squeeze %dma_start3A_390 : memref<1x128x64xf32, #tpu.memory_space<vmem>> -> memref<128x64xf32, #tpu.memory_space<vmem>>
        %dma_start3A_392 = arith.constant 0 : i32
        %dma_start3A_393 = tpu.memref_slice %arg7[%add3A_220, %dma_start3A_392] : memref<80x128xi32, #tpu.memory_space<vmem>> -> memref<1x128xi32, #tpu.memory_space<vmem>>
        %dma_start3A_394 = tpu.memref_squeeze %dma_start3A_393 : memref<1x128xi32, #tpu.memory_space<vmem>> -> memref<128xi32, #tpu.memory_space<vmem>>
        %dma_start3A_395 = arith.constant 0 : i32
        %dma_start3A_396 = arith.constant 0 : i32
        %dma_start3A_397 = tpu.memref_slice %arg10[%dma_start3A_395, %dma_start3A_396] : memref<10240x64xf32, #tpu.memory_space<vmem_shared>> -> memref<10240x64xf32, #tpu.memory_space<vmem_shared>>
        tpu.enqueue_indirect_dma source(%dma_start3A_397 : memref<10240x64xf32, #tpu.memory_space<vmem_shared>>) target(%dma_start3A_391 : memref<128x64xf32, #tpu.memory_space<vmem>>) offsets(%dma_start3A_394 : memref<128xi32, #tpu.memory_space<vmem>>) semaphore(%arg15 : memref<!tpu.dma_semaphore, #tpu.memory_space<semaphore_mem>>)
      } else {
      }
      %mul3A_224 = arith.constant 5 : i32
      %mul3A_225 = arith.muli %scan3A_191, %mul3A_224 : i32
      %add3A_226 = arith.constant 1 : i32
      %add3A_227 = arith.addi %mul3A_225, %add3A_226 : i32
      %dma_wait3A_228 = arith.constant 1 : i32
      %dma_wait3A_229 = arith.constant 0 : i32
      %dma_wait3A_230 = arith.constant 0 : i32
      %dma_wait3A_231 = tpu.memref_slice %arg9[%dma_wait3A_228, %dma_wait3A_229, %dma_wait3A_230] : memref<5x128x64xf32, #tpu.memory_space<vmem>> -> memref<1x128x64xf32, #tpu.memory_space<vmem>>
      %dma_wait3A_232 = tpu.memref_squeeze %dma_wait3A_231 : memref<1x128x64xf32, #tpu.memory_space<vmem>> -> memref<128x64xf32, #tpu.memory_space<vmem>>
      %dma_wait3A_233 = arith.constant 0 : i32
      %dma_wait3A_234 = tpu.memref_slice %arg7[%add3A_227, %dma_wait3A_233] : memref<80x128xi32, #tpu.memory_space<vmem>> -> memref<1x128xi32, #tpu.memory_space<vmem>>
      %dma_wait3A_235 = tpu.memref_squeeze %dma_wait3A_234 : memref<1x128xi32, #tpu.memory_space<vmem>> -> memref<128xi32, #tpu.memory_space<vmem>>
      %dma_wait3A_236 = arith.constant 0 : i32
      %dma_wait3A_237 = arith.constant 0 : i32
      %dma_wait3A_238 = tpu.memref_slice %arg10[%dma_wait3A_236, %dma_wait3A_237] : memref<10240x64xf32, #tpu.memory_space<vmem_shared>> -> memref<10240x64xf32, #tpu.memory_space<vmem_shared>>
      tpu.wait_indirect_dma semaphore(%arg13 : memref<!tpu.dma_semaphore, #tpu.memory_space<semaphore_mem>>) src(%dma_wait3A_238 : memref<10240x64xf32, #tpu.memory_space<vmem_shared>>) dst(%dma_wait3A_232 : memref<128x64xf32, #tpu.memory_space<vmem>>)
      %dma_start3A_239 = arith.constant 1 : i32
      %dma_start3A_240 = arith.constant 0 : i32
      %dma_start3A_241 = arith.constant 0 : i32
      %dma_start3A_242 = tpu.memref_slice %arg9[%dma_start3A_239, %dma_start3A_240, %dma_start3A_241] : memref<5x128x64xf32, #tpu.memory_space<vmem>> -> memref<1x128x64xf32, #tpu.memory_space<vmem>>
      %dma_start3A_243 = tpu.memref_squeeze %dma_start3A_242 : memref<1x128x64xf32, #tpu.memory_space<vmem>> -> memref<128x64xf32, #tpu.memory_space<vmem>>
      %dma_start3A_244 = arith.constant 0 : i32
      %dma_start3A_245 = tpu.memref_slice %arg8[%add3A_227, %dma_start3A_244] : memref<80x128xi32, #tpu.memory_space<vmem>> -> memref<1x128xi32, #tpu.memory_space<vmem>>
      %dma_start3A_246 = tpu.memref_squeeze %dma_start3A_245 : memref<1x128xi32, #tpu.memory_space<vmem>> -> memref<128xi32, #tpu.memory_space<vmem>>
      %dma_start3A_247 = arith.constant 0 : i32
      %dma_start3A_248 = arith.constant 0 : i32
      %dma_start3A_249 = tpu.memref_slice %arg11[%dma_start3A_247, %dma_start3A_248] : memref<5120x64xf32, #tpu.memory_space<vmem_shared>> -> memref<5120x64xf32, #tpu.memory_space<vmem_shared>>
      tpu.enqueue_indirect_dma source(%dma_start3A_243 : memref<128x64xf32, #tpu.memory_space<vmem>>) target(%dma_start3A_249 : memref<5120x64xf32, #tpu.memory_space<vmem_shared>>) offsets(%dma_start3A_246 : memref<128xi32, #tpu.memory_space<vmem>>) semaphore(%arg18 : memref<!tpu.dma_semaphore, #tpu.memory_space<semaphore_mem>>) {add = true}
      %sub3A_250 = arith.constant 2 : i32
      %sub3A_251 = arith.subi %add3A_227, %sub3A_250 : i32
      %add3A_252 = arith.constant 5 : i32
      %add3A_253 = arith.addi %sub3A_251, %add3A_252 : i32
      %ge3A_254 = arith.constant 0 : i32
      %ge3A_255 = arith.cmpi sge, %sub3A_251, %ge3A_254 : i32
      %lt3A_256 = arith.constant 80 : i32
      %lt3A_257 = arith.cmpi slt, %add3A_253, %lt3A_256 : i32
      %and3A_258 = arith.andi %ge3A_255, %lt3A_257 : i1
      %convert_element_type3A_259 = arith.extui %and3A_258 : i1 to i32
      %cond3A_260 = arith.constant 0 : i32
      %cond3A_261 = arith.cmpi ne, %convert_element_type3A_259, %cond3A_260 : i32
      scf.if %cond3A_261 {
        %dma_wait3A_376 = arith.constant 4 : i32
        %dma_wait3A_377 = arith.constant 0 : i32
        %dma_wait3A_378 = arith.constant 0 : i32
        %dma_wait3A_379 = tpu.memref_slice %arg9[%dma_wait3A_376, %dma_wait3A_377, %dma_wait3A_378] : memref<5x128x64xf32, #tpu.memory_space<vmem>> -> memref<1x128x64xf32, #tpu.memory_space<vmem>>
        %dma_wait3A_380 = tpu.memref_squeeze %dma_wait3A_379 : memref<1x128x64xf32, #tpu.memory_space<vmem>> -> memref<128x64xf32, #tpu.memory_space<vmem>>
        %dma_wait3A_381 = arith.constant 0 : i32
        %dma_wait3A_382 = tpu.memref_slice %arg8[%sub3A_251, %dma_wait3A_381] : memref<80x128xi32, #tpu.memory_space<vmem>> -> memref<1x128xi32, #tpu.memory_space<vmem>>
        %dma_wait3A_383 = tpu.memref_squeeze %dma_wait3A_382 : memref<1x128xi32, #tpu.memory_space<vmem>> -> memref<128xi32, #tpu.memory_space<vmem>>
        %dma_wait3A_384 = arith.constant 0 : i32
        %dma_wait3A_385 = arith.constant 0 : i32
        %dma_wait3A_386 = tpu.memref_slice %arg11[%dma_wait3A_384, %dma_wait3A_385] : memref<5120x64xf32, #tpu.memory_space<vmem_shared>> -> memref<5120x64xf32, #tpu.memory_space<vmem_shared>>
        tpu.wait_indirect_dma semaphore(%arg21 : memref<!tpu.dma_semaphore, #tpu.memory_space<semaphore_mem>>) src(%dma_wait3A_380 : memref<128x64xf32, #tpu.memory_space<vmem>>) dst(%dma_wait3A_386 : memref<5120x64xf32, #tpu.memory_space<vmem_shared>>)
        %dma_start3A_387 = arith.constant 4 : i32
        %dma_start3A_388 = arith.constant 0 : i32
        %dma_start3A_389 = arith.constant 0 : i32
        %dma_start3A_390 = tpu.memref_slice %arg9[%dma_start3A_387, %dma_start3A_388, %dma_start3A_389] : memref<5x128x64xf32, #tpu.memory_space<vmem>> -> memref<1x128x64xf32, #tpu.memory_space<vmem>>
        %dma_start3A_391 = tpu.memref_squeeze %dma_start3A_390 : memref<1x128x64xf32, #tpu.memory_space<vmem>> -> memref<128x64xf32, #tpu.memory_space<vmem>>
        %dma_start3A_392 = arith.constant 0 : i32
        %dma_start3A_393 = tpu.memref_slice %arg7[%add3A_253, %dma_start3A_392] : memref<80x128xi32, #tpu.memory_space<vmem>> -> memref<1x128xi32, #tpu.memory_space<vmem>>
        %dma_start3A_394 = tpu.memref_squeeze %dma_start3A_393 : memref<1x128xi32, #tpu.memory_space<vmem>> -> memref<128xi32, #tpu.memory_space<vmem>>
        %dma_start3A_395 = arith.constant 0 : i32
        %dma_start3A_396 = arith.constant 0 : i32
        %dma_start3A_397 = tpu.memref_slice %arg10[%dma_start3A_395, %dma_start3A_396] : memref<10240x64xf32, #tpu.memory_space<vmem_shared>> -> memref<10240x64xf32, #tpu.memory_space<vmem_shared>>
        tpu.enqueue_indirect_dma source(%dma_start3A_397 : memref<10240x64xf32, #tpu.memory_space<vmem_shared>>) target(%dma_start3A_391 : memref<128x64xf32, #tpu.memory_space<vmem>>) offsets(%dma_start3A_394 : memref<128xi32, #tpu.memory_space<vmem>>) semaphore(%arg16 : memref<!tpu.dma_semaphore, #tpu.memory_space<semaphore_mem>>)
      } else {
      }
      %mul3A_262 = arith.constant 5 : i32
      %mul3A_263 = arith.muli %scan3A_191, %mul3A_262 : i32
      %add3A_264 = arith.constant 2 : i32
      %add3A_265 = arith.addi %mul3A_263, %add3A_264 : i32
      %dma_wait3A_266 = arith.constant 2 : i32
      %dma_wait3A_267 = arith.constant 0 : i32
      %dma_wait3A_268 = arith.constant 0 : i32
      %dma_wait3A_269 = tpu.memref_slice %arg9[%dma_wait3A_266, %dma_wait3A_267, %dma_wait3A_268] : memref<5x128x64xf32, #tpu.memory_space<vmem>> -> memref<1x128x64xf32, #tpu.memory_space<vmem>>
      %dma_wait3A_270 = tpu.memref_squeeze %dma_wait3A_269 : memref<1x128x64xf32, #tpu.memory_space<vmem>> -> memref<128x64xf32, #tpu.memory_space<vmem>>
      %dma_wait3A_271 = arith.constant 0 : i32
      %dma_wait3A_272 = tpu.memref_slice %arg7[%add3A_265, %dma_wait3A_271] : memref<80x128xi32, #tpu.memory_space<vmem>> -> memref<1x128xi32, #tpu.memory_space<vmem>>
      %dma_wait3A_273 = tpu.memref_squeeze %dma_wait3A_272 : memref<1x128xi32, #tpu.memory_space<vmem>> -> memref<128xi32, #tpu.memory_space<vmem>>
      %dma_wait3A_274 = arith.constant 0 : i32
      %dma_wait3A_275 = arith.constant 0 : i32
      %dma_wait3A_276 = tpu.memref_slice %arg10[%dma_wait3A_274, %dma_wait3A_275] : memref<10240x64xf32, #tpu.memory_space<vmem_shared>> -> memref<10240x64xf32, #tpu.memory_space<vmem_shared>>
      tpu.wait_indirect_dma semaphore(%arg14 : memref<!tpu.dma_semaphore, #tpu.memory_space<semaphore_mem>>) src(%dma_wait3A_276 : memref<10240x64xf32, #tpu.memory_space<vmem_shared>>) dst(%dma_wait3A_270 : memref<128x64xf32, #tpu.memory_space<vmem>>)
      %dma_start3A_277 = arith.constant 2 : i32
      %dma_start3A_278 = arith.constant 0 : i32
      %dma_start3A_279 = arith.constant 0 : i32
      %dma_start3A_280 = tpu.memref_slice %arg9[%dma_start3A_277, %dma_start3A_278, %dma_start3A_279] : memref<5x128x64xf32, #tpu.memory_space<vmem>> -> memref<1x128x64xf32, #tpu.memory_space<vmem>>
      %dma_start3A_281 = tpu.memref_squeeze %dma_start3A_280 : memref<1x128x64xf32, #tpu.memory_space<vmem>> -> memref<128x64xf32, #tpu.memory_space<vmem>>
      %dma_start3A_282 = arith.constant 0 : i32
      %dma_start3A_283 = tpu.memref_slice %arg8[%add3A_265, %dma_start3A_282] : memref<80x128xi32, #tpu.memory_space<vmem>> -> memref<1x128xi32, #tpu.memory_space<vmem>>
      %dma_start3A_284 = tpu.memref_squeeze %dma_start3A_283 : memref<1x128xi32, #tpu.memory_space<vmem>> -> memref<128xi32, #tpu.memory_space<vmem>>
      %dma_start3A_285 = arith.constant 0 : i32
      %dma_start3A_286 = arith.constant 0 : i32
      %dma_start3A_287 = tpu.memref_slice %arg11[%dma_start3A_285, %dma_start3A_286] : memref<5120x64xf32, #tpu.memory_space<vmem_shared>> -> memref<5120x64xf32, #tpu.memory_space<vmem_shared>>
      tpu.enqueue_indirect_dma source(%dma_start3A_281 : memref<128x64xf32, #tpu.memory_space<vmem>>) target(%dma_start3A_287 : memref<5120x64xf32, #tpu.memory_space<vmem_shared>>) offsets(%dma_start3A_284 : memref<128xi32, #tpu.memory_space<vmem>>) semaphore(%arg19 : memref<!tpu.dma_semaphore, #tpu.memory_space<semaphore_mem>>) {add = true}
      %sub3A_288 = arith.constant 2 : i32
      %sub3A_289 = arith.subi %add3A_265, %sub3A_288 : i32
      %add3A_290 = arith.constant 5 : i32
      %add3A_291 = arith.addi %sub3A_289, %add3A_290 : i32
      %ge3A_292 = arith.constant 0 : i32
      %ge3A_293 = arith.cmpi sge, %sub3A_289, %ge3A_292 : i32
      %lt3A_294 = arith.constant 80 : i32
      %lt3A_295 = arith.cmpi slt, %add3A_291, %lt3A_294 : i32
      %and3A_296 = arith.andi %ge3A_293, %lt3A_295 : i1
      %convert_element_type3A_297 = arith.extui %and3A_296 : i1 to i32
      %cond3A_298 = arith.constant 0 : i32
      %cond3A_299 = arith.cmpi ne, %convert_element_type3A_297, %cond3A_298 : i32
      scf.if %cond3A_299 {
        %dma_wait3A_376 = arith.constant 0 : i32
        %dma_wait3A_377 = arith.constant 0 : i32
        %dma_wait3A_378 = arith.constant 0 : i32
        %dma_wait3A_379 = tpu.memref_slice %arg9[%dma_wait3A_376, %dma_wait3A_377, %dma_wait3A_378] : memref<5x128x64xf32, #tpu.memory_space<vmem>> -> memref<1x128x64xf32, #tpu.memory_space<vmem>>
        %dma_wait3A_380 = tpu.memref_squeeze %dma_wait3A_379 : memref<1x128x64xf32, #tpu.memory_space<vmem>> -> memref<128x64xf32, #tpu.memory_space<vmem>>
        %dma_wait3A_381 = arith.constant 0 : i32
        %dma_wait3A_382 = tpu.memref_slice %arg8[%sub3A_289, %dma_wait3A_381] : memref<80x128xi32, #tpu.memory_space<vmem>> -> memref<1x128xi32, #tpu.memory_space<vmem>>
        %dma_wait3A_383 = tpu.memref_squeeze %dma_wait3A_382 : memref<1x128xi32, #tpu.memory_space<vmem>> -> memref<128xi32, #tpu.memory_space<vmem>>
        %dma_wait3A_384 = arith.constant 0 : i32
        %dma_wait3A_385 = arith.constant 0 : i32
        %dma_wait3A_386 = tpu.memref_slice %arg11[%dma_wait3A_384, %dma_wait3A_385] : memref<5120x64xf32, #tpu.memory_space<vmem_shared>> -> memref<5120x64xf32, #tpu.memory_space<vmem_shared>>
        tpu.wait_indirect_dma semaphore(%arg17 : memref<!tpu.dma_semaphore, #tpu.memory_space<semaphore_mem>>) src(%dma_wait3A_380 : memref<128x64xf32, #tpu.memory_space<vmem>>) dst(%dma_wait3A_386 : memref<5120x64xf32, #tpu.memory_space<vmem_shared>>)
        %dma_start3A_387 = arith.constant 0 : i32
        %dma_start3A_388 = arith.constant 0 : i32
        %dma_start3A_389 = arith.constant 0 : i32
        %dma_start3A_390 = tpu.memref_slice %arg9[%dma_start3A_387, %dma_start3A_388, %dma_start3A_389] : memref<5x128x64xf32, #tpu.memory_space<vmem>> -> memref<1x128x64xf32, #tpu.memory_space<vmem>>
        %dma_start3A_391 = tpu.memref_squeeze %dma_start3A_390 : memref<1x128x64xf32, #tpu.memory_space<vmem>> -> memref<128x64xf32, #tpu.memory_space<vmem>>
        %dma_start3A_392 = arith.constant 0 : i32
        %dma_start3A_393 = tpu.memref_slice %arg7[%add3A_291, %dma_start3A_392] : memref<80x128xi32, #tpu.memory_space<vmem>> -> memref<1x128xi32, #tpu.memory_space<vmem>>
        %dma_start3A_394 = tpu.memref_squeeze %dma_start3A_393 : memref<1x128xi32, #tpu.memory_space<vmem>> -> memref<128xi32, #tpu.memory_space<vmem>>
        %dma_start3A_395 = arith.constant 0 : i32
        %dma_start3A_396 = arith.constant 0 : i32
        %dma_start3A_397 = tpu.memref_slice %arg10[%dma_start3A_395, %dma_start3A_396] : memref<10240x64xf32, #tpu.memory_space<vmem_shared>> -> memref<10240x64xf32, #tpu.memory_space<vmem_shared>>
        tpu.enqueue_indirect_dma source(%dma_start3A_397 : memref<10240x64xf32, #tpu.memory_space<vmem_shared>>) target(%dma_start3A_391 : memref<128x64xf32, #tpu.memory_space<vmem>>) offsets(%dma_start3A_394 : memref<128xi32, #tpu.memory_space<vmem>>) semaphore(%arg12 : memref<!tpu.dma_semaphore, #tpu.memory_space<semaphore_mem>>)
      } else {
      }
      %mul3A_300 = arith.constant 5 : i32
      %mul3A_301 = arith.muli %scan3A_191, %mul3A_300 : i32
      %add3A_302 = arith.constant 3 : i32
      %add3A_303 = arith.addi %mul3A_301, %add3A_302 : i32
      %dma_wait3A_304 = arith.constant 3 : i32
      %dma_wait3A_305 = arith.constant 0 : i32
      %dma_wait3A_306 = arith.constant 0 : i32
      %dma_wait3A_307 = tpu.memref_slice %arg9[%dma_wait3A_304, %dma_wait3A_305, %dma_wait3A_306] : memref<5x128x64xf32, #tpu.memory_space<vmem>> -> memref<1x128x64xf32, #tpu.memory_space<vmem>>
      %dma_wait3A_308 = tpu.memref_squeeze %dma_wait3A_307 : memref<1x128x64xf32, #tpu.memory_space<vmem>> -> memref<128x64xf32, #tpu.memory_space<vmem>>
      %dma_wait3A_309 = arith.constant 0 : i32
      %dma_wait3A_310 = tpu.memref_slice %arg7[%add3A_303, %dma_wait3A_309] : memref<80x128xi32, #tpu.memory_space<vmem>> -> memref<1x128xi32, #tpu.memory_space<vmem>>
      %dma_wait3A_311 = tpu.memref_squeeze %dma_wait3A_310 : memref<1x128xi32, #tpu.memory_space<vmem>> -> memref<128xi32, #tpu.memory_space<vmem>>
      %dma_wait3A_312 = arith.constant 0 : i32
      %dma_wait3A_313 = arith.constant 0 : i32
      %dma_wait3A_314 = tpu.memref_slice %arg10[%dma_wait3A_312, %dma_wait3A_313] : memref<10240x64xf32, #tpu.memory_space<vmem_shared>> -> memref<10240x64xf32, #tpu.memory_space<vmem_shared>>
      tpu.wait_indirect_dma semaphore(%arg15 : memref<!tpu.dma_semaphore, #tpu.memory_space<semaphore_mem>>) src(%dma_wait3A_314 : memref<10240x64xf32, #tpu.memory_space<vmem_shared>>) dst(%dma_wait3A_308 : memref<128x64xf32, #tpu.memory_space<vmem>>)
      %dma_start3A_315 = arith.constant 3 : i32
      %dma_start3A_316 = arith.constant 0 : i32
      %dma_start3A_317 = arith.constant 0 : i32
      %dma_start3A_318 = tpu.memref_slice %arg9[%dma_start3A_315, %dma_start3A_316, %dma_start3A_317] : memref<5x128x64xf32, #tpu.memory_space<vmem>> -> memref<1x128x64xf32, #tpu.memory_space<vmem>>
      %dma_start3A_319 = tpu.memref_squeeze %dma_start3A_318 : memref<1x128x64xf32, #tpu.memory_space<vmem>> -> memref<128x64xf32, #tpu.memory_space<vmem>>
      %dma_start3A_320 = arith.constant 0 : i32
      %dma_start3A_321 = tpu.memref_slice %arg8[%add3A_303, %dma_start3A_320] : memref<80x128xi32, #tpu.memory_space<vmem>> -> memref<1x128xi32, #tpu.memory_space<vmem>>
      %dma_start3A_322 = tpu.memref_squeeze %dma_start3A_321 : memref<1x128xi32, #tpu.memory_space<vmem>> -> memref<128xi32, #tpu.memory_space<vmem>>
      %dma_start3A_323 = arith.constant 0 : i32
      %dma_start3A_324 = arith.constant 0 : i32
      %dma_start3A_325 = tpu.memref_slice %arg11[%dma_start3A_323, %dma_start3A_324] : memref<5120x64xf32, #tpu.memory_space<vmem_shared>> -> memref<5120x64xf32, #tpu.memory_space<vmem_shared>>
      tpu.enqueue_indirect_dma source(%dma_start3A_319 : memref<128x64xf32, #tpu.memory_space<vmem>>) target(%dma_start3A_325 : memref<5120x64xf32, #tpu.memory_space<vmem_shared>>) offsets(%dma_start3A_322 : memref<128xi32, #tpu.memory_space<vmem>>) semaphore(%arg20 : memref<!tpu.dma_semaphore, #tpu.memory_space<semaphore_mem>>) {add = true}
      %sub3A_326 = arith.constant 2 : i32
      %sub3A_327 = arith.subi %add3A_303, %sub3A_326 : i32
      %add3A_328 = arith.constant 5 : i32
      %add3A_329 = arith.addi %sub3A_327, %add3A_328 : i32
      %ge3A_330 = arith.constant 0 : i32
      %ge3A_331 = arith.cmpi sge, %sub3A_327, %ge3A_330 : i32
      %lt3A_332 = arith.constant 80 : i32
      %lt3A_333 = arith.cmpi slt, %add3A_329, %lt3A_332 : i32
      %and3A_334 = arith.andi %ge3A_331, %lt3A_333 : i1
      %convert_element_type3A_335 = arith.extui %and3A_334 : i1 to i32
      %cond3A_336 = arith.constant 0 : i32
      %cond3A_337 = arith.cmpi ne, %convert_element_type3A_335, %cond3A_336 : i32
      scf.if %cond3A_337 {
        %dma_wait3A_376 = arith.constant 1 : i32
        %dma_wait3A_377 = arith.constant 0 : i32
        %dma_wait3A_378 = arith.constant 0 : i32
        %dma_wait3A_379 = tpu.memref_slice %arg9[%dma_wait3A_376, %dma_wait3A_377, %dma_wait3A_378] : memref<5x128x64xf32, #tpu.memory_space<vmem>> -> memref<1x128x64xf32, #tpu.memory_space<vmem>>
        %dma_wait3A_380 = tpu.memref_squeeze %dma_wait3A_379 : memref<1x128x64xf32, #tpu.memory_space<vmem>> -> memref<128x64xf32, #tpu.memory_space<vmem>>
        %dma_wait3A_381 = arith.constant 0 : i32
        %dma_wait3A_382 = tpu.memref_slice %arg8[%sub3A_327, %dma_wait3A_381] : memref<80x128xi32, #tpu.memory_space<vmem>> -> memref<1x128xi32, #tpu.memory_space<vmem>>
        %dma_wait3A_383 = tpu.memref_squeeze %dma_wait3A_382 : memref<1x128xi32, #tpu.memory_space<vmem>> -> memref<128xi32, #tpu.memory_space<vmem>>
        %dma_wait3A_384 = arith.constant 0 : i32
        %dma_wait3A_385 = arith.constant 0 : i32
        %dma_wait3A_386 = tpu.memref_slice %arg11[%dma_wait3A_384, %dma_wait3A_385] : memref<5120x64xf32, #tpu.memory_space<vmem_shared>> -> memref<5120x64xf32, #tpu.memory_space<vmem_shared>>
        tpu.wait_indirect_dma semaphore(%arg18 : memref<!tpu.dma_semaphore, #tpu.memory_space<semaphore_mem>>) src(%dma_wait3A_380 : memref<128x64xf32, #tpu.memory_space<vmem>>) dst(%dma_wait3A_386 : memref<5120x64xf32, #tpu.memory_space<vmem_shared>>)
        %dma_start3A_387 = arith.constant 1 : i32
        %dma_start3A_388 = arith.constant 0 : i32
        %dma_start3A_389 = arith.constant 0 : i32
        %dma_start3A_390 = tpu.memref_slice %arg9[%dma_start3A_387, %dma_start3A_388, %dma_start3A_389] : memref<5x128x64xf32, #tpu.memory_space<vmem>> -> memref<1x128x64xf32, #tpu.memory_space<vmem>>
        %dma_start3A_391 = tpu.memref_squeeze %dma_start3A_390 : memref<1x128x64xf32, #tpu.memory_space<vmem>> -> memref<128x64xf32, #tpu.memory_space<vmem>>
        %dma_start3A_392 = arith.constant 0 : i32
        %dma_start3A_393 = tpu.memref_slice %arg7[%add3A_329, %dma_start3A_392] : memref<80x128xi32, #tpu.memory_space<vmem>> -> memref<1x128xi32, #tpu.memory_space<vmem>>
        %dma_start3A_394 = tpu.memref_squeeze %dma_start3A_393 : memref<1x128xi32, #tpu.memory_space<vmem>> -> memref<128xi32, #tpu.memory_space<vmem>>
        %dma_start3A_395 = arith.constant 0 : i32
        %dma_start3A_396 = arith.constant 0 : i32
        %dma_start3A_397 = tpu.memref_slice %arg10[%dma_start3A_395, %dma_start3A_396] : memref<10240x64xf32, #tpu.memory_space<vmem_shared>> -> memref<10240x64xf32, #tpu.memory_space<vmem_shared>>
        tpu.enqueue_indirect_dma source(%dma_start3A_397 : memref<10240x64xf32, #tpu.memory_space<vmem_shared>>) target(%dma_start3A_391 : memref<128x64xf32, #tpu.memory_space<vmem>>) offsets(%dma_start3A_394 : memref<128xi32, #tpu.memory_space<vmem>>) semaphore(%arg13 : memref<!tpu.dma_semaphore, #tpu.memory_space<semaphore_mem>>)
      } else {
      }
      %mul3A_338 = arith.constant 5 : i32
      %mul3A_339 = arith.muli %scan3A_191, %mul3A_338 : i32
      %add3A_340 = arith.constant 4 : i32
      %add3A_341 = arith.addi %mul3A_339, %add3A_340 : i32
      %dma_wait3A_342 = arith.constant 4 : i32
      %dma_wait3A_343 = arith.constant 0 : i32
      %dma_wait3A_344 = arith.constant 0 : i32
      %dma_wait3A_345 = tpu.memref_slice %arg9[%dma_wait3A_342, %dma_wait3A_343, %dma_wait3A_344] : memref<5x128x64xf32, #tpu.memory_space<vmem>> -> memref<1x128x64xf32, #tpu.memory_space<vmem>>
      %dma_wait3A_346 = tpu.memref_squeeze %dma_wait3A_345 : memref<1x128x64xf32, #tpu.memory_space<vmem>> -> memref<128x64xf32, #tpu.memory_space<vmem>>
      %dma_wait3A_347 = arith.constant 0 : i32
      %dma_wait3A_348 = tpu.memref_slice %arg7[%add3A_341, %dma_wait3A_347] : memref<80x128xi32, #tpu.memory_space<vmem>> -> memref<1x128xi32, #tpu.memory_space<vmem>>
      %dma_wait3A_349 = tpu.memref_squeeze %dma_wait3A_348 : memref<1x128xi32, #tpu.memory_space<vmem>> -> memref<128xi32, #tpu.memory_space<vmem>>
      %dma_wait3A_350 = arith.constant 0 : i32
      %dma_wait3A_351 = arith.constant 0 : i32
      %dma_wait3A_352 = tpu.memref_slice %arg10[%dma_wait3A_350, %dma_wait3A_351] : memref<10240x64xf32, #tpu.memory_space<vmem_shared>> -> memref<10240x64xf32, #tpu.memory_space<vmem_shared>>
      tpu.wait_indirect_dma semaphore(%arg16 : memref<!tpu.dma_semaphore, #tpu.memory_space<semaphore_mem>>) src(%dma_wait3A_352 : memref<10240x64xf32, #tpu.memory_space<vmem_shared>>) dst(%dma_wait3A_346 : memref<128x64xf32, #tpu.memory_space<vmem>>)
      %dma_start3A_353 = arith.constant 4 : i32
      %dma_start3A_354 = arith.constant 0 : i32
      %dma_start3A_355 = arith.constant 0 : i32
      %dma_start3A_356 = tpu.memref_slice %arg9[%dma_start3A_353, %dma_start3A_354, %dma_start3A_355] : memref<5x128x64xf32, #tpu.memory_space<vmem>> -> memref<1x128x64xf32, #tpu.memory_space<vmem>>
      %dma_start3A_357 = tpu.memref_squeeze %dma_start3A_356 : memref<1x128x64xf32, #tpu.memory_space<vmem>> -> memref<128x64xf32, #tpu.memory_space<vmem>>
      %dma_start3A_358 = arith.constant 0 : i32
      %dma_start3A_359 = tpu.memref_slice %arg8[%add3A_341, %dma_start3A_358] : memref<80x128xi32, #tpu.memory_space<vmem>> -> memref<1x128xi32, #tpu.memory_space<vmem>>
      %dma_start3A_360 = tpu.memref_squeeze %dma_start3A_359 : memref<1x128xi32, #tpu.memory_space<vmem>> -> memref<128xi32, #tpu.memory_space<vmem>>
      %dma_start3A_361 = arith.constant 0 : i32
      %dma_start3A_362 = arith.constant 0 : i32
      %dma_start3A_363 = tpu.memref_slice %arg11[%dma_start3A_361, %dma_start3A_362] : memref<5120x64xf32, #tpu.memory_space<vmem_shared>> -> memref<5120x64xf32, #tpu.memory_space<vmem_shared>>
      tpu.enqueue_indirect_dma source(%dma_start3A_357 : memref<128x64xf32, #tpu.memory_space<vmem>>) target(%dma_start3A_363 : memref<5120x64xf32, #tpu.memory_space<vmem_shared>>) offsets(%dma_start3A_360 : memref<128xi32, #tpu.memory_space<vmem>>) semaphore(%arg21 : memref<!tpu.dma_semaphore, #tpu.memory_space<semaphore_mem>>) {add = true}
      %sub3A_364 = arith.constant 2 : i32
      %sub3A_365 = arith.subi %add3A_341, %sub3A_364 : i32
      %add3A_366 = arith.constant 5 : i32
      %add3A_367 = arith.addi %sub3A_365, %add3A_366 : i32
      %ge3A_368 = arith.constant 0 : i32
      %ge3A_369 = arith.cmpi sge, %sub3A_365, %ge3A_368 : i32
      %lt3A_370 = arith.constant 80 : i32
      %lt3A_371 = arith.cmpi slt, %add3A_367, %lt3A_370 : i32
      %and3A_372 = arith.andi %ge3A_369, %lt3A_371 : i1
      %convert_element_type3A_373 = arith.extui %and3A_372 : i1 to i32
      %cond3A_374 = arith.constant 0 : i32
      %cond3A_375 = arith.cmpi ne, %convert_element_type3A_373, %cond3A_374 : i32
      scf.if %cond3A_375 {
        %dma_wait3A_376 = arith.constant 2 : i32
        %dma_wait3A_377 = arith.constant 0 : i32
        %dma_wait3A_378 = arith.constant 0 : i32
        %dma_wait3A_379 = tpu.memref_slice %arg9[%dma_wait3A_376, %dma_wait3A_377, %dma_wait3A_378] : memref<5x128x64xf32, #tpu.memory_space<vmem>> -> memref<1x128x64xf32, #tpu.memory_space<vmem>>
        %dma_wait3A_380 = tpu.memref_squeeze %dma_wait3A_379 : memref<1x128x64xf32, #tpu.memory_space<vmem>> -> memref<128x64xf32, #tpu.memory_space<vmem>>
        %dma_wait3A_381 = arith.constant 0 : i32
        %dma_wait3A_382 = tpu.memref_slice %arg8[%sub3A_365, %dma_wait3A_381] : memref<80x128xi32, #tpu.memory_space<vmem>> -> memref<1x128xi32, #tpu.memory_space<vmem>>
        %dma_wait3A_383 = tpu.memref_squeeze %dma_wait3A_382 : memref<1x128xi32, #tpu.memory_space<vmem>> -> memref<128xi32, #tpu.memory_space<vmem>>
        %dma_wait3A_384 = arith.constant 0 : i32
        %dma_wait3A_385 = arith.constant 0 : i32
        %dma_wait3A_386 = tpu.memref_slice %arg11[%dma_wait3A_384, %dma_wait3A_385] : memref<5120x64xf32, #tpu.memory_space<vmem_shared>> -> memref<5120x64xf32, #tpu.memory_space<vmem_shared>>
        tpu.wait_indirect_dma semaphore(%arg19 : memref<!tpu.dma_semaphore, #tpu.memory_space<semaphore_mem>>) src(%dma_wait3A_380 : memref<128x64xf32, #tpu.memory_space<vmem>>) dst(%dma_wait3A_386 : memref<5120x64xf32, #tpu.memory_space<vmem_shared>>)
        %dma_start3A_387 = arith.constant 2 : i32
        %dma_start3A_388 = arith.constant 0 : i32
        %dma_start3A_389 = arith.constant 0 : i32
        %dma_start3A_390 = tpu.memref_slice %arg9[%dma_start3A_387, %dma_start3A_388, %dma_start3A_389] : memref<5x128x64xf32, #tpu.memory_space<vmem>> -> memref<1x128x64xf32, #tpu.memory_space<vmem>>
        %dma_start3A_391 = tpu.memref_squeeze %dma_start3A_390 : memref<1x128x64xf32, #tpu.memory_space<vmem>> -> memref<128x64xf32, #tpu.memory_space<vmem>>
        %dma_start3A_392 = arith.constant 0 : i32
        %dma_start3A_393 = tpu.memref_slice %arg7[%add3A_367, %dma_start3A_392] : memref<80x128xi32, #tpu.memory_space<vmem>> -> memref<1x128xi32, #tpu.memory_space<vmem>>
        %dma_start3A_394 = tpu.memref_squeeze %dma_start3A_393 : memref<1x128xi32, #tpu.memory_space<vmem>> -> memref<128xi32, #tpu.memory_space<vmem>>
        %dma_start3A_395 = arith.constant 0 : i32
        %dma_start3A_396 = arith.constant 0 : i32
        %dma_start3A_397 = tpu.memref_slice %arg10[%dma_start3A_395, %dma_start3A_396] : memref<10240x64xf32, #tpu.memory_space<vmem_shared>> -> memref<10240x64xf32, #tpu.memory_space<vmem_shared>>
        tpu.enqueue_indirect_dma source(%dma_start3A_397 : memref<10240x64xf32, #tpu.memory_space<vmem_shared>>) target(%dma_start3A_391 : memref<128x64xf32, #tpu.memory_space<vmem>>) offsets(%dma_start3A_394 : memref<128xi32, #tpu.memory_space<vmem>>) semaphore(%arg14 : memref<!tpu.dma_semaphore, #tpu.memory_space<semaphore_mem>>)
      } else {
      }
    }
    %scan3A_125 = arith.constant 16 : i32
    %dma_wait3A_126 = arith.constant 0 : i32
    %dma_wait3A_127 = arith.constant 75 : i32
    %dma_wait3A_128 = arith.constant 0 : i32
    %dma_wait3A_129 = arith.constant 0 : i32
    %dma_wait3A_130 = tpu.memref_slice %arg9[%dma_wait3A_126, %dma_wait3A_128, %dma_wait3A_129] : memref<5x128x64xf32, #tpu.memory_space<vmem>> -> memref<1x128x64xf32, #tpu.memory_space<vmem>>
    %dma_wait3A_131 = tpu.memref_squeeze %dma_wait3A_130 : memref<1x128x64xf32, #tpu.memory_space<vmem>> -> memref<128x64xf32, #tpu.memory_space<vmem>>
    %dma_wait3A_132 = arith.constant 0 : i32
    %dma_wait3A_133 = tpu.memref_slice %arg8[%dma_wait3A_127, %dma_wait3A_132] : memref<80x128xi32, #tpu.memory_space<vmem>> -> memref<1x128xi32, #tpu.memory_space<vmem>>
    %dma_wait3A_134 = tpu.memref_squeeze %dma_wait3A_133 : memref<1x128xi32, #tpu.memory_space<vmem>> -> memref<128xi32, #tpu.memory_space<vmem>>
    %dma_wait3A_135 = arith.constant 0 : i32
    %dma_wait3A_136 = arith.constant 0 : i32
    %dma_wait3A_137 = tpu.memref_slice %arg11[%dma_wait3A_135, %dma_wait3A_136] : memref<5120x64xf32, #tpu.memory_space<vmem_shared>> -> memref<5120x64xf32, #tpu.memory_space<vmem_shared>>
    tpu.wait_indirect_dma semaphore(%arg17 : memref<!tpu.dma_semaphore, #tpu.memory_space<semaphore_mem>>) src(%dma_wait3A_131 : memref<128x64xf32, #tpu.memory_space<vmem>>) dst(%dma_wait3A_137 : memref<5120x64xf32, #tpu.memory_space<vmem_shared>>)
    %dma_wait3A_138 = arith.constant 1 : i32
    %dma_wait3A_139 = arith.constant 76 : i32
    %dma_wait3A_140 = arith.constant 0 : i32
    %dma_wait3A_141 = arith.constant 0 : i32
    %dma_wait3A_142 = tpu.memref_slice %arg9[%dma_wait3A_138, %dma_wait3A_140, %dma_wait3A_141] : memref<5x128x64xf32, #tpu.memory_space<vmem>> -> memref<1x128x64xf32, #tpu.memory_space<vmem>>
    %dma_wait3A_143 = tpu.memref_squeeze %dma_wait3A_142 : memref<1x128x64xf32, #tpu.memory_space<vmem>> -> memref<128x64xf32, #tpu.memory_space<vmem>>
    %dma_wait3A_144 = arith.constant 0 : i32
    %dma_wait3A_145 = tpu.memref_slice %arg8[%dma_wait3A_139, %dma_wait3A_144] : memref<80x128xi32, #tpu.memory_space<vmem>> -> memref<1x128xi32, #tpu.memory_space<vmem>>
    %dma_wait3A_146 = tpu.memref_squeeze %dma_wait3A_145 : memref<1x128xi32, #tpu.memory_space<vmem>> -> memref<128xi32, #tpu.memory_space<vmem>>
    %dma_wait3A_147 = arith.constant 0 : i32
    %dma_wait3A_148 = arith.constant 0 : i32
    %dma_wait3A_149 = tpu.memref_slice %arg11[%dma_wait3A_147, %dma_wait3A_148] : memref<5120x64xf32, #tpu.memory_space<vmem_shared>> -> memref<5120x64xf32, #tpu.memory_space<vmem_shared>>
    tpu.wait_indirect_dma semaphore(%arg18 : memref<!tpu.dma_semaphore, #tpu.memory_space<semaphore_mem>>) src(%dma_wait3A_143 : memref<128x64xf32, #tpu.memory_space<vmem>>) dst(%dma_wait3A_149 : memref<5120x64xf32, #tpu.memory_space<vmem_shared>>)
    %dma_wait3A_150 = arith.constant 2 : i32
    %dma_wait3A_151 = arith.constant 77 : i32
    %dma_wait3A_152 = arith.constant 0 : i32
    %dma_wait3A_153 = arith.constant 0 : i32
    %dma_wait3A_154 = tpu.memref_slice %arg9[%dma_wait3A_150, %dma_wait3A_152, %dma_wait3A_153] : memref<5x128x64xf32, #tpu.memory_space<vmem>> -> memref<1x128x64xf32, #tpu.memory_space<vmem>>
    %dma_wait3A_155 = tpu.memref_squeeze %dma_wait3A_154 : memref<1x128x64xf32, #tpu.memory_space<vmem>> -> memref<128x64xf32, #tpu.memory_space<vmem>>
    %dma_wait3A_156 = arith.constant 0 : i32
    %dma_wait3A_157 = tpu.memref_slice %arg8[%dma_wait3A_151, %dma_wait3A_156] : memref<80x128xi32, #tpu.memory_space<vmem>> -> memref<1x128xi32, #tpu.memory_space<vmem>>
    %dma_wait3A_158 = tpu.memref_squeeze %dma_wait3A_157 : memref<1x128xi32, #tpu.memory_space<vmem>> -> memref<128xi32, #tpu.memory_space<vmem>>
    %dma_wait3A_159 = arith.constant 0 : i32
    %dma_wait3A_160 = arith.constant 0 : i32
    %dma_wait3A_161 = tpu.memref_slice %arg11[%dma_wait3A_159, %dma_wait3A_160] : memref<5120x64xf32, #tpu.memory_space<vmem_shared>> -> memref<5120x64xf32, #tpu.memory_space<vmem_shared>>
    tpu.wait_indirect_dma semaphore(%arg19 : memref<!tpu.dma_semaphore, #tpu.memory_space<semaphore_mem>>) src(%dma_wait3A_155 : memref<128x64xf32, #tpu.memory_space<vmem>>) dst(%dma_wait3A_161 : memref<5120x64xf32, #tpu.memory_space<vmem_shared>>)
    %dma_wait3A_162 = arith.constant 3 : i32
    %dma_wait3A_163 = arith.constant 78 : i32
    %dma_wait3A_164 = arith.constant 0 : i32
    %dma_wait3A_165 = arith.constant 0 : i32
    %dma_wait3A_166 = tpu.memref_slice %arg9[%dma_wait3A_162, %dma_wait3A_164, %dma_wait3A_165] : memref<5x128x64xf32, #tpu.memory_space<vmem>> -> memref<1x128x64xf32, #tpu.memory_space<vmem>>
    %dma_wait3A_167 = tpu.memref_squeeze %dma_wait3A_166 : memref<1x128x64xf32, #tpu.memory_space<vmem>> -> memref<128x64xf32, #tpu.memory_space<vmem>>
    %dma_wait3A_168 = arith.constant 0 : i32
    %dma_wait3A_169 = tpu.memref_slice %arg8[%dma_wait3A_163, %dma_wait3A_168] : memref<80x128xi32, #tpu.memory_space<vmem>> -> memref<1x128xi32, #tpu.memory_space<vmem>>
    %dma_wait3A_170 = tpu.memref_squeeze %dma_wait3A_169 : memref<1x128xi32, #tpu.memory_space<vmem>> -> memref<128xi32, #tpu.memory_space<vmem>>
    %dma_wait3A_171 = arith.constant 0 : i32
    %dma_wait3A_172 = arith.constant 0 : i32
    %dma_wait3A_173 = tpu.memref_slice %arg11[%dma_wait3A_171, %dma_wait3A_172] : memref<5120x64xf32, #tpu.memory_space<vmem_shared>> -> memref<5120x64xf32, #tpu.memory_space<vmem_shared>>
    tpu.wait_indirect_dma semaphore(%arg20 : memref<!tpu.dma_semaphore, #tpu.memory_space<semaphore_mem>>) src(%dma_wait3A_167 : memref<128x64xf32, #tpu.memory_space<vmem>>) dst(%dma_wait3A_173 : memref<5120x64xf32, #tpu.memory_space<vmem_shared>>)
    %dma_wait3A_174 = arith.constant 4 : i32
    %dma_wait3A_175 = arith.constant 79 : i32
    %dma_wait3A_176 = arith.constant 0 : i32
    %dma_wait3A_177 = arith.constant 0 : i32
    %dma_wait3A_178 = tpu.memref_slice %arg9[%dma_wait3A_174, %dma_wait3A_176, %dma_wait3A_177] : memref<5x128x64xf32, #tpu.memory_space<vmem>> -> memref<1x128x64xf32, #tpu.memory_space<vmem>>
    %dma_wait3A_179 = tpu.memref_squeeze %dma_wait3A_178 : memref<1x128x64xf32, #tpu.memory_space<vmem>> -> memref<128x64xf32, #tpu.memory_space<vmem>>
    %dma_wait3A_180 = arith.constant 0 : i32
    %dma_wait3A_181 = tpu.memref_slice %arg8[%dma_wait3A_175, %dma_wait3A_180] : memref<80x128xi32, #tpu.memory_space<vmem>> -> memref<1x128xi32, #tpu.memory_space<vmem>>
    %dma_wait3A_182 = tpu.memref_squeeze %dma_wait3A_181 : memref<1x128xi32, #tpu.memory_space<vmem>> -> memref<128xi32, #tpu.memory_space<vmem>>
    %dma_wait3A_183 = arith.constant 0 : i32
    %dma_wait3A_184 = arith.constant 0 : i32
    %dma_wait3A_185 = tpu.memref_slice %arg11[%dma_wait3A_183, %dma_wait3A_184] : memref<5120x64xf32, #tpu.memory_space<vmem_shared>> -> memref<5120x64xf32, #tpu.memory_space<vmem_shared>>
    tpu.wait_indirect_dma semaphore(%arg21 : memref<!tpu.dma_semaphore, #tpu.memory_space<semaphore_mem>>) src(%dma_wait3A_179 : memref<128x64xf32, #tpu.memory_space<vmem>>) dst(%dma_wait3A_185 : memref<5120x64xf32, #tpu.memory_space<vmem_shared>>)
    %barrier3A_186 = arith.constant 0 : index
    tpu.barrier barrier_id(%barrier3A_186)
    %mul3A_187 = arith.constant 320 : i32
    %mul3A_188 = arith.muli %arg1, %mul3A_187 : i32
    %mul3A_189 = arith.constant 320 : i32
    %mul3A_190 = arith.muli %arg1, %mul3A_189 : i32
    "tpu.region"() ({
      %run_scoped3A = tpu.sem_alloc : memref<!tpu.dma_semaphore, #tpu.memory_space<semaphore_mem>>
      %dma_start3A_191 = arith.constant 0 : i32
      %dma_start3A_192 = tpu.memref_slice %arg6[%arg0, %mul3A_190, %dma_start3A_191] : memref<2x5120x64xf32, #tpu.memory_space<hbm>> -> memref<1x320x64xf32, #tpu.memory_space<hbm>>
      %dma_start3A_193 = tpu.memref_squeeze %dma_start3A_192 : memref<1x320x64xf32, #tpu.memory_space<hbm>> -> memref<320x64xf32, #tpu.memory_space<hbm>>
      %dma_start3A_194 = arith.constant 0 : i32
      %dma_start3A_195 = tpu.memref_slice %arg11[%mul3A_188, %dma_start3A_194] : memref<5120x64xf32, #tpu.memory_space<vmem_shared>> -> memref<320x64xf32, #tpu.memory_space<vmem_shared>>
      tpu.enqueue_dma source(%dma_start3A_195 : memref<320x64xf32, #tpu.memory_space<vmem_shared>>) target(%dma_start3A_193 : memref<320x64xf32, #tpu.memory_space<hbm>>) target_semaphore(%run_scoped3A : memref<!tpu.dma_semaphore, #tpu.memory_space<semaphore_mem>>)
      %dma_wait3A_196 = arith.constant 0 : i32
      %dma_wait3A_197 = tpu.memref_slice %arg6[%arg0, %mul3A_190, %dma_wait3A_196] : memref<2x5120x64xf32, #tpu.memory_space<hbm>> -> memref<1x320x64xf32, #tpu.memory_space<hbm>>
      %dma_wait3A_198 = tpu.memref_squeeze %dma_wait3A_197 : memref<1x320x64xf32, #tpu.memory_space<hbm>> -> memref<320x64xf32, #tpu.memory_space<hbm>>
      %dma_wait3A_199 = arith.constant 0 : i32
      %dma_wait3A_200 = tpu.memref_slice %arg11[%mul3A_188, %dma_wait3A_199] : memref<5120x64xf32, #tpu.memory_space<vmem_shared>> -> memref<320x64xf32, #tpu.memory_space<vmem_shared>>
      tpu.wait_dma2 semaphore(%run_scoped3A : memref<!tpu.dma_semaphore, #tpu.memory_space<semaphore_mem>>) src(%dma_wait3A_200 : memref<320x64xf32, #tpu.memory_space<vmem_shared>>) dst(%dma_wait3A_198 : memref<320x64xf32, #tpu.memory_space<hbm>>)
      tpu.yield
    }) : () -> ()
    return
  }
}

module attributes {stable_mosaic.version = 14 : i64} {
  func.func @body(%arg0: i32, %arg1: memref<2048x128xf32, #tpu.memory_space<vmem>>, %arg2: memref<128x64xf32, #tpu.memory_space<vmem>>, %arg3: memref<2048x64xf32, #tpu.memory_space<vmem>>, %arg4: memref<8x64xf32, #tpu.memory_space<vmem>>) attributes {dimension_semantics = [#tpu.dimension_semantics<arbitrary>], iteration_bounds = array<i64: 5>, scalar_prefetch = 0 : i64, scratch_operands = 0 : i64, tpu.core_type = #tpu.core_type<tc>, window_params = [{transform_indices = @transform_0, window_bounds = array<i64: 2048, 128>}, {pipeline_mode = #tpu.pipeline_mode<synchronous>, transform_indices = @transform_1, window_bounds = array<i64: 128, 64>}, {transform_indices = @transform_2, window_bounds = array<i64: 2048, 64>}, {pipeline_mode = #tpu.pipeline_mode<synchronous>, transform_indices = @transform_3, window_bounds = array<i64: 8, 64>}]} {
    %get3A = arith.constant 0 : index
    %get3A_0 = arith.constant 0 : index
    %get3A_1 = vector.load %arg1[%get3A, %get3A_0] : memref<2048x128xf32, #tpu.memory_space<vmem>>, vector<2048x128xf32>
    %get3A_2 = arith.constant 0 : index
    %get3A_3 = arith.constant 0 : index
    %get3A_4 = vector.load %arg2[%get3A_2, %get3A_3] : memref<128x64xf32, #tpu.memory_space<vmem>>, vector<128x64xf32>
    %dot_general3A = arith.constant dense<0.000000e+00> : vector<2048x64xf32>
    %dot_general3A_5 = tpu.matmul %get3A_1, %get3A_4, %dot_general3A {dimension_numbers = #tpu.dot_dimension_numbers<[1], [0], [0], [1], [0, 0, 1, 1], [], []>, transpose_lhs_hint = false} : vector<2048x128xf32>, vector<128x64xf32>, vector<2048x64xf32> -> vector<2048x64xf32>
    %swap3A = arith.constant 0 : index
    %swap3A_6 = arith.constant 0 : index
    %swap3A_7 = vector.load %arg3[%swap3A, %swap3A_6] : memref<2048x64xf32, #tpu.memory_space<vmem>>, vector<2048x64xf32>
    tpu.vector_store %arg3[%swap3A, %swap3A_6], %dot_general3A_5 {strides = array<i32>} : memref<2048x64xf32, #tpu.memory_space<vmem>>, vector<2048x64xf32>,
    %reduce_sum3A = arith.constant dense<0.000000e+00> : vector<64xf32>
    %reduce_sum3A_8 = vector.multi_reduction <add>, %dot_general3A_5, %reduce_sum3A [0] : vector<2048x64xf32> to vector<64xf32>
    %broadcast_in_dim3A = vector.shape_cast %reduce_sum3A_8 : vector<64xf32> to vector<1x64xf32>
    %broadcast_in_dim3A_9 = vector.shape_cast %broadcast_in_dim3A : vector<1x64xf32> to vector<1x64xf32>
    %broadcast_in_dim3A_10 = vector.broadcast %broadcast_in_dim3A_9 : vector<1x64xf32> to vector<8x64xf32>
    %eq3A = arith.constant 0 : i32
    %eq3A_11 = arith.cmpi eq, %arg0, %eq3A : i32
    %convert_element_type3A = arith.extui %eq3A_11 : i1 to i32
    %cond3A = arith.constant 0 : i32
    %cond3A_12 = arith.cmpi ne, %convert_element_type3A, %cond3A : i32
    scf.if %cond3A_12 {
      %swap3A_17 = arith.constant 0 : index
      %swap3A_18 = arith.constant 0 : index
      %swap3A_19 = vector.load %arg4[%swap3A_17, %swap3A_18] : memref<8x64xf32, #tpu.memory_space<vmem>>, vector<8x64xf32>
      tpu.vector_store %arg4[%swap3A_17, %swap3A_18], %broadcast_in_dim3A_10 {strides = array<i32>} : memref<8x64xf32, #tpu.memory_space<vmem>>, vector<8x64xf32>,
    } else {
    }
    %ne3A = arith.constant 0 : i32
    %ne3A_13 = arith.cmpi ne, %arg0, %ne3A : i32
    %convert_element_type3A_14 = arith.extui %ne3A_13 : i1 to i32
    %cond3A_15 = arith.constant 0 : i32
    %cond3A_16 = arith.cmpi ne, %convert_element_type3A_14, %cond3A_15 : i32
    scf.if %cond3A_16 {
      %get3A_17 = arith.constant 0 : index
      %get3A_18 = arith.constant 0 : index
      %get3A_19 = vector.load %arg4[%get3A_17, %get3A_18] : memref<8x64xf32, #tpu.memory_space<vmem>>, vector<8x64xf32>
      %add3A = arith.addf %get3A_19, %broadcast_in_dim3A_10 : vector<8x64xf32>
      %swap3A_20 = arith.constant 0 : index
      %swap3A_21 = arith.constant 0 : index
      %swap3A_22 = vector.load %arg4[%swap3A_20, %swap3A_21] : memref<8x64xf32, #tpu.memory_space<vmem>>, vector<8x64xf32>
      tpu.vector_store %arg4[%swap3A_20, %swap3A_21], %add3A {strides = array<i32>} : memref<8x64xf32, #tpu.memory_space<vmem>>, vector<8x64xf32>,
    } else {
    }
    return
  }
  func.func @transform_0(%arg0: i32) -> (i32, i32) {
    %c0_i32 = arith.constant 0 : i32
    %c0_i32_0 = arith.constant 0 : i32
    return %arg0, %c0_i32 : i32, i32
  }
  func.func @transform_1(%arg0: i32) -> (i32, i32) {
    %c0_i32 = arith.constant 0 : i32
    %c0_i32_0 = arith.constant 0 : i32
    %c0_i32_1 = arith.constant 0 : i32
    return %c0_i32, %c0_i32_0 : i32, i32
  }
  func.func @transform_2(%arg0: i32) -> (i32, i32) {
    %c0_i32 = arith.constant 0 : i32
    %c0_i32_0 = arith.constant 0 : i32
    return %arg0, %c0_i32 : i32, i32
  }
  func.func @transform_3(%arg0: i32) -> (i32, i32) {
    %c0_i32 = arith.constant 0 : i32
    %c0_i32_0 = arith.constant 0 : i32
    %c0_i32_1 = arith.constant 0 : i32
    return %c0_i32, %c0_i32_0 : i32, i32
  }
}

module attributes {stable_mosaic.version = 14 : i64} {
  func.func @body(%arg0: memref<2x5120x64xf32, #tpu.memory_space<vmem>>, %arg1: memref<5120x1xi32, #tpu.memory_space<vmem>>, %arg2: memref<32x64xf32, #tpu.memory_space<vmem>>, %arg3: memref<32x64xf32, #tpu.memory_space<vmem>>, %arg4: memref<1x64xf32, #tpu.memory_space<vmem>>, %arg5: memref<64x64xf32, #tpu.memory_space<vmem>>, %arg6: memref<1x64xf32, #tpu.memory_space<vmem>>, %arg7: memref<5120x64xf32, #tpu.memory_space<vmem>>) attributes {dimension_semantics = [], scalar_prefetch = 0 : i64, scratch_operands = 0 : i64, tpu.core_type = #tpu.core_type<tc>} {
    %get3A = arith.constant 0 : index
    %get3A_0 = arith.constant 0 : index
    %get3A_1 = vector.load %arg1[%get3A, %get3A_0] : memref<5120x1xi32, #tpu.memory_space<vmem>>, vector<5120x1xi32>
    %convert_element_type3A = arith.sitofp %get3A_1 : vector<5120x1xi32> to vector<5120x1xf32>
    %iota3A = tpu.iota {dimensions = array<i32: 1>} : vector<1x32xi32>
    %convert_element_type3A_2 = arith.sitofp %iota3A : vector<1x32xi32> to vector<1x32xf32>
    %log3A = arith.constant 1.000000e+04 : f32
    %log3A_3 = math.log %log3A : f32
    %neg3A = arith.constant 0.000000e+00 : f32
    %neg3A_4 = arith.subf %neg3A, %log3A_3 : f32
    %mul3A = arith.constant 2.000000e+00 : f32
    %mul3A_5 = vector.broadcast %mul3A : f32 to vector<1x32xf32>
    %mul3A_6 = arith.mulf %mul3A_5, %convert_element_type3A_2 : vector<1x32xf32>
    %div3A = arith.constant 6.400000e+01 : f32
    %div3A_7 = vector.broadcast %div3A : f32 to vector<1x32xf32>
    %div3A_8 = arith.divf %mul3A_6, %div3A_7 : vector<1x32xf32>
    %mul3A_9 = vector.broadcast %neg3A_4 : f32 to vector<1x32xf32>
    %mul3A_10 = arith.mulf %mul3A_9, %div3A_8 : vector<1x32xf32>
    %exp3A = math.exp %mul3A_10 : vector<1x32xf32>
    %mul3A_11 = vector.broadcast %convert_element_type3A : vector<5120x1xf32> to vector<5120x32xf32>
    %mul3A_12 = vector.broadcast %exp3A : vector<1x32xf32> to vector<5120x32xf32>
    %mul3A_13 = arith.mulf %mul3A_11, %mul3A_12 : vector<5120x32xf32>
    %sin3A = math.sin %mul3A_13 : vector<5120x32xf32>
    %get3A_14 = arith.constant 0 : index
    %get3A_15 = arith.constant 0 : index
    %get3A_16 = vector.load %arg2[%get3A_14, %get3A_15] : memref<32x64xf32, #tpu.memory_space<vmem>>, vector<32x64xf32>
    %dot_general3A = arith.constant dense<0.000000e+00> : vector<5120x64xf32>
    %dot_general3A_17 = tpu.matmul %sin3A, %get3A_16, %dot_general3A {dimension_numbers = #tpu.dot_dimension_numbers<[1], [0], [0], [1], [0, 0, 1, 1], [], []>, transpose_lhs_hint = false} : vector<5120x32xf32>, vector<32x64xf32>, vector<5120x64xf32> -> vector<5120x64xf32>
    %cos3A = math.cos %mul3A_13 : vector<5120x32xf32>
    %get3A_18 = arith.constant 0 : index
    %get3A_19 = arith.constant 0 : index
    %get3A_20 = vector.load %arg3[%get3A_18, %get3A_19] : memref<32x64xf32, #tpu.memory_space<vmem>>, vector<32x64xf32>
    %dot_general3A_21 = arith.constant dense<0.000000e+00> : vector<5120x64xf32>
    %dot_general3A_22 = tpu.matmul %cos3A, %get3A_20, %dot_general3A_21 {dimension_numbers = #tpu.dot_dimension_numbers<[1], [0], [0], [1], [0, 0, 1, 1], [], []>, transpose_lhs_hint = false} : vector<5120x32xf32>, vector<32x64xf32>, vector<5120x64xf32> -> vector<5120x64xf32>
    %add3A = arith.addf %dot_general3A_17, %dot_general3A_22 : vector<5120x64xf32>
    %get3A_23 = arith.constant 0 : index
    %get3A_24 = arith.constant 0 : index
    %get3A_25 = vector.load %arg4[%get3A_23, %get3A_24] : memref<1x64xf32, #tpu.memory_space<vmem>>, vector<1x64xf32>
    %add3A_26 = vector.broadcast %get3A_25 : vector<1x64xf32> to vector<5120x64xf32>
    %add3A_27 = arith.addf %add3A, %add3A_26 : vector<5120x64xf32>
    %max3A = arith.constant 0.000000e+00 : f32
    %max3A_28 = vector.broadcast %max3A : f32 to vector<5120x64xf32>
    %max3A_29 = arith.maximumf %add3A_27, %max3A_28 : vector<5120x64xf32>
    %get3A_30 = arith.constant 0 : index
    %get3A_31 = arith.constant 0 : index
    %get3A_32 = vector.load %arg5[%get3A_30, %get3A_31] : memref<64x64xf32, #tpu.memory_space<vmem>>, vector<64x64xf32>
    %dot_general3A_33 = arith.constant dense<0.000000e+00> : vector<5120x64xf32>
    %dot_general3A_34 = tpu.matmul %max3A_29, %get3A_32, %dot_general3A_33 {dimension_numbers = #tpu.dot_dimension_numbers<[1], [0], [0], [1], [0, 0, 1, 1], [], []>, transpose_lhs_hint = false} : vector<5120x64xf32>, vector<64x64xf32>, vector<5120x64xf32> -> vector<5120x64xf32>
    %get3A_35 = arith.constant 0 : index
    %get3A_36 = arith.constant 0 : index
    %get3A_37 = vector.load %arg6[%get3A_35, %get3A_36] : memref<1x64xf32, #tpu.memory_space<vmem>>, vector<1x64xf32>
    %add3A_38 = vector.broadcast %get3A_37 : vector<1x64xf32> to vector<5120x64xf32>
    %add3A_39 = arith.addf %dot_general3A_34, %add3A_38 : vector<5120x64xf32>
    %get3A_40 = arith.constant 0 : index
    %get3A_41 = arith.constant 0 : index
    %get3A_42 = arith.constant 0 : index
    %get3A_43 = vector.load %arg0[%get3A_40, %get3A_41, %get3A_42] : memref<2x5120x64xf32, #tpu.memory_space<vmem>>, vector<1x5120x64xf32>
    %get3A_44 = vector.shape_cast %get3A_43 : vector<1x5120x64xf32> to vector<5120x64xf32>
    %get3A_45 = arith.constant 1 : index
    %get3A_46 = arith.constant 0 : index
    %get3A_47 = arith.constant 0 : index
    %get3A_48 = vector.load %arg0[%get3A_45, %get3A_46, %get3A_47] : memref<2x5120x64xf32, #tpu.memory_space<vmem>>, vector<1x5120x64xf32>
    %get3A_49 = vector.shape_cast %get3A_48 : vector<1x5120x64xf32> to vector<5120x64xf32>
    %add3A_50 = arith.addf %get3A_44, %get3A_49 : vector<5120x64xf32>
    %max3A_51 = arith.constant 1.000000e+00 : f32
    %max3A_52 = vector.broadcast %max3A_51 : f32 to vector<5120x1xf32>
    %max3A_53 = arith.maximumf %convert_element_type3A, %max3A_52 : vector<5120x1xf32>
    %div3A_54 = arith.constant 1.000000e+00 : f32
    %div3A_55 = vector.broadcast %div3A_54 : f32 to vector<5120x1xf32>
    %div3A_56 = arith.divf %div3A_55, %max3A_53 : vector<5120x1xf32>
    %mul3A_57 = vector.broadcast %div3A_56 : vector<5120x1xf32> to vector<5120x64xf32>
    %mul3A_58 = arith.mulf %add3A_50, %mul3A_57 : vector<5120x64xf32>
    %add3A_59 = arith.addf %mul3A_58, %add3A_39 : vector<5120x64xf32>
    %max3A_60 = arith.constant 0.000000e+00 : f32
    %max3A_61 = vector.broadcast %max3A_60 : f32 to vector<5120x64xf32>
    %max3A_62 = arith.maximumf %add3A_59, %max3A_61 : vector<5120x64xf32>
    %swap3A = arith.constant 0 : index
    %swap3A_63 = arith.constant 0 : index
    %swap3A_64 = vector.load %arg7[%swap3A, %swap3A_63] : memref<5120x64xf32, #tpu.memory_space<vmem>>, vector<5120x64xf32>
    tpu.vector_store %arg7[%swap3A, %swap3A_63], %max3A_62 {strides = array<i32>} : memref<5120x64xf32, #tpu.memory_space<vmem>>, vector<5120x64xf32>,
    return
  }
}

module attributes {stable_mosaic.version = 14 : i64} {
  func.func @body(%arg0: i32, %arg1: memref<2x2048x64xf32, #tpu.memory_space<vmem>>, %arg2: memref<2x2048x1xf32, #tpu.memory_space<vmem>>, %arg3: memref<8x64xf32, #tpu.memory_space<vmem>>, %arg4: memref<64x64xf32, #tpu.memory_space<vmem>>, %arg5: memref<1x64xf32, #tpu.memory_space<vmem>>, %arg6: memref<64x64xf32, #tpu.memory_space<vmem>>, %arg7: memref<2048x64xf32, #tpu.memory_space<vmem>>, %arg8: memref<8x64xf32, #tpu.memory_space<vmem>>) attributes {dimension_semantics = [#tpu.dimension_semantics<arbitrary>], iteration_bounds = array<i64: 5>, scalar_prefetch = 0 : i64, scratch_operands = 0 : i64, tpu.core_type = #tpu.core_type<tc>, window_params = [{transform_indices = @transform_0, window_bounds = array<i64: 2, 2048, 64>}, {transform_indices = @transform_1, window_bounds = array<i64: 2, 2048, 1>}, {pipeline_mode = #tpu.pipeline_mode<synchronous>, transform_indices = @transform_2, window_bounds = array<i64: 8, 64>}, {pipeline_mode = #tpu.pipeline_mode<synchronous>, transform_indices = @transform_3, window_bounds = array<i64: 64, 64>}, {pipeline_mode = #tpu.pipeline_mode<synchronous>, transform_indices = @transform_4, window_bounds = array<i64: 1, 64>}, {pipeline_mode = #tpu.pipeline_mode<synchronous>, transform_indices = @transform_5, window_bounds = array<i64: 64, 64>}, {transform_indices = @transform_6, window_bounds = array<i64: 2048, 64>}, {pipeline_mode = #tpu.pipeline_mode<synchronous>, transform_indices = @transform_7, window_bounds = array<i64: 8, 64>}]} {
    %get3A = arith.constant 0 : index
    %get3A_0 = arith.constant 0 : index
    %get3A_1 = arith.constant 0 : index
    %get3A_2 = vector.load %arg1[%get3A, %get3A_0, %get3A_1] : memref<2x2048x64xf32, #tpu.memory_space<vmem>>, vector<1x2048x64xf32>
    %get3A_3 = vector.shape_cast %get3A_2 : vector<1x2048x64xf32> to vector<2048x64xf32>
    %get3A_4 = arith.constant 1 : index
    %get3A_5 = arith.constant 0 : index
    %get3A_6 = arith.constant 0 : index
    %get3A_7 = vector.load %arg1[%get3A_4, %get3A_5, %get3A_6] : memref<2x2048x64xf32, #tpu.memory_space<vmem>>, vector<1x2048x64xf32>
    %get3A_8 = vector.shape_cast %get3A_7 : vector<1x2048x64xf32> to vector<2048x64xf32>
    %add3A = arith.addf %get3A_3, %get3A_8 : vector<2048x64xf32>
    %get3A_9 = arith.constant 0 : index
    %get3A_10 = arith.constant 0 : index
    %get3A_11 = arith.constant 0 : index
    %get3A_12 = vector.load %arg2[%get3A_9, %get3A_10, %get3A_11] : memref<2x2048x1xf32, #tpu.memory_space<vmem>>, vector<1x2048x1xf32>
    %get3A_13 = vector.shape_cast %get3A_12 : vector<1x2048x1xf32> to vector<2048x1xf32>
    %get3A_14 = arith.constant 1 : index
    %get3A_15 = arith.constant 0 : index
    %get3A_16 = arith.constant 0 : index
    %get3A_17 = vector.load %arg2[%get3A_14, %get3A_15, %get3A_16] : memref<2x2048x1xf32, #tpu.memory_space<vmem>>, vector<1x2048x1xf32>
    %get3A_18 = vector.shape_cast %get3A_17 : vector<1x2048x1xf32> to vector<2048x1xf32>
    %add3A_19 = arith.addf %get3A_13, %get3A_18 : vector<2048x1xf32>
    %max3A = arith.constant 1.000000e+00 : f32
    %max3A_20 = vector.broadcast %max3A : f32 to vector<2048x1xf32>
    %max3A_21 = arith.maximumf %add3A_19, %max3A_20 : vector<2048x1xf32>
    %get3A_22 = arith.constant 0 : index
    %get3A_23 = arith.constant 0 : index
    %get3A_24 = vector.load %arg3[%get3A_22, %get3A_23] : memref<8x64xf32, #tpu.memory_space<vmem>>, vector<1x64xf32>
    %mul3A = arith.constant 9.99999974E-5 : f32
    %mul3A_25 = vector.broadcast %mul3A : f32 to vector<1x64xf32>
    %mul3A_26 = arith.mulf %get3A_24, %mul3A_25 : vector<1x64xf32>
    %div3A = vector.broadcast %max3A_21 : vector<2048x1xf32> to vector<2048x64xf32>
    %div3A_27 = arith.divf %add3A, %div3A : vector<2048x64xf32>
    %add3A_28 = vector.broadcast %mul3A_26 : vector<1x64xf32> to vector<2048x64xf32>
    %add3A_29 = arith.addf %div3A_27, %add3A_28 : vector<2048x64xf32>
    %get3A_30 = arith.constant 0 : index
    %get3A_31 = arith.constant 0 : index
    %get3A_32 = vector.load %arg4[%get3A_30, %get3A_31] : memref<64x64xf32, #tpu.memory_space<vmem>>, vector<64x64xf32>
    %dot_general3A = arith.constant dense<0.000000e+00> : vector<2048x64xf32>
    %dot_general3A_33 = tpu.matmul %add3A_29, %get3A_32, %dot_general3A {dimension_numbers = #tpu.dot_dimension_numbers<[1], [0], [0], [1], [0, 0, 1, 1], [], []>, transpose_lhs_hint = false} : vector<2048x64xf32>, vector<64x64xf32>, vector<2048x64xf32> -> vector<2048x64xf32>
    %get3A_34 = arith.constant 0 : index
    %get3A_35 = arith.constant 0 : index
    %get3A_36 = vector.load %arg5[%get3A_34, %get3A_35] : memref<1x64xf32, #tpu.memory_space<vmem>>, vector<1x64xf32>
    %add3A_37 = vector.broadcast %get3A_36 : vector<1x64xf32> to vector<2048x64xf32>
    %add3A_38 = arith.addf %dot_general3A_33, %add3A_37 : vector<2048x64xf32>
    %max3A_39 = arith.constant 0.000000e+00 : f32
    %max3A_40 = vector.broadcast %max3A_39 : f32 to vector<2048x64xf32>
    %max3A_41 = arith.maximumf %add3A_38, %max3A_40 : vector<2048x64xf32>
    %mul3A_42 = arith.constant 2048 : i32
    %mul3A_43 = arith.muli %arg0, %mul3A_42 : i32
    %iota3A = tpu.iota {dimensions = array<i32: 0>} : vector<2048x1xi32>
    %add3A_44 = vector.broadcast %mul3A_43 : i32 to vector<2048x1xi32>
    %add3A_45 = arith.addi %add3A_44, %iota3A : vector<2048x1xi32>
    %lt3A = arith.constant 10000 : i32
    %lt3A_46 = vector.broadcast %lt3A : i32 to vector<2048x1xi32>
    %lt3A_47 = arith.cmpi slt, %add3A_45, %lt3A_46 : vector<2048x1xi32>
    %jit3A = arith.constant 0.000000e+00 : f32
    %broadcast_in_dim3A = vector.shape_cast %lt3A_47 : vector<2048x1xi1> to vector<2048x1xi1>
    %broadcast_in_dim3A_48 = vector.broadcast %broadcast_in_dim3A : vector<2048x1xi1> to vector<2048x64xi1>
    %broadcast_in_dim3A_49 = vector.broadcast %jit3A : f32 to vector<2048x64xf32>
    %select_n3A = arith.select %broadcast_in_dim3A_48, %max3A_41, %broadcast_in_dim3A_49 : vector<2048x64xi1>, vector<2048x64xf32>
    %get3A_50 = arith.constant 0 : index
    %get3A_51 = arith.constant 0 : index
    %get3A_52 = vector.load %arg6[%get3A_50, %get3A_51] : memref<64x64xf32, #tpu.memory_space<vmem>>, vector<64x64xf32>
    %dot_general3A_53 = arith.constant dense<0.000000e+00> : vector<2048x64xf32>
    %dot_general3A_54 = tpu.matmul %select_n3A, %get3A_52, %dot_general3A_53 {dimension_numbers = #tpu.dot_dimension_numbers<[1], [0], [0], [1], [0, 0, 1, 1], [], []>, transpose_lhs_hint = false} : vector<2048x64xf32>, vector<64x64xf32>, vector<2048x64xf32> -> vector<2048x64xf32>
    %swap3A = arith.constant 0 : index
    %swap3A_55 = arith.constant 0 : index
    %swap3A_56 = vector.load %arg7[%swap3A, %swap3A_55] : memref<2048x64xf32, #tpu.memory_space<vmem>>, vector<2048x64xf32>
    tpu.vector_store %arg7[%swap3A, %swap3A_55], %dot_general3A_54 {strides = array<i32>} : memref<2048x64xf32, #tpu.memory_space<vmem>>, vector<2048x64xf32>,
    %reduce_sum3A = arith.constant dense<0.000000e+00> : vector<64xf32>
    %reduce_sum3A_57 = vector.multi_reduction <add>, %dot_general3A_54, %reduce_sum3A [0] : vector<2048x64xf32> to vector<64xf32>
    %broadcast_in_dim3A_58 = vector.shape_cast %reduce_sum3A_57 : vector<64xf32> to vector<1x64xf32>
    %broadcast_in_dim3A_59 = vector.shape_cast %broadcast_in_dim3A_58 : vector<1x64xf32> to vector<1x64xf32>
    %broadcast_in_dim3A_60 = vector.broadcast %broadcast_in_dim3A_59 : vector<1x64xf32> to vector<8x64xf32>
    %eq3A = arith.constant 0 : i32
    %eq3A_61 = arith.cmpi eq, %arg0, %eq3A : i32
    %convert_element_type3A = arith.extui %eq3A_61 : i1 to i32
    %cond3A = arith.constant 0 : i32
    %cond3A_62 = arith.cmpi ne, %convert_element_type3A, %cond3A : i32
    scf.if %cond3A_62 {
      %swap3A_67 = arith.constant 0 : index
      %swap3A_68 = arith.constant 0 : index
      %swap3A_69 = vector.load %arg8[%swap3A_67, %swap3A_68] : memref<8x64xf32, #tpu.memory_space<vmem>>, vector<8x64xf32>
      tpu.vector_store %arg8[%swap3A_67, %swap3A_68], %broadcast_in_dim3A_60 {strides = array<i32>} : memref<8x64xf32, #tpu.memory_space<vmem>>, vector<8x64xf32>,
    } else {
    }
    %ne3A = arith.constant 0 : i32
    %ne3A_63 = arith.cmpi ne, %arg0, %ne3A : i32
    %convert_element_type3A_64 = arith.extui %ne3A_63 : i1 to i32
    %cond3A_65 = arith.constant 0 : i32
    %cond3A_66 = arith.cmpi ne, %convert_element_type3A_64, %cond3A_65 : i32
    scf.if %cond3A_66 {
      %get3A_67 = arith.constant 0 : index
      %get3A_68 = arith.constant 0 : index
      %get3A_69 = vector.load %arg8[%get3A_67, %get3A_68] : memref<8x64xf32, #tpu.memory_space<vmem>>, vector<8x64xf32>
      %add3A_70 = arith.addf %get3A_69, %broadcast_in_dim3A_60 : vector<8x64xf32>
      %swap3A_71 = arith.constant 0 : index
      %swap3A_72 = arith.constant 0 : index
      %swap3A_73 = vector.load %arg8[%swap3A_71, %swap3A_72] : memref<8x64xf32, #tpu.memory_space<vmem>>, vector<8x64xf32>
      tpu.vector_store %arg8[%swap3A_71, %swap3A_72], %add3A_70 {strides = array<i32>} : memref<8x64xf32, #tpu.memory_space<vmem>>, vector<8x64xf32>,
    } else {
    }
    return
  }
  func.func @transform_0(%arg0: i32) -> (i32, i32, i32) {
    %c0_i32 = arith.constant 0 : i32
    %c0_i32_0 = arith.constant 0 : i32
    %c0_i32_1 = arith.constant 0 : i32
    return %c0_i32, %arg0, %c0_i32_0 : i32, i32, i32
  }
  func.func @transform_1(%arg0: i32) -> (i32, i32, i32) {
    %c0_i32 = arith.constant 0 : i32
    %c0_i32_0 = arith.constant 0 : i32
    %c0_i32_1 = arith.constant 0 : i32
    return %c0_i32, %arg0, %c0_i32_0 : i32, i32, i32
  }
  func.func @transform_2(%arg0: i32) -> (i32, i32) {
    %c0_i32 = arith.constant 0 : i32
    %c0_i32_0 = arith.constant 0 : i32
    %c0_i32_1 = arith.constant 0 : i32
    return %c0_i32, %c0_i32_0 : i32, i32
  }
  func.func @transform_3(%arg0: i32) -> (i32, i32) {
    %c0_i32 = arith.constant 0 : i32
    %c0_i32_0 = arith.constant 0 : i32
    %c0_i32_1 = arith.constant 0 : i32
    return %c0_i32, %c0_i32_0 : i32, i32
  }
  func.func @transform_4(%arg0: i32) -> (i32, i32) {
    %c0_i32 = arith.constant 0 : i32
    %c0_i32_0 = arith.constant 0 : i32
    %c0_i32_1 = arith.constant 0 : i32
    return %c0_i32, %c0_i32_0 : i32, i32
  }
  func.func @transform_5(%arg0: i32) -> (i32, i32) {
    %c0_i32 = arith.constant 0 : i32
    %c0_i32_0 = arith.constant 0 : i32
    %c0_i32_1 = arith.constant 0 : i32
    return %c0_i32, %c0_i32_0 : i32, i32
  }
  func.func @transform_6(%arg0: i32) -> (i32, i32) {
    %c0_i32 = arith.constant 0 : i32
    %c0_i32_0 = arith.constant 0 : i32
    return %arg0, %c0_i32 : i32, i32
  }
  func.func @transform_7(%arg0: i32) -> (i32, i32) {
    %c0_i32 = arith.constant 0 : i32
    %c0_i32_0 = arith.constant 0 : i32
    %c0_i32_1 = arith.constant 0 : i32
    return %c0_i32, %c0_i32_0 : i32, i32
  }
}

module attributes {stable_mosaic.version = 14 : i64} {
  func.func @body(%arg0: i32, %arg1: memref<2x2048x64xf32, #tpu.memory_space<vmem>>, %arg2: memref<2x2048x1xf32, #tpu.memory_space<vmem>>, %arg3: memref<8x64xf32, #tpu.memory_space<vmem>>, %arg4: memref<64x64xf32, #tpu.memory_space<vmem>>, %arg5: memref<1x64xf32, #tpu.memory_space<vmem>>, %arg6: memref<64x64xf32, #tpu.memory_space<vmem>>, %arg7: memref<1x64xf32, #tpu.memory_space<vmem>>, %arg8: memref<1x64xf32, #tpu.memory_space<vmem>>, %arg9: memref<1x64xf32, #tpu.memory_space<vmem>>, %arg10: memref<64x16xf32, #tpu.memory_space<vmem>>, %arg11: memref<1x16xf32, #tpu.memory_space<vmem>>, %arg12: memref<2048x16xf32, #tpu.memory_space<vmem>>) attributes {dimension_semantics = [#tpu.dimension_semantics<arbitrary>], iteration_bounds = array<i64: 5>, scalar_prefetch = 0 : i64, scratch_operands = 0 : i64, tpu.core_type = #tpu.core_type<tc>, window_params = [{transform_indices = @transform_0, window_bounds = array<i64: 2, 2048, 64>}, {transform_indices = @transform_1, window_bounds = array<i64: 2, 2048, 1>}, {pipeline_mode = #tpu.pipeline_mode<synchronous>, transform_indices = @transform_2, window_bounds = array<i64: 8, 64>}, {pipeline_mode = #tpu.pipeline_mode<synchronous>, transform_indices = @transform_3, window_bounds = array<i64: 64, 64>}, {pipeline_mode = #tpu.pipeline_mode<synchronous>, transform_indices = @transform_4, window_bounds = array<i64: 1, 64>}, {pipeline_mode = #tpu.pipeline_mode<synchronous>, transform_indices = @transform_5, window_bounds = array<i64: 64, 64>}, {pipeline_mode = #tpu.pipeline_mode<synchronous>, transform_indices = @transform_6, window_bounds = array<i64: 1, 64>}, {pipeline_mode = #tpu.pipeline_mode<synchronous>, transform_indices = @transform_7, window_bounds = array<i64: 1, 64>}, {pipeline_mode = #tpu.pipeline_mode<synchronous>, transform_indices = @transform_8, window_bounds = array<i64: 1, 64>}, {pipeline_mode = #tpu.pipeline_mode<synchronous>, transform_indices = @transform_9, window_bounds = array<i64: 64, 16>}, {pipeline_mode = #tpu.pipeline_mode<synchronous>, transform_indices = @transform_10, window_bounds = array<i64: 1, 16>}, {transform_indices = @transform_11, window_bounds = array<i64: 2048, 16>}]} {
    %get3A = arith.constant 0 : index
    %get3A_0 = arith.constant 0 : index
    %get3A_1 = arith.constant 0 : index
    %get3A_2 = vector.load %arg1[%get3A, %get3A_0, %get3A_1] : memref<2x2048x64xf32, #tpu.memory_space<vmem>>, vector<1x2048x64xf32>
    %get3A_3 = vector.shape_cast %get3A_2 : vector<1x2048x64xf32> to vector<2048x64xf32>
    %get3A_4 = arith.constant 1 : index
    %get3A_5 = arith.constant 0 : index
    %get3A_6 = arith.constant 0 : index
    %get3A_7 = vector.load %arg1[%get3A_4, %get3A_5, %get3A_6] : memref<2x2048x64xf32, #tpu.memory_space<vmem>>, vector<1x2048x64xf32>
    %get3A_8 = vector.shape_cast %get3A_7 : vector<1x2048x64xf32> to vector<2048x64xf32>
    %add3A = arith.addf %get3A_3, %get3A_8 : vector<2048x64xf32>
    %get3A_9 = arith.constant 0 : index
    %get3A_10 = arith.constant 0 : index
    %get3A_11 = arith.constant 0 : index
    %get3A_12 = vector.load %arg2[%get3A_9, %get3A_10, %get3A_11] : memref<2x2048x1xf32, #tpu.memory_space<vmem>>, vector<1x2048x1xf32>
    %get3A_13 = vector.shape_cast %get3A_12 : vector<1x2048x1xf32> to vector<2048x1xf32>
    %get3A_14 = arith.constant 1 : index
    %get3A_15 = arith.constant 0 : index
    %get3A_16 = arith.constant 0 : index
    %get3A_17 = vector.load %arg2[%get3A_14, %get3A_15, %get3A_16] : memref<2x2048x1xf32, #tpu.memory_space<vmem>>, vector<1x2048x1xf32>
    %get3A_18 = vector.shape_cast %get3A_17 : vector<1x2048x1xf32> to vector<2048x1xf32>
    %add3A_19 = arith.addf %get3A_13, %get3A_18 : vector<2048x1xf32>
    %max3A = arith.constant 1.000000e+00 : f32
    %max3A_20 = vector.broadcast %max3A : f32 to vector<2048x1xf32>
    %max3A_21 = arith.maximumf %add3A_19, %max3A_20 : vector<2048x1xf32>
    %get3A_22 = arith.constant 0 : index
    %get3A_23 = arith.constant 0 : index
    %get3A_24 = vector.load %arg3[%get3A_22, %get3A_23] : memref<8x64xf32, #tpu.memory_space<vmem>>, vector<1x64xf32>
    %mul3A = arith.constant 9.99999974E-5 : f32
    %mul3A_25 = vector.broadcast %mul3A : f32 to vector<1x64xf32>
    %mul3A_26 = arith.mulf %get3A_24, %mul3A_25 : vector<1x64xf32>
    %div3A = vector.broadcast %max3A_21 : vector<2048x1xf32> to vector<2048x64xf32>
    %div3A_27 = arith.divf %add3A, %div3A : vector<2048x64xf32>
    %add3A_28 = vector.broadcast %mul3A_26 : vector<1x64xf32> to vector<2048x64xf32>
    %add3A_29 = arith.addf %div3A_27, %add3A_28 : vector<2048x64xf32>
    %get3A_30 = arith.constant 0 : index
    %get3A_31 = arith.constant 0 : index
    %get3A_32 = vector.load %arg4[%get3A_30, %get3A_31] : memref<64x64xf32, #tpu.memory_space<vmem>>, vector<64x64xf32>
    %dot_general3A = arith.constant dense<0.000000e+00> : vector<2048x64xf32>
    %dot_general3A_33 = tpu.matmul %add3A_29, %get3A_32, %dot_general3A {dimension_numbers = #tpu.dot_dimension_numbers<[1], [0], [0], [1], [0, 0, 1, 1], [], []>, transpose_lhs_hint = false} : vector<2048x64xf32>, vector<64x64xf32>, vector<2048x64xf32> -> vector<2048x64xf32>
    %get3A_34 = arith.constant 0 : index
    %get3A_35 = arith.constant 0 : index
    %get3A_36 = vector.load %arg5[%get3A_34, %get3A_35] : memref<1x64xf32, #tpu.memory_space<vmem>>, vector<1x64xf32>
    %add3A_37 = vector.broadcast %get3A_36 : vector<1x64xf32> to vector<2048x64xf32>
    %add3A_38 = arith.addf %dot_general3A_33, %add3A_37 : vector<2048x64xf32>
    %max3A_39 = arith.constant 0.000000e+00 : f32
    %max3A_40 = vector.broadcast %max3A_39 : f32 to vector<2048x64xf32>
    %max3A_41 = arith.maximumf %add3A_38, %max3A_40 : vector<2048x64xf32>
    %get3A_42 = arith.constant 0 : index
    %get3A_43 = arith.constant 0 : index
    %get3A_44 = vector.load %arg6[%get3A_42, %get3A_43] : memref<64x64xf32, #tpu.memory_space<vmem>>, vector<64x64xf32>
    %dot_general3A_45 = arith.constant dense<0.000000e+00> : vector<2048x64xf32>
    %dot_general3A_46 = tpu.matmul %max3A_41, %get3A_44, %dot_general3A_45 {dimension_numbers = #tpu.dot_dimension_numbers<[1], [0], [0], [1], [0, 0, 1, 1], [], []>, transpose_lhs_hint = false} : vector<2048x64xf32>, vector<64x64xf32>, vector<2048x64xf32> -> vector<2048x64xf32>
    %get3A_47 = arith.constant 0 : index
    %get3A_48 = arith.constant 0 : index
    %get3A_49 = vector.load %arg7[%get3A_47, %get3A_48] : memref<1x64xf32, #tpu.memory_space<vmem>>, vector<1x64xf32>
    %add3A_50 = vector.broadcast %get3A_49 : vector<1x64xf32> to vector<2048x64xf32>
    %add3A_51 = arith.addf %dot_general3A_46, %add3A_50 : vector<2048x64xf32>
    %max3A_52 = arith.constant 0.000000e+00 : f32
    %max3A_53 = vector.broadcast %max3A_52 : f32 to vector<2048x64xf32>
    %max3A_54 = arith.maximumf %add3A_51, %max3A_53 : vector<2048x64xf32>
    %reduce_sum3A = arith.constant dense<0.000000e+00> : vector<2048xf32>
    %reduce_sum3A_55 = vector.multi_reduction <add>, %max3A_54, %reduce_sum3A [1] : vector<2048x64xf32> to vector<2048xf32>
    %broadcast_in_dim3A = vector.shape_cast %reduce_sum3A_55 : vector<2048xf32> to vector<2048x1xf32>
    %div3A_56 = arith.constant 6.400000e+01 : f32
    %div3A_57 = vector.broadcast %div3A_56 : f32 to vector<2048x1xf32>
    %div3A_58 = arith.divf %broadcast_in_dim3A, %div3A_57 : vector<2048x1xf32>
    %sub3A = vector.broadcast %div3A_58 : vector<2048x1xf32> to vector<2048x64xf32>
    %sub3A_59 = arith.subf %max3A_54, %sub3A : vector<2048x64xf32>
    %sub3A_60 = vector.broadcast %div3A_58 : vector<2048x1xf32> to vector<2048x64xf32>
    %sub3A_61 = arith.subf %max3A_54, %sub3A_60 : vector<2048x64xf32>
    %mul3A_62 = arith.mulf %sub3A_59, %sub3A_61 : vector<2048x64xf32>
    %reduce_sum3A_63 = arith.constant dense<0.000000e+00> : vector<2048xf32>
    %reduce_sum3A_64 = vector.multi_reduction <add>, %mul3A_62, %reduce_sum3A_63 [1] : vector<2048x64xf32> to vector<2048xf32>
    %broadcast_in_dim3A_65 = vector.shape_cast %reduce_sum3A_64 : vector<2048xf32> to vector<2048x1xf32>
    %div3A_66 = arith.constant 6.400000e+01 : f32
    %div3A_67 = vector.broadcast %div3A_66 : f32 to vector<2048x1xf32>
    %div3A_68 = arith.divf %broadcast_in_dim3A_65, %div3A_67 : vector<2048x1xf32>
    %sub3A_69 = vector.broadcast %div3A_58 : vector<2048x1xf32> to vector<2048x64xf32>
    %sub3A_70 = arith.subf %max3A_54, %sub3A_69 : vector<2048x64xf32>
    %add3A_71 = arith.constant 9.99999974E-6 : f32
    %add3A_72 = vector.broadcast %add3A_71 : f32 to vector<2048x1xf32>
    %add3A_73 = arith.addf %div3A_68, %add3A_72 : vector<2048x1xf32>
    %rsqrt3A = math.rsqrt %add3A_73 : vector<2048x1xf32>
    %mul3A_74 = vector.broadcast %rsqrt3A : vector<2048x1xf32> to vector<2048x64xf32>
    %mul3A_75 = arith.mulf %sub3A_70, %mul3A_74 : vector<2048x64xf32>
    %get3A_76 = arith.constant 0 : index
    %get3A_77 = arith.constant 0 : index
    %get3A_78 = vector.load %arg8[%get3A_76, %get3A_77] : memref<1x64xf32, #tpu.memory_space<vmem>>, vector<1x64xf32>
    %mul3A_79 = vector.broadcast %get3A_78 : vector<1x64xf32> to vector<2048x64xf32>
    %mul3A_80 = arith.mulf %mul3A_75, %mul3A_79 : vector<2048x64xf32>
    %get3A_81 = arith.constant 0 : index
    %get3A_82 = arith.constant 0 : index
    %get3A_83 = vector.load %arg9[%get3A_81, %get3A_82] : memref<1x64xf32, #tpu.memory_space<vmem>>, vector<1x64xf32>
    %add3A_84 = vector.broadcast %get3A_83 : vector<1x64xf32> to vector<2048x64xf32>
    %add3A_85 = arith.addf %mul3A_80, %add3A_84 : vector<2048x64xf32>
    %get3A_86 = arith.constant 0 : index
    %get3A_87 = arith.constant 0 : index
    %get3A_88 = vector.load %arg10[%get3A_86, %get3A_87] : memref<64x16xf32, #tpu.memory_space<vmem>>, vector<64x16xf32>
    %dot_general3A_89 = arith.constant dense<0.000000e+00> : vector<2048x16xf32>
    %dot_general3A_90 = tpu.matmul %add3A_85, %get3A_88, %dot_general3A_89 {dimension_numbers = #tpu.dot_dimension_numbers<[1], [0], [0], [1], [0, 0, 1, 1], [], []>, transpose_lhs_hint = false} : vector<2048x64xf32>, vector<64x16xf32>, vector<2048x16xf32> -> vector<2048x16xf32>
    %get3A_91 = arith.constant 0 : index
    %get3A_92 = arith.constant 0 : index
    %get3A_93 = vector.load %arg11[%get3A_91, %get3A_92] : memref<1x16xf32, #tpu.memory_space<vmem>>, vector<1x16xf32>
    %add3A_94 = vector.broadcast %get3A_93 : vector<1x16xf32> to vector<2048x16xf32>
    %add3A_95 = arith.addf %dot_general3A_90, %add3A_94 : vector<2048x16xf32>
    %swap3A = arith.constant 0 : index
    %swap3A_96 = arith.constant 0 : index
    %swap3A_97 = vector.load %arg12[%swap3A, %swap3A_96] : memref<2048x16xf32, #tpu.memory_space<vmem>>, vector<2048x16xf32>
    tpu.vector_store %arg12[%swap3A, %swap3A_96], %add3A_95 {strides = array<i32>} : memref<2048x16xf32, #tpu.memory_space<vmem>>, vector<2048x16xf32>,
    return
  }
  func.func @transform_0(%arg0: i32) -> (i32, i32, i32) {
    %c0_i32 = arith.constant 0 : i32
    %c0_i32_0 = arith.constant 0 : i32
    %c0_i32_1 = arith.constant 0 : i32
    return %c0_i32, %arg0, %c0_i32_0 : i32, i32, i32
  }
  func.func @transform_1(%arg0: i32) -> (i32, i32, i32) {
    %c0_i32 = arith.constant 0 : i32
    %c0_i32_0 = arith.constant 0 : i32
    %c0_i32_1 = arith.constant 0 : i32
    return %c0_i32, %arg0, %c0_i32_0 : i32, i32, i32
  }
  func.func @transform_2(%arg0: i32) -> (i32, i32) {
    %c0_i32 = arith.constant 0 : i32
    %c0_i32_0 = arith.constant 0 : i32
    %c0_i32_1 = arith.constant 0 : i32
    return %c0_i32, %c0_i32_0 : i32, i32
  }
  func.func @transform_3(%arg0: i32) -> (i32, i32) {
    %c0_i32 = arith.constant 0 : i32
    %c0_i32_0 = arith.constant 0 : i32
    %c0_i32_1 = arith.constant 0 : i32
    return %c0_i32, %c0_i32_0 : i32, i32
  }
  func.func @transform_4(%arg0: i32) -> (i32, i32) {
    %c0_i32 = arith.constant 0 : i32
    %c0_i32_0 = arith.constant 0 : i32
    %c0_i32_1 = arith.constant 0 : i32
    return %c0_i32, %c0_i32_0 : i32, i32
  }
  func.func @transform_5(%arg0: i32) -> (i32, i32) {
    %c0_i32 = arith.constant 0 : i32
    %c0_i32_0 = arith.constant 0 : i32
    %c0_i32_1 = arith.constant 0 : i32
    return %c0_i32, %c0_i32_0 : i32, i32
  }
  func.func @transform_6(%arg0: i32) -> (i32, i32) {
    %c0_i32 = arith.constant 0 : i32
    %c0_i32_0 = arith.constant 0 : i32
    %c0_i32_1 = arith.constant 0 : i32
    return %c0_i32, %c0_i32_0 : i32, i32
  }
  func.func @transform_7(%arg0: i32) -> (i32, i32) {
    %c0_i32 = arith.constant 0 : i32
    %c0_i32_0 = arith.constant 0 : i32
    %c0_i32_1 = arith.constant 0 : i32
    return %c0_i32, %c0_i32_0 : i32, i32
  }
  func.func @transform_8(%arg0: i32) -> (i32, i32) {
    %c0_i32 = arith.constant 0 : i32
    %c0_i32_0 = arith.constant 0 : i32
    %c0_i32_1 = arith.constant 0 : i32
    return %c0_i32, %c0_i32_0 : i32, i32
  }
  func.func @transform_9(%arg0: i32) -> (i32, i32) {
    %c0_i32 = arith.constant 0 : i32
    %c0_i32_0 = arith.constant 0 : i32
    %c0_i32_1 = arith.constant 0 : i32
    return %c0_i32, %c0_i32_0 : i32, i32
  }
  func.func @transform_10(%arg0: i32) -> (i32, i32) {
    %c0_i32 = arith.constant 0 : i32
    %c0_i32_0 = arith.constant 0 : i32
    %c0_i32_1 = arith.constant 0 : i32
    return %c0_i32, %c0_i32_0 : i32, i32
  }
  func.func @transform_11(%arg0: i32) -> (i32, i32) {
    %c0_i32 = arith.constant 0 : i32
    %c0_i32_0 = arith.constant 0 : i32
    return %arg0, %c0_i32 : i32, i32
  }
}

</mosaic_0001>

<sc_bundles>
// kernel: kernel.11.cloned.1.call-start
scs
__scs_entry_jumppad:
0x0: {  	(pc) =	sbr.rel $0x88, $3  }
0x1: {  	(tag) =	ssettag $0x0;
	lr =	simm.s32 $0x1  }
0x2: {  	[smem:$0x3F89] =	sst lr;
	_ =	strace $0xD0000000  }
0x3: {  	_ = 	snop  }
0x4: {  	_ = 	snop  }
0x5: {  	_ = 	snop  }
0x6: {  	_ = 	snop  }
0x7: {  	_ = 	snop  }
__scs_overlays_trampoline_lowered:
0x8: {  	[smem:$0x3F98] =	sst s0  }
0x9: {  	[smem:$0x3F99] =	sst s1  }
0xa: {  	[smem:$0x3F9A] =	sst s2  }
0xb: {  	[smem:$0x3F9B] =	sst s3  }
0xc: {  	[smem:$0x3F9C] =	sst s4  }
0xd: {  	[smem:$0x3F9D] =	sst s5  }
0xe: {  	[smem:$0x3F9E] =	sst s6  }
0xf: {  	[smem:$0x3F9F] =	sst s7  }
0x10: {  	[smem:$0x3FA0] =	sst s8  }
0x11: {  	[smem:$0x3FA1] =	sst s9;
	s0 =	simm.s32 @!p0 $0x0  }
0x12: {  	s1 =	sld [smem:$0x3F87];
	s0 =	simm.s32 @p0 $0x1  }
0x13: {  	[smem:$0x3FA2] =	sst s0;
	s0 =	simm.s32 @!p1 $0x0  }
0x14: {  	s2 =	sld [smem:$0x3F86];
	s0 =	simm.s32 @p1 $0x1  }
0x15: {  	[smem:$0x3FA3] =	sst s0;
	s0 =	simm.s32 @!p2 $0x0  }
0x16: {  	s3 =	sld [smem:$0x3FDB];
	s0 =	simm.s32 @p2 $0x1  }
0x17: {  	s4 =	simm.s32 $0x1BF5;
	[smem:$0x3FA5] =	sst s0  }
0x18: {  	s0 =	sld [smem:$0x3F88];
	_ =	swait.ge [sflag:s4], $0x0  }
0x19: {  	s7 =	sld [smem:$0x3F89]  }
0x1a: {  	s8 =	sadd.s32 $0xFFFFE003, lr  }
0x1b: {  	s9 =	sadd.s32 $0xFFFFFEF7, lr;
	s5 =	simm.s32 $0xFFFFFFFF;
	p2 =	slt.u32 s8, $0xFFFFF086  }
0x1c: {  	p1 =	slt.u32 s9, $0xF7A;
	s5 =	simm.s32 @!p2 $0x0  }
0x1d: {  	s5 =	simm.s32 @p1 $0x1;
	p0 =	seq.s32 s7, s2  }
0x1e: {  	s7 =	smul.u32 @!p0 $0xF7A, s2;
	p2 =	seq.s32 @!p0 s5, $0x0  }
0x1f: {  	s9 =	smul.u32 $0xF7A, s1;
	s8 =	simm.s32 @!p0 $0x1BF5;
	p2 =	por !p2, p0  }
0x20: {  	[sflag:s8] =	ssyncset.s32 @!p0 $0xFFFFF086;
	s6 =	sadd.s32 @!p0 s3, s7;
	s7 =	simm.s32 @!p0 $0x108  }
0x21: {  	s3 =	sadd.s32 s3, s9;
	s6 =	sadd.s32 @!p0 $0x88, s6;
	s7 =	simm.s32 @p2 $0x1082  }
0x22: {  	[simem:s7], [sflag:s8] =	dma.local @!p0 [hbm:s6], $0xF7A  }
0x23: {  	s9 =	sor.u32 $0xD0000000, s2;
	s6 =	simm.s32 $0x108;
	_ =	swait.ge @!p0 [sflag:s8], $0x0  }
0x24: {  	s3 =	sadd.s32 $0x88, s3;
	s6 =	simm.s32 @!p1 $0x1082;
	[sflag:s4] =	ssyncset.s32 $0xFFFFF086  }
0x25: {  	[simem:s6], [sflag:s4] =	dma.local [hbm:s3], $0xF7A  }
0x26: {  	[smem:$0x3F89] =	sst s1;
	(tag) =	ssettag s2;
	_ =	strace s9  }
0x27: {  	s1 =	sld [smem:$0x3F99]  }
0x28: {  	s2 =	sld [smem:$0x3F9A]  }
0x29: {  	s4 =	sld [smem:$0x3F9C]  }
0x2a: {  	p0 =	seq.s32 s5, $0x0;
	s5 =	sld [smem:$0x3F9D]  }
0x2b: {  	s6 =	sld [smem:$0x3F9E]  }
0x2c: {  	s7 =	sld [smem:$0x3F9F]  }
0x2d: {  	s3 =	simm.s32 $0x108;
	s8 =	sld [smem:$0x3FA0]  }
0x2e: {  	s3 =	simm.s32 @!p0 $0x1082;
	s9 =	sld [smem:$0x3FA1]  }
0x2f: {  	lr =	sadd.s32 s0, s3;
	s0 =	sld [smem:$0x3F98]  }
0x30: {  	s3 =	sld [smem:$0x3F9B]  }
0x31: {  	[smem:$0x3FA4] =	sst s10  }
0x32: {  	s10 =	sld [smem:$0x3FA2];
	_ =	sdelay $0x3  }
0x33: {  	p0 =	seq.s32 s10, $0x1;
	s10 =	sld [smem:$0x3FA4];
	_ =	sdelay $0x3  }
0x34: {  	[smem:$0x3FA4] =	sst s10  }
0x35: {  	s10 =	sld [smem:$0x3FA3];
	_ =	sdelay $0x3  }
0x36: {  	p1 =	seq.s32 s10, $0x1;
	s10 =	sld [smem:$0x3FA4];
	_ =	sdelay $0x3  }
0x37: {  	[smem:$0x3FA4] =	sst s10  }
0x38: {  	s10 =	sld [smem:$0x3FA5]  }
0x39: {  	_ = 	snop;
	(pc) =	sbr.ind lr, $3  }
0x3a: {  	_ = 	snop  }
0x3b: {  	_ = 	snop  }
0x3c: {  	p2 =	seq.s32 s10, $0x1;
	s10 =	sld [smem:$0x3FA4]  }
0x3d: {  	_ =	shalt  }
0x3e: {  	_ =	shalt  }
0x3f: {  	_ =	shalt  }
0x40: {  	_ =	shalt  }
0x41: {  	_ =	shalt  }
0x42: {  	_ =	shalt  }
0x43: {  	_ =	shalt  }
0x44: {  	_ =	shalt  }
0x45: {  	_ =	shalt  }
0x46: {  	_ =	shalt  }
0x47: {  	_ =	shalt  }
0x48: {  	_ =	shalt  }
0x49: {  	_ =	shalt  }
0x4a: {  	_ =	shalt  }
0x4b: {  	_ =	shalt  }
0x4c: {  	_ =	shalt  }
0x4d: {  	_ =	shalt  }
0x4e: {  	_ =	shalt  }
0x4f: {  	_ =	shalt  }
0x50: {  	_ =	shalt  }
0x51: {  	_ =	shalt  }
0x52: {  	_ =	shalt  }
0x53: {  	_ =	shalt  }
0x54: {  	_ =	shalt  }
0x55: {  	_ =	shalt  }
0x56: {  	_ =	shalt  }
0x57: {  	_ =	shalt  }
0x58: {  	_ =	shalt  }
0x59: {  	_ =	shalt  }
0x5a: {  	_ =	shalt  }
0x5b: {  	_ =	shalt  }
0x5c: {  	_ =	shalt  }
0x5d: {  	_ =	shalt  }
0x5e: {  	_ =	shalt  }
0x5f: {  	_ =	shalt  }
0x60: {  	_ =	shalt  }
0x61: {  	_ =	shalt  }
0x62: {  	_ =	shalt  }
0x63: {  	_ =	shalt  }
0x64: {  	_ =	shalt  }
0x65: {  	_ =	shalt  }
0x66: {  	_ =	shalt  }
0x67: {  	_ =	shalt  }
0x68: {  	_ =	shalt  }
0x69: {  	_ =	shalt  }
0x6a: {  	_ =	shalt  }
0x6b: {  	_ =	shalt  }
0x6c: {  	_ =	shalt  }
0x6d: {  	_ =	shalt  }
0x6e: {  	_ =	shalt  }
0x6f: {  	_ =	shalt  }
0x70: {  	_ =	shalt  }
0x71: {  	_ =	shalt  }
0x72: {  	_ =	shalt  }
0x73: {  	_ =	shalt  }
0x74: {  	_ =	shalt  }
0x75: {  	_ =	shalt  }
0x76: {  	_ =	shalt  }
0x77: {  	_ =	shalt  }
0x78: {  	_ =	shalt  }
0x79: {  	_ =	shalt  }
0x7a: {  	_ =	shalt  }
0x7b: {  	_ =	shalt  }
0x7c: {  	_ =	shalt  }
0x7d: {  	_ =	shalt  }
0x7e: {  	_ =	shalt  }
0x7f: {  	_ =	shalt  }
0x80: {  	_ =	shalt  }
0x81: {  	_ =	shalt  }
0x82: {  	_ =	shalt  }
0x83: {  	_ =	shalt  }
0x84: {  	_ =	shalt  }
0x85: {  	_ =	shalt  }
0x86: {  	_ =	shalt  }
0x87: {  	_ =	shalt  }
.Lfunc_end0:
.L_simem_size_0:
called_computation_lowered:
.L_overlay_start_0:
0x88: {  	s2 =	sld [smem:$0x3FD9]  }
0x89: {  	s3 =	sld [smem:$0x3FFE];
	_ =	sdelay $0x1  }
0x8a: {  	s1 =	srdreg.scid  }
0x8b: {  	s0 =	sand.u32 $0x1, s1  }
0x8c: {  	s14 =	sshll.u32 s0, $0xA;
	s2 =	sadd.s32 s3, s2  }
0x8d: {  	s2 =	sadd.s32 s2, s14  }
0x8e: {  	[smem:$0x3FB0] =	sst s2  }
0x8f: {  	_ = 	snop  }
0x90: {  	s2 =	sld [smem:$0x3FD0];
	_ =	sdelay $0x2  }
0x91: {  	s15 =	simm.s32 $0xA;
	s4 =	simm.s32 $0x10  }
0x92: {  	[smem:s4], [sflag:s15] =	dma.local [hbm:s2], $0x1  }
0x93: {  	_ =	swait.eq [sflag:s15], $0x1  }
0x94: {  	[sflag:s15] =	ssyncset.done $0x0  }
0x95: {  	s16 =	sld [smem:$0x10];
	[sflag:s15] =	ssyncadd.s32 $0xFFFFFFFF  }
0x96: {  	s17 =	sld [smem:$0x11];
	(tm) =	ssettm $0x1  }
0x97: {  	s18 =	sld [smem:$0x3FFB];
	_ =	sdelay $0x3  }
0x98: {  	_ =	strace s18  }
0x99: {  	s4 =	sld [smem:$0x3FFC];
	_ =	sdelay $0x3  }
0x9a: {  	_ =	strace s4  }
0x9b: {  	s4 =	sld [smem:$0x3FFD];
	_ =	sdelay $0x3  }
0x9c: {  	_ =	strace s4  }
0x9d: {  	_ =	strace $0x8FFFFFFF  }
0x9e: {  	s19 =	sld [smem:$0x3FDB];
	_ =	sdelay $0x1  }
0x9f: {  	s5 =	simm.s32 $_scs_section_size  }
0xa0: {  	s6 =	simm.s32 $_size__tile_overlayer_lowered;
	s7 =	simm.s32 $_tile_overlayer_lowered  }
0xa1: {  	s22 =	simm.s32 $0x1BFF;
	s21 =	sshll.u32 s7, $0x1;
	s4 =	sadd.s32 s5, s19  }
0xa2: {  	s8 =	simm.s32 $0x0;
	s20 =	sshll.u32 s6, $0x1;
	s6 =	sadd.s32 s21, s4  }
0xa3: {  	[timem:s8], [sflag:s22] =	dma.local [hbm:s6], s20  }
0xa4: {  	_ =	swait.ge [sflag:s22], s20  }
0xa5: {  	s5 =	ssub.s32 $0x0, s20;
	[sflag:s22] =	ssyncset.done $0x0  }
0xa6: {  	[sflag:s22] =	ssyncadd.s32 s5;
	_ =	sdelay $0x1  }
0xa7: {  	s23 =	simm.s32 $0x1B8B  }
0xa8: {  	_ =	swait.ge [sflag:s23], $0x1  }
0xa9: {  	[sflag:s23] =	ssyncset.done $0x0  }
0xaa: {  	s25 =	simm.s32 $0x1B8E;
	s24 =	sld [smem:$0x3FFE];
	[sflag:s23] =	ssyncadd.s32 $0xFFFFFFFF  }
0xab: {  	s26 =	simm.s32 $execute0_lowered;
	[smem:$0x3FD2] =	sst s25  }
0xac: {  	s6 =	sshll.u32 s26, $0x1;
	_ =	strace $0x80000046;
	[dreg:$0x1] =	wrdreg $0xFFFFFFFF  }
0xad: {  	s28 =	simm.s32 $_size_execute0_lowered;
	s4 =	sadd.s32 s4, s6;
	[dreg:$0x0] =	wrdreg $0x0  }
0xae: {  	s6 =	sshll.u32 s28, $0x1;
	[dreg:$0x2] =	wrdreg s4  }
0xaf: {  	[dreg:$0x3] =	wrdreg s6  }
0xb0: {  	[dreg:$0x4] =	wrdreg $0xC0  }
0xb1: {  	_ =	task [dreg:s8], $0x5FFFF  }
0xb2: {  	[dreg:$0x1] =	wrdreg $0xFFFFFFFF  }
0xb3: {  	[dreg:$0x0] =	wrdreg $0x60  }
0xb4: {  	[dreg:$0x2] =	wrdreg s24  }
0xb5: {  	[dreg:$0x3] =	wrdreg s16  }
0xb6: {  	[dreg:$0x4] =	wrdreg s17  }
0xb7: {  	[dreg:$0x5] =	wrdreg $0xF0000  }
0xb8: {  	[dreg:$0x6] =	wrdreg $0x190000  }
0xb9: {  	[dreg:$0x7] =	wrdreg $0x1E0800  }
0xba: {  	[dreg:$0x8] =	wrdreg $0x9  }
0xbb: {  	_ =	task.clear_ibuf [dreg:s8], $0x9FFFF;
	_ =	strace $0x90000046  }
0xbc: {  	s29 =	simm.s32 $0x9;
	_ =	strace $0x80000048  }
0xbd: {  	_ =	swait.ge [sflag:s29], $0x1  }
0xbe: {  	[sflag:s29] =	ssyncadd.s32 $0xFFFFFFFF  }
0xbf: {  	_ =	strace $0x90000048  }
0xc0: {  	_ =	sfence  }
0xc1: {  	s30 =	sld [smem:$0x0];
	_ =	sdelay $0x2  }
0xc2: {  	s31 =	sshll.u32 s1, $0xD;
	s1 =	sshrl.u32 s1, $0x2  }
0xc3: {  	s3 =	sand.u32 $0x4000, s31;
	s1 =	sadd.s32 s1, s30  }
0xc4: {  	s0 =	sor.u32 s3, s0;
	s1 =	sshll.u32 s1, $0x11  }
0xc5: {  	s0 =	sor.u32 s1, s0  }
0xc6: {  	s0 =	sadd.s32 $0x8F2B, s0  }
0xc7: {  	[sflag:s0] =	ssyncadd.remote.s32 $0x1  }
0xc8: {  	_ =	sfence.sel $0xFFFF  }
0xc9: {  	[dreg:$0x0] =	wrdreg $0xFFFFFFFF;
	(pc) =	sbr.abs _section_cstart, $3  }
0xca: {  	[dreg:$0x1] =	wrdreg $0xFFFFFFFF  }
0xcb: {  	_ =	task.clear_ibuf [dreg:s8], $0x2FFFF;
	_ =	strace $0x9FFFFFFF  }
0xcc: {  	(tm) =	ssettm $0x7FFFFFFF  }
0xcd: {  	_ =	shalt  }
tec
execute0_lowered:
.L_overlay_start_1:
0x0: {  	(tag) =	ssettag $0x1  }
0x1: {  	s0 =	rddreg [dreg:$0x0]  }
0x2: {  	s3 =	rddreg [dreg:$0x3]  }
0x3: {  	s1 =	srdreg.scid;
	s5 =	rddreg [dreg:$0x4]  }
0x4: {  	s14 =	stileid.u32;
	s6 =	rddreg [dreg:$0x5];
	s7 =	simm.s32 $0x0  }
0x5: {  	s29 =	simm.s32 $0x80;
	s30 =	simm.s32 $0x5000;
	s4 =	smul.u32 $0xA000, s14  }
0x6: {  	s31 =	simm.s32 $0x7000;
	s15 =	simm.s32 $0xA;
	s8 =	smul.u32 $0x5000, s14  }
0x7: {  	s1 =	sand.u32 $0x1, s1;
	[smem:$0x7FF] =	sst s7;
	s10 =	smul.u32 $0x280, s14  }
0x8: {  	s13 =	sadd.s32 $0x2C600, s0;
	s18 =	sshll.u32 s14, $0x6;
	s9 =	smul.u32 $0x50000, s1  }
0x9: {  	s2 =	sshll.u32 s1, $0x4;
	_ =	strace $0x80000047;
	s12 =	smul.u32 $0x2800, s1  }
0xa: {  	[dreg:$0x7] =	wrdreg s13;
	s1 =	ssub.s32 $0x2, s1;
	s21 =	sor.u32 $0x1C03, s18  }
0xb: {  	[dreg:$0xa] =	wrdreg s18;
	s28 =	sor.u32 $0x1C04, s18;
	s13 =	simm.s32 $0x9  }
0xc: {  	s2 =	sor.u32 s14, s2;
	s11 =	sshrl.u32 s4, $0x3;
	s16 =	sshrl.u32 s1, $0x1  }
0xd: {  	s19 =	sadd.s32 s4, s3;
	[dreg:$0xc] =	wrdreg s21;
	s22 =	sadd.s32 s8, s5  }
0xe: {  	s23 =	sadd.s32 s10, s6;
	[dreg:$0x12] =	wrdreg s28;
	s4 =	simm.s32 $0xD000  }
0xf: {  	s14 =	simm.s32 $0xE;
	s2 =	smul.u32 $0x500, s2;
	s11 =	sadd.s32 s11, s0  }
0x10: {  	s9 =	sadd.s32 s8, s9;
	s12 =	sadd.s32 s10, s12;
	s1 =	ssub.s32 s1, s16  }
0x11: {  	[dreg:$0xd] =	wrdreg s23;
	s26 =	sshrl.u32 s19, $0x3;
	s21 =	sshrl.u32 s22, $0x3  }
0x12: {  	s22 =	simm.s32 $0x1E000;
	s23 =	simm.s32 $0x10;
	s10 =	simm.s32 $0x8  }
0x13: {  	s16 =	simm.s32 $0xF;
	s9 =	sshrl.u32 s9, $0x3;
	s12 =	sshrl.u32 s12, $0x3  }
0x14: {  	s20 =	sadd.s32 $0x4600, s11;
	s25 =	smax.u32 s1, $0x1;
	[dreg:$0x11] =	wrdreg s26  }
0x15: {  	s26 =	simm.s32 $0x3;
	s2 =	sadd.s32 s2, s0;
	[dreg:$0xb] =	wrdreg s20  }
0x16: {  	s9 =	sadd.s32 s9, s0;
	[dreg:$0x10] =	wrdreg s25;
	s17 =	sadd.s32 $0x22600, s2  }
.Ltmp0:
0x17: {  	s2 =	sadd.s32 $0x18600, s2;
	[dreg:$0x8] =	wrdreg s17;
	(pc) =	sbr.rel .LBB2_1-.Ltmp0, $4  }
0x18: {  	s0 =	sadd.s32 s12, s0;
	s24 =	sadd.s32 $0x2C800, s9;
	[dreg:$0x9] =	wrdreg s2  }
0x19: {  	s1 =	simm.s32 $0x5;
	s0 =	sadd.s32 $0x40800, s0;
	[dreg:$0xe] =	wrdreg s24  }
0x1a: {  	s25 =	simm.s32 $0x2;
	s12 =	simm.s32 $0xD;
	[dreg:$0xf] =	wrdreg s0  }
0x1b: {  	s24 =	simm.s32 $0x1;
	s0 =	simm.s32 $0x9000;
	s17 =	simm.s32 $0x0  }
.LBB2_4:
0x1c: {  	s2 =	simm.s32 $0x6  }
0x1d: {  	_ =	swait.ge [sflag:s2], $0x2000  }
0x1e: {  	[sflag:s2] =	ssyncset.done $0x0  }
0x1f: {  	s28 =	simm.s32 $0xB;
	[sflag:s2] =	ssyncadd.s32 $0xFFFFE000  }
0x20: {  	_ =	swait.ge [sflag:s28], $0x80  }
0x21: {  	[sflag:s28] =	ssyncset.done $0x0  }
0x22: {  	s8 =	simm.s32 $0x7;
	[sflag:s28] =	ssyncadd.s32 $0xFFFFFF80  }
0x23: {  	_ =	swait.ge [sflag:s8], $0x2000  }
0x24: {  	[sflag:s8] =	ssyncset.done $0x0  }
0x25: {  	s9 =	simm.s32 $0xC;
	[sflag:s8] =	ssyncadd.s32 $0xFFFFE000  }
0x26: {  	_ =	swait.ge [sflag:s9], $0x80  }
0x27: {  	[sflag:s9] =	ssyncset.done $0x0  }
0x28: {  	[sflag:s9] =	ssyncadd.s32 $0xFFFFFF80  }
0x29: {  	_ =	swait.ge [sflag:s10], $0x2000  }
0x2a: {  	[sflag:s10] =	ssyncset.done $0x0  }
0x2b: {  	[sflag:s10] =	ssyncadd.s32 $0xFFFFE000  }
0x2c: {  	_ =	swait.ge [sflag:s12], $0x80  }
0x2d: {  	[sflag:s12] =	ssyncset.done $0x0  }
0x2e: {  	[sflag:s12] =	ssyncadd.s32 $0xFFFFFF80  }
0x2f: {  	_ =	swait.ge [sflag:s13], $0x2000  }
0x30: {  	[sflag:s13] =	ssyncset.done $0x0  }
0x31: {  	[sflag:s13] =	ssyncadd.s32 $0xFFFFE000  }
0x32: {  	_ =	swait.ge [sflag:s14], $0x80  }
0x33: {  	[sflag:s14] =	ssyncset.done $0x0  }
0x34: {  	[sflag:s14] =	ssyncadd.s32 $0xFFFFFF80  }
0x35: {  	_ =	swait.ge [sflag:s15], $0x2000  }
0x36: {  	[sflag:s15] =	ssyncset.done $0x0  }
0x37: {  	[sflag:s15] =	ssyncadd.s32 $0xFFFFE000  }
0x38: {  	_ =	swait.ge [sflag:s16], $0x80  }
0x39: {  	[sflag:s16] =	ssyncset.done $0x0  }
0x3a: {  	[sflag:s16] =	ssyncadd.s32 $0xFFFFFF80  }
0x3b: {  	[bflag:$0x0] =	sbarrier.arrive $0xFFFF  }
0x3c: {  	s11 =	rddreg [dreg:$0xe]  }
0x3d: {  	[hbm:s11], [sflag:s19] =	dma.local [spmem:s21], $0xA00  }
0x3e: {  	_ =	swait.ge [sflag:s23], $0xA00  }
0x3f: {  	[sflag:s23] =	ssyncset.done $0x0  }
0x40: {  	s18 =	rddreg [dreg:$0xf];
	[sflag:s23] =	ssyncadd.s32 $0xFFFFF600  }
0x41: {  	[hbm:s18], [sflag:s19] =	dma.local [spmem:s20], $0x50  }
0x42: {  	_ =	swait.ge [sflag:s23], $0x50  }
0x43: {  	s17 =	sadd.s32 $0x1, s17;
	s28 =	rddreg [dreg:$0x10]  }
0x44: {  	p0 =	sne.s32 s17, s28  }
.Ltmp1:
0x45: {  	_ = 	snop;
	(pc) =	sbr.rel @!p0 .LBB2_5-.Ltmp1, $3  }
0x46: {  	_ =	sdelay $0x1  }
0x47: {  	[sflag:s23] =	ssyncset.done $0x0  }
0x48: {  	[sflag:s23] =	ssyncadd.s32 $0xFFFFFFB0  }
.LBB2_1:
0x49: {  	s2 =	rddreg [dreg:$0x8]  }
0x4a: {  	s9 =	rddreg [dreg:$0x9]  }
0x4b: {  	s11 =	rddreg [dreg:$0xb]  }
0x4c: {  	[tilespmem:s7], [sflag:$0x1] =	stream.linear.gather [hbm4b:s2+s7], $0x2800, $0x38;
	[tilespmem:$0x1E300] =	vst v63  }
0x4d: {  	s8 =	simm.s32 $0x2800;
	s18 =	rddreg [dreg:$0xc]  }
0x4e: {  	[tilespmem:s8], [sflag:$0x2] =	stream.linear.gather [hbm4b:s9+s7], $0x2800, $0x38;
	[tilespmem:$0x1E300] =	vst v63  }
0x4f: {  	s9 =	rddreg [dreg:$0x11]  }
0x50: {  	[spmem:s9], [sflag:s18] =	dma.local [hbm:s11], $0x1400  }
0x51: {  	s2 =	rddreg [dreg:$0x1]  }
0x52: {  	s8 =	rddreg [dreg:$0x12]  }
0x53: {  	[spmem:s21], [sflag:s8] =	dma.local [hbm:s2], $0xA00  }
0x54: {  	s2 =	rddreg [dreg:$0x7]  }
0x55: {  	[tilespmem:s22], [sflag:$0x10] =	stream.linear.gather [hbm4b:s2+s7], $0x80, $0x38;
	[tilespmem:$0x1E300] =	vst v63  }
0x56: {  	_ =	swait.ge [sflag:s23], $0x80  }
0x57: {  	[sflag:s23] =	ssyncset.done $0x0;
	s19 =	rddreg [dreg:$0xa]  }
0x58: {  	s20 =	rddreg [dreg:$0xd];
	[sflag:s23] =	ssyncadd.s32 $0xFFFFFF80  }
0x59: {  	s19 =	sor.u32 $0x1C10, s19;
	s20 =	sshrl.u32 s20, $0x3;
	s28 =	rddreg [dreg:$0x2]  }
0x5a: {  	[spmem:s20], [sflag:s19] =	dma.local [hbm:s28], $0x50  }
0x5b: {  	_ =	swait.ge [sflag:s23], $0x50  }
0x5c: {  	[sflag:s23] =	ssyncset.done $0x0  }
0x5d: {  	[sflag:s23] =	ssyncadd.s32 $0xFFFFFFB0  }
0x5e: {  	_ =	swait.ge [sflag:s24], $0x2800  }
0x5f: {  	[sflag:s24] =	ssyncset.done $0x0  }
0x60: {  	[sflag:s24] =	ssyncadd.s32 $0xFFFFD800  }
0x61: {  	_ =	swait.ge [sflag:s25], $0x2800  }
0x62: {  	[sflag:s25] =	ssyncset.done $0x0  }
0x63: {  	[sflag:s25] =	ssyncadd.s32 $0xFFFFD800  }
0x64: {  	_ =	swait.ge [sflag:s26], $0x1400  }
0x65: {  	[sflag:s26] =	ssyncset.done $0x0  }
0x66: {  	s8 =	simm.s32 $0x4;
	[sflag:s26] =	ssyncadd.s32 $0xFFFFEC00  }
0x67: {  	_ =	swait.ge [sflag:s8], $0xA00  }
0x68: {  	[sflag:s8] =	ssyncset.done $0x0  }
0x69: {  	[sflag:s8] =	ssyncadd.s32 $0xFFFFF600  }
0x6a: {  	[bflag:$0x0] =	sbarrier.arrive $0xFFFF  }
0x6b: {  	[tilespmem:s30], [sflag:$0x1] =	stream.indirect.gather [spmem:s3], $0x40, s7, s29, $0xb8;
	[tilespmem:$0x1E300] =	vst v63  }
0x6c: {  	_ = 	snop  }
0x6d: {  	[tilespmem:s31], [sflag:$0x2] =	stream.indirect.gather [spmem:s3], $0x40, s29, s29, $0xb8;
	[tilespmem:$0x1E300] =	vst v63  }
0x6e: {  	s9 =	simm.s32 $0x100  }
0x6f: {  	[tilespmem:s0], [sflag:$0x3] =	stream.indirect.gather [spmem:s3], $0x40, s9, s29, $0xb8;
	[tilespmem:$0x1E300] =	vst v63  }
0x70: {  	s11 =	simm.s32 $0x180;
	s18 =	simm.s32 $0xB000  }
0x71: {  	[tilespmem:s18], [sflag:$0x4] =	stream.indirect.gather [spmem:s3], $0x40, s11, s29, $0xb8;
	[tilespmem:$0x1E300] =	vst v63  }
0x72: {  	s28 =	simm.s32 $0x200;
	s11 =	simm.s32 $0x0  }
0x73: {  	[tilespmem:s4], [sflag:$0x5] =	stream.indirect.gather [spmem:s3], $0x40, s28, s29, $0xb8;
	[tilespmem:$0x1E300] =	vst v63  }
.LBB2_2:
0x74: {  	_ =	swait.ge [sflag:s24], $0x2000  }
0x75: {  	s28 =	sshra.s32 s11, $0x2;
	[sflag:s24] =	ssyncset.done $0x0  }
0x76: {  	p0 =	seq.s32 s11, $0x0;
	s2 =	sadd.s32 $0x2800, s28;
	[sflag:s24] =	ssyncadd.s32 $0xFFFFE000  }
0x77: {  	[spmem:s5] =	stream.indirect.scatter.add.f32 [tilespmem:s30], [sflag:$0x6], $0x40, s2, s29, $0xb8;
	[tilespmem:$0x1E300] =	vst v63  }
0x78: {  	s2 =	simm.s32 @!p0 $0x9  }
0x79: {  	[spmem:s6] =	stream.indirect.scatter.add.f32 [tilespmem:s22], [sflag:$0xB], $0x1, s28, s29, $0xb8;
	[tilespmem:$0x1E300] =	vst v63  }
0x7a: {  	_ =	swait.ge @!p0 [sflag:s2], $0x2000  }
0x7b: {  	[sflag:s2] =	ssyncset.done @!p0 $0x0  }
0x7c: {  	[sflag:s2] =	ssyncadd.s32 @!p0 $0xFFFFE000;
	s2 =	simm.s32 @!p0 $0xE  }
0x7d: {  	_ =	swait.ge @!p0 [sflag:s2], $0x80  }
0x7e: {  	[sflag:s2] =	ssyncset.done @!p0 $0x0  }
0x7f: {  	[sflag:s2] =	ssyncadd.s32 @!p0 $0xFFFFFF80;
	s2 =	sshra.s32 @!p0 s11, $0x2  }
0x80: {  	s8 =	simm.s32 @!p0 $0x80;
	s9 =	simm.s32 @!p0 $0xB000;
	s18 =	sadd.s32 @!p0 $0x180, s2  }
0x81: {  	[tilespmem:s9], [sflag:$0x4] =	stream.indirect.gather @!p0 [spmem:s3], $0x40, s18, s8, $0xb8;
	[tilespmem:$0x1E300] =	vst v63  }
0x82: {  	_ =	swait.ge [sflag:s25], $0x2000  }
0x83: {  	[sflag:s25] =	ssyncset.done $0x0  }
0x84: {  	s18 =	sadd.s32 $0x2880, s28;
	[sflag:s25] =	ssyncadd.s32 $0xFFFFE000  }
0x85: {  	[spmem:s5] =	stream.indirect.scatter.add.f32 [tilespmem:s31], [sflag:$0x7], $0x40, s18, s29, $0xb8;
	[tilespmem:$0x1E300] =	vst v63  }
0x86: {  	s9 =	simm.s32 @!p0 $0xA;
	s18 =	sadd.s32 $0x80, s28  }
0x87: {  	[spmem:s6] =	stream.indirect.scatter.add.f32 [tilespmem:s22], [sflag:$0xC], $0x1, s18, s29, $0xb8;
	[tilespmem:$0x1E300] =	vst v63  }
0x88: {  	_ =	swait.ge @!p0 [sflag:s9], $0x2000  }
0x89: {  	[sflag:s9] =	ssyncset.done @!p0 $0x0  }
0x8a: {  	[sflag:s9] =	ssyncadd.s32 @!p0 $0xFFFFE000;
	s9 =	simm.s32 @!p0 $0xF  }
0x8b: {  	_ =	swait.ge @!p0 [sflag:s9], $0x80  }
0x8c: {  	[sflag:s9] =	ssyncset.done @!p0 $0x0  }
0x8d: {  	s2 =	sadd.s32 @!p0 $0x200, s2;
	[sflag:s9] =	ssyncadd.s32 @!p0 $0xFFFFFF80;
	s9 =	simm.s32 @!p0 $0xD000  }
0x8e: {  	[tilespmem:s9], [sflag:$0x5] =	stream.indirect.gather @!p0 [spmem:s3], $0x40, s2, s8, $0xb8;
	[tilespmem:$0x1E300] =	vst v63  }
0x8f: {  	_ =	swait.ge [sflag:s26], $0x2000  }
0x90: {  	[sflag:s26] =	ssyncset.done $0x0  }
0x91: {  	s18 =	sadd.s32 $0x2900, s28;
	p0 =	seq.s32 s11, $0x9600;
	[sflag:s26] =	ssyncadd.s32 $0xFFFFE000  }
0x92: {  	[spmem:s5] =	stream.indirect.scatter.add.f32 [tilespmem:s0], [sflag:$0x8], $0x40, s18, s29, $0xb8;
	[tilespmem:$0x1E300] =	vst v63  }
0x93: {  	s8 =	sadd.s32 $0x100, s28;
	s2 =	simm.s32 @p0 $0x4  }
0x94: {  	[spmem:s6] =	stream.indirect.scatter.add.f32 [tilespmem:s22], [sflag:$0xD], $0x1, s8, s29, $0xb8;
	[tilespmem:$0x1E300] =	vst v63  }
0x95: {  	_ =	swait.ge @p0 [sflag:s2], $0x2000  }
0x96: {  	s9 =	simm.s32 @p0 $0xB000;
	[sflag:s2] =	ssyncset.done @p0 $0x0  }
0x97: {  	s8 =	simm.s32 @p0 $0x4F00;
	[sflag:s2] =	ssyncadd.s32 @p0 $0xFFFFE000;
	s2 =	simm.s32 @p0 $0x80  }
0x98: {  	[spmem:s5] =	stream.indirect.scatter.add.f32 @p0 [tilespmem:s9], [sflag:$0x9], $0x40, s8, s2, $0xb8;
	[tilespmem:$0x1E300] =	vst v63  }
0x99: {  	s8 =	simm.s32 @p0 $0x2700;
	s9 =	simm.s32 @p0 $0x1E000  }
0x9a: {  	[spmem:s6] =	stream.indirect.scatter.add.f32 @p0 [tilespmem:s9], [sflag:$0xE], $0x1, s8, s2, $0xb8;
	[tilespmem:$0x1E300] =	vst v63  }
0x9b: {  	s2 =	simm.s32 @!p0 $0x6  }
0x9c: {  	_ =	swait.ge @!p0 [sflag:s2], $0x2000  }
0x9d: {  	[sflag:s2] =	ssyncset.done @!p0 $0x0  }
0x9e: {  	[sflag:s2] =	ssyncadd.s32 @!p0 $0xFFFFE000;
	s2 =	simm.s32 @!p0 $0xB  }
0x9f: {  	_ =	swait.ge @!p0 [sflag:s2], $0x80  }
0xa0: {  	[sflag:s2] =	ssyncset.done @!p0 $0x0  }
0xa1: {  	[sflag:s2] =	ssyncadd.s32 @!p0 $0xFFFFFF80;
	s2 =	sshra.s32 @!p0 s11, $0x2  }
0xa2: {  	s18 =	simm.s32 @!p0 $0x5000;
	s9 =	simm.s32 @!p0 $0x80;
	s8 =	sadd.s32 @!p0 $0x280, s2  }
0xa3: {  	[tilespmem:s18], [sflag:$0x1] =	stream.indirect.gather @!p0 [spmem:s3], $0x40, s8, s9, $0xb8;
	[tilespmem:$0x1E300] =	vst v63  }
0xa4: {  	s8 =	simm.s32 @!p0 $0x4  }
0xa5: {  	_ =	swait.ge @!p0 [sflag:s8], $0x2000  }
0xa6: {  	[sflag:s8] =	ssyncset.done @!p0 $0x0  }
0xa7: {  	s18 =	simm.s32 @!p0 $0xB000;
	[sflag:s8] =	ssyncadd.s32 @!p0 $0xFFFFE000;
	s8 =	sadd.s32 @!p0 $0x2980, s2  }
0xa8: {  	[spmem:s5] =	stream.indirect.scatter.add.f32 @!p0 [tilespmem:s18], [sflag:$0x9], $0x40, s8, s9, $0xb8;
	[tilespmem:$0x1E300] =	vst v63  }
0xa9: {  	s8 =	sadd.s32 @!p0 $0x180, s2;
	s18 =	simm.s32 @!p0 $0x1E000  }
0xaa: {  	[spmem:s6] =	stream.indirect.scatter.add.f32 @!p0 [tilespmem:s18], [sflag:$0xE], $0x1, s8, s9, $0xb8;
	[tilespmem:$0x1E300] =	vst v63  }
0xab: {  	s8 =	simm.s32 @!p0 $0x7  }
0xac: {  	_ =	swait.ge @!p0 [sflag:s8], $0x2000  }
0xad: {  	[sflag:s8] =	ssyncset.done @!p0 $0x0  }
0xae: {  	[sflag:s8] =	ssyncadd.s32 @!p0 $0xFFFFE000;
	s8 =	simm.s32 @!p0 $0xC  }
0xaf: {  	_ =	swait.ge @!p0 [sflag:s8], $0x80  }
0xb0: {  	[sflag:s8] =	ssyncset.done @!p0 $0x0  }
0xb1: {  	s2 =	sadd.s32 @!p0 $0x300, s2;
	[sflag:s8] =	ssyncadd.s32 @!p0 $0xFFFFFF80;
	s8 =	simm.s32 @!p0 $0x7000  }
0xb2: {  	[tilespmem:s8], [sflag:$0x2] =	stream.indirect.gather @!p0 [spmem:s3], $0x40, s2, s9, $0xb8;
	[tilespmem:$0x1E300] =	vst v63  }
0xb3: {  	_ =	swait.ge [sflag:s1], $0x2000  }
.Ltmp2:
0xb4: {  	[sflag:s1] =	ssyncset.done $0x0;
	(pc) =	sbr.rel @p0 .LBB2_4-.Ltmp2, $4  }
0xb5: {  	s9 =	sadd.s32 $0x2A00, s28;
	[sflag:s1] =	ssyncadd.s32 $0xFFFFE000  }
0xb6: {  	[spmem:s5] =	stream.indirect.scatter.add.f32 [tilespmem:s4], [sflag:$0xA], $0x40, s9, s29, $0xb8;
	[tilespmem:$0x1E300] =	vst v63  }
0xb7: {  	s18 =	sadd.s32 $0x200, s28  }
0xb8: {  	[spmem:s6] =	stream.indirect.scatter.add.f32 [tilespmem:s22], [sflag:$0xF], $0x1, s18, s29, $0xb8;
	[tilespmem:$0x1E300] =	vst v63  }
0xb9: {  	_ =	swait.ge [sflag:s10], $0x2000  }
0xba: {  	[sflag:s10] =	ssyncset.done $0x0  }
.Ltmp3:
0xbb: {  	[sflag:s10] =	ssyncadd.s32 $0xFFFFE000;
	(pc) =	sbr.rel .LBB2_2-.Ltmp3, $4  }
0xbc: {  	_ =	swait.ge [sflag:s12], $0x80  }
0xbd: {  	[sflag:s12] =	ssyncset.done $0x0  }
0xbe: {  	s2 =	sadd.s32 $0x380, s28;
	s11 =	sadd.s32 $0xA00, s11;
	[sflag:s12] =	ssyncadd.s32 $0xFFFFFF80  }
0xbf: {  	[tilespmem:s0], [sflag:$0x3] =	stream.indirect.gather [spmem:s3], $0x40, s2, s29, $0xb8;
	[tilespmem:$0x1E300] =	vst v63  }
.LBB2_5:
0xc0: {  	_ =	sfence.sel $0x180000  }
0xc1: {  	[bflag:$0x0] =	sbarrier.arrive $0xFFFF  }
0xc2: {  	_ =	strace $0x90000047  }
0xc3: {  	s0 =	stileid.u32;
	[bflag:$0x2] =	sbarrier.arrive $0xFFFF  }
0xc4: {  	p0 =	sne.s32 s0, $0x0;
	s0 =	rddreg [dreg:$0x6]  }
0xc5: {  	s0 =	sadd.s32 @!p0 $0x100000, s0  }
0xc6: {  	[sflag:s0] =	ssyncadd.tile.s32 @!p0 $0x1;
	_ =	shalt  }
.Lfunc_end2:
_tile_overlayer_lowered:
.L_overlay_start_2:
0xc7: {  	(tag) =	ssettag $0x2  }
0xc8: {  	s0 =	rddreg [dreg:$0x0];
	s2 =	stileid.u32  }
0xc9: {  	s1 =	rddreg [dreg:$0x1];
	p0 =	sne.s32 s2, $0x0  }
0xca: {  	s3 =	rddreg [dreg:$0x2];
	[bflag:$0x3] =	sbarrier.arrive $0xFFFF;
	s2 =	simm.s32 @!p0 $0x1C10  }
0xcb: {  	[timem:s3], [sflag:s2] =	dma.local @!p0 [hbm:s0], s1  }
0xcc: {  	s0 =	simm.s32 @!p0 $0x10  }
0xcd: {  	_ =	swait.ge @!p0 [sflag:s0], s1  }
0xce: {  	s1 =	ssub.s32 @!p0 $0x0, s1;
	[sflag:s0] =	ssyncset.done @!p0 $0x0  }
0xcf: {  	[sflag:s0] =	ssyncadd.s32 @!p0 s1  }
0xd0: {  	[bflag:$0x3] =	sbarrier.arrive $0xFFFF  }
0xd1: {  	_ =	shalt  }

// kernel: kernel.14.cloned.1.call-start
scs
__scs_entry_jumppad:
0x0: {  	(pc) =	sbr.rel $0x88, $3  }
0x1: {  	(tag) =	ssettag $0x0;
	lr =	simm.s32 $0x1  }
0x2: {  	[smem:$0x3F89] =	sst lr;
	_ =	strace $0xD0000000  }
0x3: {  	_ = 	snop  }
0x4: {  	_ = 	snop  }
0x5: {  	_ = 	snop  }
0x6: {  	_ = 	snop  }
0x7: {  	_ = 	snop  }
__scs_overlays_trampoline_lowered:
0x8: {  	[smem:$0x3F98] =	sst s0  }
0x9: {  	[smem:$0x3F99] =	sst s1  }
0xa: {  	[smem:$0x3F9A] =	sst s2  }
0xb: {  	[smem:$0x3F9B] =	sst s3  }
0xc: {  	[smem:$0x3F9C] =	sst s4  }
0xd: {  	[smem:$0x3F9D] =	sst s5  }
0xe: {  	[smem:$0x3F9E] =	sst s6  }
0xf: {  	[smem:$0x3F9F] =	sst s7  }
0x10: {  	[smem:$0x3FA0] =	sst s8  }
0x11: {  	[smem:$0x3FA1] =	sst s9;
	s0 =	simm.s32 @!p0 $0x0  }
0x12: {  	s1 =	sld [smem:$0x3F87];
	s0 =	simm.s32 @p0 $0x1  }
0x13: {  	[smem:$0x3FA2] =	sst s0;
	s0 =	simm.s32 @!p1 $0x0  }
0x14: {  	s2 =	sld [smem:$0x3F86];
	s0 =	simm.s32 @p1 $0x1  }
0x15: {  	[smem:$0x3FA3] =	sst s0;
	s0 =	simm.s32 @!p2 $0x0  }
0x16: {  	s3 =	sld [smem:$0x3FDB];
	s0 =	simm.s32 @p2 $0x1  }
0x17: {  	s4 =	simm.s32 $0x1BF5;
	[smem:$0x3FA5] =	sst s0  }
0x18: {  	s0 =	sld [smem:$0x3F88];
	_ =	swait.ge [sflag:s4], $0x0  }
0x19: {  	s7 =	sld [smem:$0x3F89]  }
0x1a: {  	s8 =	sadd.s32 $0xFFFFE003, lr  }
0x1b: {  	s9 =	sadd.s32 $0xFFFFFEF7, lr;
	s5 =	simm.s32 $0xFFFFFFFF;
	p2 =	slt.u32 s8, $0xFFFFF086  }
0x1c: {  	p1 =	slt.u32 s9, $0xF7A;
	s5 =	simm.s32 @!p2 $0x0  }
0x1d: {  	s5 =	simm.s32 @p1 $0x1;
	p0 =	seq.s32 s7, s2  }
0x1e: {  	s7 =	smul.u32 @!p0 $0xF7A, s2;
	p2 =	seq.s32 @!p0 s5, $0x0  }
0x1f: {  	s9 =	smul.u32 $0xF7A, s1;
	s8 =	simm.s32 @!p0 $0x1BF5;
	p2 =	por !p2, p0  }
0x20: {  	[sflag:s8] =	ssyncset.s32 @!p0 $0xFFFFF086;
	s6 =	sadd.s32 @!p0 s3, s7;
	s7 =	simm.s32 @!p0 $0x108  }
0x21: {  	s3 =	sadd.s32 s3, s9;
	s6 =	sadd.s32 @!p0 $0x88, s6;
	s7 =	simm.s32 @p2 $0x1082  }
0x22: {  	[simem:s7], [sflag:s8] =	dma.local @!p0 [hbm:s6], $0xF7A  }
0x23: {  	s9 =	sor.u32 $0xD0000000, s2;
	s6 =	simm.s32 $0x108;
	_ =	swait.ge @!p0 [sflag:s8], $0x0  }
0x24: {  	s3 =	sadd.s32 $0x88, s3;
	s6 =	simm.s32 @!p1 $0x1082;
	[sflag:s4] =	ssyncset.s32 $0xFFFFF086  }
0x25: {  	[simem:s6], [sflag:s4] =	dma.local [hbm:s3], $0xF7A  }
0x26: {  	[smem:$0x3F89] =	sst s1;
	(tag) =	ssettag s2;
	_ =	strace s9  }
0x27: {  	s1 =	sld [smem:$0x3F99]  }
0x28: {  	s2 =	sld [smem:$0x3F9A]  }
0x29: {  	s4 =	sld [smem:$0x3F9C]  }
0x2a: {  	p0 =	seq.s32 s5, $0x0;
	s5 =	sld [smem:$0x3F9D]  }
0x2b: {  	s6 =	sld [smem:$0x3F9E]  }
0x2c: {  	s7 =	sld [smem:$0x3F9F]  }
0x2d: {  	s3 =	simm.s32 $0x108;
	s8 =	sld [smem:$0x3FA0]  }
0x2e: {  	s3 =	simm.s32 @!p0 $0x1082;
	s9 =	sld [smem:$0x3FA1]  }
0x2f: {  	lr =	sadd.s32 s0, s3;
	s0 =	sld [smem:$0x3F98]  }
0x30: {  	s3 =	sld [smem:$0x3F9B]  }
0x31: {  	[smem:$0x3FA4] =	sst s10  }
0x32: {  	s10 =	sld [smem:$0x3FA2];
	_ =	sdelay $0x3  }
0x33: {  	p0 =	seq.s32 s10, $0x1;
	s10 =	sld [smem:$0x3FA4];
	_ =	sdelay $0x3  }
0x34: {  	[smem:$0x3FA4] =	sst s10  }
0x35: {  	s10 =	sld [smem:$0x3FA3];
	_ =	sdelay $0x3  }
0x36: {  	p1 =	seq.s32 s10, $0x1;
	s10 =	sld [smem:$0x3FA4];
	_ =	sdelay $0x3  }
0x37: {  	[smem:$0x3FA4] =	sst s10  }
0x38: {  	s10 =	sld [smem:$0x3FA5]  }
0x39: {  	_ = 	snop;
	(pc) =	sbr.ind lr, $3  }
0x3a: {  	_ = 	snop  }
0x3b: {  	_ = 	snop  }
0x3c: {  	p2 =	seq.s32 s10, $0x1;
	s10 =	sld [smem:$0x3FA4]  }
0x3d: {  	_ =	shalt  }
0x3e: {  	_ =	shalt  }
0x3f: {  	_ =	shalt  }
0x40: {  	_ =	shalt  }
0x41: {  	_ =	shalt  }
0x42: {  	_ =	shalt  }
0x43: {  	_ =	shalt  }
0x44: {  	_ =	shalt  }
0x45: {  	_ =	shalt  }
0x46: {  	_ =	shalt  }
0x47: {  	_ =	shalt  }
0x48: {  	_ =	shalt  }
0x49: {  	_ =	shalt  }
0x4a: {  	_ =	shalt  }
0x4b: {  	_ =	shalt  }
0x4c: {  	_ =	shalt  }
0x4d: {  	_ =	shalt  }
0x4e: {  	_ =	shalt  }
0x4f: {  	_ =	shalt  }
0x50: {  	_ =	shalt  }
0x51: {  	_ =	shalt  }
0x52: {  	_ =	shalt  }
0x53: {  	_ =	shalt  }
0x54: {  	_ =	shalt  }
0x55: {  	_ =	shalt  }
0x56: {  	_ =	shalt  }
0x57: {  	_ =	shalt  }
0x58: {  	_ =	shalt  }
0x59: {  	_ =	shalt  }
0x5a: {  	_ =	shalt  }
0x5b: {  	_ =	shalt  }
0x5c: {  	_ =	shalt  }
0x5d: {  	_ =	shalt  }
0x5e: {  	_ =	shalt  }
0x5f: {  	_ =	shalt  }
0x60: {  	_ =	shalt  }
0x61: {  	_ =	shalt  }
0x62: {  	_ =	shalt  }
0x63: {  	_ =	shalt  }
0x64: {  	_ =	shalt  }
0x65: {  	_ =	shalt  }
0x66: {  	_ =	shalt  }
0x67: {  	_ =	shalt  }
0x68: {  	_ =	shalt  }
0x69: {  	_ =	shalt  }
0x6a: {  	_ =	shalt  }
0x6b: {  	_ =	shalt  }
0x6c: {  	_ =	shalt  }
0x6d: {  	_ =	shalt  }
0x6e: {  	_ =	shalt  }
0x6f: {  	_ =	shalt  }
0x70: {  	_ =	shalt  }
0x71: {  	_ =	shalt  }
0x72: {  	_ =	shalt  }
0x73: {  	_ =	shalt  }
0x74: {  	_ =	shalt  }
0x75: {  	_ =	shalt  }
0x76: {  	_ =	shalt  }
0x77: {  	_ =	shalt  }
0x78: {  	_ =	shalt  }
0x79: {  	_ =	shalt  }
0x7a: {  	_ =	shalt  }
0x7b: {  	_ =	shalt  }
0x7c: {  	_ =	shalt  }
0x7d: {  	_ =	shalt  }
0x7e: {  	_ =	shalt  }
0x7f: {  	_ =	shalt  }
0x80: {  	_ =	shalt  }
0x81: {  	_ =	shalt  }
0x82: {  	_ =	shalt  }
0x83: {  	_ =	shalt  }
0x84: {  	_ =	shalt  }
0x85: {  	_ =	shalt  }
0x86: {  	_ =	shalt  }
0x87: {  	_ =	shalt  }
.Lfunc_end0:
.L_simem_size_0:
called_computation.1_lowered:
.L_overlay_start_0:
0x88: {  	s2 =	sld [smem:$0x3FD9]  }
0x89: {  	s3 =	sld [smem:$0x3FFE];
	_ =	sdelay $0x1  }
0x8a: {  	s1 =	srdreg.scid  }
0x8b: {  	s0 =	sand.u32 $0x1, s1  }
0x8c: {  	s14 =	sshll.u32 s0, $0xA;
	s2 =	sadd.s32 s3, s2  }
0x8d: {  	s2 =	sadd.s32 s2, s14  }
0x8e: {  	[smem:$0x3FB0] =	sst s2  }
0x8f: {  	_ = 	snop  }
0x90: {  	s2 =	sld [smem:$0x3FD0];
	_ =	sdelay $0x2  }
0x91: {  	s15 =	simm.s32 $0xA;
	s4 =	simm.s32 $0x10  }
0x92: {  	[smem:s4], [sflag:s15] =	dma.local [hbm:s2], $0x1  }
0x93: {  	_ =	swait.eq [sflag:s15], $0x1  }
0x94: {  	[sflag:s15] =	ssyncset.done $0x0  }
0x95: {  	s16 =	sld [smem:$0x10];
	[sflag:s15] =	ssyncadd.s32 $0xFFFFFFFF  }
0x96: {  	s17 =	sld [smem:$0x11];
	(tm) =	ssettm $0x1  }
0x97: {  	s18 =	sld [smem:$0x3FFB];
	_ =	sdelay $0x3  }
0x98: {  	_ =	strace s18  }
0x99: {  	s4 =	sld [smem:$0x3FFC];
	_ =	sdelay $0x3  }
0x9a: {  	_ =	strace s4  }
0x9b: {  	s4 =	sld [smem:$0x3FFD];
	_ =	sdelay $0x3  }
0x9c: {  	_ =	strace s4  }
0x9d: {  	_ =	strace $0x8FFFFFFF  }
0x9e: {  	s19 =	sld [smem:$0x3FDB];
	_ =	sdelay $0x1  }
0x9f: {  	s5 =	simm.s32 $_scs_section_size  }
0xa0: {  	s6 =	simm.s32 $_size__tile_overlayer_lowered;
	s7 =	simm.s32 $_tile_overlayer_lowered  }
0xa1: {  	s22 =	simm.s32 $0x1BFF;
	s21 =	sshll.u32 s7, $0x1;
	s4 =	sadd.s32 s5, s19  }
0xa2: {  	s8 =	simm.s32 $0x0;
	s20 =	sshll.u32 s6, $0x1;
	s6 =	sadd.s32 s21, s4  }
0xa3: {  	[timem:s8], [sflag:s22] =	dma.local [hbm:s6], s20  }
0xa4: {  	_ =	swait.ge [sflag:s22], s20  }
0xa5: {  	s5 =	ssub.s32 $0x0, s20;
	[sflag:s22] =	ssyncset.done $0x0  }
0xa6: {  	[sflag:s22] =	ssyncadd.s32 s5;
	_ =	sdelay $0x1  }
0xa7: {  	s23 =	simm.s32 $0x1B8B  }
0xa8: {  	_ =	swait.ge [sflag:s23], $0x1  }
0xa9: {  	[sflag:s23] =	ssyncset.done $0x0  }
0xaa: {  	s25 =	simm.s32 $0x1B8E;
	s24 =	sld [smem:$0x3FFE];
	[sflag:s23] =	ssyncadd.s32 $0xFFFFFFFF  }
0xab: {  	s26 =	simm.s32 $execute0_lowered;
	[smem:$0x3FD2] =	sst s25  }
0xac: {  	s6 =	sshll.u32 s26, $0x1;
	_ =	strace $0x80000049;
	[dreg:$0x1] =	wrdreg $0xFFFFFFFF  }
0xad: {  	s28 =	simm.s32 $_size_execute0_lowered;
	s4 =	sadd.s32 s4, s6;
	[dreg:$0x0] =	wrdreg $0x0  }
0xae: {  	s6 =	sshll.u32 s28, $0x1;
	[dreg:$0x2] =	wrdreg s4  }
0xaf: {  	[dreg:$0x3] =	wrdreg s6  }
0xb0: {  	[dreg:$0x4] =	wrdreg $0xC0  }
0xb1: {  	_ =	task [dreg:s8], $0x5FFFF  }
0xb2: {  	[dreg:$0x1] =	wrdreg $0xFFFFFFFF  }
0xb3: {  	[dreg:$0x0] =	wrdreg $0x60  }
0xb4: {  	[dreg:$0x2] =	wrdreg s17  }
0xb5: {  	[dreg:$0x3] =	wrdreg s24  }
0xb6: {  	[dreg:$0x4] =	wrdreg s16  }
0xb7: {  	[dreg:$0x5] =	wrdreg $0xF0000  }
0xb8: {  	[dreg:$0x6] =	wrdreg $0x140000  }
0xb9: {  	[dreg:$0x7] =	wrdreg $0x9  }
0xba: {  	_ =	task.clear_ibuf [dreg:s8], $0x8FFFF;
	_ =	strace $0x90000049  }
0xbb: {  	s29 =	simm.s32 $0x9;
	_ =	strace $0x8000004B  }
0xbc: {  	_ =	swait.ge [sflag:s29], $0x1  }
0xbd: {  	[sflag:s29] =	ssyncadd.s32 $0xFFFFFFFF  }
0xbe: {  	_ =	strace $0x9000004B  }
0xbf: {  	_ =	sfence  }
0xc0: {  	s30 =	sld [smem:$0x0];
	_ =	sdelay $0x2  }
0xc1: {  	s31 =	sshll.u32 s1, $0xD;
	s1 =	sshrl.u32 s1, $0x2  }
0xc2: {  	s3 =	sand.u32 $0x4000, s31;
	s1 =	sadd.s32 s1, s30  }
0xc3: {  	s0 =	sor.u32 s3, s0;
	s1 =	sshll.u32 s1, $0x11  }
0xc4: {  	s0 =	sor.u32 s1, s0  }
0xc5: {  	s0 =	sadd.s32 $0x8F2B, s0  }
0xc6: {  	[sflag:s0] =	ssyncadd.remote.s32 $0x1  }
0xc7: {  	_ =	sfence.sel $0xFFFF  }
0xc8: {  	[dreg:$0x0] =	wrdreg $0xFFFFFFFF;
	(pc) =	sbr.abs _section_cstart, $3  }
0xc9: {  	[dreg:$0x1] =	wrdreg $0xFFFFFFFF  }
0xca: {  	_ =	task.clear_ibuf [dreg:s8], $0x2FFFF;
	_ =	strace $0x9FFFFFFF  }
0xcb: {  	(tm) =	ssettm $0x7FFFFFFF  }
tec
execute0_lowered:
.L_overlay_start_1:
0x0: {  	(tag) =	ssettag $0x1  }
0x1: {  	s0 =	rddreg [dreg:$0x0]  }
0x2: {  	s1 =	rddreg [dreg:$0x1]  }
0x3: {  	s3 =	rddreg [dreg:$0x3]  }
0x4: {  	s4 =	rddreg [dreg:$0x4]  }
0x5: {  	s2 =	srdreg.scid;
	s11 =	stileid.u32;
	s5 =	simm.s32 $0x0  }
0x6: {  	s17 =	simm.s32 $0x1;
	s18 =	simm.s32 $0x2;
	s19 =	simm.s32 $0x3  }
0x7: {  	s20 =	simm.s32 $0x4;
	s28 =	simm.s32 $0xB000;
	s30 =	simm.s32 $0xD000  }
0x8: {  	s31 =	simm.s32 $0x5;
	s29 =	simm.s32 $0x9;
	s6 =	smul.u32 $0xA000, s11  }
0x9: {  	s2 =	sand.u32 $0x1, s2;
	[smem:$0x7FF] =	sst s5;
	s10 =	smul.u32 $0x5000, s11  }
0xa: {  	s7 =	sshll.u32 s2, $0x4;
	s8 =	smul.u32 $0xA0000, s2;
	s2 =	ssub.s32 $0x2, s2  }
0xb: {  	_ =	strace $0x8000004A;
	s7 =	sor.u32 s11, s7;
	s9 =	sshrl.u32 s2, $0x1  }
0xc: {  	s22 =	sshrl.u32 s10, $0x3;
	s23 =	sadd.s32 s10, s3;
	s25 =	sadd.s32 s6, s4  }
0xd: {  	s7 =	smul.u32 $0x500, s7;
	s8 =	sadd.s32 s6, s8;
	s2 =	ssub.s32 s2, s9  }
0xe: {  	s0 =	sadd.s32 s0, s22;
	s9 =	sshll.u32 s11, $0x6;
	s14 =	sshrl.u32 s23, $0x3  }
0xf: {  	s16 =	sshrl.u32 s25, $0x3;
	s22 =	simm.s32 $0x5000;
	s23 =	simm.s32 $0x7000  }
0x10: {  	s25 =	simm.s32 $0x9000;
	s6 =	simm.s32 $0x0;
	s8 =	sshrl.u32 s8, $0x3  }
0x11: {  	[dreg:$0x8] =	wrdreg s0;
	s24 =	sor.u32 $0x1C03, s9;
	s26 =	smax.u32 s2, $0x1  }
0x12: {  	s15 =	sor.u32 $0x1C04, s9;
	s2 =	simm.s32 $0x6;
	s0 =	simm.s32 $0xA  }
.Ltmp0:
0x13: {  	s7 =	sadd.s32 s7, s1;
	[dreg:$0x9] =	wrdreg s24;
	(pc) =	sbr.rel .LBB2_1-.Ltmp0, $4  }
0x14: {  	s1 =	sadd.s32 s8, s1;
	[dreg:$0xb] =	wrdreg s26;
	s21 =	sadd.s32 $0x18600, s7  }
0x15: {  	s26 =	simm.s32 $0x7;
	s7 =	sadd.s32 $0x22600, s7;
	[dreg:$0x6] =	wrdreg s21  }
0x16: {  	s24 =	simm.s32 $0xB;
	s1 =	sadd.s32 $0x41200, s1;
	[dreg:$0x7] =	wrdreg s7  }
0x17: {  	[dreg:$0xa] =	wrdreg s1;
	s21 =	simm.s32 $0x80;
	s1 =	simm.s32 $0x8  }
.LBB2_4:
0x18: {  	_ =	swait.ge [sflag:s2], $0x2000  }
0x19: {  	[sflag:s2] =	ssyncset.done $0x0  }
0x1a: {  	[sflag:s2] =	ssyncadd.s32 $0xFFFFE000  }
0x1b: {  	_ =	swait.ge [sflag:s26], $0x2000  }
0x1c: {  	[sflag:s26] =	ssyncset.done $0x0  }
0x1d: {  	[sflag:s26] =	ssyncadd.s32 $0xFFFFE000  }
0x1e: {  	_ =	swait.ge [sflag:s1], $0x2000  }
0x1f: {  	[sflag:s1] =	ssyncset.done $0x0  }
0x20: {  	[sflag:s1] =	ssyncadd.s32 $0xFFFFE000  }
0x21: {  	_ =	swait.ge [sflag:s29], $0x2000  }
0x22: {  	[sflag:s29] =	ssyncset.done $0x0  }
0x23: {  	[sflag:s29] =	ssyncadd.s32 $0xFFFFE000  }
0x24: {  	_ =	swait.ge [sflag:s0], $0x2000  }
0x25: {  	[sflag:s0] =	ssyncset.done $0x0  }
0x26: {  	[sflag:s0] =	ssyncadd.s32 $0xFFFFE000  }
0x27: {  	[bflag:$0x0] =	sbarrier.arrive $0xFFFF  }
0x28: {  	s7 =	sor.u32 $0x1C0B, s9;
	s8 =	rddreg [dreg:$0xa]  }
0x29: {  	[hbm:s8], [sflag:s7] =	dma.local [spmem:s16], $0x1400  }
0x2a: {  	_ =	swait.ge [sflag:s24], $0x1400  }
0x2b: {  	s6 =	sadd.s32 $0x1, s6;
	s13 =	rddreg [dreg:$0xb]  }
0x2c: {  	p0 =	sne.s32 s6, s13  }
.Ltmp1:
0x2d: {  	_ = 	snop;
	(pc) =	sbr.rel @!p0 .LBB2_5-.Ltmp1, $3  }
0x2e: {  	_ =	sdelay $0x1  }
0x2f: {  	[sflag:s24] =	ssyncset.done $0x0  }
0x30: {  	[sflag:s24] =	ssyncadd.s32 $0xFFFFEC00  }
.LBB2_1:
0x31: {  	s7 =	rddreg [dreg:$0x6]  }
0x32: {  	s11 =	rddreg [dreg:$0x7]  }
0x33: {  	s12 =	rddreg [dreg:$0x8]  }
0x34: {  	[tilespmem:s5], [sflag:$0x1] =	stream.linear.gather [hbm4b:s7+s5], $0x2800, $0x38;
	[tilespmem:$0x1E000] =	vst v63  }
0x35: {  	s10 =	simm.s32 $0x2800;
	s8 =	rddreg [dreg:$0x9]  }
0x36: {  	[tilespmem:s10], [sflag:$0x2] =	stream.linear.gather [hbm4b:s11+s5], $0x2800, $0x38;
	[tilespmem:$0x1E000] =	vst v63  }
0x37: {  	[spmem:s14], [sflag:s8] =	dma.local [hbm:s12], $0xA00  }
0x38: {  	s7 =	rddreg [dreg:$0x2]  }
0x39: {  	[spmem:s16], [sflag:s15] =	dma.local [hbm:s7], $0x1400  }
0x3a: {  	_ =	swait.ge [sflag:s17], $0x2800  }
0x3b: {  	[sflag:s17] =	ssyncset.done $0x0  }
0x3c: {  	[sflag:s17] =	ssyncadd.s32 $0xFFFFD800  }
0x3d: {  	_ =	swait.ge [sflag:s18], $0x2800  }
0x3e: {  	[sflag:s18] =	ssyncset.done $0x0  }
0x3f: {  	[sflag:s18] =	ssyncadd.s32 $0xFFFFD800  }
0x40: {  	_ =	swait.ge [sflag:s19], $0xA00  }
0x41: {  	[sflag:s19] =	ssyncset.done $0x0  }
0x42: {  	[sflag:s19] =	ssyncadd.s32 $0xFFFFF600  }
0x43: {  	_ =	swait.ge [sflag:s20], $0x1400  }
0x44: {  	[sflag:s20] =	ssyncset.done $0x0  }
0x45: {  	[sflag:s20] =	ssyncadd.s32 $0xFFFFEC00  }
0x46: {  	[bflag:$0x0] =	sbarrier.arrive $0xFFFF  }
0x47: {  	[tilespmem:s22], [sflag:$0x1] =	stream.indirect.gather [spmem:s3], $0x40, s5, s21, $0xb8;
	[tilespmem:$0x1E000] =	vst v63  }
0x48: {  	_ = 	snop  }
0x49: {  	[tilespmem:s23], [sflag:$0x2] =	stream.indirect.gather [spmem:s3], $0x40, s21, s21, $0xb8;
	[tilespmem:$0x1E000] =	vst v63  }
0x4a: {  	s13 =	simm.s32 $0x100  }
0x4b: {  	[tilespmem:s25], [sflag:$0x3] =	stream.indirect.gather [spmem:s3], $0x40, s13, s21, $0xb8;
	[tilespmem:$0x1E000] =	vst v63  }
0x4c: {  	s8 =	simm.s32 $0x180  }
0x4d: {  	[tilespmem:s28], [sflag:$0x4] =	stream.indirect.gather [spmem:s3], $0x40, s8, s21, $0xb8;
	[tilespmem:$0x1E000] =	vst v63  }
0x4e: {  	s11 =	simm.s32 $0x200  }
0x4f: {  	[tilespmem:s30], [sflag:$0x5] =	stream.indirect.gather [spmem:s3], $0x40, s11, s21, $0xb8;
	[tilespmem:$0x1E000] =	vst v63  }
0x50: {  	_ =	swait.ge [sflag:s17], $0x2000  }
0x51: {  	[sflag:s17] =	ssyncset.done $0x0  }
0x52: {  	[sflag:s17] =	ssyncadd.s32 $0xFFFFE000  }
0x53: {  	[spmem:s4] =	stream.indirect.scatter.add.f32 [tilespmem:s22], [sflag:$0x6], $0x40, s10, s21, $0xb8;
	[tilespmem:$0x1E000] =	vst v63  }
0x54: {  	_ =	swait.ge [sflag:s18], $0x2000  }
0x55: {  	[sflag:s18] =	ssyncset.done $0x0  }
0x56: {  	s12 =	simm.s32 $0x2880;
	[sflag:s18] =	ssyncadd.s32 $0xFFFFE000  }
0x57: {  	[spmem:s4] =	stream.indirect.scatter.add.f32 [tilespmem:s23], [sflag:$0x7], $0x40, s12, s21, $0xb8;
	[tilespmem:$0x1E000] =	vst v63  }
0x58: {  	_ =	swait.ge [sflag:s19], $0x2000  }
0x59: {  	[sflag:s19] =	ssyncset.done $0x0  }
0x5a: {  	s13 =	simm.s32 $0x2900;
	[sflag:s19] =	ssyncadd.s32 $0xFFFFE000  }
0x5b: {  	[spmem:s4] =	stream.indirect.scatter.add.f32 [tilespmem:s25], [sflag:$0x8], $0x40, s13, s21, $0xb8;
	[tilespmem:$0x1E000] =	vst v63  }
0x5c: {  	_ =	swait.ge [sflag:s2], $0x2000  }
0x5d: {  	[sflag:s2] =	ssyncset.done $0x0  }
0x5e: {  	s8 =	simm.s32 $0x280;
	[sflag:s2] =	ssyncadd.s32 $0xFFFFE000  }
0x5f: {  	[tilespmem:s22], [sflag:$0x1] =	stream.indirect.gather [spmem:s3], $0x40, s8, s21, $0xb8;
	[tilespmem:$0x1E000] =	vst v63  }
0x60: {  	_ =	swait.ge [sflag:s20], $0x2000  }
0x61: {  	[sflag:s20] =	ssyncset.done $0x0  }
0x62: {  	s10 =	simm.s32 $0x2980;
	[sflag:s20] =	ssyncadd.s32 $0xFFFFE000  }
0x63: {  	[spmem:s4] =	stream.indirect.scatter.add.f32 [tilespmem:s28], [sflag:$0x9], $0x40, s10, s21, $0xb8;
	[tilespmem:$0x1E000] =	vst v63  }
0x64: {  	_ =	swait.ge [sflag:s26], $0x2000  }
0x65: {  	[sflag:s26] =	ssyncset.done $0x0  }
0x66: {  	s11 =	simm.s32 $0x300;
	[sflag:s26] =	ssyncadd.s32 $0xFFFFE000  }
0x67: {  	[tilespmem:s23], [sflag:$0x2] =	stream.indirect.gather [spmem:s3], $0x40, s11, s21, $0xb8;
	[tilespmem:$0x1E000] =	vst v63  }
0x68: {  	_ =	swait.ge [sflag:s31], $0x2000  }
0x69: {  	[sflag:s31] =	ssyncset.done $0x0  }
0x6a: {  	s12 =	simm.s32 $0x2A00;
	[sflag:s31] =	ssyncadd.s32 $0xFFFFE000  }
0x6b: {  	[spmem:s4] =	stream.indirect.scatter.add.f32 [tilespmem:s30], [sflag:$0xA], $0x40, s12, s21, $0xb8;
	[tilespmem:$0x1E000] =	vst v63  }
0x6c: {  	_ =	swait.ge [sflag:s1], $0x2000  }
0x6d: {  	[sflag:s1] =	ssyncset.done $0x0  }
0x6e: {  	s7 =	simm.s32 $0x0;
	s13 =	simm.s32 $0x380;
	[sflag:s1] =	ssyncadd.s32 $0xFFFFE000  }
0x6f: {  	[tilespmem:s25], [sflag:$0x3] =	stream.indirect.gather [spmem:s3], $0x40, s13, s21, $0xb8;
	[tilespmem:$0x1E000] =	vst v63  }
.LBB2_2:
0x70: {  	_ =	swait.ge [sflag:s17], $0x2000  }
0x71: {  	s8 =	sshra.s32 s7, $0x2;
	[sflag:s17] =	ssyncset.done $0x0  }
0x72: {  	s10 =	sadd.s32 $0x2A80, s8;
	[sflag:s17] =	ssyncadd.s32 $0xFFFFE000  }
0x73: {  	[spmem:s4] =	stream.indirect.scatter.add.f32 [tilespmem:s22], [sflag:$0x6], $0x40, s10, s21, $0xb8;
	[tilespmem:$0x1E000] =	vst v63  }
0x74: {  	_ =	swait.ge [sflag:s29], $0x2000  }
0x75: {  	[sflag:s29] =	ssyncset.done $0x0  }
0x76: {  	s12 =	sadd.s32 $0x400, s8;
	[sflag:s29] =	ssyncadd.s32 $0xFFFFE000  }
0x77: {  	[tilespmem:s28], [sflag:$0x4] =	stream.indirect.gather [spmem:s3], $0x40, s12, s21, $0xb8;
	[tilespmem:$0x1E000] =	vst v63  }
0x78: {  	_ =	swait.ge [sflag:s18], $0x2000  }
0x79: {  	[sflag:s18] =	ssyncset.done $0x0  }
0x7a: {  	s13 =	sadd.s32 $0x2B00, s8;
	[sflag:s18] =	ssyncadd.s32 $0xFFFFE000  }
0x7b: {  	[spmem:s4] =	stream.indirect.scatter.add.f32 [tilespmem:s23], [sflag:$0x7], $0x40, s13, s21, $0xb8;
	[tilespmem:$0x1E000] =	vst v63  }
0x7c: {  	_ =	swait.ge [sflag:s0], $0x2000  }
0x7d: {  	[sflag:s0] =	ssyncset.done $0x0  }
0x7e: {  	s11 =	sadd.s32 $0x480, s8;
	[sflag:s0] =	ssyncadd.s32 $0xFFFFE000  }
0x7f: {  	[tilespmem:s30], [sflag:$0x5] =	stream.indirect.gather [spmem:s3], $0x40, s11, s21, $0xb8;
	[tilespmem:$0x1E000] =	vst v63  }
0x80: {  	_ =	swait.ge [sflag:s19], $0x2000  }
0x81: {  	p0 =	seq.s32 s7, $0x8C00;
	[sflag:s19] =	ssyncset.done $0x0  }
0x82: {  	s10 =	simm.s32 @p0 $0x4;
	s12 =	sadd.s32 $0x2B80, s8;
	[sflag:s19] =	ssyncadd.s32 $0xFFFFE000  }
0x83: {  	[spmem:s4] =	stream.indirect.scatter.add.f32 [tilespmem:s25], [sflag:$0x8], $0x40, s12, s21, $0xb8;
	[tilespmem:$0x1E000] =	vst v63  }
0x84: {  	_ =	swait.ge @p0 [sflag:s10], $0x2000  }
0x85: {  	s13 =	simm.s32 @p0 $0x4F00;
	[sflag:s10] =	ssyncset.done @p0 $0x0  }
0x86: {  	s11 =	simm.s32 @p0 $0xB000;
	[sflag:s10] =	ssyncadd.s32 @p0 $0xFFFFE000;
	s10 =	simm.s32 @p0 $0x80  }
0x87: {  	[spmem:s4] =	stream.indirect.scatter.add.f32 @p0 [tilespmem:s11], [sflag:$0x9], $0x40, s13, s10, $0xb8;
	[tilespmem:$0x1E000] =	vst v63  }
0x88: {  	s10 =	simm.s32 @!p0 $0x6  }
0x89: {  	_ =	swait.ge @!p0 [sflag:s10], $0x2000  }
0x8a: {  	[sflag:s10] =	ssyncset.done @!p0 $0x0  }
0x8b: {  	[sflag:s10] =	ssyncadd.s32 @!p0 $0xFFFFE000;
	s10 =	sshra.s32 @!p0 s7, $0x2  }
0x8c: {  	s12 =	simm.s32 @!p0 $0x5000;
	s13 =	simm.s32 @!p0 $0x80;
	s11 =	sadd.s32 @!p0 $0x500, s10  }
0x8d: {  	[tilespmem:s12], [sflag:$0x1] =	stream.indirect.gather @!p0 [spmem:s3], $0x40, s11, s13, $0xb8;
	[tilespmem:$0x1E000] =	vst v63  }
0x8e: {  	s11 =	simm.s32 @!p0 $0x4  }
0x8f: {  	_ =	swait.ge @!p0 [sflag:s11], $0x2000  }
0x90: {  	[sflag:s11] =	ssyncset.done @!p0 $0x0  }
0x91: {  	s12 =	simm.s32 @!p0 $0xB000;
	[sflag:s11] =	ssyncadd.s32 @!p0 $0xFFFFE000;
	s11 =	sadd.s32 @!p0 $0x2C00, s10  }
0x92: {  	[spmem:s4] =	stream.indirect.scatter.add.f32 @!p0 [tilespmem:s12], [sflag:$0x9], $0x40, s11, s13, $0xb8;
	[tilespmem:$0x1E000] =	vst v63  }
0x93: {  	s11 =	simm.s32 @!p0 $0x7  }
0x94: {  	_ =	swait.ge @!p0 [sflag:s11], $0x2000  }
0x95: {  	[sflag:s11] =	ssyncset.done @!p0 $0x0  }
0x96: {  	s10 =	sadd.s32 @!p0 $0x580, s10;
	[sflag:s11] =	ssyncadd.s32 @!p0 $0xFFFFE000;
	s11 =	simm.s32 @!p0 $0x7000  }
0x97: {  	[tilespmem:s11], [sflag:$0x2] =	stream.indirect.gather @!p0 [spmem:s3], $0x40, s10, s13, $0xb8;
	[tilespmem:$0x1E000] =	vst v63  }
.Ltmp2:
0x98: {  	_ = 	snop;
	(pc) =	sbr.rel @p0 .LBB2_4-.Ltmp2, $4  }
0x99: {  	_ =	swait.ge [sflag:s31], $0x2000  }
0x9a: {  	[sflag:s31] =	ssyncset.done $0x0  }
0x9b: {  	s13 =	sadd.s32 $0x2C80, s8;
	[sflag:s31] =	ssyncadd.s32 $0xFFFFE000  }
0x9c: {  	[spmem:s4] =	stream.indirect.scatter.add.f32 [tilespmem:s30], [sflag:$0xA], $0x40, s13, s21, $0xb8;
	[tilespmem:$0x1E000] =	vst v63  }
.Ltmp3:
0x9d: {  	(pc) =	sbr.rel .LBB2_2-.Ltmp3, $4  }
0x9e: {  	_ =	swait.ge [sflag:s1], $0x2000  }
0x9f: {  	[sflag:s1] =	ssyncset.done $0x0  }
0xa0: {  	s8 =	sadd.s32 $0x600, s8;
	s7 =	sadd.s32 $0xA00, s7;
	[sflag:s1] =	ssyncadd.s32 $0xFFFFE000  }
0xa1: {  	[tilespmem:s25], [sflag:$0x3] =	stream.indirect.gather [spmem:s3], $0x40, s8, s21, $0xb8;
	[tilespmem:$0x1E000] =	vst v63  }
.LBB2_5:
0xa2: {  	_ =	sfence.sel $0x180000  }
0xa3: {  	[bflag:$0x0] =	sbarrier.arrive $0xFFFF  }
0xa4: {  	_ =	strace $0x9000004A  }
0xa5: {  	s0 =	stileid.u32;
	[bflag:$0x2] =	sbarrier.arrive $0xFFFF  }
0xa6: {  	p0 =	sne.s32 s0, $0x0;
	s0 =	rddreg [dreg:$0x5]  }
0xa7: {  	s0 =	sadd.s32 @!p0 $0x100000, s0  }
0xa8: {  	[sflag:s0] =	ssyncadd.tile.s32 @!p0 $0x1;
	_ =	shalt  }
.Lfunc_end2:
_tile_overlayer_lowered:
.L_overlay_start_2:
0xa9: {  	(tag) =	ssettag $0x2  }
0xaa: {  	s0 =	rddreg [dreg:$0x0];
	s2 =	stileid.u32  }
0xab: {  	s1 =	rddreg [dreg:$0x1];
	p0 =	sne.s32 s2, $0x0  }
0xac: {  	s3 =	rddreg [dreg:$0x2];
	[bflag:$0x3] =	sbarrier.arrive $0xFFFF;
	s2 =	simm.s32 @!p0 $0x1C0B  }
0xad: {  	[timem:s3], [sflag:s2] =	dma.local @!p0 [hbm:s0], s1  }
0xae: {  	s0 =	simm.s32 @!p0 $0xB  }
0xaf: {  	_ =	swait.ge @!p0 [sflag:s0], s1  }
0xb0: {  	s1 =	ssub.s32 @!p0 $0x0, s1;
	[sflag:s0] =	ssyncset.done @!p0 $0x0  }
0xb1: {  	[sflag:s0] =	ssyncadd.s32 @!p0 s1  }
0xb2: {  	[bflag:$0x3] =	sbarrier.arrive $0xFFFF  }
0xb3: {  	_ =	shalt  }

// kernel: kernel.17.cloned.1.call-start
scs
__scs_entry_jumppad:
0x0: {  	(pc) =	sbr.rel $0x88, $3  }
0x1: {  	(tag) =	ssettag $0x0;
	lr =	simm.s32 $0x1  }
0x2: {  	[smem:$0x3F89] =	sst lr;
	_ =	strace $0xD0000000  }
0x3: {  	_ = 	snop  }
0x4: {  	_ = 	snop  }
0x5: {  	_ = 	snop  }
0x6: {  	_ = 	snop  }
0x7: {  	_ = 	snop  }
__scs_overlays_trampoline_lowered:
0x8: {  	[smem:$0x3F98] =	sst s0  }
0x9: {  	[smem:$0x3F99] =	sst s1  }
0xa: {  	[smem:$0x3F9A] =	sst s2  }
0xb: {  	[smem:$0x3F9B] =	sst s3  }
0xc: {  	[smem:$0x3F9C] =	sst s4  }
0xd: {  	[smem:$0x3F9D] =	sst s5  }
0xe: {  	[smem:$0x3F9E] =	sst s6  }
0xf: {  	[smem:$0x3F9F] =	sst s7  }
0x10: {  	[smem:$0x3FA0] =	sst s8  }
0x11: {  	[smem:$0x3FA1] =	sst s9;
	s0 =	simm.s32 @!p0 $0x0  }
0x12: {  	s1 =	sld [smem:$0x3F87];
	s0 =	simm.s32 @p0 $0x1  }
0x13: {  	[smem:$0x3FA2] =	sst s0;
	s0 =	simm.s32 @!p1 $0x0  }
0x14: {  	s2 =	sld [smem:$0x3F86];
	s0 =	simm.s32 @p1 $0x1  }
0x15: {  	[smem:$0x3FA3] =	sst s0;
	s0 =	simm.s32 @!p2 $0x0  }
0x16: {  	s3 =	sld [smem:$0x3FDB];
	s0 =	simm.s32 @p2 $0x1  }
0x17: {  	s4 =	simm.s32 $0x1BF5;
	[smem:$0x3FA5] =	sst s0  }
0x18: {  	s0 =	sld [smem:$0x3F88];
	_ =	swait.ge [sflag:s4], $0x0  }
0x19: {  	s7 =	sld [smem:$0x3F89]  }
0x1a: {  	s8 =	sadd.s32 $0xFFFFE003, lr  }
0x1b: {  	s9 =	sadd.s32 $0xFFFFFEF7, lr;
	s5 =	simm.s32 $0xFFFFFFFF;
	p2 =	slt.u32 s8, $0xFFFFF086  }
0x1c: {  	p1 =	slt.u32 s9, $0xF7A;
	s5 =	simm.s32 @!p2 $0x0  }
0x1d: {  	s5 =	simm.s32 @p1 $0x1;
	p0 =	seq.s32 s7, s2  }
0x1e: {  	s7 =	smul.u32 @!p0 $0xF7A, s2;
	p2 =	seq.s32 @!p0 s5, $0x0  }
0x1f: {  	s9 =	smul.u32 $0xF7A, s1;
	s8 =	simm.s32 @!p0 $0x1BF5;
	p2 =	por !p2, p0  }
0x20: {  	[sflag:s8] =	ssyncset.s32 @!p0 $0xFFFFF086;
	s6 =	sadd.s32 @!p0 s3, s7;
	s7 =	simm.s32 @!p0 $0x108  }
0x21: {  	s3 =	sadd.s32 s3, s9;
	s6 =	sadd.s32 @!p0 $0x88, s6;
	s7 =	simm.s32 @p2 $0x1082  }
0x22: {  	[simem:s7], [sflag:s8] =	dma.local @!p0 [hbm:s6], $0xF7A  }
0x23: {  	s9 =	sor.u32 $0xD0000000, s2;
	s6 =	simm.s32 $0x108;
	_ =	swait.ge @!p0 [sflag:s8], $0x0  }
0x24: {  	s3 =	sadd.s32 $0x88, s3;
	s6 =	simm.s32 @!p1 $0x1082;
	[sflag:s4] =	ssyncset.s32 $0xFFFFF086  }
0x25: {  	[simem:s6], [sflag:s4] =	dma.local [hbm:s3], $0xF7A  }
0x26: {  	[smem:$0x3F89] =	sst s1;
	(tag) =	ssettag s2;
	_ =	strace s9  }
0x27: {  	s1 =	sld [smem:$0x3F99]  }
0x28: {  	s2 =	sld [smem:$0x3F9A]  }
0x29: {  	s4 =	sld [smem:$0x3F9C]  }
0x2a: {  	p0 =	seq.s32 s5, $0x0;
	s5 =	sld [smem:$0x3F9D]  }
0x2b: {  	s6 =	sld [smem:$0x3F9E]  }
0x2c: {  	s7 =	sld [smem:$0x3F9F]  }
0x2d: {  	s3 =	simm.s32 $0x108;
	s8 =	sld [smem:$0x3FA0]  }
0x2e: {  	s3 =	simm.s32 @!p0 $0x1082;
	s9 =	sld [smem:$0x3FA1]  }
0x2f: {  	lr =	sadd.s32 s0, s3;
	s0 =	sld [smem:$0x3F98]  }
0x30: {  	s3 =	sld [smem:$0x3F9B]  }
0x31: {  	[smem:$0x3FA4] =	sst s10  }
0x32: {  	s10 =	sld [smem:$0x3FA2];
	_ =	sdelay $0x3  }
0x33: {  	p0 =	seq.s32 s10, $0x1;
	s10 =	sld [smem:$0x3FA4];
	_ =	sdelay $0x3  }
0x34: {  	[smem:$0x3FA4] =	sst s10  }
0x35: {  	s10 =	sld [smem:$0x3FA3];
	_ =	sdelay $0x3  }
0x36: {  	p1 =	seq.s32 s10, $0x1;
	s10 =	sld [smem:$0x3FA4];
	_ =	sdelay $0x3  }
0x37: {  	[smem:$0x3FA4] =	sst s10  }
0x38: {  	s10 =	sld [smem:$0x3FA5]  }
0x39: {  	_ = 	snop;
	(pc) =	sbr.ind lr, $3  }
0x3a: {  	_ = 	snop  }
0x3b: {  	_ = 	snop  }
0x3c: {  	p2 =	seq.s32 s10, $0x1;
	s10 =	sld [smem:$0x3FA4]  }
0x3d: {  	_ =	shalt  }
0x3e: {  	_ =	shalt  }
0x3f: {  	_ =	shalt  }
0x40: {  	_ =	shalt  }
0x41: {  	_ =	shalt  }
0x42: {  	_ =	shalt  }
0x43: {  	_ =	shalt  }
0x44: {  	_ =	shalt  }
0x45: {  	_ =	shalt  }
0x46: {  	_ =	shalt  }
0x47: {  	_ =	shalt  }
0x48: {  	_ =	shalt  }
0x49: {  	_ =	shalt  }
0x4a: {  	_ =	shalt  }
0x4b: {  	_ =	shalt  }
0x4c: {  	_ =	shalt  }
0x4d: {  	_ =	shalt  }
0x4e: {  	_ =	shalt  }
0x4f: {  	_ =	shalt  }
0x50: {  	_ =	shalt  }
0x51: {  	_ =	shalt  }
0x52: {  	_ =	shalt  }
0x53: {  	_ =	shalt  }
0x54: {  	_ =	shalt  }
0x55: {  	_ =	shalt  }
0x56: {  	_ =	shalt  }
0x57: {  	_ =	shalt  }
0x58: {  	_ =	shalt  }
0x59: {  	_ =	shalt  }
0x5a: {  	_ =	shalt  }
0x5b: {  	_ =	shalt  }
0x5c: {  	_ =	shalt  }
0x5d: {  	_ =	shalt  }
0x5e: {  	_ =	shalt  }
0x5f: {  	_ =	shalt  }
0x60: {  	_ =	shalt  }
0x61: {  	_ =	shalt  }
0x62: {  	_ =	shalt  }
0x63: {  	_ =	shalt  }
0x64: {  	_ =	shalt  }
0x65: {  	_ =	shalt  }
0x66: {  	_ =	shalt  }
0x67: {  	_ =	shalt  }
0x68: {  	_ =	shalt  }
0x69: {  	_ =	shalt  }
0x6a: {  	_ =	shalt  }
0x6b: {  	_ =	shalt  }
0x6c: {  	_ =	shalt  }
0x6d: {  	_ =	shalt  }
0x6e: {  	_ =	shalt  }
0x6f: {  	_ =	shalt  }
0x70: {  	_ =	shalt  }
0x71: {  	_ =	shalt  }
0x72: {  	_ =	shalt  }
0x73: {  	_ =	shalt  }
0x74: {  	_ =	shalt  }
0x75: {  	_ =	shalt  }
0x76: {  	_ =	shalt  }
0x77: {  	_ =	shalt  }
0x78: {  	_ =	shalt  }
0x79: {  	_ =	shalt  }
0x7a: {  	_ =	shalt  }
0x7b: {  	_ =	shalt  }
0x7c: {  	_ =	shalt  }
0x7d: {  	_ =	shalt  }
0x7e: {  	_ =	shalt  }
0x7f: {  	_ =	shalt  }
0x80: {  	_ =	shalt  }
0x81: {  	_ =	shalt  }
0x82: {  	_ =	shalt  }
0x83: {  	_ =	shalt  }
0x84: {  	_ =	shalt  }
0x85: {  	_ =	shalt  }
0x86: {  	_ =	shalt  }
0x87: {  	_ =	shalt  }
.Lfunc_end0:
.L_simem_size_0:
called_computation.2_lowered:
.L_overlay_start_0:
0x88: {  	s2 =	sld [smem:$0x3FD9]  }
0x89: {  	s3 =	sld [smem:$0x3FFE];
	_ =	sdelay $0x1  }
0x8a: {  	s1 =	srdreg.scid  }
0x8b: {  	s0 =	sand.u32 $0x1, s1  }
0x8c: {  	s14 =	sshll.u32 s0, $0xA;
	s2 =	sadd.s32 s3, s2  }
0x8d: {  	s2 =	sadd.s32 s2, s14  }
0x8e: {  	[smem:$0x3FB0] =	sst s2  }
0x8f: {  	_ = 	snop  }
0x90: {  	s2 =	sld [smem:$0x3FD0];
	_ =	sdelay $0x2  }
0x91: {  	s15 =	simm.s32 $0xA;
	s4 =	simm.s32 $0x10  }
0x92: {  	[smem:s4], [sflag:s15] =	dma.local [hbm:s2], $0x1  }
0x93: {  	_ =	swait.eq [sflag:s15], $0x1  }
0x94: {  	[sflag:s15] =	ssyncset.done $0x0  }
0x95: {  	[sflag:s15] =	ssyncadd.s32 $0xFFFFFFFF  }
0x96: {  	s16 =	sld [smem:$0x10];
	(tm) =	ssettm $0x1  }
0x97: {  	s17 =	sld [smem:$0x3FFB];
	_ =	sdelay $0x3  }
0x98: {  	_ =	strace s17  }
0x99: {  	s3 =	sld [smem:$0x3FFC];
	_ =	sdelay $0x3  }
0x9a: {  	_ =	strace s3  }
0x9b: {  	s3 =	sld [smem:$0x3FFD];
	_ =	sdelay $0x3  }
0x9c: {  	_ =	strace s3  }
0x9d: {  	_ =	strace $0x8FFFFFFF  }
0x9e: {  	s18 =	sld [smem:$0x3FDB];
	_ =	sdelay $0x1  }
0x9f: {  	s19 =	simm.s32 $_scs_section_size  }
0xa0: {  	s5 =	simm.s32 $_size__tile_overlayer_lowered;
	s6 =	simm.s32 $_tile_overlayer_lowered  }
0xa1: {  	s22 =	simm.s32 $0x1BFF;
	s21 =	sshll.u32 s6, $0x1;
	s3 =	sadd.s32 s19, s18  }
0xa2: {  	s7 =	simm.s32 $0x0;
	s20 =	sshll.u32 s5, $0x1;
	s5 =	sadd.s32 s21, s3  }
0xa3: {  	[timem:s7], [sflag:s22] =	dma.local [hbm:s5], s20  }
0xa4: {  	_ =	swait.ge [sflag:s22], s20  }
0xa5: {  	s4 =	ssub.s32 $0x0, s20;
	[sflag:s22] =	ssyncset.done $0x0  }
0xa6: {  	[sflag:s22] =	ssyncadd.s32 s4;
	_ =	sdelay $0x1  }
0xa7: {  	s23 =	simm.s32 $0x1B8B  }
0xa8: {  	_ =	swait.ge [sflag:s23], $0x1  }
0xa9: {  	[sflag:s23] =	ssyncset.done $0x0  }
0xaa: {  	s25 =	simm.s32 $0x1B8E;
	s24 =	sld [smem:$0x3FFE];
	[sflag:s23] =	ssyncadd.s32 $0xFFFFFFFF  }
0xab: {  	s26 =	simm.s32 $execute0_lowered;
	[smem:$0x3FD2] =	sst s25  }
0xac: {  	s5 =	sshll.u32 s26, $0x1;
	_ =	strace $0x8000004C;
	[dreg:$0x1] =	wrdreg $0xFFFFFFFF  }
0xad: {  	s28 =	simm.s32 $_size_execute0_lowered;
	s3 =	sadd.s32 s3, s5;
	[dreg:$0x0] =	wrdreg $0x0  }
0xae: {  	s5 =	sshll.u32 s28, $0x1;
	[dreg:$0x2] =	wrdreg s3  }
0xaf: {  	[dreg:$0x3] =	wrdreg s5  }
0xb0: {  	[dreg:$0x4] =	wrdreg $0xC0  }
0xb1: {  	_ =	task [dreg:s7], $0x5FFFF  }
0xb2: {  	[dreg:$0x1] =	wrdreg $0xFFFFFFFF  }
0xb3: {  	[dreg:$0x0] =	wrdreg $0x60  }
0xb4: {  	[dreg:$0x2] =	wrdreg s24  }
0xb5: {  	[dreg:$0x3] =	wrdreg s16  }
0xb6: {  	[dreg:$0x4] =	wrdreg $0xF0000  }
0xb7: {  	[dreg:$0x5] =	wrdreg $0x190000  }
0xb8: {  	[dreg:$0x6] =	wrdreg $0x9  }
0xb9: {  	_ =	task.clear_ibuf [dreg:s7], $0x7FFFF;
	_ =	strace $0x9000004C  }
0xba: {  	s29 =	simm.s32 $0x9;
	_ =	strace $0x8000004E  }
0xbb: {  	_ =	swait.ge [sflag:s29], $0x1  }
0xbc: {  	[sflag:s29] =	ssyncadd.s32 $0xFFFFFFFF  }
0xbd: {  	_ =	strace $0x9000004E  }
0xbe: {  	_ =	sfence  }
0xbf: {  	s30 =	sld [smem:$0x0];
	_ =	sdelay $0x2  }
0xc0: {  	s31 =	sshll.u32 s1, $0xD;
	s1 =	sshrl.u32 s1, $0x2  }
0xc1: {  	s3 =	sand.u32 $0x4000, s31;
	s1 =	sadd.s32 s1, s30  }
0xc2: {  	s0 =	sor.u32 s3, s0;
	s1 =	sshll.u32 s1, $0x11  }
0xc3: {  	s0 =	sor.u32 s1, s0  }
0xc4: {  	s0 =	sadd.s32 $0x8F2B, s0  }
0xc5: {  	[sflag:s0] =	ssyncadd.remote.s32 $0x1  }
0xc6: {  	_ =	sfence.sel $0xFFFF  }
0xc7: {  	[dreg:$0x0] =	wrdreg $0xFFFFFFFF;
	(pc) =	sbr.abs _section_cstart, $3  }
0xc8: {  	[dreg:$0x1] =	wrdreg $0xFFFFFFFF  }
0xc9: {  	_ =	task.clear_ibuf [dreg:s7], $0x2FFFF;
	_ =	strace $0x9FFFFFFF  }
0xca: {  	(tm) =	ssettm $0x7FFFFFFF  }
0xcb: {  	_ =	shalt  }
tec
execute0_lowered:
.L_overlay_start_1:
0x0: {  	(tag) =	ssettag $0x1  }
0x1: {  	s0 =	rddreg [dreg:$0x0]  }
0x2: {  	s3 =	rddreg [dreg:$0x2]  }
0x3: {  	s4 =	rddreg [dreg:$0x3];
	s10 =	stileid.u32  }
0x4: {  	s2 =	srdreg.scid;
	s5 =	simm.s32 $0x0;
	s17 =	simm.s32 $0x1  }
0x5: {  	s18 =	simm.s32 $0x2;
	s19 =	simm.s32 $0x3;
	s20 =	simm.s32 $0x4  }
0x6: {  	s21 =	simm.s32 $0x80;
	s28 =	simm.s32 $0xB000;
	s30 =	simm.s32 $0xD000  }
0x7: {  	s31 =	simm.s32 $0x5;
	s29 =	simm.s32 $0x9;
	s1 =	smul.u32 $0xA000, s10  }
0x8: {  	s2 =	sand.u32 $0x1, s2;
	s6 =	smul.u32 $0x5000, s10;
	[smem:$0x7FF] =	sst s5  }
0x9: {  	s7 =	sshll.u32 s2, $0x4;
	s8 =	smul.u32 $0x50000, s2;
	_ =	strace $0x8000004D  }
0xa: {  	s2 =	ssub.s32 $0x2, s2;
	s7 =	sor.u32 s10, s7;
	s9 =	sshrl.u32 s1, $0x3  }
0xb: {  	s22 =	sshrl.u32 s2, $0x1;
	s1 =	sadd.s32 s1, s3;
	s7 =	smul.u32 $0x500, s7  }
0xc: {  	s8 =	sadd.s32 s6, s8;
	s9 =	sadd.s32 s9, s0;
	s2 =	ssub.s32 s2, s22  }
0xd: {  	s6 =	sadd.s32 s6, s4;
	s14 =	sshrl.u32 s1, $0x3;
	s22 =	simm.s32 $0x5000  }
0xe: {  	s1 =	simm.s32 $0x6;
	s8 =	sshrl.u32 s8, $0x3;
	s24 =	sadd.s32 $0x4600, s9  }
0xf: {  	s9 =	sshll.u32 s10, $0x6;
	s26 =	smax.u32 s2, $0x1;
	s16 =	sshrl.u32 s6, $0x3  }
0x10: {  	s2 =	simm.s32 $0x8;
	s6 =	simm.s32 $0x0;
	s7 =	sadd.s32 s7, s0  }
0x11: {  	s0 =	sadd.s32 s8, s0;
	[dreg:$0x7] =	wrdreg s24;
	s25 =	sor.u32 $0x1C03, s9  }
.Ltmp0:
0x12: {  	[dreg:$0xa] =	wrdreg s26;
	s15 =	sor.u32 $0x1C04, s9;
	(pc) =	sbr.rel .LBB2_1-.Ltmp0, $4  }
0x13: {  	s26 =	simm.s32 $0x7;
	s23 =	sadd.s32 $0x22600, s7;
	[dreg:$0x8] =	wrdreg s25  }
0x14: {  	s24 =	simm.s32 $0xB;
	s7 =	sadd.s32 $0x18600, s7;
	[dreg:$0x5] =	wrdreg s23  }
0x15: {  	s0 =	sadd.s32 $0x2C600, s0;
	s25 =	simm.s32 $0x9000;
	[dreg:$0x6] =	wrdreg s7  }
0x16: {  	[dreg:$0x9] =	wrdreg s0;
	s23 =	simm.s32 $0x7000;
	s0 =	simm.s32 $0xA  }
.LBB2_4:
0x17: {  	_ =	swait.ge [sflag:s1], $0x2000  }
0x18: {  	[sflag:s1] =	ssyncset.done $0x0  }
0x19: {  	[sflag:s1] =	ssyncadd.s32 $0xFFFFE000  }
0x1a: {  	_ =	swait.ge [sflag:s26], $0x2000  }
0x1b: {  	[sflag:s26] =	ssyncset.done $0x0  }
0x1c: {  	[sflag:s26] =	ssyncadd.s32 $0xFFFFE000  }
0x1d: {  	_ =	swait.ge [sflag:s2], $0x2000  }
0x1e: {  	[sflag:s2] =	ssyncset.done $0x0  }
0x1f: {  	[sflag:s2] =	ssyncadd.s32 $0xFFFFE000  }
0x20: {  	_ =	swait.ge [sflag:s29], $0x2000  }
0x21: {  	[sflag:s29] =	ssyncset.done $0x0  }
0x22: {  	[sflag:s29] =	ssyncadd.s32 $0xFFFFE000  }
0x23: {  	_ =	swait.ge [sflag:s0], $0x2000  }
0x24: {  	[sflag:s0] =	ssyncset.done $0x0  }
0x25: {  	[sflag:s0] =	ssyncadd.s32 $0xFFFFE000  }
0x26: {  	[bflag:$0x0] =	sbarrier.arrive $0xFFFF  }
0x27: {  	s7 =	sor.u32 $0x1C0B, s9;
	s8 =	rddreg [dreg:$0x9]  }
0x28: {  	[hbm:s8], [sflag:s7] =	dma.local [spmem:s16], $0xA00  }
0x29: {  	_ =	swait.ge [sflag:s24], $0xA00  }
0x2a: {  	s6 =	sadd.s32 $0x1, s6;
	s13 =	rddreg [dreg:$0xa]  }
0x2b: {  	p0 =	sne.s32 s6, s13  }
.Ltmp1:
0x2c: {  	_ = 	snop;
	(pc) =	sbr.rel @!p0 .LBB2_5-.Ltmp1, $3  }
0x2d: {  	_ =	sdelay $0x1  }
0x2e: {  	[sflag:s24] =	ssyncset.done $0x0  }
0x2f: {  	[sflag:s24] =	ssyncadd.s32 $0xFFFFF600  }
.LBB2_1:
0x30: {  	s7 =	rddreg [dreg:$0x5]  }
0x31: {  	s11 =	rddreg [dreg:$0x6]  }
0x32: {  	s12 =	rddreg [dreg:$0x7]  }
0x33: {  	[tilespmem:s5], [sflag:$0x1] =	stream.linear.gather [hbm4b:s7+s5], $0x2800, $0x38;
	[tilespmem:$0x1E000] =	vst v63  }
0x34: {  	s10 =	simm.s32 $0x2800;
	s8 =	rddreg [dreg:$0x8]  }
0x35: {  	[tilespmem:s10], [sflag:$0x2] =	stream.linear.gather [hbm4b:s11+s5], $0x2800, $0x38;
	[tilespmem:$0x1E000] =	vst v63  }
0x36: {  	[spmem:s14], [sflag:s8] =	dma.local [hbm:s12], $0x1400  }
0x37: {  	s7 =	rddreg [dreg:$0x1]  }
0x38: {  	[spmem:s16], [sflag:s15] =	dma.local [hbm:s7], $0xA00  }
0x39: {  	_ =	swait.ge [sflag:s17], $0x2800  }
0x3a: {  	[sflag:s17] =	ssyncset.done $0x0  }
0x3b: {  	[sflag:s17] =	ssyncadd.s32 $0xFFFFD800  }
0x3c: {  	_ =	swait.ge [sflag:s18], $0x2800  }
0x3d: {  	[sflag:s18] =	ssyncset.done $0x0  }
0x3e: {  	[sflag:s18] =	ssyncadd.s32 $0xFFFFD800  }
0x3f: {  	_ =	swait.ge [sflag:s19], $0x1400  }
0x40: {  	[sflag:s19] =	ssyncset.done $0x0  }
0x41: {  	[sflag:s19] =	ssyncadd.s32 $0xFFFFEC00  }
0x42: {  	_ =	swait.ge [sflag:s20], $0xA00  }
0x43: {  	[sflag:s20] =	ssyncset.done $0x0  }
0x44: {  	[sflag:s20] =	ssyncadd.s32 $0xFFFFF600  }
0x45: {  	[bflag:$0x0] =	sbarrier.arrive $0xFFFF  }
0x46: {  	[tilespmem:s22], [sflag:$0x1] =	stream.indirect.gather [spmem:s3], $0x40, s5, s21, $0xb8;
	[tilespmem:$0x1E000] =	vst v63  }
0x47: {  	_ = 	snop  }
0x48: {  	[tilespmem:s23], [sflag:$0x2] =	stream.indirect.gather [spmem:s3], $0x40, s21, s21, $0xb8;
	[tilespmem:$0x1E000] =	vst v63  }
0x49: {  	s13 =	simm.s32 $0x100  }
0x4a: {  	[tilespmem:s25], [sflag:$0x3] =	stream.indirect.gather [spmem:s3], $0x40, s13, s21, $0xb8;
	[tilespmem:$0x1E000] =	vst v63  }
0x4b: {  	s8 =	simm.s32 $0x180  }
0x4c: {  	[tilespmem:s28], [sflag:$0x4] =	stream.indirect.gather [spmem:s3], $0x40, s8, s21, $0xb8;
	[tilespmem:$0x1E000] =	vst v63  }
0x4d: {  	s11 =	simm.s32 $0x200  }
0x4e: {  	[tilespmem:s30], [sflag:$0x5] =	stream.indirect.gather [spmem:s3], $0x40, s11, s21, $0xb8;
	[tilespmem:$0x1E000] =	vst v63  }
0x4f: {  	_ =	swait.ge [sflag:s17], $0x2000  }
0x50: {  	[sflag:s17] =	ssyncset.done $0x0  }
0x51: {  	[sflag:s17] =	ssyncadd.s32 $0xFFFFE000  }
0x52: {  	[spmem:s4] =	stream.indirect.scatter.add.f32 [tilespmem:s22], [sflag:$0x6], $0x40, s10, s21, $0xb8;
	[tilespmem:$0x1E000] =	vst v63  }
0x53: {  	_ =	swait.ge [sflag:s18], $0x2000  }
0x54: {  	[sflag:s18] =	ssyncset.done $0x0  }
0x55: {  	s12 =	simm.s32 $0x2880;
	[sflag:s18] =	ssyncadd.s32 $0xFFFFE000  }
0x56: {  	[spmem:s4] =	stream.indirect.scatter.add.f32 [tilespmem:s23], [sflag:$0x7], $0x40, s12, s21, $0xb8;
	[tilespmem:$0x1E000] =	vst v63  }
0x57: {  	_ =	swait.ge [sflag:s19], $0x2000  }
0x58: {  	[sflag:s19] =	ssyncset.done $0x0  }
0x59: {  	s13 =	simm.s32 $0x2900;
	[sflag:s19] =	ssyncadd.s32 $0xFFFFE000  }
0x5a: {  	[spmem:s4] =	stream.indirect.scatter.add.f32 [tilespmem:s25], [sflag:$0x8], $0x40, s13, s21, $0xb8;
	[tilespmem:$0x1E000] =	vst v63  }
0x5b: {  	_ =	swait.ge [sflag:s1], $0x2000  }
0x5c: {  	[sflag:s1] =	ssyncset.done $0x0  }
0x5d: {  	s8 =	simm.s32 $0x280;
	[sflag:s1] =	ssyncadd.s32 $0xFFFFE000  }
0x5e: {  	[tilespmem:s22], [sflag:$0x1] =	stream.indirect.gather [spmem:s3], $0x40, s8, s21, $0xb8;
	[tilespmem:$0x1E000] =	vst v63  }
0x5f: {  	_ =	swait.ge [sflag:s20], $0x2000  }
0x60: {  	[sflag:s20] =	ssyncset.done $0x0  }
0x61: {  	s10 =	simm.s32 $0x2980;
	[sflag:s20] =	ssyncadd.s32 $0xFFFFE000  }
0x62: {  	[spmem:s4] =	stream.indirect.scatter.add.f32 [tilespmem:s28], [sflag:$0x9], $0x40, s10, s21, $0xb8;
	[tilespmem:$0x1E000] =	vst v63  }
0x63: {  	_ =	swait.ge [sflag:s26], $0x2000  }
0x64: {  	[sflag:s26] =	ssyncset.done $0x0  }
0x65: {  	s11 =	simm.s32 $0x300;
	[sflag:s26] =	ssyncadd.s32 $0xFFFFE000  }
0x66: {  	[tilespmem:s23], [sflag:$0x2] =	stream.indirect.gather [spmem:s3], $0x40, s11, s21, $0xb8;
	[tilespmem:$0x1E000] =	vst v63  }
0x67: {  	_ =	swait.ge [sflag:s31], $0x2000  }
0x68: {  	[sflag:s31] =	ssyncset.done $0x0  }
0x69: {  	s12 =	simm.s32 $0x2A00;
	[sflag:s31] =	ssyncadd.s32 $0xFFFFE000  }
0x6a: {  	[spmem:s4] =	stream.indirect.scatter.add.f32 [tilespmem:s30], [sflag:$0xA], $0x40, s12, s21, $0xb8;
	[tilespmem:$0x1E000] =	vst v63  }
0x6b: {  	_ =	swait.ge [sflag:s2], $0x2000  }
0x6c: {  	[sflag:s2] =	ssyncset.done $0x0  }
0x6d: {  	s7 =	simm.s32 $0x0;
	s13 =	simm.s32 $0x380;
	[sflag:s2] =	ssyncadd.s32 $0xFFFFE000  }
0x6e: {  	[tilespmem:s25], [sflag:$0x3] =	stream.indirect.gather [spmem:s3], $0x40, s13, s21, $0xb8;
	[tilespmem:$0x1E000] =	vst v63  }
.LBB2_2:
0x6f: {  	_ =	swait.ge [sflag:s17], $0x2000  }
0x70: {  	s8 =	sshra.s32 s7, $0x2;
	[sflag:s17] =	ssyncset.done $0x0  }
0x71: {  	s10 =	sadd.s32 $0x2A80, s8;
	[sflag:s17] =	ssyncadd.s32 $0xFFFFE000  }
0x72: {  	[spmem:s4] =	stream.indirect.scatter.add.f32 [tilespmem:s22], [sflag:$0x6], $0x40, s10, s21, $0xb8;
	[tilespmem:$0x1E000] =	vst v63  }
0x73: {  	_ =	swait.ge [sflag:s29], $0x2000  }
0x74: {  	[sflag:s29] =	ssyncset.done $0x0  }
0x75: {  	s12 =	sadd.s32 $0x400, s8;
	[sflag:s29] =	ssyncadd.s32 $0xFFFFE000  }
0x76: {  	[tilespmem:s28], [sflag:$0x4] =	stream.indirect.gather [spmem:s3], $0x40, s12, s21, $0xb8;
	[tilespmem:$0x1E000] =	vst v63  }
0x77: {  	_ =	swait.ge [sflag:s18], $0x2000  }
0x78: {  	[sflag:s18] =	ssyncset.done $0x0  }
0x79: {  	s13 =	sadd.s32 $0x2B00, s8;
	[sflag:s18] =	ssyncadd.s32 $0xFFFFE000  }
0x7a: {  	[spmem:s4] =	stream.indirect.scatter.add.f32 [tilespmem:s23], [sflag:$0x7], $0x40, s13, s21, $0xb8;
	[tilespmem:$0x1E000] =	vst v63  }
0x7b: {  	_ =	swait.ge [sflag:s0], $0x2000  }
0x7c: {  	[sflag:s0] =	ssyncset.done $0x0  }
0x7d: {  	s11 =	sadd.s32 $0x480, s8;
	[sflag:s0] =	ssyncadd.s32 $0xFFFFE000  }
0x7e: {  	[tilespmem:s30], [sflag:$0x5] =	stream.indirect.gather [spmem:s3], $0x40, s11, s21, $0xb8;
	[tilespmem:$0x1E000] =	vst v63  }
0x7f: {  	_ =	swait.ge [sflag:s19], $0x2000  }
0x80: {  	p0 =	seq.s32 s7, $0x8C00;
	[sflag:s19] =	ssyncset.done $0x0  }
0x81: {  	s10 =	simm.s32 @p0 $0x4;
	s12 =	sadd.s32 $0x2B80, s8;
	[sflag:s19] =	ssyncadd.s32 $0xFFFFE000  }
0x82: {  	[spmem:s4] =	stream.indirect.scatter.add.f32 [tilespmem:s25], [sflag:$0x8], $0x40, s12, s21, $0xb8;
	[tilespmem:$0x1E000] =	vst v63  }
0x83: {  	_ =	swait.ge @p0 [sflag:s10], $0x2000  }
0x84: {  	s13 =	simm.s32 @p0 $0x4F00;
	[sflag:s10] =	ssyncset.done @p0 $0x0  }
0x85: {  	s11 =	simm.s32 @p0 $0xB000;
	[sflag:s10] =	ssyncadd.s32 @p0 $0xFFFFE000;
	s10 =	simm.s32 @p0 $0x80  }
0x86: {  	[spmem:s4] =	stream.indirect.scatter.add.f32 @p0 [tilespmem:s11], [sflag:$0x9], $0x40, s13, s10, $0xb8;
	[tilespmem:$0x1E000] =	vst v63  }
0x87: {  	s10 =	simm.s32 @!p0 $0x6  }
0x88: {  	_ =	swait.ge @!p0 [sflag:s10], $0x2000  }
0x89: {  	[sflag:s10] =	ssyncset.done @!p0 $0x0  }
0x8a: {  	[sflag:s10] =	ssyncadd.s32 @!p0 $0xFFFFE000;
	s10 =	sshra.s32 @!p0 s7, $0x2  }
0x8b: {  	s12 =	simm.s32 @!p0 $0x5000;
	s13 =	simm.s32 @!p0 $0x80;
	s11 =	sadd.s32 @!p0 $0x500, s10  }
0x8c: {  	[tilespmem:s12], [sflag:$0x1] =	stream.indirect.gather @!p0 [spmem:s3], $0x40, s11, s13, $0xb8;
	[tilespmem:$0x1E000] =	vst v63  }
0x8d: {  	s11 =	simm.s32 @!p0 $0x4  }
0x8e: {  	_ =	swait.ge @!p0 [sflag:s11], $0x2000  }
0x8f: {  	[sflag:s11] =	ssyncset.done @!p0 $0x0  }
0x90: {  	s12 =	simm.s32 @!p0 $0xB000;
	[sflag:s11] =	ssyncadd.s32 @!p0 $0xFFFFE000;
	s11 =	sadd.s32 @!p0 $0x2C00, s10  }
0x91: {  	[spmem:s4] =	stream.indirect.scatter.add.f32 @!p0 [tilespmem:s12], [sflag:$0x9], $0x40, s11, s13, $0xb8;
	[tilespmem:$0x1E000] =	vst v63  }
0x92: {  	s11 =	simm.s32 @!p0 $0x7  }
0x93: {  	_ =	swait.ge @!p0 [sflag:s11], $0x2000  }
0x94: {  	[sflag:s11] =	ssyncset.done @!p0 $0x0  }
0x95: {  	s10 =	sadd.s32 @!p0 $0x580, s10;
	[sflag:s11] =	ssyncadd.s32 @!p0 $0xFFFFE000;
	s11 =	simm.s32 @!p0 $0x7000  }
0x96: {  	[tilespmem:s11], [sflag:$0x2] =	stream.indirect.gather @!p0 [spmem:s3], $0x40, s10, s13, $0xb8;
	[tilespmem:$0x1E000] =	vst v63  }
.Ltmp2:
0x97: {  	_ = 	snop;
	(pc) =	sbr.rel @p0 .LBB2_4-.Ltmp2, $4  }
0x98: {  	_ =	swait.ge [sflag:s31], $0x2000  }
0x99: {  	[sflag:s31] =	ssyncset.done $0x0  }
0x9a: {  	s13 =	sadd.s32 $0x2C80, s8;
	[sflag:s31] =	ssyncadd.s32 $0xFFFFE000  }
0x9b: {  	[spmem:s4] =	stream.indirect.scatter.add.f32 [tilespmem:s30], [sflag:$0xA], $0x40, s13, s21, $0xb8;
	[tilespmem:$0x1E000] =	vst v63  }
.Ltmp3:
0x9c: {  	(pc) =	sbr.rel .LBB2_2-.Ltmp3, $4  }
0x9d: {  	_ =	swait.ge [sflag:s2], $0x2000  }
0x9e: {  	[sflag:s2] =	ssyncset.done $0x0  }
0x9f: {  	s8 =	sadd.s32 $0x600, s8;
	s7 =	sadd.s32 $0xA00, s7;
	[sflag:s2] =	ssyncadd.s32 $0xFFFFE000  }
0xa0: {  	[tilespmem:s25], [sflag:$0x3] =	stream.indirect.gather [spmem:s3], $0x40, s8, s21, $0xb8;
	[tilespmem:$0x1E000] =	vst v63  }
.LBB2_5:
0xa1: {  	_ =	sfence.sel $0x180000  }
0xa2: {  	[bflag:$0x0] =	sbarrier.arrive $0xFFFF  }
0xa3: {  	_ =	strace $0x9000004D  }
0xa4: {  	s0 =	stileid.u32;
	[bflag:$0x2] =	sbarrier.arrive $0xFFFF  }
0xa5: {  	p0 =	sne.s32 s0, $0x0;
	s0 =	rddreg [dreg:$0x4]  }
0xa6: {  	s0 =	sadd.s32 @!p0 $0x100000, s0  }
0xa7: {  	[sflag:s0] =	ssyncadd.tile.s32 @!p0 $0x1;
	_ =	shalt  }
.Lfunc_end2:
_tile_overlayer_lowered:
.L_overlay_start_2:
0xa8: {  	(tag) =	ssettag $0x2  }
0xa9: {  	s0 =	rddreg [dreg:$0x0];
	s2 =	stileid.u32  }
0xaa: {  	s1 =	rddreg [dreg:$0x1];
	p0 =	sne.s32 s2, $0x0  }
0xab: {  	s3 =	rddreg [dreg:$0x2];
	[bflag:$0x3] =	sbarrier.arrive $0xFFFF;
	s2 =	simm.s32 @!p0 $0x1C0B  }
0xac: {  	[timem:s3], [sflag:s2] =	dma.local @!p0 [hbm:s0], s1  }
0xad: {  	s0 =	simm.s32 @!p0 $0xB  }
0xae: {  	_ =	swait.ge @!p0 [sflag:s0], s1  }
0xaf: {  	s1 =	ssub.s32 @!p0 $0x0, s1;
	[sflag:s0] =	ssyncset.done @!p0 $0x0  }
0xb0: {  	[sflag:s0] =	ssyncadd.s32 @!p0 s1  }
0xb1: {  	[bflag:$0x3] =	sbarrier.arrive $0xFFFF  }
0xb2: {  	_ =	shalt  }

// kernel: kernel.20.cloned.1.call-start
scs
__scs_entry_jumppad:
0x0: {  	(pc) =	sbr.rel $0x88, $3  }
0x1: {  	(tag) =	ssettag $0x0;
	lr =	simm.s32 $0x1  }
0x2: {  	[smem:$0x3F89] =	sst lr;
	_ =	strace $0xD0000000  }
0x3: {  	_ = 	snop  }
0x4: {  	_ = 	snop  }
0x5: {  	_ = 	snop  }
0x6: {  	_ = 	snop  }
0x7: {  	_ = 	snop  }
__scs_overlays_trampoline_lowered:
0x8: {  	[smem:$0x3F98] =	sst s0  }
0x9: {  	[smem:$0x3F99] =	sst s1  }
0xa: {  	[smem:$0x3F9A] =	sst s2  }
0xb: {  	[smem:$0x3F9B] =	sst s3  }
0xc: {  	[smem:$0x3F9C] =	sst s4  }
0xd: {  	[smem:$0x3F9D] =	sst s5  }
0xe: {  	[smem:$0x3F9E] =	sst s6  }
0xf: {  	[smem:$0x3F9F] =	sst s7  }
0x10: {  	[smem:$0x3FA0] =	sst s8  }
0x11: {  	[smem:$0x3FA1] =	sst s9;
	s0 =	simm.s32 @!p0 $0x0  }
0x12: {  	s1 =	sld [smem:$0x3F87];
	s0 =	simm.s32 @p0 $0x1  }
0x13: {  	[smem:$0x3FA2] =	sst s0;
	s0 =	simm.s32 @!p1 $0x0  }
0x14: {  	s2 =	sld [smem:$0x3F86];
	s0 =	simm.s32 @p1 $0x1  }
0x15: {  	[smem:$0x3FA3] =	sst s0;
	s0 =	simm.s32 @!p2 $0x0  }
0x16: {  	s3 =	sld [smem:$0x3FDB];
	s0 =	simm.s32 @p2 $0x1  }
0x17: {  	s4 =	simm.s32 $0x1BF5;
	[smem:$0x3FA5] =	sst s0  }
0x18: {  	s0 =	sld [smem:$0x3F88];
	_ =	swait.ge [sflag:s4], $0x0  }
0x19: {  	s7 =	sld [smem:$0x3F89]  }
0x1a: {  	s8 =	sadd.s32 $0xFFFFE003, lr  }
0x1b: {  	s9 =	sadd.s32 $0xFFFFFEF7, lr;
	s5 =	simm.s32 $0xFFFFFFFF;
	p2 =	slt.u32 s8, $0xFFFFF086  }
0x1c: {  	p1 =	slt.u32 s9, $0xF7A;
	s5 =	simm.s32 @!p2 $0x0  }
0x1d: {  	s5 =	simm.s32 @p1 $0x1;
	p0 =	seq.s32 s7, s2  }
0x1e: {  	s7 =	smul.u32 @!p0 $0xF7A, s2;
	p2 =	seq.s32 @!p0 s5, $0x0  }
0x1f: {  	s9 =	smul.u32 $0xF7A, s1;
	s8 =	simm.s32 @!p0 $0x1BF5;
	p2 =	por !p2, p0  }
0x20: {  	[sflag:s8] =	ssyncset.s32 @!p0 $0xFFFFF086;
	s6 =	sadd.s32 @!p0 s3, s7;
	s7 =	simm.s32 @!p0 $0x108  }
0x21: {  	s3 =	sadd.s32 s3, s9;
	s6 =	sadd.s32 @!p0 $0x88, s6;
	s7 =	simm.s32 @p2 $0x1082  }
0x22: {  	[simem:s7], [sflag:s8] =	dma.local @!p0 [hbm:s6], $0xF7A  }
0x23: {  	s9 =	sor.u32 $0xD0000000, s2;
	s6 =	simm.s32 $0x108;
	_ =	swait.ge @!p0 [sflag:s8], $0x0  }
0x24: {  	s3 =	sadd.s32 $0x88, s3;
	s6 =	simm.s32 @!p1 $0x1082;
	[sflag:s4] =	ssyncset.s32 $0xFFFFF086  }
0x25: {  	[simem:s6], [sflag:s4] =	dma.local [hbm:s3], $0xF7A  }
0x26: {  	[smem:$0x3F89] =	sst s1;
	(tag) =	ssettag s2;
	_ =	strace s9  }
0x27: {  	s1 =	sld [smem:$0x3F99]  }
0x28: {  	s2 =	sld [smem:$0x3F9A]  }
0x29: {  	s4 =	sld [smem:$0x3F9C]  }
0x2a: {  	p0 =	seq.s32 s5, $0x0;
	s5 =	sld [smem:$0x3F9D]  }
0x2b: {  	s6 =	sld [smem:$0x3F9E]  }
0x2c: {  	s7 =	sld [smem:$0x3F9F]  }
0x2d: {  	s3 =	simm.s32 $0x108;
	s8 =	sld [smem:$0x3FA0]  }
0x2e: {  	s3 =	simm.s32 @!p0 $0x1082;
	s9 =	sld [smem:$0x3FA1]  }
0x2f: {  	lr =	sadd.s32 s0, s3;
	s0 =	sld [smem:$0x3F98]  }
0x30: {  	s3 =	sld [smem:$0x3F9B]  }
0x31: {  	[smem:$0x3FA4] =	sst s10  }
0x32: {  	s10 =	sld [smem:$0x3FA2];
	_ =	sdelay $0x3  }
0x33: {  	p0 =	seq.s32 s10, $0x1;
	s10 =	sld [smem:$0x3FA4];
	_ =	sdelay $0x3  }
0x34: {  	[smem:$0x3FA4] =	sst s10  }
0x35: {  	s10 =	sld [smem:$0x3FA3];
	_ =	sdelay $0x3  }
0x36: {  	p1 =	seq.s32 s10, $0x1;
	s10 =	sld [smem:$0x3FA4];
	_ =	sdelay $0x3  }
0x37: {  	[smem:$0x3FA4] =	sst s10  }
0x38: {  	s10 =	sld [smem:$0x3FA5]  }
0x39: {  	_ = 	snop;
	(pc) =	sbr.ind lr, $3  }
0x3a: {  	_ = 	snop  }
0x3b: {  	_ = 	snop  }
0x3c: {  	p2 =	seq.s32 s10, $0x1;
	s10 =	sld [smem:$0x3FA4]  }
0x3d: {  	_ =	shalt  }
0x3e: {  	_ =	shalt  }
0x3f: {  	_ =	shalt  }
0x40: {  	_ =	shalt  }
0x41: {  	_ =	shalt  }
0x42: {  	_ =	shalt  }
0x43: {  	_ =	shalt  }
0x44: {  	_ =	shalt  }
0x45: {  	_ =	shalt  }
0x46: {  	_ =	shalt  }
0x47: {  	_ =	shalt  }
0x48: {  	_ =	shalt  }
0x49: {  	_ =	shalt  }
0x4a: {  	_ =	shalt  }
0x4b: {  	_ =	shalt  }
0x4c: {  	_ =	shalt  }
0x4d: {  	_ =	shalt  }
0x4e: {  	_ =	shalt  }
0x4f: {  	_ =	shalt  }
0x50: {  	_ =	shalt  }
0x51: {  	_ =	shalt  }
0x52: {  	_ =	shalt  }
0x53: {  	_ =	shalt  }
0x54: {  	_ =	shalt  }
0x55: {  	_ =	shalt  }
0x56: {  	_ =	shalt  }
0x57: {  	_ =	shalt  }
0x58: {  	_ =	shalt  }
0x59: {  	_ =	shalt  }
0x5a: {  	_ =	shalt  }
0x5b: {  	_ =	shalt  }
0x5c: {  	_ =	shalt  }
0x5d: {  	_ =	shalt  }
0x5e: {  	_ =	shalt  }
0x5f: {  	_ =	shalt  }
0x60: {  	_ =	shalt  }
0x61: {  	_ =	shalt  }
0x62: {  	_ =	shalt  }
0x63: {  	_ =	shalt  }
0x64: {  	_ =	shalt  }
0x65: {  	_ =	shalt  }
0x66: {  	_ =	shalt  }
0x67: {  	_ =	shalt  }
0x68: {  	_ =	shalt  }
0x69: {  	_ =	shalt  }
0x6a: {  	_ =	shalt  }
0x6b: {  	_ =	shalt  }
0x6c: {  	_ =	shalt  }
0x6d: {  	_ =	shalt  }
0x6e: {  	_ =	shalt  }
0x6f: {  	_ =	shalt  }
0x70: {  	_ =	shalt  }
0x71: {  	_ =	shalt  }
0x72: {  	_ =	shalt  }
0x73: {  	_ =	shalt  }
0x74: {  	_ =	shalt  }
0x75: {  	_ =	shalt  }
0x76: {  	_ =	shalt  }
0x77: {  	_ =	shalt  }
0x78: {  	_ =	shalt  }
0x79: {  	_ =	shalt  }
0x7a: {  	_ =	shalt  }
0x7b: {  	_ =	shalt  }
0x7c: {  	_ =	shalt  }
0x7d: {  	_ =	shalt  }
0x7e: {  	_ =	shalt  }
0x7f: {  	_ =	shalt  }
0x80: {  	_ =	shalt  }
0x81: {  	_ =	shalt  }
0x82: {  	_ =	shalt  }
0x83: {  	_ =	shalt  }
0x84: {  	_ =	shalt  }
0x85: {  	_ =	shalt  }
0x86: {  	_ =	shalt  }
0x87: {  	_ =	shalt  }
.Lfunc_end0:
.L_simem_size_0:
called_computation.3_lowered:
.L_overlay_start_0:
0x88: {  	s2 =	sld [smem:$0x3FD9]  }
0x89: {  	s3 =	sld [smem:$0x3FFE];
	_ =	sdelay $0x1  }
0x8a: {  	s1 =	srdreg.scid  }
0x8b: {  	s0 =	sand.u32 $0x1, s1  }
0x8c: {  	s14 =	sshll.u32 s0, $0xA;
	s2 =	sadd.s32 s3, s2  }
0x8d: {  	s2 =	sadd.s32 s2, s14  }
0x8e: {  	[smem:$0x3FB0] =	sst s2  }
0x8f: {  	_ = 	snop  }
0x90: {  	s2 =	sld [smem:$0x3FD0];
	_ =	sdelay $0x2  }
0x91: {  	s15 =	simm.s32 $0xA;
	s4 =	simm.s32 $0x10  }
0x92: {  	[smem:s4], [sflag:s15] =	dma.local [hbm:s2], $0x1  }
0x93: {  	_ =	swait.eq [sflag:s15], $0x1  }
0x94: {  	[sflag:s15] =	ssyncset.done $0x0  }
0x95: {  	[sflag:s15] =	ssyncadd.s32 $0xFFFFFFFF  }
0x96: {  	s16 =	sld [smem:$0x10];
	(tm) =	ssettm $0x1  }
0x97: {  	s17 =	sld [smem:$0x3FFB];
	_ =	sdelay $0x3  }
0x98: {  	_ =	strace s17  }
0x99: {  	s3 =	sld [smem:$0x3FFC];
	_ =	sdelay $0x3  }
0x9a: {  	_ =	strace s3  }
0x9b: {  	s3 =	sld [smem:$0x3FFD];
	_ =	sdelay $0x3  }
0x9c: {  	_ =	strace s3  }
0x9d: {  	_ =	strace $0x8FFFFFFF  }
0x9e: {  	s18 =	sld [smem:$0x3FDB];
	_ =	sdelay $0x1  }
0x9f: {  	s19 =	simm.s32 $_scs_section_size  }
0xa0: {  	s5 =	simm.s32 $_size__tile_overlayer_lowered;
	s6 =	simm.s32 $_tile_overlayer_lowered  }
0xa1: {  	s22 =	simm.s32 $0x1BFF;
	s21 =	sshll.u32 s6, $0x1;
	s3 =	sadd.s32 s19, s18  }
0xa2: {  	s7 =	simm.s32 $0x0;
	s20 =	sshll.u32 s5, $0x1;
	s5 =	sadd.s32 s21, s3  }
0xa3: {  	[timem:s7], [sflag:s22] =	dma.local [hbm:s5], s20  }
0xa4: {  	_ =	swait.ge [sflag:s22], s20  }
0xa5: {  	s4 =	ssub.s32 $0x0, s20;
	[sflag:s22] =	ssyncset.done $0x0  }
0xa6: {  	[sflag:s22] =	ssyncadd.s32 s4;
	_ =	sdelay $0x1  }
0xa7: {  	s23 =	simm.s32 $0x1B8B  }
0xa8: {  	_ =	swait.ge [sflag:s23], $0x1  }
0xa9: {  	[sflag:s23] =	ssyncset.done $0x0  }
0xaa: {  	s25 =	simm.s32 $0x1B8E;
	s24 =	sld [smem:$0x3FFE];
	[sflag:s23] =	ssyncadd.s32 $0xFFFFFFFF  }
0xab: {  	s26 =	simm.s32 $execute0_lowered;
	[smem:$0x3FD2] =	sst s25  }
0xac: {  	s5 =	sshll.u32 s26, $0x1;
	_ =	strace $0x8000004F;
	[dreg:$0x1] =	wrdreg $0xFFFFFFFF  }
0xad: {  	s28 =	simm.s32 $_size_execute0_lowered;
	s3 =	sadd.s32 s3, s5;
	[dreg:$0x0] =	wrdreg $0x0  }
0xae: {  	s5 =	sshll.u32 s28, $0x1;
	[dreg:$0x2] =	wrdreg s3  }
0xaf: {  	[dreg:$0x3] =	wrdreg s5  }
0xb0: {  	[dreg:$0x4] =	wrdreg $0xC0  }
0xb1: {  	_ =	task [dreg:s7], $0x5FFFF  }
0xb2: {  	[dreg:$0x1] =	wrdreg $0xFFFFFFFF  }
0xb3: {  	[dreg:$0x0] =	wrdreg $0x60  }
0xb4: {  	[dreg:$0x2] =	wrdreg s24  }
0xb5: {  	[dreg:$0x3] =	wrdreg s16  }
0xb6: {  	[dreg:$0x4] =	wrdreg $0xF0000  }
0xb7: {  	[dreg:$0x5] =	wrdreg $0x140000  }
0xb8: {  	[dreg:$0x6] =	wrdreg $0x9  }
0xb9: {  	_ =	task.clear_ibuf [dreg:s7], $0x7FFFF;
	_ =	strace $0x9000004F  }
0xba: {  	s29 =	simm.s32 $0x9;
	_ =	strace $0x80000051  }
0xbb: {  	_ =	swait.ge [sflag:s29], $0x1  }
0xbc: {  	[sflag:s29] =	ssyncadd.s32 $0xFFFFFFFF  }
0xbd: {  	_ =	strace $0x90000051  }
0xbe: {  	_ =	sfence  }
0xbf: {  	s30 =	sld [smem:$0x0];
	_ =	sdelay $0x2  }
0xc0: {  	s31 =	sshll.u32 s1, $0xD;
	s1 =	sshrl.u32 s1, $0x2  }
0xc1: {  	s3 =	sand.u32 $0x4000, s31;
	s1 =	sadd.s32 s1, s30  }
0xc2: {  	s0 =	sor.u32 s3, s0;
	s1 =	sshll.u32 s1, $0x11  }
0xc3: {  	s0 =	sor.u32 s1, s0  }
0xc4: {  	s0 =	sadd.s32 $0x8F2B, s0  }
0xc5: {  	[sflag:s0] =	ssyncadd.remote.s32 $0x1  }
0xc6: {  	_ =	sfence.sel $0xFFFF  }
0xc7: {  	[dreg:$0x0] =	wrdreg $0xFFFFFFFF;
	(pc) =	sbr.abs _section_cstart, $3  }
0xc8: {  	[dreg:$0x1] =	wrdreg $0xFFFFFFFF  }
0xc9: {  	_ =	task.clear_ibuf [dreg:s7], $0x2FFFF;
	_ =	strace $0x9FFFFFFF  }
0xca: {  	(tm) =	ssettm $0x7FFFFFFF  }
0xcb: {  	_ =	shalt  }
tec
execute0_lowered:
.L_overlay_start_1:
0x0: {  	(tag) =	ssettag $0x1  }
0x1: {  	s0 =	rddreg [dreg:$0x0]  }
0x2: {  	s3 =	rddreg [dreg:$0x2]  }
0x3: {  	s4 =	rddreg [dreg:$0x3];
	s10 =	stileid.u32  }
0x4: {  	s2 =	srdreg.scid;
	s5 =	simm.s32 $0x0;
	s17 =	simm.s32 $0x1  }
0x5: {  	s18 =	simm.s32 $0x2;
	s19 =	simm.s32 $0x3;
	s20 =	simm.s32 $0x4  }
0x6: {  	s21 =	simm.s32 $0x80;
	s28 =	simm.s32 $0xB000;
	s30 =	simm.s32 $0xD000  }
0x7: {  	s31 =	simm.s32 $0x5;
	s29 =	simm.s32 $0x9;
	s1 =	smul.u32 $0x5000, s10  }
0x8: {  	s2 =	sand.u32 $0x1, s2;
	s6 =	smul.u32 $0xA000, s10;
	[smem:$0x7FF] =	sst s5  }
0x9: {  	s7 =	sshll.u32 s2, $0x4;
	s8 =	smul.u32 $0xA0000, s2;
	_ =	strace $0x80000050  }
0xa: {  	s2 =	ssub.s32 $0x2, s2;
	s7 =	sor.u32 s10, s7;
	s9 =	sshrl.u32 s1, $0x3  }
0xb: {  	s22 =	sshrl.u32 s2, $0x1;
	s1 =	sadd.s32 s1, s3;
	s7 =	smul.u32 $0x500, s7  }
0xc: {  	s8 =	sadd.s32 s6, s8;
	s9 =	sadd.s32 s9, s0;
	s2 =	ssub.s32 s2, s22  }
0xd: {  	s6 =	sadd.s32 s6, s4;
	s14 =	sshrl.u32 s1, $0x3;
	s22 =	simm.s32 $0x5000  }
0xe: {  	s1 =	simm.s32 $0x6;
	s8 =	sshrl.u32 s8, $0x3;
	s24 =	sadd.s32 $0x4600, s9  }
0xf: {  	s9 =	sshll.u32 s10, $0x6;
	s26 =	smax.u32 s2, $0x1;
	s16 =	sshrl.u32 s6, $0x3  }
0x10: {  	s2 =	simm.s32 $0x8;
	s6 =	simm.s32 $0x0;
	s7 =	sadd.s32 s7, s0  }
0x11: {  	s0 =	sadd.s32 s8, s0;
	[dreg:$0x7] =	wrdreg s24;
	s25 =	sor.u32 $0x1C03, s9  }
.Ltmp0:
0x12: {  	[dreg:$0xa] =	wrdreg s26;
	s15 =	sor.u32 $0x1C04, s9;
	(pc) =	sbr.rel .LBB2_1-.Ltmp0, $4  }
0x13: {  	s26 =	simm.s32 $0x7;
	s23 =	sadd.s32 $0x18600, s7;
	[dreg:$0x8] =	wrdreg s25  }
0x14: {  	s24 =	simm.s32 $0xB;
	s7 =	sadd.s32 $0x22600, s7;
	[dreg:$0x5] =	wrdreg s23  }
0x15: {  	s0 =	sadd.s32 $0x2C600, s0;
	s25 =	simm.s32 $0x9000;
	[dreg:$0x6] =	wrdreg s7  }
0x16: {  	[dreg:$0x9] =	wrdreg s0;
	s23 =	simm.s32 $0x7000;
	s0 =	simm.s32 $0xA  }
.LBB2_4:
0x17: {  	_ =	swait.ge [sflag:s1], $0x2000  }
0x18: {  	[sflag:s1] =	ssyncset.done $0x0  }
0x19: {  	[sflag:s1] =	ssyncadd.s32 $0xFFFFE000  }
0x1a: {  	_ =	swait.ge [sflag:s26], $0x2000  }
0x1b: {  	[sflag:s26] =	ssyncset.done $0x0  }
0x1c: {  	[sflag:s26] =	ssyncadd.s32 $0xFFFFE000  }
0x1d: {  	_ =	swait.ge [sflag:s2], $0x2000  }
0x1e: {  	[sflag:s2] =	ssyncset.done $0x0  }
0x1f: {  	[sflag:s2] =	ssyncadd.s32 $0xFFFFE000  }
0x20: {  	_ =	swait.ge [sflag:s29], $0x2000  }
0x21: {  	[sflag:s29] =	ssyncset.done $0x0  }
0x22: {  	[sflag:s29] =	ssyncadd.s32 $0xFFFFE000  }
0x23: {  	_ =	swait.ge [sflag:s0], $0x2000  }
0x24: {  	[sflag:s0] =	ssyncset.done $0x0  }
0x25: {  	[sflag:s0] =	ssyncadd.s32 $0xFFFFE000  }
0x26: {  	[bflag:$0x0] =	sbarrier.arrive $0xFFFF  }
0x27: {  	s7 =	sor.u32 $0x1C0B, s9;
	s8 =	rddreg [dreg:$0x9]  }
0x28: {  	[hbm:s8], [sflag:s7] =	dma.local [spmem:s16], $0x1400  }
0x29: {  	_ =	swait.ge [sflag:s24], $0x1400  }
0x2a: {  	s6 =	sadd.s32 $0x1, s6;
	s13 =	rddreg [dreg:$0xa]  }
0x2b: {  	p0 =	sne.s32 s6, s13  }
.Ltmp1:
0x2c: {  	_ = 	snop;
	(pc) =	sbr.rel @!p0 .LBB2_5-.Ltmp1, $3  }
0x2d: {  	_ =	sdelay $0x1  }
0x2e: {  	[sflag:s24] =	ssyncset.done $0x0  }
0x2f: {  	[sflag:s24] =	ssyncadd.s32 $0xFFFFEC00  }
.LBB2_1:
0x30: {  	s7 =	rddreg [dreg:$0x5]  }
0x31: {  	s11 =	rddreg [dreg:$0x6]  }
0x32: {  	s12 =	rddreg [dreg:$0x7]  }
0x33: {  	[tilespmem:s5], [sflag:$0x1] =	stream.linear.gather [hbm4b:s7+s5], $0x2800, $0x38;
	[tilespmem:$0x1E000] =	vst v63  }
0x34: {  	s10 =	simm.s32 $0x2800;
	s8 =	rddreg [dreg:$0x8]  }
0x35: {  	[tilespmem:s10], [sflag:$0x2] =	stream.linear.gather [hbm4b:s11+s5], $0x2800, $0x38;
	[tilespmem:$0x1E000] =	vst v63  }
0x36: {  	[spmem:s14], [sflag:s8] =	dma.local [hbm:s12], $0xA00  }
0x37: {  	s7 =	rddreg [dreg:$0x1]  }
0x38: {  	[spmem:s16], [sflag:s15] =	dma.local [hbm:s7], $0x1400  }
0x39: {  	_ =	swait.ge [sflag:s17], $0x2800  }
0x3a: {  	[sflag:s17] =	ssyncset.done $0x0  }
0x3b: {  	[sflag:s17] =	ssyncadd.s32 $0xFFFFD800  }
0x3c: {  	_ =	swait.ge [sflag:s18], $0x2800  }
0x3d: {  	[sflag:s18] =	ssyncset.done $0x0  }
0x3e: {  	[sflag:s18] =	ssyncadd.s32 $0xFFFFD800  }
0x3f: {  	_ =	swait.ge [sflag:s19], $0xA00  }
0x40: {  	[sflag:s19] =	ssyncset.done $0x0  }
0x41: {  	[sflag:s19] =	ssyncadd.s32 $0xFFFFF600  }
0x42: {  	_ =	swait.ge [sflag:s20], $0x1400  }
0x43: {  	[sflag:s20] =	ssyncset.done $0x0  }
0x44: {  	[sflag:s20] =	ssyncadd.s32 $0xFFFFEC00  }
0x45: {  	[bflag:$0x0] =	sbarrier.arrive $0xFFFF  }
0x46: {  	[tilespmem:s22], [sflag:$0x1] =	stream.indirect.gather [spmem:s3], $0x40, s5, s21, $0xb8;
	[tilespmem:$0x1E000] =	vst v63  }
0x47: {  	_ = 	snop  }
0x48: {  	[tilespmem:s23], [sflag:$0x2] =	stream.indirect.gather [spmem:s3], $0x40, s21, s21, $0xb8;
	[tilespmem:$0x1E000] =	vst v63  }
0x49: {  	s13 =	simm.s32 $0x100  }
0x4a: {  	[tilespmem:s25], [sflag:$0x3] =	stream.indirect.gather [spmem:s3], $0x40, s13, s21, $0xb8;
	[tilespmem:$0x1E000] =	vst v63  }
0x4b: {  	s8 =	simm.s32 $0x180  }
0x4c: {  	[tilespmem:s28], [sflag:$0x4] =	stream.indirect.gather [spmem:s3], $0x40, s8, s21, $0xb8;
	[tilespmem:$0x1E000] =	vst v63  }
0x4d: {  	s11 =	simm.s32 $0x200  }
0x4e: {  	[tilespmem:s30], [sflag:$0x5] =	stream.indirect.gather [spmem:s3], $0x40, s11, s21, $0xb8;
	[tilespmem:$0x1E000] =	vst v63  }
0x4f: {  	_ =	swait.ge [sflag:s17], $0x2000  }
0x50: {  	[sflag:s17] =	ssyncset.done $0x0  }
0x51: {  	[sflag:s17] =	ssyncadd.s32 $0xFFFFE000  }
0x52: {  	[spmem:s4] =	stream.indirect.scatter.add.f32 [tilespmem:s22], [sflag:$0x6], $0x40, s10, s21, $0xb8;
	[tilespmem:$0x1E000] =	vst v63  }
0x53: {  	_ =	swait.ge [sflag:s18], $0x2000  }
0x54: {  	[sflag:s18] =	ssyncset.done $0x0  }
0x55: {  	s12 =	simm.s32 $0x2880;
	[sflag:s18] =	ssyncadd.s32 $0xFFFFE000  }
0x56: {  	[spmem:s4] =	stream.indirect.scatter.add.f32 [tilespmem:s23], [sflag:$0x7], $0x40, s12, s21, $0xb8;
	[tilespmem:$0x1E000] =	vst v63  }
0x57: {  	_ =	swait.ge [sflag:s19], $0x2000  }
0x58: {  	[sflag:s19] =	ssyncset.done $0x0  }
0x59: {  	s13 =	simm.s32 $0x2900;
	[sflag:s19] =	ssyncadd.s32 $0xFFFFE000  }
0x5a: {  	[spmem:s4] =	stream.indirect.scatter.add.f32 [tilespmem:s25], [sflag:$0x8], $0x40, s13, s21, $0xb8;
	[tilespmem:$0x1E000] =	vst v63  }
0x5b: {  	_ =	swait.ge [sflag:s1], $0x2000  }
0x5c: {  	[sflag:s1] =	ssyncset.done $0x0  }
0x5d: {  	s8 =	simm.s32 $0x280;
	[sflag:s1] =	ssyncadd.s32 $0xFFFFE000  }
0x5e: {  	[tilespmem:s22], [sflag:$0x1] =	stream.indirect.gather [spmem:s3], $0x40, s8, s21, $0xb8;
	[tilespmem:$0x1E000] =	vst v63  }
0x5f: {  	_ =	swait.ge [sflag:s20], $0x2000  }
0x60: {  	[sflag:s20] =	ssyncset.done $0x0  }
0x61: {  	s10 =	simm.s32 $0x2980;
	[sflag:s20] =	ssyncadd.s32 $0xFFFFE000  }
0x62: {  	[spmem:s4] =	stream.indirect.scatter.add.f32 [tilespmem:s28], [sflag:$0x9], $0x40, s10, s21, $0xb8;
	[tilespmem:$0x1E000] =	vst v63  }
0x63: {  	_ =	swait.ge [sflag:s26], $0x2000  }
0x64: {  	[sflag:s26] =	ssyncset.done $0x0  }
0x65: {  	s11 =	simm.s32 $0x300;
	[sflag:s26] =	ssyncadd.s32 $0xFFFFE000  }
0x66: {  	[tilespmem:s23], [sflag:$0x2] =	stream.indirect.gather [spmem:s3], $0x40, s11, s21, $0xb8;
	[tilespmem:$0x1E000] =	vst v63  }
0x67: {  	_ =	swait.ge [sflag:s31], $0x2000  }
0x68: {  	[sflag:s31] =	ssyncset.done $0x0  }
0x69: {  	s12 =	simm.s32 $0x2A00;
	[sflag:s31] =	ssyncadd.s32 $0xFFFFE000  }
0x6a: {  	[spmem:s4] =	stream.indirect.scatter.add.f32 [tilespmem:s30], [sflag:$0xA], $0x40, s12, s21, $0xb8;
	[tilespmem:$0x1E000] =	vst v63  }
0x6b: {  	_ =	swait.ge [sflag:s2], $0x2000  }
0x6c: {  	[sflag:s2] =	ssyncset.done $0x0  }
0x6d: {  	s7 =	simm.s32 $0x0;
	s13 =	simm.s32 $0x380;
	[sflag:s2] =	ssyncadd.s32 $0xFFFFE000  }
0x6e: {  	[tilespmem:s25], [sflag:$0x3] =	stream.indirect.gather [spmem:s3], $0x40, s13, s21, $0xb8;
	[tilespmem:$0x1E000] =	vst v63  }
.LBB2_2:
0x6f: {  	_ =	swait.ge [sflag:s17], $0x2000  }
0x70: {  	s8 =	sshra.s32 s7, $0x2;
	[sflag:s17] =	ssyncset.done $0x0  }
0x71: {  	s10 =	sadd.s32 $0x2A80, s8;
	[sflag:s17] =	ssyncadd.s32 $0xFFFFE000  }
0x72: {  	[spmem:s4] =	stream.indirect.scatter.add.f32 [tilespmem:s22], [sflag:$0x6], $0x40, s10, s21, $0xb8;
	[tilespmem:$0x1E000] =	vst v63  }
0x73: {  	_ =	swait.ge [sflag:s29], $0x2000  }
0x74: {  	[sflag:s29] =	ssyncset.done $0x0  }
0x75: {  	s12 =	sadd.s32 $0x400, s8;
	[sflag:s29] =	ssyncadd.s32 $0xFFFFE000  }
0x76: {  	[tilespmem:s28], [sflag:$0x4] =	stream.indirect.gather [spmem:s3], $0x40, s12, s21, $0xb8;
	[tilespmem:$0x1E000] =	vst v63  }
0x77: {  	_ =	swait.ge [sflag:s18], $0x2000  }
0x78: {  	[sflag:s18] =	ssyncset.done $0x0  }
0x79: {  	s13 =	sadd.s32 $0x2B00, s8;
	[sflag:s18] =	ssyncadd.s32 $0xFFFFE000  }
0x7a: {  	[spmem:s4] =	stream.indirect.scatter.add.f32 [tilespmem:s23], [sflag:$0x7], $0x40, s13, s21, $0xb8;
	[tilespmem:$0x1E000] =	vst v63  }
0x7b: {  	_ =	swait.ge [sflag:s0], $0x2000  }
0x7c: {  	[sflag:s0] =	ssyncset.done $0x0  }
0x7d: {  	s11 =	sadd.s32 $0x480, s8;
	[sflag:s0] =	ssyncadd.s32 $0xFFFFE000  }
0x7e: {  	[tilespmem:s30], [sflag:$0x5] =	stream.indirect.gather [spmem:s3], $0x40, s11, s21, $0xb8;
	[tilespmem:$0x1E000] =	vst v63  }
0x7f: {  	_ =	swait.ge [sflag:s19], $0x2000  }
0x80: {  	p0 =	seq.s32 s7, $0x8C00;
	[sflag:s19] =	ssyncset.done $0x0  }
0x81: {  	s10 =	simm.s32 @p0 $0x4;
	s12 =	sadd.s32 $0x2B80, s8;
	[sflag:s19] =	ssyncadd.s32 $0xFFFFE000  }
0x82: {  	[spmem:s4] =	stream.indirect.scatter.add.f32 [tilespmem:s25], [sflag:$0x8], $0x40, s12, s21, $0xb8;
	[tilespmem:$0x1E000] =	vst v63  }
0x83: {  	_ =	swait.ge @p0 [sflag:s10], $0x2000  }
0x84: {  	s13 =	simm.s32 @p0 $0x4F00;
	[sflag:s10] =	ssyncset.done @p0 $0x0  }
0x85: {  	s11 =	simm.s32 @p0 $0xB000;
	[sflag:s10] =	ssyncadd.s32 @p0 $0xFFFFE000;
	s10 =	simm.s32 @p0 $0x80  }
0x86: {  	[spmem:s4] =	stream.indirect.scatter.add.f32 @p0 [tilespmem:s11], [sflag:$0x9], $0x40, s13, s10, $0xb8;
	[tilespmem:$0x1E000] =	vst v63  }
0x87: {  	s10 =	simm.s32 @!p0 $0x6  }
0x88: {  	_ =	swait.ge @!p0 [sflag:s10], $0x2000  }
0x89: {  	[sflag:s10] =	ssyncset.done @!p0 $0x0  }
0x8a: {  	[sflag:s10] =	ssyncadd.s32 @!p0 $0xFFFFE000;
	s10 =	sshra.s32 @!p0 s7, $0x2  }
0x8b: {  	s12 =	simm.s32 @!p0 $0x5000;
	s13 =	simm.s32 @!p0 $0x80;
	s11 =	sadd.s32 @!p0 $0x500, s10  }
0x8c: {  	[tilespmem:s12], [sflag:$0x1] =	stream.indirect.gather @!p0 [spmem:s3], $0x40, s11, s13, $0xb8;
	[tilespmem:$0x1E000] =	vst v63  }
0x8d: {  	s11 =	simm.s32 @!p0 $0x4  }
0x8e: {  	_ =	swait.ge @!p0 [sflag:s11], $0x2000  }
0x8f: {  	[sflag:s11] =	ssyncset.done @!p0 $0x0  }
0x90: {  	s12 =	simm.s32 @!p0 $0xB000;
	[sflag:s11] =	ssyncadd.s32 @!p0 $0xFFFFE000;
	s11 =	sadd.s32 @!p0 $0x2C00, s10  }
0x91: {  	[spmem:s4] =	stream.indirect.scatter.add.f32 @!p0 [tilespmem:s12], [sflag:$0x9], $0x40, s11, s13, $0xb8;
	[tilespmem:$0x1E000] =	vst v63  }
0x92: {  	s11 =	simm.s32 @!p0 $0x7  }
0x93: {  	_ =	swait.ge @!p0 [sflag:s11], $0x2000  }
0x94: {  	[sflag:s11] =	ssyncset.done @!p0 $0x0  }
0x95: {  	s10 =	sadd.s32 @!p0 $0x580, s10;
	[sflag:s11] =	ssyncadd.s32 @!p0 $0xFFFFE000;
	s11 =	simm.s32 @!p0 $0x7000  }
0x96: {  	[tilespmem:s11], [sflag:$0x2] =	stream.indirect.gather @!p0 [spmem:s3], $0x40, s10, s13, $0xb8;
	[tilespmem:$0x1E000] =	vst v63  }
.Ltmp2:
0x97: {  	_ = 	snop;
	(pc) =	sbr.rel @p0 .LBB2_4-.Ltmp2, $4  }
0x98: {  	_ =	swait.ge [sflag:s31], $0x2000  }
0x99: {  	[sflag:s31] =	ssyncset.done $0x0  }
0x9a: {  	s13 =	sadd.s32 $0x2C80, s8;
	[sflag:s31] =	ssyncadd.s32 $0xFFFFE000  }
0x9b: {  	[spmem:s4] =	stream.indirect.scatter.add.f32 [tilespmem:s30], [sflag:$0xA], $0x40, s13, s21, $0xb8;
	[tilespmem:$0x1E000] =	vst v63  }
.Ltmp3:
0x9c: {  	(pc) =	sbr.rel .LBB2_2-.Ltmp3, $4  }
0x9d: {  	_ =	swait.ge [sflag:s2], $0x2000  }
0x9e: {  	[sflag:s2] =	ssyncset.done $0x0  }
0x9f: {  	s8 =	sadd.s32 $0x600, s8;
	s7 =	sadd.s32 $0xA00, s7;
	[sflag:s2] =	ssyncadd.s32 $0xFFFFE000  }
0xa0: {  	[tilespmem:s25], [sflag:$0x3] =	stream.indirect.gather [spmem:s3], $0x40, s8, s21, $0xb8;
	[tilespmem:$0x1E000] =	vst v63  }
.LBB2_5:
0xa1: {  	_ =	sfence.sel $0x180000  }
0xa2: {  	[bflag:$0x0] =	sbarrier.arrive $0xFFFF  }
0xa3: {  	_ =	strace $0x90000050  }
0xa4: {  	s0 =	stileid.u32;
	[bflag:$0x2] =	sbarrier.arrive $0xFFFF  }
0xa5: {  	p0 =	sne.s32 s0, $0x0;
	s0 =	rddreg [dreg:$0x4]  }
0xa6: {  	s0 =	sadd.s32 @!p0 $0x100000, s0  }
0xa7: {  	[sflag:s0] =	ssyncadd.tile.s32 @!p0 $0x1;
	_ =	shalt  }
.Lfunc_end2:
_tile_overlayer_lowered:
.L_overlay_start_2:
0xa8: {  	(tag) =	ssettag $0x2  }
0xa9: {  	s0 =	rddreg [dreg:$0x0];
	s2 =	stileid.u32  }
0xaa: {  	s1 =	rddreg [dreg:$0x1];
	p0 =	sne.s32 s2, $0x0  }
0xab: {  	s3 =	rddreg [dreg:$0x2];
	[bflag:$0x3] =	sbarrier.arrive $0xFFFF;
	s2 =	simm.s32 @!p0 $0x1C0B  }
0xac: {  	[timem:s3], [sflag:s2] =	dma.local @!p0 [hbm:s0], s1  }
0xad: {  	s0 =	simm.s32 @!p0 $0xB  }
0xae: {  	_ =	swait.ge @!p0 [sflag:s0], s1  }
0xaf: {  	s1 =	ssub.s32 @!p0 $0x0, s1;
	[sflag:s0] =	ssyncset.done @!p0 $0x0  }
0xb0: {  	[sflag:s0] =	ssyncadd.s32 @!p0 s1  }
0xb1: {  	[bflag:$0x3] =	sbarrier.arrive $0xFFFF  }
0xb2: {  	_ =	shalt  }

</sc_bundles>
